<compile_context>
chip_gen: v7x
topology: tpu7x:2x2x1
jax: 0.10.2.dev20260603
libtpu: 0.0.44.dev20260713+nightly
codegen_flags: <defaults>
</compile_context>

<pallas_src>
import jax
import jax.numpy as jnp
import numpy as np
from jax import lax
from jax.experimental import pallas as pl
from jax.experimental.pallas import tpu as pltpu
from jax.experimental.pallas import tpu_sc as plsc

N = 100000
E = 3200000
C = 1024
KB = C // 128
NCHUNK = E // C
NWORK = 32
CH_LO = NCHUNK // NWORK
CH_EXTRA = NCHUNK - CH_LO * NWORK
NPAIR = (CH_LO + 2) // 2
RBLK = 2000
NRB = N // RBLK
INV_SQRT3 = 1.0 / np.sqrt(3.0)


def _sc_body(h_hbm, sh_hbm, ei_hbm, w_hbm, z_hbm, out_hbm,
             ei_v, sh_v, hrow_v, msg_v, dst_v, w_v, acc,
             gsem0, gsem1, asem0, asem1):
    cid = lax.axis_index("c")
    sid = lax.axis_index("s")
    wid = sid * 2 + cid

    gsem = [gsem0, gsem1]
    asem = [asem0, asem1]

    pltpu.sync_copy(w_hbm, w_v)
    for i in range(-(-NRB // 16)):
        blk = sid + i * 16

        @pl.when(blk < NRB)
        def _():
            pltpu.sync_copy(z_hbm.at[pl.ds(blk * RBLK, RBLK)],
                            acc.at[pl.ds(blk * RBLK, RBLK)])

    plsc.subcore_barrier()

    W = [w_v[r] for r in range(16)]
    iota = lax.iota(jnp.int32, 16)
    cols = [jnp.full((16,), c, jnp.int32) for c in range(8)]

    start = wid * CH_LO + jnp.minimum(wid, CH_EXTRA)
    nch = CH_LO + jnp.where(wid < CH_EXTRA, 1, 0)

    def prefetch(s, k):
        off = (start + k) * KB
        pltpu.sync_copy(ei_hbm.at[pl.ds(off, KB)], ei_v.at[s])
        pltpu.async_copy(sh_hbm.at[pl.ds(off, KB)], sh_v.at[s], gsem[s])
        for j in range(KB):
            pltpu.async_copy(h_hbm.at[ei_v.at[s, j, 0]],
                             hrow_v.at[s, pl.ds(j * 128, 128)], gsem[s])

    def wait_gathers(s):
        pltpu.make_async_copy(
            sh_hbm.at[pl.ds(0, KB)], sh_v.at[s], gsem[s]).wait()
        for j in range(KB):
            pltpu.make_async_copy(
                h_hbm.at[ei_v.at[s, j, 0]],
                hrow_v.at[s, pl.ds(j * 128, 128)], gsem[s]).wait()

    def fire_adds(s):
        for j in range(KB):
            pltpu.async_copy(msg_v.at[s, pl.ds(j * 128, 128)],
                             acc.at[dst_v.at[s, j]], asem[s], add=True)

    def wait_adds(s):
        for j in range(KB):
            pltpu.make_async_copy(
                msg_v.at[s, pl.ds(j * 128, 128)],
                acc.at[dst_v.at[s, j]], asem[s]).wait()

    def compute(s):
        def step(t, carry):
            j = t >> 3
            c16 = (t & 7) * 16
            ridx = t * 16 + iota
            dst_v[s, j, pl.ds(c16, 16)] = ei_v[s, j, 1, pl.ds(c16, 16)]
            hcol = lambda c: plsc.load_gather(
                hrow_v.at[s], [ridx, cols[c]])
            scol = lambda c: sh_v[s, j, c, pl.ds(c16, 16)]
            s0, s1 = hcol(0), hcol(1)
            v00, v01, v02 = hcol(2), hcol(3), hcol(4)
            v10, v11, v12 = hcol(5), hcol(6), hcol(7)
            e0, e1x, e1y, e1z = scol(0), scol(1), scol(2), scol(3)
            p0 = s0 * e0
            p1 = s1 * e0
            d0 = v00 * e1x + v01 * e1y + v02 * e1z
            d1 = v10 * e1x + v11 * e1y + v12 * e1z
            m0 = W[0] * p0 + W[1] * p1 + W[4] * d0 + W[5] * d1
            m1 = W[2] * p0 + W[3] * p1 + W[6] * d0 + W[7] * d1
            q0 = W[8] * s0 + W[9] * s1
            q1 = W[10] * s0 + W[11] * s1
            m2 = q0 * e1x + e0 * (W[12] * v00 + W[13] * v10)
            m3 = q0 * e1y + e0 * (W[12] * v01 + W[13] * v11)
            m4 = q0 * e1z + e0 * (W[12] * v02 + W[13] * v12)
            m5 = q1 * e1x + e0 * (W[14] * v00 + W[15] * v10)
            m6 = q1 * e1y + e0 * (W[14] * v01 + W[15] * v11)
            m7 = q1 * e1z + e0 * (W[14] * v02 + W[15] * v12)
            for c, m in enumerate((m0, m1, m2, m3, m4, m5, m6, m7)):
                plsc.store_scatter(msg_v.at[s], [ridx, cols[c]], m)
            return carry

        lax.fori_loop(0, C // 16, step, 0)

    def stage(s, k, i):
        valid = k < nch

        @pl.when(valid)
        def _():
            wait_gathers(s)

        @pl.when((i > 0) & valid)
        def _():
            wait_adds(s)

        @pl.when(valid)
        def _():
            compute(s)
            fire_adds(s)

        @pl.when(k + 2 < nch)
        def _():
            prefetch(s, k + 2)

    prefetch(0, 0)
    prefetch(1, 1)

    def body(i, carry):
        stage(0, i * 2, i)
        stage(1, i * 2 + 1, i)
        return carry

    lax.fori_loop(0, NPAIR, body, 0)

    wait_adds(0)
    wait_adds(1)

    plsc.subcore_barrier()
    for i in range(-(-NRB // 16)):
        blk = sid + i * 16

        @pl.when(blk < NRB)
        def _():
            pltpu.sync_copy(acc.at[pl.ds(blk * RBLK, RBLK)],
                            out_hbm.at[cid, pl.ds(blk * RBLK, RBLK)])


def _add_body(x_ref, o_ref):
    o_ref[...] = x_ref[0] + x_ref[1]


@jax.jit
def kernel(h, sh, edge_index, w1, w2, w3, w4):
    a1 = 0.5 * w1[:, 0, :]
    a4 = (0.5 * INV_SQRT3) * w4[:, 0, :]
    a2 = 0.5 * w2[:, 0, :]
    a3 = 0.5 * w3[:, 0, :]
    wflat = jnp.concatenate(
        [a1.T.ravel(), a4.T.ravel(), a2.T.ravel(), a3.T.ravel()])
    wsplat = jnp.tile(wflat[:, None], (1, 16))

    ei3 = edge_index.reshape(2, E // 128, 128).transpose(1, 0, 2)
    sh3 = sh.T.reshape(4, E // 128, 128).transpose(1, 0, 2)
    zeros = jnp.zeros((N, 8), jnp.float32)

    mesh = plsc.VectorSubcoreMesh(core_axis_name="c", subcore_axis_name="s")
    sc = pl.kernel(
        _sc_body,
        out_type=jax.ShapeDtypeStruct((2, N, 8), jnp.float32),
        mesh=mesh,
        scratch_types=[
            pltpu.VMEM((2, KB, 2, 128), jnp.int32),
            pltpu.VMEM((2, KB, 4, 128), jnp.float32),
            pltpu.VMEM((2, C, 8), jnp.float32),
            pltpu.VMEM((2, C, 8), jnp.float32),
            pltpu.VMEM((2, KB, 128), jnp.int32),
            pltpu.VMEM((16, 16), jnp.float32),
            pltpu.VMEM_SHARED((N, 8), jnp.float32),
            pltpu.SemaphoreType.DMA,
            pltpu.SemaphoreType.DMA,
            pltpu.SemaphoreType.DMA,
            pltpu.SemaphoreType.DMA,
        ],
        compiler_params=pltpu.CompilerParams(
            needs_layout_passes=False, use_tc_tiling_on_sc=False),
    )
    partials = sc(h, sh3, ei3, wsplat, zeros)

    x = partials.reshape(2, (N * 8) // 128, 128)
    out = pl.pallas_call(
        _add_body,
        out_shape=jax.ShapeDtypeStruct(((N * 8) // 128, 128), jnp.float32),
    )(x)
    return out.reshape(N, 8)

# --- scband reference (transcript-rebuilt; emitter-appended) ---
"""Pipeline reference for scband-fast-message-layer-42666205118675 (READ-ONLY COPY).

The authoritative reference and input builder live on the scoring server;
editing this copy changes nothing except your own understanding.
"""

import jax, jax.numpy as jnp
import numpy as np

N = 100000
E = 3200000
MUL = 2
INV_SQRT3 = 1.0 / np.sqrt(3.0)

# FullyConnectedTensorProduct(2x0e+2x1o, 1x0e+1x1o -> 2x0e+2x1o) has 4 paths:
#   p1: 0e x 0e -> 0e ; p2: 0e x 1o -> 1o ; p3: 1o x 0e -> 1o ; p4: 1o x 1o -> 0e
# e3nn 'component' normalization + 'element' path normalization gives per-path
# coeff sqrt((2*l_out+1)/sum_paths(mul1*mul2)) = sqrt(1/4)=0.5 for 0e outputs and
# sqrt(3/4) for 1o outputs; the w3j factors contribute 1/sqrt(3) for the l=1
# couplings, so every path ends up with a net scalar factor of 0.5.

def setup_inputs(seed: int = 0):
    key = jax.random.key(seed)
    k1, k2, k3, k4, k5, k6, k7 = jax.random.split(key, 7)
    h = jax.random.normal(k1, (N, 8), dtype=jnp.float32)
    sh = jax.random.normal(k2, (E, 4), dtype=jnp.float32)
    edge_index = jax.random.randint(k3, (2, E), 0, N, dtype=jnp.int32)
    # internal weights of the tensor product, one (mul1, mul2, mul_out) block per path
    w1 = jax.random.normal(k4, (MUL, 1, MUL), dtype=jnp.float32)
    w2 = jax.random.normal(k5, (MUL, 1, MUL), dtype=jnp.float32)
    w3 = jax.random.normal(k6, (MUL, 1, MUL), dtype=jnp.float32)
    w4 = jax.random.normal(k7, (MUL, 1, MUL), dtype=jnp.float32)
    return {"h": h, "sh": sh, "edge_index": edge_index, "w1": w1, "w2": w2, "w3": w3, "w4": w4}


def _tensor_product(h_src, sh, w1, w2, w3, w4):
    s = h_src[:, :MUL]                       # [E, 2]      2x0e
    v = h_src[:, MUL:].reshape(-1, MUL, 3)   # [E, 2, 3]   2x1o
    e0 = sh[:, 0:1]                          # [E, 1]      1x0e
    e1 = sh[:, 1:4]                          # [E, 3]      1x1o
    # p1: 0e x 0e -> 0e
    out0 = 0.5 * jnp.einsum('eu,uw->ew', s * e0, w1[:, 0, :])
    # p4: 1o x 1o -> 0e (dot product coupling, w3j = delta/sqrt(3))
    dot = jnp.einsum('euk,ek->eu', v, e1) * INV_SQRT3
    out0 = out0 + 0.5 * jnp.einsum('eu,uw->ew', dot, w4[:, 0, :])
    # p2: 0e x 1o -> 1o
    out1 = 0.5 * jnp.einsum('eu,uw,ek->ewk', s, w2[:, 0, :], e1)
    # p3: 1o x 0e -> 1o
    out1 = out1 + 0.5 * jnp.einsum('euk,uw->ewk', v * e0[:, :, None], w3[:, 0, :])
    return jnp.concatenate([out0, out1.reshape(-1, MUL * 3)], axis=1)  # [E, 8]


def reference(h, sh, edge_index, w1, w2, w3, w4):
    h_source = jnp.take(h, edge_index[0], axis=0)          # gather [E, 8]
    messages = _tensor_product(h_source, sh, w1, w2, w3, w4)
    aggregated = jax.ops.segment_sum(messages, edge_index[1], num_segments=N)
    return aggregated

if __name__ == "__main__":
    import jax
    _d = setup_inputs()
    print(jax.jit(kernel)(*tuple(_d.values())))

</pallas_src>

<mosaic_0001>
#map = affine_map<(d0, d1) -> (0, 0)>
#map1 = affine_map<(d0, d1) -> (0, 0, 0)>
module attributes {stable_mosaic.version = 14 : i64} {
  func.func @_sc_body(%arg0: i32, %arg1: i32, %arg2: memref<100000x8xf32, #tpu.memory_space<hbm>>, %arg3: memref<25000x4x128xf32, #tpu.memory_space<hbm>>, %arg4: memref<25000x2x128xi32, #tpu.memory_space<hbm>>, %arg5: memref<16x16xf32, #tpu.memory_space<hbm>>, %arg6: memref<100000x8xf32, #tpu.memory_space<hbm>>, %arg7: memref<2x100000x8xf32, #tpu.memory_space<hbm>>, %arg8: memref<2x8x2x128xi32, #tpu.memory_space<vmem>>, %arg9: memref<2x8x4x128xf32, #tpu.memory_space<vmem>>, %arg10: memref<2x1024x8xf32, #tpu.memory_space<vmem>>, %arg11: memref<2x1024x8xf32, #tpu.memory_space<vmem>>, %arg12: memref<2x8x128xi32, #tpu.memory_space<vmem>>, %arg13: memref<16x16xf32, #tpu.memory_space<vmem>>, %arg14: memref<100000x8xf32, #tpu.memory_space<vmem_shared>>, %arg15: memref<!tpu.dma_semaphore, #tpu.memory_space<semaphore_mem>>, %arg16: memref<!tpu.dma_semaphore, #tpu.memory_space<semaphore_mem>>, %arg17: memref<!tpu.dma_semaphore, #tpu.memory_space<semaphore_mem>>, %arg18: memref<!tpu.dma_semaphore, #tpu.memory_space<semaphore_mem>>) attributes {dimension_semantics = [#tpu.dimension_semantics<core_parallel>, #tpu.dimension_semantics<subcore_parallel>], iteration_bounds = array<i64: 2, 16>, scalar_prefetch = 0 : i64, scratch_operands = 11 : i64, tpu.core_type = #tpu.core_type<sc_vector_subcore>, window_params = [{transform_indices = #map}, {transform_indices = #map1}, {transform_indices = #map1}, {transform_indices = #map}, {transform_indices = #map}, {transform_indices = #map1}]} {
    %mul3A = arith.constant 2 : i32
    %mul3A_0 = arith.muli %arg1, %mul3A : i32
    %add3A = arith.addi %mul3A_0, %arg0 : i32
    "tpu.region"() ({
      %run_scoped3A_620 = tpu.sem_alloc : memref<!tpu.dma_semaphore, #tpu.memory_space<semaphore_mem>>
      tpu.enqueue_dma source(%arg5 : memref<16x16xf32, #tpu.memory_space<hbm>>) target(%arg13 : memref<16x16xf32, #tpu.memory_space<vmem>>) target_semaphore(%run_scoped3A_620 : memref<!tpu.dma_semaphore, #tpu.memory_space<semaphore_mem>>)
      tpu.wait_dma2 semaphore(%run_scoped3A_620 : memref<!tpu.dma_semaphore, #tpu.memory_space<semaphore_mem>>) src(%arg5 : memref<16x16xf32, #tpu.memory_space<hbm>>) dst(%arg13 : memref<16x16xf32, #tpu.memory_space<vmem>>)
      tpu.yield
    }) : () -> ()
    %add3A_1 = arith.constant 0 : i32
    %add3A_2 = arith.addi %arg1, %add3A_1 : i32
    %lt3A = arith.constant 50 : i32
    %lt3A_3 = arith.cmpi slt, %add3A_2, %lt3A : i32
    %convert_element_type3A = arith.extui %lt3A_3 : i1 to i32
    %cond3A = arith.constant 0 : i32
    %cond3A_4 = arith.cmpi ne, %convert_element_type3A, %cond3A : i32
    scf.if %cond3A_4 {
      %mul3A_620 = arith.constant 2000 : i32
      %mul3A_621 = arith.muli %add3A_2, %mul3A_620 : i32
      %mul3A_622 = arith.constant 2000 : i32
      %mul3A_623 = arith.muli %add3A_2, %mul3A_622 : i32
      "tpu.region"() ({
        %run_scoped3A_624 = tpu.sem_alloc : memref<!tpu.dma_semaphore, #tpu.memory_space<semaphore_mem>>
        %dma_start3A_625 = arith.constant 0 : i32
        %dma_start3A_626 = tpu.memref_slice %arg14[%mul3A_623, %dma_start3A_625] : memref<100000x8xf32, #tpu.memory_space<vmem_shared>> -> memref<2000x8xf32, #tpu.memory_space<vmem_shared>>
        %dma_start3A_627 = arith.constant 0 : i32
        %dma_start3A_628 = tpu.memref_slice %arg6[%mul3A_621, %dma_start3A_627] : memref<100000x8xf32, #tpu.memory_space<hbm>> -> memref<2000x8xf32, #tpu.memory_space<hbm>>
        tpu.enqueue_dma source(%dma_start3A_628 : memref<2000x8xf32, #tpu.memory_space<hbm>>) target(%dma_start3A_626 : memref<2000x8xf32, #tpu.memory_space<vmem_shared>>) target_semaphore(%run_scoped3A_624 : memref<!tpu.dma_semaphore, #tpu.memory_space<semaphore_mem>>)
        %dma_wait3A_629 = arith.constant 0 : i32
        %dma_wait3A_630 = tpu.memref_slice %arg14[%mul3A_623, %dma_wait3A_629] : memref<100000x8xf32, #tpu.memory_space<vmem_shared>> -> memref<2000x8xf32, #tpu.memory_space<vmem_shared>>
        %dma_wait3A_631 = arith.constant 0 : i32
        %dma_wait3A_632 = tpu.memref_slice %arg6[%mul3A_621, %dma_wait3A_631] : memref<100000x8xf32, #tpu.memory_space<hbm>> -> memref<2000x8xf32, #tpu.memory_space<hbm>>
        tpu.wait_dma2 semaphore(%run_scoped3A_624 : memref<!tpu.dma_semaphore, #tpu.memory_space<semaphore_mem>>) src(%dma_wait3A_632 : memref<2000x8xf32, #tpu.memory_space<hbm>>) dst(%dma_wait3A_630 : memref<2000x8xf32, #tpu.memory_space<vmem_shared>>)
        tpu.yield
      }) : () -> ()
    } else {
    }
    %add3A_5 = arith.constant 16 : i32
    %add3A_6 = arith.addi %arg1, %add3A_5 : i32
    %lt3A_7 = arith.constant 50 : i32
    %lt3A_8 = arith.cmpi slt, %add3A_6, %lt3A_7 : i32
    %convert_element_type3A_9 = arith.extui %lt3A_8 : i1 to i32
    %cond3A_10 = arith.constant 0 : i32
    %cond3A_11 = arith.cmpi ne, %convert_element_type3A_9, %cond3A_10 : i32
    scf.if %cond3A_11 {
      %mul3A_620 = arith.constant 2000 : i32
      %mul3A_621 = arith.muli %add3A_6, %mul3A_620 : i32
      %mul3A_622 = arith.constant 2000 : i32
      %mul3A_623 = arith.muli %add3A_6, %mul3A_622 : i32
      "tpu.region"() ({
        %run_scoped3A_624 = tpu.sem_alloc : memref<!tpu.dma_semaphore, #tpu.memory_space<semaphore_mem>>
        %dma_start3A_625 = arith.constant 0 : i32
        %dma_start3A_626 = tpu.memref_slice %arg14[%mul3A_623, %dma_start3A_625] : memref<100000x8xf32, #tpu.memory_space<vmem_shared>> -> memref<2000x8xf32, #tpu.memory_space<vmem_shared>>
        %dma_start3A_627 = arith.constant 0 : i32
        %dma_start3A_628 = tpu.memref_slice %arg6[%mul3A_621, %dma_start3A_627] : memref<100000x8xf32, #tpu.memory_space<hbm>> -> memref<2000x8xf32, #tpu.memory_space<hbm>>
        tpu.enqueue_dma source(%dma_start3A_628 : memref<2000x8xf32, #tpu.memory_space<hbm>>) target(%dma_start3A_626 : memref<2000x8xf32, #tpu.memory_space<vmem_shared>>) target_semaphore(%run_scoped3A_624 : memref<!tpu.dma_semaphore, #tpu.memory_space<semaphore_mem>>)
        %dma_wait3A_629 = arith.constant 0 : i32
        %dma_wait3A_630 = tpu.memref_slice %arg14[%mul3A_623, %dma_wait3A_629] : memref<100000x8xf32, #tpu.memory_space<vmem_shared>> -> memref<2000x8xf32, #tpu.memory_space<vmem_shared>>
        %dma_wait3A_631 = arith.constant 0 : i32
        %dma_wait3A_632 = tpu.memref_slice %arg6[%mul3A_621, %dma_wait3A_631] : memref<100000x8xf32, #tpu.memory_space<hbm>> -> memref<2000x8xf32, #tpu.memory_space<hbm>>
        tpu.wait_dma2 semaphore(%run_scoped3A_624 : memref<!tpu.dma_semaphore, #tpu.memory_space<semaphore_mem>>) src(%dma_wait3A_632 : memref<2000x8xf32, #tpu.memory_space<hbm>>) dst(%dma_wait3A_630 : memref<2000x8xf32, #tpu.memory_space<vmem_shared>>)
        tpu.yield
      }) : () -> ()
    } else {
    }
    %add3A_12 = arith.constant 32 : i32
    %add3A_13 = arith.addi %arg1, %add3A_12 : i32
    %lt3A_14 = arith.constant 50 : i32
    %lt3A_15 = arith.cmpi slt, %add3A_13, %lt3A_14 : i32
    %convert_element_type3A_16 = arith.extui %lt3A_15 : i1 to i32
    %cond3A_17 = arith.constant 0 : i32
    %cond3A_18 = arith.cmpi ne, %convert_element_type3A_16, %cond3A_17 : i32
    scf.if %cond3A_18 {
      %mul3A_620 = arith.constant 2000 : i32
      %mul3A_621 = arith.muli %add3A_13, %mul3A_620 : i32
      %mul3A_622 = arith.constant 2000 : i32
      %mul3A_623 = arith.muli %add3A_13, %mul3A_622 : i32
      "tpu.region"() ({
        %run_scoped3A_624 = tpu.sem_alloc : memref<!tpu.dma_semaphore, #tpu.memory_space<semaphore_mem>>
        %dma_start3A_625 = arith.constant 0 : i32
        %dma_start3A_626 = tpu.memref_slice %arg14[%mul3A_623, %dma_start3A_625] : memref<100000x8xf32, #tpu.memory_space<vmem_shared>> -> memref<2000x8xf32, #tpu.memory_space<vmem_shared>>
        %dma_start3A_627 = arith.constant 0 : i32
        %dma_start3A_628 = tpu.memref_slice %arg6[%mul3A_621, %dma_start3A_627] : memref<100000x8xf32, #tpu.memory_space<hbm>> -> memref<2000x8xf32, #tpu.memory_space<hbm>>
        tpu.enqueue_dma source(%dma_start3A_628 : memref<2000x8xf32, #tpu.memory_space<hbm>>) target(%dma_start3A_626 : memref<2000x8xf32, #tpu.memory_space<vmem_shared>>) target_semaphore(%run_scoped3A_624 : memref<!tpu.dma_semaphore, #tpu.memory_space<semaphore_mem>>)
        %dma_wait3A_629 = arith.constant 0 : i32
        %dma_wait3A_630 = tpu.memref_slice %arg14[%mul3A_623, %dma_wait3A_629] : memref<100000x8xf32, #tpu.memory_space<vmem_shared>> -> memref<2000x8xf32, #tpu.memory_space<vmem_shared>>
        %dma_wait3A_631 = arith.constant 0 : i32
        %dma_wait3A_632 = tpu.memref_slice %arg6[%mul3A_621, %dma_wait3A_631] : memref<100000x8xf32, #tpu.memory_space<hbm>> -> memref<2000x8xf32, #tpu.memory_space<hbm>>
        tpu.wait_dma2 semaphore(%run_scoped3A_624 : memref<!tpu.dma_semaphore, #tpu.memory_space<semaphore_mem>>) src(%dma_wait3A_632 : memref<2000x8xf32, #tpu.memory_space<hbm>>) dst(%dma_wait3A_630 : memref<2000x8xf32, #tpu.memory_space<vmem_shared>>)
        tpu.yield
      }) : () -> ()
    } else {
    }
    %add3A_19 = arith.constant 48 : i32
    %add3A_20 = arith.addi %arg1, %add3A_19 : i32
    %lt3A_21 = arith.constant 50 : i32
    %lt3A_22 = arith.cmpi slt, %add3A_20, %lt3A_21 : i32
    %convert_element_type3A_23 = arith.extui %lt3A_22 : i1 to i32
    %cond3A_24 = arith.constant 0 : i32
    %cond3A_25 = arith.cmpi ne, %convert_element_type3A_23, %cond3A_24 : i32
    scf.if %cond3A_25 {
      %mul3A_620 = arith.constant 2000 : i32
      %mul3A_621 = arith.muli %add3A_20, %mul3A_620 : i32
      %mul3A_622 = arith.constant 2000 : i32
      %mul3A_623 = arith.muli %add3A_20, %mul3A_622 : i32
      "tpu.region"() ({
        %run_scoped3A_624 = tpu.sem_alloc : memref<!tpu.dma_semaphore, #tpu.memory_space<semaphore_mem>>
        %dma_start3A_625 = arith.constant 0 : i32
        %dma_start3A_626 = tpu.memref_slice %arg14[%mul3A_623, %dma_start3A_625] : memref<100000x8xf32, #tpu.memory_space<vmem_shared>> -> memref<2000x8xf32, #tpu.memory_space<vmem_shared>>
        %dma_start3A_627 = arith.constant 0 : i32
        %dma_start3A_628 = tpu.memref_slice %arg6[%mul3A_621, %dma_start3A_627] : memref<100000x8xf32, #tpu.memory_space<hbm>> -> memref<2000x8xf32, #tpu.memory_space<hbm>>
        tpu.enqueue_dma source(%dma_start3A_628 : memref<2000x8xf32, #tpu.memory_space<hbm>>) target(%dma_start3A_626 : memref<2000x8xf32, #tpu.memory_space<vmem_shared>>) target_semaphore(%run_scoped3A_624 : memref<!tpu.dma_semaphore, #tpu.memory_space<semaphore_mem>>)
        %dma_wait3A_629 = arith.constant 0 : i32
        %dma_wait3A_630 = tpu.memref_slice %arg14[%mul3A_623, %dma_wait3A_629] : memref<100000x8xf32, #tpu.memory_space<vmem_shared>> -> memref<2000x8xf32, #tpu.memory_space<vmem_shared>>
        %dma_wait3A_631 = arith.constant 0 : i32
        %dma_wait3A_632 = tpu.memref_slice %arg6[%mul3A_621, %dma_wait3A_631] : memref<100000x8xf32, #tpu.memory_space<hbm>> -> memref<2000x8xf32, #tpu.memory_space<hbm>>
        tpu.wait_dma2 semaphore(%run_scoped3A_624 : memref<!tpu.dma_semaphore, #tpu.memory_space<semaphore_mem>>) src(%dma_wait3A_632 : memref<2000x8xf32, #tpu.memory_space<hbm>>) dst(%dma_wait3A_630 : memref<2000x8xf32, #tpu.memory_space<vmem_shared>>)
        tpu.yield
      }) : () -> ()
    } else {
    }
    %barrier3A = arith.constant 0 : index
    tpu.barrier barrier_id(%barrier3A)
    %get3A = arith.constant 0 : i32
    %get3A_26 = arith.index_cast %get3A : i32 to index
    %get3A_27 = arith.constant 0 : index
    %get3A_28 = tpu.vector_load %arg13[%get3A_26, %get3A_27] {strides = array<i32>} : memref<16x16xf32, #tpu.memory_space<vmem>>, vector<16xf32>,
    %get3A_29 = arith.constant 1 : i32
    %get3A_30 = arith.index_cast %get3A_29 : i32 to index
    %get3A_31 = arith.constant 0 : index
    %get3A_32 = tpu.vector_load %arg13[%get3A_30, %get3A_31] {strides = array<i32>} : memref<16x16xf32, #tpu.memory_space<vmem>>, vector<16xf32>,
    %get3A_33 = arith.constant 2 : i32
    %get3A_34 = arith.index_cast %get3A_33 : i32 to index
    %get3A_35 = arith.constant 0 : index
    %get3A_36 = tpu.vector_load %arg13[%get3A_34, %get3A_35] {strides = array<i32>} : memref<16x16xf32, #tpu.memory_space<vmem>>, vector<16xf32>,
    %get3A_37 = arith.constant 3 : i32
    %get3A_38 = arith.index_cast %get3A_37 : i32 to index
    %get3A_39 = arith.constant 0 : index
    %get3A_40 = tpu.vector_load %arg13[%get3A_38, %get3A_39] {strides = array<i32>} : memref<16x16xf32, #tpu.memory_space<vmem>>, vector<16xf32>,
    %get3A_41 = arith.constant 4 : i32
    %get3A_42 = arith.index_cast %get3A_41 : i32 to index
    %get3A_43 = arith.constant 0 : index
    %get3A_44 = tpu.vector_load %arg13[%get3A_42, %get3A_43] {strides = array<i32>} : memref<16x16xf32, #tpu.memory_space<vmem>>, vector<16xf32>,
    %get3A_45 = arith.constant 5 : i32
    %get3A_46 = arith.index_cast %get3A_45 : i32 to index
    %get3A_47 = arith.constant 0 : index
    %get3A_48 = tpu.vector_load %arg13[%get3A_46, %get3A_47] {strides = array<i32>} : memref<16x16xf32, #tpu.memory_space<vmem>>, vector<16xf32>,
    %get3A_49 = arith.constant 6 : i32
    %get3A_50 = arith.index_cast %get3A_49 : i32 to index
    %get3A_51 = arith.constant 0 : index
    %get3A_52 = tpu.vector_load %arg13[%get3A_50, %get3A_51] {strides = array<i32>} : memref<16x16xf32, #tpu.memory_space<vmem>>, vector<16xf32>,
    %get3A_53 = arith.constant 7 : i32
    %get3A_54 = arith.index_cast %get3A_53 : i32 to index
    %get3A_55 = arith.constant 0 : index
    %get3A_56 = tpu.vector_load %arg13[%get3A_54, %get3A_55] {strides = array<i32>} : memref<16x16xf32, #tpu.memory_space<vmem>>, vector<16xf32>,
    %get3A_57 = arith.constant 8 : i32
    %get3A_58 = arith.index_cast %get3A_57 : i32 to index
    %get3A_59 = arith.constant 0 : index
    %get3A_60 = tpu.vector_load %arg13[%get3A_58, %get3A_59] {strides = array<i32>} : memref<16x16xf32, #tpu.memory_space<vmem>>, vector<16xf32>,
    %get3A_61 = arith.constant 9 : i32
    %get3A_62 = arith.index_cast %get3A_61 : i32 to index
    %get3A_63 = arith.constant 0 : index
    %get3A_64 = tpu.vector_load %arg13[%get3A_62, %get3A_63] {strides = array<i32>} : memref<16x16xf32, #tpu.memory_space<vmem>>, vector<16xf32>,
    %get3A_65 = arith.constant 10 : i32
    %get3A_66 = arith.index_cast %get3A_65 : i32 to index
    %get3A_67 = arith.constant 0 : index
    %get3A_68 = tpu.vector_load %arg13[%get3A_66, %get3A_67] {strides = array<i32>} : memref<16x16xf32, #tpu.memory_space<vmem>>, vector<16xf32>,
    %get3A_69 = arith.constant 11 : i32
    %get3A_70 = arith.index_cast %get3A_69 : i32 to index
    %get3A_71 = arith.constant 0 : index
    %get3A_72 = tpu.vector_load %arg13[%get3A_70, %get3A_71] {strides = array<i32>} : memref<16x16xf32, #tpu.memory_space<vmem>>, vector<16xf32>,
    %get3A_73 = arith.constant 12 : i32
    %get3A_74 = arith.index_cast %get3A_73 : i32 to index
    %get3A_75 = arith.constant 0 : index
    %get3A_76 = tpu.vector_load %arg13[%get3A_74, %get3A_75] {strides = array<i32>} : memref<16x16xf32, #tpu.memory_space<vmem>>, vector<16xf32>,
    %get3A_77 = arith.constant 13 : i32
    %get3A_78 = arith.index_cast %get3A_77 : i32 to index
    %get3A_79 = arith.constant 0 : index
    %get3A_80 = tpu.vector_load %arg13[%get3A_78, %get3A_79] {strides = array<i32>} : memref<16x16xf32, #tpu.memory_space<vmem>>, vector<16xf32>,
    %get3A_81 = arith.constant 14 : i32
    %get3A_82 = arith.index_cast %get3A_81 : i32 to index
    %get3A_83 = arith.constant 0 : index
    %get3A_84 = tpu.vector_load %arg13[%get3A_82, %get3A_83] {strides = array<i32>} : memref<16x16xf32, #tpu.memory_space<vmem>>, vector<16xf32>,
    %get3A_85 = arith.constant 15 : i32
    %get3A_86 = arith.index_cast %get3A_85 : i32 to index
    %get3A_87 = arith.constant 0 : index
    %get3A_88 = tpu.vector_load %arg13[%get3A_86, %get3A_87] {strides = array<i32>} : memref<16x16xf32, #tpu.memory_space<vmem>>, vector<16xf32>,
    %iota3A = tpu.iota {dimensions = array<i32: 0>} : vector<16xi32>
    %broadcast_in_dim3A = arith.constant 0 : i32
    %broadcast_in_dim3A_89 = vector.broadcast %broadcast_in_dim3A : i32 to vector<16xi32>
    %broadcast_in_dim3A_90 = arith.constant 1 : i32
    %broadcast_in_dim3A_91 = vector.broadcast %broadcast_in_dim3A_90 : i32 to vector<16xi32>
    %broadcast_in_dim3A_92 = arith.constant 2 : i32
    %broadcast_in_dim3A_93 = vector.broadcast %broadcast_in_dim3A_92 : i32 to vector<16xi32>
    %broadcast_in_dim3A_94 = arith.constant 3 : i32
    %broadcast_in_dim3A_95 = vector.broadcast %broadcast_in_dim3A_94 : i32 to vector<16xi32>
    %broadcast_in_dim3A_96 = arith.constant 4 : i32
    %broadcast_in_dim3A_97 = vector.broadcast %broadcast_in_dim3A_96 : i32 to vector<16xi32>
    %broadcast_in_dim3A_98 = arith.constant 5 : i32
    %broadcast_in_dim3A_99 = vector.broadcast %broadcast_in_dim3A_98 : i32 to vector<16xi32>
    %broadcast_in_dim3A_100 = arith.constant 6 : i32
    %broadcast_in_dim3A_101 = vector.broadcast %broadcast_in_dim3A_100 : i32 to vector<16xi32>
    %broadcast_in_dim3A_102 = arith.constant 7 : i32
    %broadcast_in_dim3A_103 = vector.broadcast %broadcast_in_dim3A_102 : i32 to vector<16xi32>
    %mul3A_104 = arith.constant 97 : i32
    %mul3A_105 = arith.muli %add3A, %mul3A_104 : i32
    %min3A = arith.constant 21 : i32
    %min3A_106 = arith.minsi %add3A, %min3A : i32
    %add3A_107 = arith.addi %mul3A_105, %min3A_106 : i32
    %lt3A_108 = arith.constant 21 : i32
    %lt3A_109 = arith.cmpi slt, %add3A, %lt3A_108 : i32
    %jit3A = arith.constant 1 : i32
    %jit3A_110 = arith.constant 0 : i32
    %select_n3A = arith.select %lt3A_109, %jit3A, %jit3A_110 : i32
    %add3A_111 = arith.constant 97 : i32
    %add3A_112 = arith.addi %add3A_111, %select_n3A : i32
    %add3A_113 = arith.constant 0 : i32
    %add3A_114 = arith.addi %add3A_107, %add3A_113 : i32
    %mul3A_115 = arith.constant 8 : i32
    %mul3A_116 = arith.muli %add3A_114, %mul3A_115 : i32
    %run_scoped3A = arith.constant 0 : i32
    "tpu.region"() ({
      %run_scoped3A_620 = tpu.sem_alloc : memref<!tpu.dma_semaphore, #tpu.memory_space<semaphore_mem>>
      %dma_start3A_621 = arith.constant 0 : i32
      %dma_start3A_622 = arith.constant 0 : i32
      %dma_start3A_623 = arith.constant 0 : i32
      %dma_start3A_624 = tpu.memref_slice %arg8[%run_scoped3A, %dma_start3A_621, %dma_start3A_622, %dma_start3A_623] : memref<2x8x2x128xi32, #tpu.memory_space<vmem>> -> memref<1x8x2x128xi32, #tpu.memory_space<vmem>>
      %dma_start3A_625 = tpu.memref_squeeze %dma_start3A_624 : memref<1x8x2x128xi32, #tpu.memory_space<vmem>> -> memref<8x2x128xi32, #tpu.memory_space<vmem>>
      %dma_start3A_626 = arith.constant 0 : i32
      %dma_start3A_627 = arith.constant 0 : i32
      %dma_start3A_628 = tpu.memref_slice %arg4[%mul3A_116, %dma_start3A_626, %dma_start3A_627] : memref<25000x2x128xi32, #tpu.memory_space<hbm>> -> memref<8x2x128xi32, #tpu.memory_space<hbm>>
      %dma_start3A_629 = arith.constant 0 : i32
      %dma_start3A_630 = arith.constant 0 : i32
      %dma_start3A_631 = arith.constant 0 : i32
      %dma_start3A_632 = tpu.memref_slice %arg8[%run_scoped3A, %dma_start3A_629, %dma_start3A_630, %dma_start3A_631] : memref<2x8x2x128xi32, #tpu.memory_space<vmem>> -> memref<1x8x2x128xi32, #tpu.memory_space<vmem>>
      %dma_start3A_633 = tpu.memref_squeeze %dma_start3A_632 : memref<1x8x2x128xi32, #tpu.memory_space<vmem>> -> memref<8x2x128xi32, #tpu.memory_space<vmem>>
      %dma_start3A_634 = arith.constant 0 : i32
      %dma_start3A_635 = arith.constant 0 : i32
      %dma_start3A_636 = tpu.memref_slice %arg4[%mul3A_116, %dma_start3A_634, %dma_start3A_635] : memref<25000x2x128xi32, #tpu.memory_space<hbm>> -> memref<8x2x128xi32, #tpu.memory_space<hbm>>
      tpu.enqueue_dma source(%dma_start3A_636 : memref<8x2x128xi32, #tpu.memory_space<hbm>>) target(%dma_start3A_633 : memref<8x2x128xi32, #tpu.memory_space<vmem>>) target_semaphore(%run_scoped3A_620 : memref<!tpu.dma_semaphore, #tpu.memory_space<semaphore_mem>>)
      %dma_wait3A_637 = arith.constant 0 : i32
      %dma_wait3A_638 = arith.constant 0 : i32
      %dma_wait3A_639 = arith.constant 0 : i32
      %dma_wait3A_640 = tpu.memref_slice %arg8[%run_scoped3A, %dma_wait3A_637, %dma_wait3A_638, %dma_wait3A_639] : memref<2x8x2x128xi32, #tpu.memory_space<vmem>> -> memref<1x8x2x128xi32, #tpu.memory_space<vmem>>
      %dma_wait3A_641 = tpu.memref_squeeze %dma_wait3A_640 : memref<1x8x2x128xi32, #tpu.memory_space<vmem>> -> memref<8x2x128xi32, #tpu.memory_space<vmem>>
      %dma_wait3A_642 = arith.constant 0 : i32
      %dma_wait3A_643 = arith.constant 0 : i32
      %dma_wait3A_644 = tpu.memref_slice %arg4[%mul3A_116, %dma_wait3A_642, %dma_wait3A_643] : memref<25000x2x128xi32, #tpu.memory_space<hbm>> -> memref<8x2x128xi32, #tpu.memory_space<hbm>>
      %dma_wait3A_645 = arith.constant 0 : i32
      %dma_wait3A_646 = arith.constant 0 : i32
      %dma_wait3A_647 = arith.constant 0 : i32
      %dma_wait3A_648 = tpu.memref_slice %arg8[%run_scoped3A, %dma_wait3A_645, %dma_wait3A_646, %dma_wait3A_647] : memref<2x8x2x128xi32, #tpu.memory_space<vmem>> -> memref<1x8x2x128xi32, #tpu.memory_space<vmem>>
      %dma_wait3A_649 = tpu.memref_squeeze %dma_wait3A_648 : memref<1x8x2x128xi32, #tpu.memory_space<vmem>> -> memref<8x2x128xi32, #tpu.memory_space<vmem>>
      %dma_wait3A_650 = arith.constant 0 : i32
      %dma_wait3A_651 = arith.constant 0 : i32
      %dma_wait3A_652 = tpu.memref_slice %arg4[%mul3A_116, %dma_wait3A_650, %dma_wait3A_651] : memref<25000x2x128xi32, #tpu.memory_space<hbm>> -> memref<8x2x128xi32, #tpu.memory_space<hbm>>
      tpu.wait_dma2 semaphore(%run_scoped3A_620 : memref<!tpu.dma_semaphore, #tpu.memory_space<semaphore_mem>>) src(%dma_wait3A_652 : memref<8x2x128xi32, #tpu.memory_space<hbm>>) dst(%dma_wait3A_649 : memref<8x2x128xi32, #tpu.memory_space<vmem>>)
      tpu.yield
    }) : () -> ()
    %dma_start3A = arith.constant 0 : i32
    %dma_start3A_117 = arith.constant 0 : i32
    %dma_start3A_118 = arith.constant 0 : i32
    %dma_start3A_119 = arith.constant 0 : i32
    %dma_start3A_120 = tpu.memref_slice %arg9[%dma_start3A, %dma_start3A_117, %dma_start3A_118, %dma_start3A_119] : memref<2x8x4x128xf32, #tpu.memory_space<vmem>> -> memref<1x8x4x128xf32, #tpu.memory_space<vmem>>
    %dma_start3A_121 = tpu.memref_squeeze %dma_start3A_120 : memref<1x8x4x128xf32, #tpu.memory_space<vmem>> -> memref<8x4x128xf32, #tpu.memory_space<vmem>>
    %dma_start3A_122 = arith.constant 0 : i32
    %dma_start3A_123 = arith.constant 0 : i32
    %dma_start3A_124 = tpu.memref_slice %arg3[%mul3A_116, %dma_start3A_122, %dma_start3A_123] : memref<25000x4x128xf32, #tpu.memory_space<hbm>> -> memref<8x4x128xf32, #tpu.memory_space<hbm>>
    %dma_start3A_125 = arith.constant 0 : i32
    %dma_start3A_126 = arith.constant 0 : i32
    %dma_start3A_127 = arith.constant 0 : i32
    %dma_start3A_128 = tpu.memref_slice %arg9[%dma_start3A, %dma_start3A_125, %dma_start3A_126, %dma_start3A_127] : memref<2x8x4x128xf32, #tpu.memory_space<vmem>> -> memref<1x8x4x128xf32, #tpu.memory_space<vmem>>
    %dma_start3A_129 = tpu.memref_squeeze %dma_start3A_128 : memref<1x8x4x128xf32, #tpu.memory_space<vmem>> -> memref<8x4x128xf32, #tpu.memory_space<vmem>>
    %dma_start3A_130 = arith.constant 0 : i32
    %dma_start3A_131 = arith.constant 0 : i32
    %dma_start3A_132 = tpu.memref_slice %arg3[%mul3A_116, %dma_start3A_130, %dma_start3A_131] : memref<25000x4x128xf32, #tpu.memory_space<hbm>> -> memref<8x4x128xf32, #tpu.memory_space<hbm>>
    tpu.enqueue_dma source(%dma_start3A_132 : memref<8x4x128xf32, #tpu.memory_space<hbm>>) target(%dma_start3A_129 : memref<8x4x128xf32, #tpu.memory_space<vmem>>) target_semaphore(%arg15 : memref<!tpu.dma_semaphore, #tpu.memory_space<semaphore_mem>>)
    %dma_start3A_133 = arith.constant 0 : i32
    %dma_start3A_134 = arith.constant 0 : i32
    %dma_start3A_135 = arith.constant 0 : i32
    %dma_start3A_136 = arith.constant 0 : i32
    %dma_start3A_137 = arith.constant 0 : i32
    %dma_start3A_138 = arith.constant 0 : i32
    %dma_start3A_139 = tpu.memref_slice %arg10[%dma_start3A_136, %dma_start3A_137, %dma_start3A_138] : memref<2x1024x8xf32, #tpu.memory_space<vmem>> -> memref<1x128x8xf32, #tpu.memory_space<vmem>>
    %dma_start3A_140 = tpu.memref_squeeze %dma_start3A_139 : memref<1x128x8xf32, #tpu.memory_space<vmem>> -> memref<128x8xf32, #tpu.memory_space<vmem>>
    %dma_start3A_141 = arith.constant 0 : i32
    %dma_start3A_142 = tpu.memref_slice %arg8[%dma_start3A_133, %dma_start3A_134, %dma_start3A_135, %dma_start3A_141] : memref<2x8x2x128xi32, #tpu.memory_space<vmem>> -> memref<1x1x1x128xi32, #tpu.memory_space<vmem>>
    %dma_start3A_143 = tpu.memref_squeeze %dma_start3A_142 : memref<1x1x1x128xi32, #tpu.memory_space<vmem>> -> memref<128xi32, #tpu.memory_space<vmem>>
    %dma_start3A_144 = arith.constant 0 : i32
    %dma_start3A_145 = arith.constant 0 : i32
    %dma_start3A_146 = tpu.memref_slice %arg2[%dma_start3A_144, %dma_start3A_145] : memref<100000x8xf32, #tpu.memory_space<hbm>> -> memref<100000x8xf32, #tpu.memory_space<hbm>>
    tpu.enqueue_indirect_dma source(%dma_start3A_146 : memref<100000x8xf32, #tpu.memory_space<hbm>>) target(%dma_start3A_140 : memref<128x8xf32, #tpu.memory_space<vmem>>) offsets(%dma_start3A_143 : memref<128xi32, #tpu.memory_space<vmem>>) semaphore(%arg15 : memref<!tpu.dma_semaphore, #tpu.memory_space<semaphore_mem>>)
    %dma_start3A_147 = arith.constant 0 : i32
    %dma_start3A_148 = arith.constant 1 : i32
    %dma_start3A_149 = arith.constant 0 : i32
    %dma_start3A_150 = arith.constant 0 : i32
    %dma_start3A_151 = arith.constant 128 : i32
    %dma_start3A_152 = arith.constant 0 : i32
    %dma_start3A_153 = tpu.memref_slice %arg10[%dma_start3A_150, %dma_start3A_151, %dma_start3A_152] : memref<2x1024x8xf32, #tpu.memory_space<vmem>> -> memref<1x128x8xf32, #tpu.memory_space<vmem>>
    %dma_start3A_154 = tpu.memref_squeeze %dma_start3A_153 : memref<1x128x8xf32, #tpu.memory_space<vmem>> -> memref<128x8xf32, #tpu.memory_space<vmem>>
    %dma_start3A_155 = arith.constant 0 : i32
    %dma_start3A_156 = tpu.memref_slice %arg8[%dma_start3A_147, %dma_start3A_148, %dma_start3A_149, %dma_start3A_155] : memref<2x8x2x128xi32, #tpu.memory_space<vmem>> -> memref<1x1x1x128xi32, #tpu.memory_space<vmem>>
    %dma_start3A_157 = tpu.memref_squeeze %dma_start3A_156 : memref<1x1x1x128xi32, #tpu.memory_space<vmem>> -> memref<128xi32, #tpu.memory_space<vmem>>
    %dma_start3A_158 = arith.constant 0 : i32
    %dma_start3A_159 = arith.constant 0 : i32
    %dma_start3A_160 = tpu.memref_slice %arg2[%dma_start3A_158, %dma_start3A_159] : memref<100000x8xf32, #tpu.memory_space<hbm>> -> memref<100000x8xf32, #tpu.memory_space<hbm>>
    tpu.enqueue_indirect_dma source(%dma_start3A_160 : memref<100000x8xf32, #tpu.memory_space<hbm>>) target(%dma_start3A_154 : memref<128x8xf32, #tpu.memory_space<vmem>>) offsets(%dma_start3A_157 : memref<128xi32, #tpu.memory_space<vmem>>) semaphore(%arg15 : memref<!tpu.dma_semaphore, #tpu.memory_space<semaphore_mem>>)
    %dma_start3A_161 = arith.constant 0 : i32
    %dma_start3A_162 = arith.constant 2 : i32
    %dma_start3A_163 = arith.constant 0 : i32
    %dma_start3A_164 = arith.constant 0 : i32
    %dma_start3A_165 = arith.constant 256 : i32
    %dma_start3A_166 = arith.constant 0 : i32
    %dma_start3A_167 = tpu.memref_slice %arg10[%dma_start3A_164, %dma_start3A_165, %dma_start3A_166] : memref<2x1024x8xf32, #tpu.memory_space<vmem>> -> memref<1x128x8xf32, #tpu.memory_space<vmem>>
    %dma_start3A_168 = tpu.memref_squeeze %dma_start3A_167 : memref<1x128x8xf32, #tpu.memory_space<vmem>> -> memref<128x8xf32, #tpu.memory_space<vmem>>
    %dma_start3A_169 = arith.constant 0 : i32
    %dma_start3A_170 = tpu.memref_slice %arg8[%dma_start3A_161, %dma_start3A_162, %dma_start3A_163, %dma_start3A_169] : memref<2x8x2x128xi32, #tpu.memory_space<vmem>> -> memref<1x1x1x128xi32, #tpu.memory_space<vmem>>
    %dma_start3A_171 = tpu.memref_squeeze %dma_start3A_170 : memref<1x1x1x128xi32, #tpu.memory_space<vmem>> -> memref<128xi32, #tpu.memory_space<vmem>>
    %dma_start3A_172 = arith.constant 0 : i32
    %dma_start3A_173 = arith.constant 0 : i32
    %dma_start3A_174 = tpu.memref_slice %arg2[%dma_start3A_172, %dma_start3A_173] : memref<100000x8xf32, #tpu.memory_space<hbm>> -> memref<100000x8xf32, #tpu.memory_space<hbm>>
    tpu.enqueue_indirect_dma source(%dma_start3A_174 : memref<100000x8xf32, #tpu.memory_space<hbm>>) target(%dma_start3A_168 : memref<128x8xf32, #tpu.memory_space<vmem>>) offsets(%dma_start3A_171 : memref<128xi32, #tpu.memory_space<vmem>>) semaphore(%arg15 : memref<!tpu.dma_semaphore, #tpu.memory_space<semaphore_mem>>)
    %dma_start3A_175 = arith.constant 0 : i32
    %dma_start3A_176 = arith.constant 3 : i32
    %dma_start3A_177 = arith.constant 0 : i32
    %dma_start3A_178 = arith.constant 0 : i32
    %dma_start3A_179 = arith.constant 384 : i32
    %dma_start3A_180 = arith.constant 0 : i32
    %dma_start3A_181 = tpu.memref_slice %arg10[%dma_start3A_178, %dma_start3A_179, %dma_start3A_180] : memref<2x1024x8xf32, #tpu.memory_space<vmem>> -> memref<1x128x8xf32, #tpu.memory_space<vmem>>
    %dma_start3A_182 = tpu.memref_squeeze %dma_start3A_181 : memref<1x128x8xf32, #tpu.memory_space<vmem>> -> memref<128x8xf32, #tpu.memory_space<vmem>>
    %dma_start3A_183 = arith.constant 0 : i32
    %dma_start3A_184 = tpu.memref_slice %arg8[%dma_start3A_175, %dma_start3A_176, %dma_start3A_177, %dma_start3A_183] : memref<2x8x2x128xi32, #tpu.memory_space<vmem>> -> memref<1x1x1x128xi32, #tpu.memory_space<vmem>>
    %dma_start3A_185 = tpu.memref_squeeze %dma_start3A_184 : memref<1x1x1x128xi32, #tpu.memory_space<vmem>> -> memref<128xi32, #tpu.memory_space<vmem>>
    %dma_start3A_186 = arith.constant 0 : i32
    %dma_start3A_187 = arith.constant 0 : i32
    %dma_start3A_188 = tpu.memref_slice %arg2[%dma_start3A_186, %dma_start3A_187] : memref<100000x8xf32, #tpu.memory_space<hbm>> -> memref<100000x8xf32, #tpu.memory_space<hbm>>
    tpu.enqueue_indirect_dma source(%dma_start3A_188 : memref<100000x8xf32, #tpu.memory_space<hbm>>) target(%dma_start3A_182 : memref<128x8xf32, #tpu.memory_space<vmem>>) offsets(%dma_start3A_185 : memref<128xi32, #tpu.memory_space<vmem>>) semaphore(%arg15 : memref<!tpu.dma_semaphore, #tpu.memory_space<semaphore_mem>>)
    %dma_start3A_189 = arith.constant 0 : i32
    %dma_start3A_190 = arith.constant 4 : i32
    %dma_start3A_191 = arith.constant 0 : i32
    %dma_start3A_192 = arith.constant 0 : i32
    %dma_start3A_193 = arith.constant 512 : i32
    %dma_start3A_194 = arith.constant 0 : i32
    %dma_start3A_195 = tpu.memref_slice %arg10[%dma_start3A_192, %dma_start3A_193, %dma_start3A_194] : memref<2x1024x8xf32, #tpu.memory_space<vmem>> -> memref<1x128x8xf32, #tpu.memory_space<vmem>>
    %dma_start3A_196 = tpu.memref_squeeze %dma_start3A_195 : memref<1x128x8xf32, #tpu.memory_space<vmem>> -> memref<128x8xf32, #tpu.memory_space<vmem>>
    %dma_start3A_197 = arith.constant 0 : i32
    %dma_start3A_198 = tpu.memref_slice %arg8[%dma_start3A_189, %dma_start3A_190, %dma_start3A_191, %dma_start3A_197] : memref<2x8x2x128xi32, #tpu.memory_space<vmem>> -> memref<1x1x1x128xi32, #tpu.memory_space<vmem>>
    %dma_start3A_199 = tpu.memref_squeeze %dma_start3A_198 : memref<1x1x1x128xi32, #tpu.memory_space<vmem>> -> memref<128xi32, #tpu.memory_space<vmem>>
    %dma_start3A_200 = arith.constant 0 : i32
    %dma_start3A_201 = arith.constant 0 : i32
    %dma_start3A_202 = tpu.memref_slice %arg2[%dma_start3A_200, %dma_start3A_201] : memref<100000x8xf32, #tpu.memory_space<hbm>> -> memref<100000x8xf32, #tpu.memory_space<hbm>>
    tpu.enqueue_indirect_dma source(%dma_start3A_202 : memref<100000x8xf32, #tpu.memory_space<hbm>>) target(%dma_start3A_196 : memref<128x8xf32, #tpu.memory_space<vmem>>) offsets(%dma_start3A_199 : memref<128xi32, #tpu.memory_space<vmem>>) semaphore(%arg15 : memref<!tpu.dma_semaphore, #tpu.memory_space<semaphore_mem>>)
    %dma_start3A_203 = arith.constant 0 : i32
    %dma_start3A_204 = arith.constant 5 : i32
    %dma_start3A_205 = arith.constant 0 : i32
    %dma_start3A_206 = arith.constant 0 : i32
    %dma_start3A_207 = arith.constant 640 : i32
    %dma_start3A_208 = arith.constant 0 : i32
    %dma_start3A_209 = tpu.memref_slice %arg10[%dma_start3A_206, %dma_start3A_207, %dma_start3A_208] : memref<2x1024x8xf32, #tpu.memory_space<vmem>> -> memref<1x128x8xf32, #tpu.memory_space<vmem>>
    %dma_start3A_210 = tpu.memref_squeeze %dma_start3A_209 : memref<1x128x8xf32, #tpu.memory_space<vmem>> -> memref<128x8xf32, #tpu.memory_space<vmem>>
    %dma_start3A_211 = arith.constant 0 : i32
    %dma_start3A_212 = tpu.memref_slice %arg8[%dma_start3A_203, %dma_start3A_204, %dma_start3A_205, %dma_start3A_211] : memref<2x8x2x128xi32, #tpu.memory_space<vmem>> -> memref<1x1x1x128xi32, #tpu.memory_space<vmem>>
    %dma_start3A_213 = tpu.memref_squeeze %dma_start3A_212 : memref<1x1x1x128xi32, #tpu.memory_space<vmem>> -> memref<128xi32, #tpu.memory_space<vmem>>
    %dma_start3A_214 = arith.constant 0 : i32
    %dma_start3A_215 = arith.constant 0 : i32
    %dma_start3A_216 = tpu.memref_slice %arg2[%dma_start3A_214, %dma_start3A_215] : memref<100000x8xf32, #tpu.memory_space<hbm>> -> memref<100000x8xf32, #tpu.memory_space<hbm>>
    tpu.enqueue_indirect_dma source(%dma_start3A_216 : memref<100000x8xf32, #tpu.memory_space<hbm>>) target(%dma_start3A_210 : memref<128x8xf32, #tpu.memory_space<vmem>>) offsets(%dma_start3A_213 : memref<128xi32, #tpu.memory_space<vmem>>) semaphore(%arg15 : memref<!tpu.dma_semaphore, #tpu.memory_space<semaphore_mem>>)
    %dma_start3A_217 = arith.constant 0 : i32
    %dma_start3A_218 = arith.constant 6 : i32
    %dma_start3A_219 = arith.constant 0 : i32
    %dma_start3A_220 = arith.constant 0 : i32
    %dma_start3A_221 = arith.constant 768 : i32
    %dma_start3A_222 = arith.constant 0 : i32
    %dma_start3A_223 = tpu.memref_slice %arg10[%dma_start3A_220, %dma_start3A_221, %dma_start3A_222] : memref<2x1024x8xf32, #tpu.memory_space<vmem>> -> memref<1x128x8xf32, #tpu.memory_space<vmem>>
    %dma_start3A_224 = tpu.memref_squeeze %dma_start3A_223 : memref<1x128x8xf32, #tpu.memory_space<vmem>> -> memref<128x8xf32, #tpu.memory_space<vmem>>
    %dma_start3A_225 = arith.constant 0 : i32
    %dma_start3A_226 = tpu.memref_slice %arg8[%dma_start3A_217, %dma_start3A_218, %dma_start3A_219, %dma_start3A_225] : memref<2x8x2x128xi32, #tpu.memory_space<vmem>> -> memref<1x1x1x128xi32, #tpu.memory_space<vmem>>
    %dma_start3A_227 = tpu.memref_squeeze %dma_start3A_226 : memref<1x1x1x128xi32, #tpu.memory_space<vmem>> -> memref<128xi32, #tpu.memory_space<vmem>>
    %dma_start3A_228 = arith.constant 0 : i32
    %dma_start3A_229 = arith.constant 0 : i32
    %dma_start3A_230 = tpu.memref_slice %arg2[%dma_start3A_228, %dma_start3A_229] : memref<100000x8xf32, #tpu.memory_space<hbm>> -> memref<100000x8xf32, #tpu.memory_space<hbm>>
    tpu.enqueue_indirect_dma source(%dma_start3A_230 : memref<100000x8xf32, #tpu.memory_space<hbm>>) target(%dma_start3A_224 : memref<128x8xf32, #tpu.memory_space<vmem>>) offsets(%dma_start3A_227 : memref<128xi32, #tpu.memory_space<vmem>>) semaphore(%arg15 : memref<!tpu.dma_semaphore, #tpu.memory_space<semaphore_mem>>)
    %dma_start3A_231 = arith.constant 0 : i32
    %dma_start3A_232 = arith.constant 7 : i32
    %dma_start3A_233 = arith.constant 0 : i32
    %dma_start3A_234 = arith.constant 0 : i32
    %dma_start3A_235 = arith.constant 896 : i32
    %dma_start3A_236 = arith.constant 0 : i32
    %dma_start3A_237 = tpu.memref_slice %arg10[%dma_start3A_234, %dma_start3A_235, %dma_start3A_236] : memref<2x1024x8xf32, #tpu.memory_space<vmem>> -> memref<1x128x8xf32, #tpu.memory_space<vmem>>
    %dma_start3A_238 = tpu.memref_squeeze %dma_start3A_237 : memref<1x128x8xf32, #tpu.memory_space<vmem>> -> memref<128x8xf32, #tpu.memory_space<vmem>>
    %dma_start3A_239 = arith.constant 0 : i32
    %dma_start3A_240 = tpu.memref_slice %arg8[%dma_start3A_231, %dma_start3A_232, %dma_start3A_233, %dma_start3A_239] : memref<2x8x2x128xi32, #tpu.memory_space<vmem>> -> memref<1x1x1x128xi32, #tpu.memory_space<vmem>>
    %dma_start3A_241 = tpu.memref_squeeze %dma_start3A_240 : memref<1x1x1x128xi32, #tpu.memory_space<vmem>> -> memref<128xi32, #tpu.memory_space<vmem>>
    %dma_start3A_242 = arith.constant 0 : i32
    %dma_start3A_243 = arith.constant 0 : i32
    %dma_start3A_244 = tpu.memref_slice %arg2[%dma_start3A_242, %dma_start3A_243] : memref<100000x8xf32, #tpu.memory_space<hbm>> -> memref<100000x8xf32, #tpu.memory_space<hbm>>
    tpu.enqueue_indirect_dma source(%dma_start3A_244 : memref<100000x8xf32, #tpu.memory_space<hbm>>) target(%dma_start3A_238 : memref<128x8xf32, #tpu.memory_space<vmem>>) offsets(%dma_start3A_241 : memref<128xi32, #tpu.memory_space<vmem>>) semaphore(%arg15 : memref<!tpu.dma_semaphore, #tpu.memory_space<semaphore_mem>>)
    %add3A_245 = arith.constant 1 : i32
    %add3A_246 = arith.addi %add3A_107, %add3A_245 : i32
    %mul3A_247 = arith.constant 8 : i32
    %mul3A_248 = arith.muli %add3A_246, %mul3A_247 : i32
    %run_scoped3A_249 = arith.constant 1 : i32
    "tpu.region"() ({
      %run_scoped3A_620 = tpu.sem_alloc : memref<!tpu.dma_semaphore, #tpu.memory_space<semaphore_mem>>
      %dma_start3A_621 = arith.constant 0 : i32
      %dma_start3A_622 = arith.constant 0 : i32
      %dma_start3A_623 = arith.constant 0 : i32
      %dma_start3A_624 = tpu.memref_slice %arg8[%run_scoped3A_249, %dma_start3A_621, %dma_start3A_622, %dma_start3A_623] : memref<2x8x2x128xi32, #tpu.memory_space<vmem>> -> memref<1x8x2x128xi32, #tpu.memory_space<vmem>>
      %dma_start3A_625 = tpu.memref_squeeze %dma_start3A_624 : memref<1x8x2x128xi32, #tpu.memory_space<vmem>> -> memref<8x2x128xi32, #tpu.memory_space<vmem>>
      %dma_start3A_626 = arith.constant 0 : i32
      %dma_start3A_627 = arith.constant 0 : i32
      %dma_start3A_628 = tpu.memref_slice %arg4[%mul3A_248, %dma_start3A_626, %dma_start3A_627] : memref<25000x2x128xi32, #tpu.memory_space<hbm>> -> memref<8x2x128xi32, #tpu.memory_space<hbm>>
      %dma_start3A_629 = arith.constant 0 : i32
      %dma_start3A_630 = arith.constant 0 : i32
      %dma_start3A_631 = arith.constant 0 : i32
      %dma_start3A_632 = tpu.memref_slice %arg8[%run_scoped3A_249, %dma_start3A_629, %dma_start3A_630, %dma_start3A_631] : memref<2x8x2x128xi32, #tpu.memory_space<vmem>> -> memref<1x8x2x128xi32, #tpu.memory_space<vmem>>
      %dma_start3A_633 = tpu.memref_squeeze %dma_start3A_632 : memref<1x8x2x128xi32, #tpu.memory_space<vmem>> -> memref<8x2x128xi32, #tpu.memory_space<vmem>>
      %dma_start3A_634 = arith.constant 0 : i32
      %dma_start3A_635 = arith.constant 0 : i32
      %dma_start3A_636 = tpu.memref_slice %arg4[%mul3A_248, %dma_start3A_634, %dma_start3A_635] : memref<25000x2x128xi32, #tpu.memory_space<hbm>> -> memref<8x2x128xi32, #tpu.memory_space<hbm>>
      tpu.enqueue_dma source(%dma_start3A_636 : memref<8x2x128xi32, #tpu.memory_space<hbm>>) target(%dma_start3A_633 : memref<8x2x128xi32, #tpu.memory_space<vmem>>) target_semaphore(%run_scoped3A_620 : memref<!tpu.dma_semaphore, #tpu.memory_space<semaphore_mem>>)
      %dma_wait3A_637 = arith.constant 0 : i32
      %dma_wait3A_638 = arith.constant 0 : i32
      %dma_wait3A_639 = arith.constant 0 : i32
      %dma_wait3A_640 = tpu.memref_slice %arg8[%run_scoped3A_249, %dma_wait3A_637, %dma_wait3A_638, %dma_wait3A_639] : memref<2x8x2x128xi32, #tpu.memory_space<vmem>> -> memref<1x8x2x128xi32, #tpu.memory_space<vmem>>
      %dma_wait3A_641 = tpu.memref_squeeze %dma_wait3A_640 : memref<1x8x2x128xi32, #tpu.memory_space<vmem>> -> memref<8x2x128xi32, #tpu.memory_space<vmem>>
      %dma_wait3A_642 = arith.constant 0 : i32
      %dma_wait3A_643 = arith.constant 0 : i32
      %dma_wait3A_644 = tpu.memref_slice %arg4[%mul3A_248, %dma_wait3A_642, %dma_wait3A_643] : memref<25000x2x128xi32, #tpu.memory_space<hbm>> -> memref<8x2x128xi32, #tpu.memory_space<hbm>>
      %dma_wait3A_645 = arith.constant 0 : i32
      %dma_wait3A_646 = arith.constant 0 : i32
      %dma_wait3A_647 = arith.constant 0 : i32
      %dma_wait3A_648 = tpu.memref_slice %arg8[%run_scoped3A_249, %dma_wait3A_645, %dma_wait3A_646, %dma_wait3A_647] : memref<2x8x2x128xi32, #tpu.memory_space<vmem>> -> memref<1x8x2x128xi32, #tpu.memory_space<vmem>>
      %dma_wait3A_649 = tpu.memref_squeeze %dma_wait3A_648 : memref<1x8x2x128xi32, #tpu.memory_space<vmem>> -> memref<8x2x128xi32, #tpu.memory_space<vmem>>
      %dma_wait3A_650 = arith.constant 0 : i32
      %dma_wait3A_651 = arith.constant 0 : i32
      %dma_wait3A_652 = tpu.memref_slice %arg4[%mul3A_248, %dma_wait3A_650, %dma_wait3A_651] : memref<25000x2x128xi32, #tpu.memory_space<hbm>> -> memref<8x2x128xi32, #tpu.memory_space<hbm>>
      tpu.wait_dma2 semaphore(%run_scoped3A_620 : memref<!tpu.dma_semaphore, #tpu.memory_space<semaphore_mem>>) src(%dma_wait3A_652 : memref<8x2x128xi32, #tpu.memory_space<hbm>>) dst(%dma_wait3A_649 : memref<8x2x128xi32, #tpu.memory_space<vmem>>)
      tpu.yield
    }) : () -> ()
    %dma_start3A_250 = arith.constant 1 : i32
    %dma_start3A_251 = arith.constant 0 : i32
    %dma_start3A_252 = arith.constant 0 : i32
    %dma_start3A_253 = arith.constant 0 : i32
    %dma_start3A_254 = tpu.memref_slice %arg9[%dma_start3A_250, %dma_start3A_251, %dma_start3A_252, %dma_start3A_253] : memref<2x8x4x128xf32, #tpu.memory_space<vmem>> -> memref<1x8x4x128xf32, #tpu.memory_space<vmem>>
    %dma_start3A_255 = tpu.memref_squeeze %dma_start3A_254 : memref<1x8x4x128xf32, #tpu.memory_space<vmem>> -> memref<8x4x128xf32, #tpu.memory_space<vmem>>
    %dma_start3A_256 = arith.constant 0 : i32
    %dma_start3A_257 = arith.constant 0 : i32
    %dma_start3A_258 = tpu.memref_slice %arg3[%mul3A_248, %dma_start3A_256, %dma_start3A_257] : memref<25000x4x128xf32, #tpu.memory_space<hbm>> -> memref<8x4x128xf32, #tpu.memory_space<hbm>>
    %dma_start3A_259 = arith.constant 0 : i32
    %dma_start3A_260 = arith.constant 0 : i32
    %dma_start3A_261 = arith.constant 0 : i32
    %dma_start3A_262 = tpu.memref_slice %arg9[%dma_start3A_250, %dma_start3A_259, %dma_start3A_260, %dma_start3A_261] : memref<2x8x4x128xf32, #tpu.memory_space<vmem>> -> memref<1x8x4x128xf32, #tpu.memory_space<vmem>>
    %dma_start3A_263 = tpu.memref_squeeze %dma_start3A_262 : memref<1x8x4x128xf32, #tpu.memory_space<vmem>> -> memref<8x4x128xf32, #tpu.memory_space<vmem>>
    %dma_start3A_264 = arith.constant 0 : i32
    %dma_start3A_265 = arith.constant 0 : i32
    %dma_start3A_266 = tpu.memref_slice %arg3[%mul3A_248, %dma_start3A_264, %dma_start3A_265] : memref<25000x4x128xf32, #tpu.memory_space<hbm>> -> memref<8x4x128xf32, #tpu.memory_space<hbm>>
    tpu.enqueue_dma source(%dma_start3A_266 : memref<8x4x128xf32, #tpu.memory_space<hbm>>) target(%dma_start3A_263 : memref<8x4x128xf32, #tpu.memory_space<vmem>>) target_semaphore(%arg16 : memref<!tpu.dma_semaphore, #tpu.memory_space<semaphore_mem>>)
    %dma_start3A_267 = arith.constant 1 : i32
    %dma_start3A_268 = arith.constant 0 : i32
    %dma_start3A_269 = arith.constant 0 : i32
    %dma_start3A_270 = arith.constant 1 : i32
    %dma_start3A_271 = arith.constant 0 : i32
    %dma_start3A_272 = arith.constant 0 : i32
    %dma_start3A_273 = tpu.memref_slice %arg10[%dma_start3A_270, %dma_start3A_271, %dma_start3A_272] : memref<2x1024x8xf32, #tpu.memory_space<vmem>> -> memref<1x128x8xf32, #tpu.memory_space<vmem>>
    %dma_start3A_274 = tpu.memref_squeeze %dma_start3A_273 : memref<1x128x8xf32, #tpu.memory_space<vmem>> -> memref<128x8xf32, #tpu.memory_space<vmem>>
    %dma_start3A_275 = arith.constant 0 : i32
    %dma_start3A_276 = tpu.memref_slice %arg8[%dma_start3A_267, %dma_start3A_268, %dma_start3A_269, %dma_start3A_275] : memref<2x8x2x128xi32, #tpu.memory_space<vmem>> -> memref<1x1x1x128xi32, #tpu.memory_space<vmem>>
    %dma_start3A_277 = tpu.memref_squeeze %dma_start3A_276 : memref<1x1x1x128xi32, #tpu.memory_space<vmem>> -> memref<128xi32, #tpu.memory_space<vmem>>
    %dma_start3A_278 = arith.constant 0 : i32
    %dma_start3A_279 = arith.constant 0 : i32
    %dma_start3A_280 = tpu.memref_slice %arg2[%dma_start3A_278, %dma_start3A_279] : memref<100000x8xf32, #tpu.memory_space<hbm>> -> memref<100000x8xf32, #tpu.memory_space<hbm>>
    tpu.enqueue_indirect_dma source(%dma_start3A_280 : memref<100000x8xf32, #tpu.memory_space<hbm>>) target(%dma_start3A_274 : memref<128x8xf32, #tpu.memory_space<vmem>>) offsets(%dma_start3A_277 : memref<128xi32, #tpu.memory_space<vmem>>) semaphore(%arg16 : memref<!tpu.dma_semaphore, #tpu.memory_space<semaphore_mem>>)
    %dma_start3A_281 = arith.constant 1 : i32
    %dma_start3A_282 = arith.constant 1 : i32
    %dma_start3A_283 = arith.constant 0 : i32
    %dma_start3A_284 = arith.constant 1 : i32
    %dma_start3A_285 = arith.constant 128 : i32
    %dma_start3A_286 = arith.constant 0 : i32
    %dma_start3A_287 = tpu.memref_slice %arg10[%dma_start3A_284, %dma_start3A_285, %dma_start3A_286] : memref<2x1024x8xf32, #tpu.memory_space<vmem>> -> memref<1x128x8xf32, #tpu.memory_space<vmem>>
    %dma_start3A_288 = tpu.memref_squeeze %dma_start3A_287 : memref<1x128x8xf32, #tpu.memory_space<vmem>> -> memref<128x8xf32, #tpu.memory_space<vmem>>
    %dma_start3A_289 = arith.constant 0 : i32
    %dma_start3A_290 = tpu.memref_slice %arg8[%dma_start3A_281, %dma_start3A_282, %dma_start3A_283, %dma_start3A_289] : memref<2x8x2x128xi32, #tpu.memory_space<vmem>> -> memref<1x1x1x128xi32, #tpu.memory_space<vmem>>
    %dma_start3A_291 = tpu.memref_squeeze %dma_start3A_290 : memref<1x1x1x128xi32, #tpu.memory_space<vmem>> -> memref<128xi32, #tpu.memory_space<vmem>>
    %dma_start3A_292 = arith.constant 0 : i32
    %dma_start3A_293 = arith.constant 0 : i32
    %dma_start3A_294 = tpu.memref_slice %arg2[%dma_start3A_292, %dma_start3A_293] : memref<100000x8xf32, #tpu.memory_space<hbm>> -> memref<100000x8xf32, #tpu.memory_space<hbm>>
    tpu.enqueue_indirect_dma source(%dma_start3A_294 : memref<100000x8xf32, #tpu.memory_space<hbm>>) target(%dma_start3A_288 : memref<128x8xf32, #tpu.memory_space<vmem>>) offsets(%dma_start3A_291 : memref<128xi32, #tpu.memory_space<vmem>>) semaphore(%arg16 : memref<!tpu.dma_semaphore, #tpu.memory_space<semaphore_mem>>)
    %dma_start3A_295 = arith.constant 1 : i32
    %dma_start3A_296 = arith.constant 2 : i32
    %dma_start3A_297 = arith.constant 0 : i32
    %dma_start3A_298 = arith.constant 1 : i32
    %dma_start3A_299 = arith.constant 256 : i32
    %dma_start3A_300 = arith.constant 0 : i32
    %dma_start3A_301 = tpu.memref_slice %arg10[%dma_start3A_298, %dma_start3A_299, %dma_start3A_300] : memref<2x1024x8xf32, #tpu.memory_space<vmem>> -> memref<1x128x8xf32, #tpu.memory_space<vmem>>
    %dma_start3A_302 = tpu.memref_squeeze %dma_start3A_301 : memref<1x128x8xf32, #tpu.memory_space<vmem>> -> memref<128x8xf32, #tpu.memory_space<vmem>>
    %dma_start3A_303 = arith.constant 0 : i32
    %dma_start3A_304 = tpu.memref_slice %arg8[%dma_start3A_295, %dma_start3A_296, %dma_start3A_297, %dma_start3A_303] : memref<2x8x2x128xi32, #tpu.memory_space<vmem>> -> memref<1x1x1x128xi32, #tpu.memory_space<vmem>>
    %dma_start3A_305 = tpu.memref_squeeze %dma_start3A_304 : memref<1x1x1x128xi32, #tpu.memory_space<vmem>> -> memref<128xi32, #tpu.memory_space<vmem>>
    %dma_start3A_306 = arith.constant 0 : i32
    %dma_start3A_307 = arith.constant 0 : i32
    %dma_start3A_308 = tpu.memref_slice %arg2[%dma_start3A_306, %dma_start3A_307] : memref<100000x8xf32, #tpu.memory_space<hbm>> -> memref<100000x8xf32, #tpu.memory_space<hbm>>
    tpu.enqueue_indirect_dma source(%dma_start3A_308 : memref<100000x8xf32, #tpu.memory_space<hbm>>) target(%dma_start3A_302 : memref<128x8xf32, #tpu.memory_space<vmem>>) offsets(%dma_start3A_305 : memref<128xi32, #tpu.memory_space<vmem>>) semaphore(%arg16 : memref<!tpu.dma_semaphore, #tpu.memory_space<semaphore_mem>>)
    %dma_start3A_309 = arith.constant 1 : i32
    %dma_start3A_310 = arith.constant 3 : i32
    %dma_start3A_311 = arith.constant 0 : i32
    %dma_start3A_312 = arith.constant 1 : i32
    %dma_start3A_313 = arith.constant 384 : i32
    %dma_start3A_314 = arith.constant 0 : i32
    %dma_start3A_315 = tpu.memref_slice %arg10[%dma_start3A_312, %dma_start3A_313, %dma_start3A_314] : memref<2x1024x8xf32, #tpu.memory_space<vmem>> -> memref<1x128x8xf32, #tpu.memory_space<vmem>>
    %dma_start3A_316 = tpu.memref_squeeze %dma_start3A_315 : memref<1x128x8xf32, #tpu.memory_space<vmem>> -> memref<128x8xf32, #tpu.memory_space<vmem>>
    %dma_start3A_317 = arith.constant 0 : i32
    %dma_start3A_318 = tpu.memref_slice %arg8[%dma_start3A_309, %dma_start3A_310, %dma_start3A_311, %dma_start3A_317] : memref<2x8x2x128xi32, #tpu.memory_space<vmem>> -> memref<1x1x1x128xi32, #tpu.memory_space<vmem>>
    %dma_start3A_319 = tpu.memref_squeeze %dma_start3A_318 : memref<1x1x1x128xi32, #tpu.memory_space<vmem>> -> memref<128xi32, #tpu.memory_space<vmem>>
    %dma_start3A_320 = arith.constant 0 : i32
    %dma_start3A_321 = arith.constant 0 : i32
    %dma_start3A_322 = tpu.memref_slice %arg2[%dma_start3A_320, %dma_start3A_321] : memref<100000x8xf32, #tpu.memory_space<hbm>> -> memref<100000x8xf32, #tpu.memory_space<hbm>>
    tpu.enqueue_indirect_dma source(%dma_start3A_322 : memref<100000x8xf32, #tpu.memory_space<hbm>>) target(%dma_start3A_316 : memref<128x8xf32, #tpu.memory_space<vmem>>) offsets(%dma_start3A_319 : memref<128xi32, #tpu.memory_space<vmem>>) semaphore(%arg16 : memref<!tpu.dma_semaphore, #tpu.memory_space<semaphore_mem>>)
    %dma_start3A_323 = arith.constant 1 : i32
    %dma_start3A_324 = arith.constant 4 : i32
    %dma_start3A_325 = arith.constant 0 : i32
    %dma_start3A_326 = arith.constant 1 : i32
    %dma_start3A_327 = arith.constant 512 : i32
    %dma_start3A_328 = arith.constant 0 : i32
    %dma_start3A_329 = tpu.memref_slice %arg10[%dma_start3A_326, %dma_start3A_327, %dma_start3A_328] : memref<2x1024x8xf32, #tpu.memory_space<vmem>> -> memref<1x128x8xf32, #tpu.memory_space<vmem>>
    %dma_start3A_330 = tpu.memref_squeeze %dma_start3A_329 : memref<1x128x8xf32, #tpu.memory_space<vmem>> -> memref<128x8xf32, #tpu.memory_space<vmem>>
    %dma_start3A_331 = arith.constant 0 : i32
    %dma_start3A_332 = tpu.memref_slice %arg8[%dma_start3A_323, %dma_start3A_324, %dma_start3A_325, %dma_start3A_331] : memref<2x8x2x128xi32, #tpu.memory_space<vmem>> -> memref<1x1x1x128xi32, #tpu.memory_space<vmem>>
    %dma_start3A_333 = tpu.memref_squeeze %dma_start3A_332 : memref<1x1x1x128xi32, #tpu.memory_space<vmem>> -> memref<128xi32, #tpu.memory_space<vmem>>
    %dma_start3A_334 = arith.constant 0 : i32
    %dma_start3A_335 = arith.constant 0 : i32
    %dma_start3A_336 = tpu.memref_slice %arg2[%dma_start3A_334, %dma_start3A_335] : memref<100000x8xf32, #tpu.memory_space<hbm>> -> memref<100000x8xf32, #tpu.memory_space<hbm>>
    tpu.enqueue_indirect_dma source(%dma_start3A_336 : memref<100000x8xf32, #tpu.memory_space<hbm>>) target(%dma_start3A_330 : memref<128x8xf32, #tpu.memory_space<vmem>>) offsets(%dma_start3A_333 : memref<128xi32, #tpu.memory_space<vmem>>) semaphore(%arg16 : memref<!tpu.dma_semaphore, #tpu.memory_space<semaphore_mem>>)
    %dma_start3A_337 = arith.constant 1 : i32
    %dma_start3A_338 = arith.constant 5 : i32
    %dma_start3A_339 = arith.constant 0 : i32
    %dma_start3A_340 = arith.constant 1 : i32
    %dma_start3A_341 = arith.constant 640 : i32
    %dma_start3A_342 = arith.constant 0 : i32
    %dma_start3A_343 = tpu.memref_slice %arg10[%dma_start3A_340, %dma_start3A_341, %dma_start3A_342] : memref<2x1024x8xf32, #tpu.memory_space<vmem>> -> memref<1x128x8xf32, #tpu.memory_space<vmem>>
    %dma_start3A_344 = tpu.memref_squeeze %dma_start3A_343 : memref<1x128x8xf32, #tpu.memory_space<vmem>> -> memref<128x8xf32, #tpu.memory_space<vmem>>
    %dma_start3A_345 = arith.constant 0 : i32
    %dma_start3A_346 = tpu.memref_slice %arg8[%dma_start3A_337, %dma_start3A_338, %dma_start3A_339, %dma_start3A_345] : memref<2x8x2x128xi32, #tpu.memory_space<vmem>> -> memref<1x1x1x128xi32, #tpu.memory_space<vmem>>
    %dma_start3A_347 = tpu.memref_squeeze %dma_start3A_346 : memref<1x1x1x128xi32, #tpu.memory_space<vmem>> -> memref<128xi32, #tpu.memory_space<vmem>>
    %dma_start3A_348 = arith.constant 0 : i32
    %dma_start3A_349 = arith.constant 0 : i32
    %dma_start3A_350 = tpu.memref_slice %arg2[%dma_start3A_348, %dma_start3A_349] : memref<100000x8xf32, #tpu.memory_space<hbm>> -> memref<100000x8xf32, #tpu.memory_space<hbm>>
    tpu.enqueue_indirect_dma source(%dma_start3A_350 : memref<100000x8xf32, #tpu.memory_space<hbm>>) target(%dma_start3A_344 : memref<128x8xf32, #tpu.memory_space<vmem>>) offsets(%dma_start3A_347 : memref<128xi32, #tpu.memory_space<vmem>>) semaphore(%arg16 : memref<!tpu.dma_semaphore, #tpu.memory_space<semaphore_mem>>)
    %dma_start3A_351 = arith.constant 1 : i32
    %dma_start3A_352 = arith.constant 6 : i32
    %dma_start3A_353 = arith.constant 0 : i32
    %dma_start3A_354 = arith.constant 1 : i32
    %dma_start3A_355 = arith.constant 768 : i32
    %dma_start3A_356 = arith.constant 0 : i32
    %dma_start3A_357 = tpu.memref_slice %arg10[%dma_start3A_354, %dma_start3A_355, %dma_start3A_356] : memref<2x1024x8xf32, #tpu.memory_space<vmem>> -> memref<1x128x8xf32, #tpu.memory_space<vmem>>
    %dma_start3A_358 = tpu.memref_squeeze %dma_start3A_357 : memref<1x128x8xf32, #tpu.memory_space<vmem>> -> memref<128x8xf32, #tpu.memory_space<vmem>>
    %dma_start3A_359 = arith.constant 0 : i32
    %dma_start3A_360 = tpu.memref_slice %arg8[%dma_start3A_351, %dma_start3A_352, %dma_start3A_353, %dma_start3A_359] : memref<2x8x2x128xi32, #tpu.memory_space<vmem>> -> memref<1x1x1x128xi32, #tpu.memory_space<vmem>>
    %dma_start3A_361 = tpu.memref_squeeze %dma_start3A_360 : memref<1x1x1x128xi32, #tpu.memory_space<vmem>> -> memref<128xi32, #tpu.memory_space<vmem>>
    %dma_start3A_362 = arith.constant 0 : i32
    %dma_start3A_363 = arith.constant 0 : i32
    %dma_start3A_364 = tpu.memref_slice %arg2[%dma_start3A_362, %dma_start3A_363] : memref<100000x8xf32, #tpu.memory_space<hbm>> -> memref<100000x8xf32, #tpu.memory_space<hbm>>
    tpu.enqueue_indirect_dma source(%dma_start3A_364 : memref<100000x8xf32, #tpu.memory_space<hbm>>) target(%dma_start3A_358 : memref<128x8xf32, #tpu.memory_space<vmem>>) offsets(%dma_start3A_361 : memref<128xi32, #tpu.memory_space<vmem>>) semaphore(%arg16 : memref<!tpu.dma_semaphore, #tpu.memory_space<semaphore_mem>>)
    %dma_start3A_365 = arith.constant 1 : i32
    %dma_start3A_366 = arith.constant 7 : i32
    %dma_start3A_367 = arith.constant 0 : i32
    %dma_start3A_368 = arith.constant 1 : i32
    %dma_start3A_369 = arith.constant 896 : i32
    %dma_start3A_370 = arith.constant 0 : i32
    %dma_start3A_371 = tpu.memref_slice %arg10[%dma_start3A_368, %dma_start3A_369, %dma_start3A_370] : memref<2x1024x8xf32, #tpu.memory_space<vmem>> -> memref<1x128x8xf32, #tpu.memory_space<vmem>>
    %dma_start3A_372 = tpu.memref_squeeze %dma_start3A_371 : memref<1x128x8xf32, #tpu.memory_space<vmem>> -> memref<128x8xf32, #tpu.memory_space<vmem>>
    %dma_start3A_373 = arith.constant 0 : i32
    %dma_start3A_374 = tpu.memref_slice %arg8[%dma_start3A_365, %dma_start3A_366, %dma_start3A_367, %dma_start3A_373] : memref<2x8x2x128xi32, #tpu.memory_space<vmem>> -> memref<1x1x1x128xi32, #tpu.memory_space<vmem>>
    %dma_start3A_375 = tpu.memref_squeeze %dma_start3A_374 : memref<1x1x1x128xi32, #tpu.memory_space<vmem>> -> memref<128xi32, #tpu.memory_space<vmem>>
    %dma_start3A_376 = arith.constant 0 : i32
    %dma_start3A_377 = arith.constant 0 : i32
    %dma_start3A_378 = tpu.memref_slice %arg2[%dma_start3A_376, %dma_start3A_377] : memref<100000x8xf32, #tpu.memory_space<hbm>> -> memref<100000x8xf32, #tpu.memory_space<hbm>>
    tpu.enqueue_indirect_dma source(%dma_start3A_378 : memref<100000x8xf32, #tpu.memory_space<hbm>>) target(%dma_start3A_372 : memref<128x8xf32, #tpu.memory_space<vmem>>) offsets(%dma_start3A_375 : memref<128xi32, #tpu.memory_space<vmem>>) semaphore(%arg16 : memref<!tpu.dma_semaphore, #tpu.memory_space<semaphore_mem>>)
    %scan3A = arith.constant 0 : i32
    %scan3A_379 = arith.constant 0 : i32
    %scan3A_380 = arith.constant 49 : i32
    %scan3A_381 = arith.addi %scan3A_379, %scan3A_380 : i32
    %scan3A_382 = arith.constant 1 : i32
    scf.for %scan3A_620 = %scan3A_379 to %scan3A_381 step %scan3A_382  : i32 {
      %mul3A_621 = arith.constant 2 : i32
      %mul3A_622 = arith.muli %scan3A_620, %mul3A_621 : i32
      %lt3A_623 = arith.cmpi slt, %mul3A_622, %add3A_112 : i32
      %convert_element_type3A_624 = arith.extui %lt3A_623 : i1 to i32
      %cond3A_625 = arith.constant 0 : i32
      %cond3A_626 = arith.cmpi ne, %convert_element_type3A_624, %cond3A_625 : i32
      scf.if %cond3A_626 {
        %dma_wait3A_663 = arith.constant 0 : i32
        %dma_wait3A_664 = arith.constant 0 : i32
        %dma_wait3A_665 = arith.constant 0 : i32
        %dma_wait3A_666 = arith.constant 0 : i32
        %dma_wait3A_667 = tpu.memref_slice %arg9[%dma_wait3A_663, %dma_wait3A_664, %dma_wait3A_665, %dma_wait3A_666] : memref<2x8x4x128xf32, #tpu.memory_space<vmem>> -> memref<1x8x4x128xf32, #tpu.memory_space<vmem>>
        %dma_wait3A_668 = tpu.memref_squeeze %dma_wait3A_667 : memref<1x8x4x128xf32, #tpu.memory_space<vmem>> -> memref<8x4x128xf32, #tpu.memory_space<vmem>>
        %dma_wait3A_669 = arith.constant 0 : i32
        %dma_wait3A_670 = arith.constant 0 : i32
        %dma_wait3A_671 = arith.constant 0 : i32
        %dma_wait3A_672 = tpu.memref_slice %arg3[%dma_wait3A_669, %dma_wait3A_670, %dma_wait3A_671] : memref<25000x4x128xf32, #tpu.memory_space<hbm>> -> memref<8x4x128xf32, #tpu.memory_space<hbm>>
        %dma_wait3A_673 = arith.constant 0 : i32
        %dma_wait3A_674 = arith.constant 0 : i32
        %dma_wait3A_675 = arith.constant 0 : i32
        %dma_wait3A_676 = tpu.memref_slice %arg9[%dma_wait3A_663, %dma_wait3A_673, %dma_wait3A_674, %dma_wait3A_675] : memref<2x8x4x128xf32, #tpu.memory_space<vmem>> -> memref<1x8x4x128xf32, #tpu.memory_space<vmem>>
        %dma_wait3A_677 = tpu.memref_squeeze %dma_wait3A_676 : memref<1x8x4x128xf32, #tpu.memory_space<vmem>> -> memref<8x4x128xf32, #tpu.memory_space<vmem>>
        %dma_wait3A_678 = arith.constant 0 : i32
        %dma_wait3A_679 = arith.constant 0 : i32
        %dma_wait3A_680 = arith.constant 0 : i32
        %dma_wait3A_681 = tpu.memref_slice %arg3[%dma_wait3A_678, %dma_wait3A_679, %dma_wait3A_680] : memref<25000x4x128xf32, #tpu.memory_space<hbm>> -> memref<8x4x128xf32, #tpu.memory_space<hbm>>
        tpu.wait_dma2 semaphore(%arg15 : memref<!tpu.dma_semaphore, #tpu.memory_space<semaphore_mem>>) src(%dma_wait3A_681 : memref<8x4x128xf32, #tpu.memory_space<hbm>>) dst(%dma_wait3A_677 : memref<8x4x128xf32, #tpu.memory_space<vmem>>)
        %dma_wait3A_682 = arith.constant 0 : i32
        %dma_wait3A_683 = arith.constant 0 : i32
        %dma_wait3A_684 = arith.constant 0 : i32
        %dma_wait3A_685 = arith.constant 0 : i32
        %dma_wait3A_686 = arith.constant 0 : i32
        %dma_wait3A_687 = arith.constant 0 : i32
        %dma_wait3A_688 = tpu.memref_slice %arg10[%dma_wait3A_685, %dma_wait3A_686, %dma_wait3A_687] : memref<2x1024x8xf32, #tpu.memory_space<vmem>> -> memref<1x128x8xf32, #tpu.memory_space<vmem>>
        %dma_wait3A_689 = tpu.memref_squeeze %dma_wait3A_688 : memref<1x128x8xf32, #tpu.memory_space<vmem>> -> memref<128x8xf32, #tpu.memory_space<vmem>>
        %dma_wait3A_690 = arith.constant 0 : i32
        %dma_wait3A_691 = tpu.memref_slice %arg8[%dma_wait3A_682, %dma_wait3A_683, %dma_wait3A_684, %dma_wait3A_690] : memref<2x8x2x128xi32, #tpu.memory_space<vmem>> -> memref<1x1x1x128xi32, #tpu.memory_space<vmem>>
        %dma_wait3A_692 = tpu.memref_squeeze %dma_wait3A_691 : memref<1x1x1x128xi32, #tpu.memory_space<vmem>> -> memref<128xi32, #tpu.memory_space<vmem>>
        %dma_wait3A_693 = arith.constant 0 : i32
        %dma_wait3A_694 = arith.constant 0 : i32
        %dma_wait3A_695 = tpu.memref_slice %arg2[%dma_wait3A_693, %dma_wait3A_694] : memref<100000x8xf32, #tpu.memory_space<hbm>> -> memref<100000x8xf32, #tpu.memory_space<hbm>>
        tpu.wait_indirect_dma semaphore(%arg15 : memref<!tpu.dma_semaphore, #tpu.memory_space<semaphore_mem>>) src(%dma_wait3A_695 : memref<100000x8xf32, #tpu.memory_space<hbm>>) dst(%dma_wait3A_689 : memref<128x8xf32, #tpu.memory_space<vmem>>)
        %dma_wait3A_696 = arith.constant 0 : i32
        %dma_wait3A_697 = arith.constant 1 : i32
        %dma_wait3A_698 = arith.constant 0 : i32
        %dma_wait3A_699 = arith.constant 0 : i32
        %dma_wait3A_700 = arith.constant 128 : i32
        %dma_wait3A_701 = arith.constant 0 : i32
        %dma_wait3A_702 = tpu.memref_slice %arg10[%dma_wait3A_699, %dma_wait3A_700, %dma_wait3A_701] : memref<2x1024x8xf32, #tpu.memory_space<vmem>> -> memref<1x128x8xf32, #tpu.memory_space<vmem>>
        %dma_wait3A_703 = tpu.memref_squeeze %dma_wait3A_702 : memref<1x128x8xf32, #tpu.memory_space<vmem>> -> memref<128x8xf32, #tpu.memory_space<vmem>>
        %dma_wait3A_704 = arith.constant 0 : i32
        %dma_wait3A_705 = tpu.memref_slice %arg8[%dma_wait3A_696, %dma_wait3A_697, %dma_wait3A_698, %dma_wait3A_704] : memref<2x8x2x128xi32, #tpu.memory_space<vmem>> -> memref<1x1x1x128xi32, #tpu.memory_space<vmem>>
        %dma_wait3A_706 = tpu.memref_squeeze %dma_wait3A_705 : memref<1x1x1x128xi32, #tpu.memory_space<vmem>> -> memref<128xi32, #tpu.memory_space<vmem>>
        %dma_wait3A_707 = arith.constant 0 : i32
        %dma_wait3A_708 = arith.constant 0 : i32
        %dma_wait3A_709 = tpu.memref_slice %arg2[%dma_wait3A_707, %dma_wait3A_708] : memref<100000x8xf32, #tpu.memory_space<hbm>> -> memref<100000x8xf32, #tpu.memory_space<hbm>>
        tpu.wait_indirect_dma semaphore(%arg15 : memref<!tpu.dma_semaphore, #tpu.memory_space<semaphore_mem>>) src(%dma_wait3A_709 : memref<100000x8xf32, #tpu.memory_space<hbm>>) dst(%dma_wait3A_703 : memref<128x8xf32, #tpu.memory_space<vmem>>)
        %dma_wait3A_710 = arith.constant 0 : i32
        %dma_wait3A_711 = arith.constant 2 : i32
        %dma_wait3A_712 = arith.constant 0 : i32
        %dma_wait3A_713 = arith.constant 0 : i32
        %dma_wait3A_714 = arith.constant 256 : i32
        %dma_wait3A_715 = arith.constant 0 : i32
        %dma_wait3A_716 = tpu.memref_slice %arg10[%dma_wait3A_713, %dma_wait3A_714, %dma_wait3A_715] : memref<2x1024x8xf32, #tpu.memory_space<vmem>> -> memref<1x128x8xf32, #tpu.memory_space<vmem>>
        %dma_wait3A_717 = tpu.memref_squeeze %dma_wait3A_716 : memref<1x128x8xf32, #tpu.memory_space<vmem>> -> memref<128x8xf32, #tpu.memory_space<vmem>>
        %dma_wait3A_718 = arith.constant 0 : i32
        %dma_wait3A_719 = tpu.memref_slice %arg8[%dma_wait3A_710, %dma_wait3A_711, %dma_wait3A_712, %dma_wait3A_718] : memref<2x8x2x128xi32, #tpu.memory_space<vmem>> -> memref<1x1x1x128xi32, #tpu.memory_space<vmem>>
        %dma_wait3A_720 = tpu.memref_squeeze %dma_wait3A_719 : memref<1x1x1x128xi32, #tpu.memory_space<vmem>> -> memref<128xi32, #tpu.memory_space<vmem>>
        %dma_wait3A_721 = arith.constant 0 : i32
        %dma_wait3A_722 = arith.constant 0 : i32
        %dma_wait3A_723 = tpu.memref_slice %arg2[%dma_wait3A_721, %dma_wait3A_722] : memref<100000x8xf32, #tpu.memory_space<hbm>> -> memref<100000x8xf32, #tpu.memory_space<hbm>>
        tpu.wait_indirect_dma semaphore(%arg15 : memref<!tpu.dma_semaphore, #tpu.memory_space<semaphore_mem>>) src(%dma_wait3A_723 : memref<100000x8xf32, #tpu.memory_space<hbm>>) dst(%dma_wait3A_717 : memref<128x8xf32, #tpu.memory_space<vmem>>)
        %dma_wait3A_724 = arith.constant 0 : i32
        %dma_wait3A_725 = arith.constant 3 : i32
        %dma_wait3A_726 = arith.constant 0 : i32
        %dma_wait3A_727 = arith.constant 0 : i32
        %dma_wait3A_728 = arith.constant 384 : i32
        %dma_wait3A_729 = arith.constant 0 : i32
        %dma_wait3A_730 = tpu.memref_slice %arg10[%dma_wait3A_727, %dma_wait3A_728, %dma_wait3A_729] : memref<2x1024x8xf32, #tpu.memory_space<vmem>> -> memref<1x128x8xf32, #tpu.memory_space<vmem>>
        %dma_wait3A_731 = tpu.memref_squeeze %dma_wait3A_730 : memref<1x128x8xf32, #tpu.memory_space<vmem>> -> memref<128x8xf32, #tpu.memory_space<vmem>>
        %dma_wait3A_732 = arith.constant 0 : i32
        %dma_wait3A_733 = tpu.memref_slice %arg8[%dma_wait3A_724, %dma_wait3A_725, %dma_wait3A_726, %dma_wait3A_732] : memref<2x8x2x128xi32, #tpu.memory_space<vmem>> -> memref<1x1x1x128xi32, #tpu.memory_space<vmem>>
        %dma_wait3A_734 = tpu.memref_squeeze %dma_wait3A_733 : memref<1x1x1x128xi32, #tpu.memory_space<vmem>> -> memref<128xi32, #tpu.memory_space<vmem>>
        %dma_wait3A_735 = arith.constant 0 : i32
        %dma_wait3A_736 = arith.constant 0 : i32
        %dma_wait3A_737 = tpu.memref_slice %arg2[%dma_wait3A_735, %dma_wait3A_736] : memref<100000x8xf32, #tpu.memory_space<hbm>> -> memref<100000x8xf32, #tpu.memory_space<hbm>>
        tpu.wait_indirect_dma semaphore(%arg15 : memref<!tpu.dma_semaphore, #tpu.memory_space<semaphore_mem>>) src(%dma_wait3A_737 : memref<100000x8xf32, #tpu.memory_space<hbm>>) dst(%dma_wait3A_731 : memref<128x8xf32, #tpu.memory_space<vmem>>)
        %dma_wait3A_738 = arith.constant 0 : i32
        %dma_wait3A_739 = arith.constant 4 : i32
        %dma_wait3A_740 = arith.constant 0 : i32
        %dma_wait3A_741 = arith.constant 0 : i32
        %dma_wait3A_742 = arith.constant 512 : i32
        %dma_wait3A_743 = arith.constant 0 : i32
        %dma_wait3A_744 = tpu.memref_slice %arg10[%dma_wait3A_741, %dma_wait3A_742, %dma_wait3A_743] : memref<2x1024x8xf32, #tpu.memory_space<vmem>> -> memref<1x128x8xf32, #tpu.memory_space<vmem>>
        %dma_wait3A_745 = tpu.memref_squeeze %dma_wait3A_744 : memref<1x128x8xf32, #tpu.memory_space<vmem>> -> memref<128x8xf32, #tpu.memory_space<vmem>>
        %dma_wait3A_746 = arith.constant 0 : i32
        %dma_wait3A_747 = tpu.memref_slice %arg8[%dma_wait3A_738, %dma_wait3A_739, %dma_wait3A_740, %dma_wait3A_746] : memref<2x8x2x128xi32, #tpu.memory_space<vmem>> -> memref<1x1x1x128xi32, #tpu.memory_space<vmem>>
        %dma_wait3A_748 = tpu.memref_squeeze %dma_wait3A_747 : memref<1x1x1x128xi32, #tpu.memory_space<vmem>> -> memref<128xi32, #tpu.memory_space<vmem>>
        %dma_wait3A_749 = arith.constant 0 : i32
        %dma_wait3A_750 = arith.constant 0 : i32
        %dma_wait3A_751 = tpu.memref_slice %arg2[%dma_wait3A_749, %dma_wait3A_750] : memref<100000x8xf32, #tpu.memory_space<hbm>> -> memref<100000x8xf32, #tpu.memory_space<hbm>>
        tpu.wait_indirect_dma semaphore(%arg15 : memref<!tpu.dma_semaphore, #tpu.memory_space<semaphore_mem>>) src(%dma_wait3A_751 : memref<100000x8xf32, #tpu.memory_space<hbm>>) dst(%dma_wait3A_745 : memref<128x8xf32, #tpu.memory_space<vmem>>)
        %dma_wait3A_752 = arith.constant 0 : i32
        %dma_wait3A_753 = arith.constant 5 : i32
        %dma_wait3A_754 = arith.constant 0 : i32
        %dma_wait3A_755 = arith.constant 0 : i32
        %dma_wait3A_756 = arith.constant 640 : i32
        %dma_wait3A_757 = arith.constant 0 : i32
        %dma_wait3A_758 = tpu.memref_slice %arg10[%dma_wait3A_755, %dma_wait3A_756, %dma_wait3A_757] : memref<2x1024x8xf32, #tpu.memory_space<vmem>> -> memref<1x128x8xf32, #tpu.memory_space<vmem>>
        %dma_wait3A_759 = tpu.memref_squeeze %dma_wait3A_758 : memref<1x128x8xf32, #tpu.memory_space<vmem>> -> memref<128x8xf32, #tpu.memory_space<vmem>>
        %dma_wait3A_760 = arith.constant 0 : i32
        %dma_wait3A_761 = tpu.memref_slice %arg8[%dma_wait3A_752, %dma_wait3A_753, %dma_wait3A_754, %dma_wait3A_760] : memref<2x8x2x128xi32, #tpu.memory_space<vmem>> -> memref<1x1x1x128xi32, #tpu.memory_space<vmem>>
        %dma_wait3A_762 = tpu.memref_squeeze %dma_wait3A_761 : memref<1x1x1x128xi32, #tpu.memory_space<vmem>> -> memref<128xi32, #tpu.memory_space<vmem>>
        %dma_wait3A_763 = arith.constant 0 : i32
        %dma_wait3A_764 = arith.constant 0 : i32
        %dma_wait3A_765 = tpu.memref_slice %arg2[%dma_wait3A_763, %dma_wait3A_764] : memref<100000x8xf32, #tpu.memory_space<hbm>> -> memref<100000x8xf32, #tpu.memory_space<hbm>>
        tpu.wait_indirect_dma semaphore(%arg15 : memref<!tpu.dma_semaphore, #tpu.memory_space<semaphore_mem>>) src(%dma_wait3A_765 : memref<100000x8xf32, #tpu.memory_space<hbm>>) dst(%dma_wait3A_759 : memref<128x8xf32, #tpu.memory_space<vmem>>)
        %dma_wait3A_766 = arith.constant 0 : i32
        %dma_wait3A_767 = arith.constant 6 : i32
        %dma_wait3A_768 = arith.constant 0 : i32
        %dma_wait3A_769 = arith.constant 0 : i32
        %dma_wait3A_770 = arith.constant 768 : i32
        %dma_wait3A_771 = arith.constant 0 : i32
        %dma_wait3A_772 = tpu.memref_slice %arg10[%dma_wait3A_769, %dma_wait3A_770, %dma_wait3A_771] : memref<2x1024x8xf32, #tpu.memory_space<vmem>> -> memref<1x128x8xf32, #tpu.memory_space<vmem>>
        %dma_wait3A_773 = tpu.memref_squeeze %dma_wait3A_772 : memref<1x128x8xf32, #tpu.memory_space<vmem>> -> memref<128x8xf32, #tpu.memory_space<vmem>>
        %dma_wait3A_774 = arith.constant 0 : i32
        %dma_wait3A_775 = tpu.memref_slice %arg8[%dma_wait3A_766, %dma_wait3A_767, %dma_wait3A_768, %dma_wait3A_774] : memref<2x8x2x128xi32, #tpu.memory_space<vmem>> -> memref<1x1x1x128xi32, #tpu.memory_space<vmem>>
        %dma_wait3A_776 = tpu.memref_squeeze %dma_wait3A_775 : memref<1x1x1x128xi32, #tpu.memory_space<vmem>> -> memref<128xi32, #tpu.memory_space<vmem>>
        %dma_wait3A_777 = arith.constant 0 : i32
        %dma_wait3A_778 = arith.constant 0 : i32
        %dma_wait3A_779 = tpu.memref_slice %arg2[%dma_wait3A_777, %dma_wait3A_778] : memref<100000x8xf32, #tpu.memory_space<hbm>> -> memref<100000x8xf32, #tpu.memory_space<hbm>>
        tpu.wait_indirect_dma semaphore(%arg15 : memref<!tpu.dma_semaphore, #tpu.memory_space<semaphore_mem>>) src(%dma_wait3A_779 : memref<100000x8xf32, #tpu.memory_space<hbm>>) dst(%dma_wait3A_773 : memref<128x8xf32, #tpu.memory_space<vmem>>)
        %dma_wait3A_780 = arith.constant 0 : i32
        %dma_wait3A_781 = arith.constant 7 : i32
        %dma_wait3A_782 = arith.constant 0 : i32
        %dma_wait3A_783 = arith.constant 0 : i32
        %dma_wait3A_784 = arith.constant 896 : i32
        %dma_wait3A_785 = arith.constant 0 : i32
        %dma_wait3A_786 = tpu.memref_slice %arg10[%dma_wait3A_783, %dma_wait3A_784, %dma_wait3A_785] : memref<2x1024x8xf32, #tpu.memory_space<vmem>> -> memref<1x128x8xf32, #tpu.memory_space<vmem>>
        %dma_wait3A_787 = tpu.memref_squeeze %dma_wait3A_786 : memref<1x128x8xf32, #tpu.memory_space<vmem>> -> memref<128x8xf32, #tpu.memory_space<vmem>>
        %dma_wait3A_788 = arith.constant 0 : i32
        %dma_wait3A_789 = tpu.memref_slice %arg8[%dma_wait3A_780, %dma_wait3A_781, %dma_wait3A_782, %dma_wait3A_788] : memref<2x8x2x128xi32, #tpu.memory_space<vmem>> -> memref<1x1x1x128xi32, #tpu.memory_space<vmem>>
        %dma_wait3A_790 = tpu.memref_squeeze %dma_wait3A_789 : memref<1x1x1x128xi32, #tpu.memory_space<vmem>> -> memref<128xi32, #tpu.memory_space<vmem>>
        %dma_wait3A_791 = arith.constant 0 : i32
        %dma_wait3A_792 = arith.constant 0 : i32
        %dma_wait3A_793 = tpu.memref_slice %arg2[%dma_wait3A_791, %dma_wait3A_792] : memref<100000x8xf32, #tpu.memory_space<hbm>> -> memref<100000x8xf32, #tpu.memory_space<hbm>>
        tpu.wait_indirect_dma semaphore(%arg15 : memref<!tpu.dma_semaphore, #tpu.memory_space<semaphore_mem>>) src(%dma_wait3A_793 : memref<100000x8xf32, #tpu.memory_space<hbm>>) dst(%dma_wait3A_787 : memref<128x8xf32, #tpu.memory_space<vmem>>)
      } else {
      }
      %gt3A = arith.constant 0 : i32
      %gt3A_627 = arith.cmpi sgt, %scan3A_620, %gt3A : i32
      %and3A = arith.andi %gt3A_627, %lt3A_623 : i1
      %convert_element_type3A_628 = arith.extui %and3A : i1 to i32
      %cond3A_629 = arith.constant 0 : i32
      %cond3A_630 = arith.cmpi ne, %convert_element_type3A_628, %cond3A_629 : i32
      scf.if %cond3A_630 {
        %dma_wait3A_663 = arith.constant 0 : i32
        %dma_wait3A_664 = arith.constant 0 : i32
        %dma_wait3A_665 = arith.constant 0 : i32
        %dma_wait3A_666 = arith.constant 0 : i32
        %dma_wait3A_667 = arith.constant 0 : i32
        %dma_wait3A_668 = tpu.memref_slice %arg11[%dma_wait3A_663, %dma_wait3A_666, %dma_wait3A_667] : memref<2x1024x8xf32, #tpu.memory_space<vmem>> -> memref<1x128x8xf32, #tpu.memory_space<vmem>>
        %dma_wait3A_669 = tpu.memref_squeeze %dma_wait3A_668 : memref<1x128x8xf32, #tpu.memory_space<vmem>> -> memref<128x8xf32, #tpu.memory_space<vmem>>
        %dma_wait3A_670 = arith.constant 0 : i32
        %dma_wait3A_671 = tpu.memref_slice %arg12[%dma_wait3A_664, %dma_wait3A_665, %dma_wait3A_670] : memref<2x8x128xi32, #tpu.memory_space<vmem>> -> memref<1x1x128xi32, #tpu.memory_space<vmem>>
        %dma_wait3A_672 = tpu.memref_squeeze %dma_wait3A_671 : memref<1x1x128xi32, #tpu.memory_space<vmem>> -> memref<128xi32, #tpu.memory_space<vmem>>
        %dma_wait3A_673 = arith.constant 0 : i32
        %dma_wait3A_674 = arith.constant 0 : i32
        %dma_wait3A_675 = tpu.memref_slice %arg14[%dma_wait3A_673, %dma_wait3A_674] : memref<100000x8xf32, #tpu.memory_space<vmem_shared>> -> memref<100000x8xf32, #tpu.memory_space<vmem_shared>>
        tpu.wait_indirect_dma semaphore(%arg17 : memref<!tpu.dma_semaphore, #tpu.memory_space<semaphore_mem>>) src(%dma_wait3A_669 : memref<128x8xf32, #tpu.memory_space<vmem>>) dst(%dma_wait3A_675 : memref<100000x8xf32, #tpu.memory_space<vmem_shared>>)
        %dma_wait3A_676 = arith.constant 0 : i32
        %dma_wait3A_677 = arith.constant 0 : i32
        %dma_wait3A_678 = arith.constant 1 : i32
        %dma_wait3A_679 = arith.constant 128 : i32
        %dma_wait3A_680 = arith.constant 0 : i32
        %dma_wait3A_681 = tpu.memref_slice %arg11[%dma_wait3A_676, %dma_wait3A_679, %dma_wait3A_680] : memref<2x1024x8xf32, #tpu.memory_space<vmem>> -> memref<1x128x8xf32, #tpu.memory_space<vmem>>
        %dma_wait3A_682 = tpu.memref_squeeze %dma_wait3A_681 : memref<1x128x8xf32, #tpu.memory_space<vmem>> -> memref<128x8xf32, #tpu.memory_space<vmem>>
        %dma_wait3A_683 = arith.constant 0 : i32
        %dma_wait3A_684 = tpu.memref_slice %arg12[%dma_wait3A_677, %dma_wait3A_678, %dma_wait3A_683] : memref<2x8x128xi32, #tpu.memory_space<vmem>> -> memref<1x1x128xi32, #tpu.memory_space<vmem>>
        %dma_wait3A_685 = tpu.memref_squeeze %dma_wait3A_684 : memref<1x1x128xi32, #tpu.memory_space<vmem>> -> memref<128xi32, #tpu.memory_space<vmem>>
        %dma_wait3A_686 = arith.constant 0 : i32
        %dma_wait3A_687 = arith.constant 0 : i32
        %dma_wait3A_688 = tpu.memref_slice %arg14[%dma_wait3A_686, %dma_wait3A_687] : memref<100000x8xf32, #tpu.memory_space<vmem_shared>> -> memref<100000x8xf32, #tpu.memory_space<vmem_shared>>
        tpu.wait_indirect_dma semaphore(%arg17 : memref<!tpu.dma_semaphore, #tpu.memory_space<semaphore_mem>>) src(%dma_wait3A_682 : memref<128x8xf32, #tpu.memory_space<vmem>>) dst(%dma_wait3A_688 : memref<100000x8xf32, #tpu.memory_space<vmem_shared>>)
        %dma_wait3A_689 = arith.constant 0 : i32
        %dma_wait3A_690 = arith.constant 0 : i32
        %dma_wait3A_691 = arith.constant 2 : i32
        %dma_wait3A_692 = arith.constant 256 : i32
        %dma_wait3A_693 = arith.constant 0 : i32
        %dma_wait3A_694 = tpu.memref_slice %arg11[%dma_wait3A_689, %dma_wait3A_692, %dma_wait3A_693] : memref<2x1024x8xf32, #tpu.memory_space<vmem>> -> memref<1x128x8xf32, #tpu.memory_space<vmem>>
        %dma_wait3A_695 = tpu.memref_squeeze %dma_wait3A_694 : memref<1x128x8xf32, #tpu.memory_space<vmem>> -> memref<128x8xf32, #tpu.memory_space<vmem>>
        %dma_wait3A_696 = arith.constant 0 : i32
        %dma_wait3A_697 = tpu.memref_slice %arg12[%dma_wait3A_690, %dma_wait3A_691, %dma_wait3A_696] : memref<2x8x128xi32, #tpu.memory_space<vmem>> -> memref<1x1x128xi32, #tpu.memory_space<vmem>>
        %dma_wait3A_698 = tpu.memref_squeeze %dma_wait3A_697 : memref<1x1x128xi32, #tpu.memory_space<vmem>> -> memref<128xi32, #tpu.memory_space<vmem>>
        %dma_wait3A_699 = arith.constant 0 : i32
        %dma_wait3A_700 = arith.constant 0 : i32
        %dma_wait3A_701 = tpu.memref_slice %arg14[%dma_wait3A_699, %dma_wait3A_700] : memref<100000x8xf32, #tpu.memory_space<vmem_shared>> -> memref<100000x8xf32, #tpu.memory_space<vmem_shared>>
        tpu.wait_indirect_dma semaphore(%arg17 : memref<!tpu.dma_semaphore, #tpu.memory_space<semaphore_mem>>) src(%dma_wait3A_695 : memref<128x8xf32, #tpu.memory_space<vmem>>) dst(%dma_wait3A_701 : memref<100000x8xf32, #tpu.memory_space<vmem_shared>>)
        %dma_wait3A_702 = arith.constant 0 : i32
        %dma_wait3A_703 = arith.constant 0 : i32
        %dma_wait3A_704 = arith.constant 3 : i32
        %dma_wait3A_705 = arith.constant 384 : i32
        %dma_wait3A_706 = arith.constant 0 : i32
        %dma_wait3A_707 = tpu.memref_slice %arg11[%dma_wait3A_702, %dma_wait3A_705, %dma_wait3A_706] : memref<2x1024x8xf32, #tpu.memory_space<vmem>> -> memref<1x128x8xf32, #tpu.memory_space<vmem>>
        %dma_wait3A_708 = tpu.memref_squeeze %dma_wait3A_707 : memref<1x128x8xf32, #tpu.memory_space<vmem>> -> memref<128x8xf32, #tpu.memory_space<vmem>>
        %dma_wait3A_709 = arith.constant 0 : i32
        %dma_wait3A_710 = tpu.memref_slice %arg12[%dma_wait3A_703, %dma_wait3A_704, %dma_wait3A_709] : memref<2x8x128xi32, #tpu.memory_space<vmem>> -> memref<1x1x128xi32, #tpu.memory_space<vmem>>
        %dma_wait3A_711 = tpu.memref_squeeze %dma_wait3A_710 : memref<1x1x128xi32, #tpu.memory_space<vmem>> -> memref<128xi32, #tpu.memory_space<vmem>>
        %dma_wait3A_712 = arith.constant 0 : i32
        %dma_wait3A_713 = arith.constant 0 : i32
        %dma_wait3A_714 = tpu.memref_slice %arg14[%dma_wait3A_712, %dma_wait3A_713] : memref<100000x8xf32, #tpu.memory_space<vmem_shared>> -> memref<100000x8xf32, #tpu.memory_space<vmem_shared>>
        tpu.wait_indirect_dma semaphore(%arg17 : memref<!tpu.dma_semaphore, #tpu.memory_space<semaphore_mem>>) src(%dma_wait3A_708 : memref<128x8xf32, #tpu.memory_space<vmem>>) dst(%dma_wait3A_714 : memref<100000x8xf32, #tpu.memory_space<vmem_shared>>)
        %dma_wait3A_715 = arith.constant 0 : i32
        %dma_wait3A_716 = arith.constant 0 : i32
        %dma_wait3A_717 = arith.constant 4 : i32
        %dma_wait3A_718 = arith.constant 512 : i32
        %dma_wait3A_719 = arith.constant 0 : i32
        %dma_wait3A_720 = tpu.memref_slice %arg11[%dma_wait3A_715, %dma_wait3A_718, %dma_wait3A_719] : memref<2x1024x8xf32, #tpu.memory_space<vmem>> -> memref<1x128x8xf32, #tpu.memory_space<vmem>>
        %dma_wait3A_721 = tpu.memref_squeeze %dma_wait3A_720 : memref<1x128x8xf32, #tpu.memory_space<vmem>> -> memref<128x8xf32, #tpu.memory_space<vmem>>
        %dma_wait3A_722 = arith.constant 0 : i32
        %dma_wait3A_723 = tpu.memref_slice %arg12[%dma_wait3A_716, %dma_wait3A_717, %dma_wait3A_722] : memref<2x8x128xi32, #tpu.memory_space<vmem>> -> memref<1x1x128xi32, #tpu.memory_space<vmem>>
        %dma_wait3A_724 = tpu.memref_squeeze %dma_wait3A_723 : memref<1x1x128xi32, #tpu.memory_space<vmem>> -> memref<128xi32, #tpu.memory_space<vmem>>
        %dma_wait3A_725 = arith.constant 0 : i32
        %dma_wait3A_726 = arith.constant 0 : i32
        %dma_wait3A_727 = tpu.memref_slice %arg14[%dma_wait3A_725, %dma_wait3A_726] : memref<100000x8xf32, #tpu.memory_space<vmem_shared>> -> memref<100000x8xf32, #tpu.memory_space<vmem_shared>>
        tpu.wait_indirect_dma semaphore(%arg17 : memref<!tpu.dma_semaphore, #tpu.memory_space<semaphore_mem>>) src(%dma_wait3A_721 : memref<128x8xf32, #tpu.memory_space<vmem>>) dst(%dma_wait3A_727 : memref<100000x8xf32, #tpu.memory_space<vmem_shared>>)
        %dma_wait3A_728 = arith.constant 0 : i32
        %dma_wait3A_729 = arith.constant 0 : i32
        %dma_wait3A_730 = arith.constant 5 : i32
        %dma_wait3A_731 = arith.constant 640 : i32
        %dma_wait3A_732 = arith.constant 0 : i32
        %dma_wait3A_733 = tpu.memref_slice %arg11[%dma_wait3A_728, %dma_wait3A_731, %dma_wait3A_732] : memref<2x1024x8xf32, #tpu.memory_space<vmem>> -> memref<1x128x8xf32, #tpu.memory_space<vmem>>
        %dma_wait3A_734 = tpu.memref_squeeze %dma_wait3A_733 : memref<1x128x8xf32, #tpu.memory_space<vmem>> -> memref<128x8xf32, #tpu.memory_space<vmem>>
        %dma_wait3A_735 = arith.constant 0 : i32
        %dma_wait3A_736 = tpu.memref_slice %arg12[%dma_wait3A_729, %dma_wait3A_730, %dma_wait3A_735] : memref<2x8x128xi32, #tpu.memory_space<vmem>> -> memref<1x1x128xi32, #tpu.memory_space<vmem>>
        %dma_wait3A_737 = tpu.memref_squeeze %dma_wait3A_736 : memref<1x1x128xi32, #tpu.memory_space<vmem>> -> memref<128xi32, #tpu.memory_space<vmem>>
        %dma_wait3A_738 = arith.constant 0 : i32
        %dma_wait3A_739 = arith.constant 0 : i32
        %dma_wait3A_740 = tpu.memref_slice %arg14[%dma_wait3A_738, %dma_wait3A_739] : memref<100000x8xf32, #tpu.memory_space<vmem_shared>> -> memref<100000x8xf32, #tpu.memory_space<vmem_shared>>
        tpu.wait_indirect_dma semaphore(%arg17 : memref<!tpu.dma_semaphore, #tpu.memory_space<semaphore_mem>>) src(%dma_wait3A_734 : memref<128x8xf32, #tpu.memory_space<vmem>>) dst(%dma_wait3A_740 : memref<100000x8xf32, #tpu.memory_space<vmem_shared>>)
        %dma_wait3A_741 = arith.constant 0 : i32
        %dma_wait3A_742 = arith.constant 0 : i32
        %dma_wait3A_743 = arith.constant 6 : i32
        %dma_wait3A_744 = arith.constant 768 : i32
        %dma_wait3A_745 = arith.constant 0 : i32
        %dma_wait3A_746 = tpu.memref_slice %arg11[%dma_wait3A_741, %dma_wait3A_744, %dma_wait3A_745] : memref<2x1024x8xf32, #tpu.memory_space<vmem>> -> memref<1x128x8xf32, #tpu.memory_space<vmem>>
        %dma_wait3A_747 = tpu.memref_squeeze %dma_wait3A_746 : memref<1x128x8xf32, #tpu.memory_space<vmem>> -> memref<128x8xf32, #tpu.memory_space<vmem>>
        %dma_wait3A_748 = arith.constant 0 : i32
        %dma_wait3A_749 = tpu.memref_slice %arg12[%dma_wait3A_742, %dma_wait3A_743, %dma_wait3A_748] : memref<2x8x128xi32, #tpu.memory_space<vmem>> -> memref<1x1x128xi32, #tpu.memory_space<vmem>>
        %dma_wait3A_750 = tpu.memref_squeeze %dma_wait3A_749 : memref<1x1x128xi32, #tpu.memory_space<vmem>> -> memref<128xi32, #tpu.memory_space<vmem>>
        %dma_wait3A_751 = arith.constant 0 : i32
        %dma_wait3A_752 = arith.constant 0 : i32
        %dma_wait3A_753 = tpu.memref_slice %arg14[%dma_wait3A_751, %dma_wait3A_752] : memref<100000x8xf32, #tpu.memory_space<vmem_shared>> -> memref<100000x8xf32, #tpu.memory_space<vmem_shared>>
        tpu.wait_indirect_dma semaphore(%arg17 : memref<!tpu.dma_semaphore, #tpu.memory_space<semaphore_mem>>) src(%dma_wait3A_747 : memref<128x8xf32, #tpu.memory_space<vmem>>) dst(%dma_wait3A_753 : memref<100000x8xf32, #tpu.memory_space<vmem_shared>>)
        %dma_wait3A_754 = arith.constant 0 : i32
        %dma_wait3A_755 = arith.constant 0 : i32
        %dma_wait3A_756 = arith.constant 7 : i32
        %dma_wait3A_757 = arith.constant 896 : i32
        %dma_wait3A_758 = arith.constant 0 : i32
        %dma_wait3A_759 = tpu.memref_slice %arg11[%dma_wait3A_754, %dma_wait3A_757, %dma_wait3A_758] : memref<2x1024x8xf32, #tpu.memory_space<vmem>> -> memref<1x128x8xf32, #tpu.memory_space<vmem>>
        %dma_wait3A_760 = tpu.memref_squeeze %dma_wait3A_759 : memref<1x128x8xf32, #tpu.memory_space<vmem>> -> memref<128x8xf32, #tpu.memory_space<vmem>>
        %dma_wait3A_761 = arith.constant 0 : i32
        %dma_wait3A_762 = tpu.memref_slice %arg12[%dma_wait3A_755, %dma_wait3A_756, %dma_wait3A_761] : memref<2x8x128xi32, #tpu.memory_space<vmem>> -> memref<1x1x128xi32, #tpu.memory_space<vmem>>
        %dma_wait3A_763 = tpu.memref_squeeze %dma_wait3A_762 : memref<1x1x128xi32, #tpu.memory_space<vmem>> -> memref<128xi32, #tpu.memory_space<vmem>>
        %dma_wait3A_764 = arith.constant 0 : i32
        %dma_wait3A_765 = arith.constant 0 : i32
        %dma_wait3A_766 = tpu.memref_slice %arg14[%dma_wait3A_764, %dma_wait3A_765] : memref<100000x8xf32, #tpu.memory_space<vmem_shared>> -> memref<100000x8xf32, #tpu.memory_space<vmem_shared>>
        tpu.wait_indirect_dma semaphore(%arg17 : memref<!tpu.dma_semaphore, #tpu.memory_space<semaphore_mem>>) src(%dma_wait3A_760 : memref<128x8xf32, #tpu.memory_space<vmem>>) dst(%dma_wait3A_766 : memref<100000x8xf32, #tpu.memory_space<vmem_shared>>)
      } else {
      }
      %convert_element_type3A_631 = arith.extui %lt3A_623 : i1 to i32
      %cond3A_632 = arith.constant 0 : i32
      %cond3A_633 = arith.cmpi ne, %convert_element_type3A_631, %cond3A_632 : i32
      scf.if %cond3A_633 {
        %scan3A_663 = arith.constant 0 : i32
        %scan3A_664 = arith.constant 0 : i32
        %scan3A_665 = arith.constant 64 : i32
        %scan3A_666 = arith.addi %scan3A_664, %scan3A_665 : i32
        %scan3A_667 = arith.constant 1 : i32
        scf.for %scan3A_773 = %scan3A_664 to %scan3A_666 step %scan3A_667  : i32 {
          %shift_right_arithmetic3A = arith.constant 3 : i32
          %shift_right_arithmetic3A_774 = arith.shrsi %scan3A_773, %shift_right_arithmetic3A : i32
          %and3A_775 = arith.constant 7 : i32
          %and3A_776 = arith.andi %scan3A_773, %and3A_775 : i32
          %mul3A_777 = arith.constant 16 : i32
          %mul3A_778 = arith.muli %and3A_776, %mul3A_777 : i32
          %mul3A_779 = arith.constant 16 : i32
          %mul3A_780 = arith.muli %scan3A_773, %mul3A_779 : i32
          %add3A_781 = vector.broadcast %mul3A_780 : i32 to vector<16xi32>
          %add3A_782 = arith.addi %add3A_781, %iota3A : vector<16xi32>
          %get3A_783 = arith.constant 0 : i32
          %get3A_784 = arith.constant 1 : i32
          %get3A_785 = arith.index_cast %get3A_783 : i32 to index
          %get3A_786 = arith.index_cast %shift_right_arithmetic3A_774 : i32 to index
          %get3A_787 = arith.index_cast %get3A_784 : i32 to index
          %get3A_788 = arith.index_cast %mul3A_778 : i32 to index
          %get3A_789 = tpu.vector_load %arg8[%get3A_785, %get3A_786, %get3A_787, %get3A_788] {strides = array<i32>} : memref<2x8x2x128xi32, #tpu.memory_space<vmem>>, vector<16xi32>,
          %swap3A = arith.constant 0 : i32
          %swap3A_790 = arith.index_cast %swap3A : i32 to index
          %swap3A_791 = arith.index_cast %shift_right_arithmetic3A_774 : i32 to index
          %swap3A_792 = arith.index_cast %mul3A_778 : i32 to index
          %swap3A_793 = tpu.vector_load %arg12[%swap3A_790, %swap3A_791, %swap3A_792] {strides = array<i32>} : memref<2x8x128xi32, #tpu.memory_space<vmem>>, vector<16xi32>,
          tpu.vector_store %arg12[%swap3A_790, %swap3A_791, %swap3A_792], %get3A_789 {strides = array<i32>} : memref<2x8x128xi32, #tpu.memory_space<vmem>>, vector<16xi32>,
          %gather3A = arith.constant 0 : i32
          %gather3A_794 = arith.constant 0 : i32
          %gather3A_795 = arith.constant 0 : i32
          %gather3A_796 = tpu.memref_slice %arg10[%gather3A, %gather3A_794, %gather3A_795] : memref<2x1024x8xf32, #tpu.memory_space<vmem>> -> memref<1x1024x8xf32, #tpu.memory_space<vmem>>
          %gather3A_797 = tpu.memref_squeeze %gather3A_796 : memref<1x1024x8xf32, #tpu.memory_space<vmem>> -> memref<1024x8xf32, #tpu.memory_space<vmem>>
          %gather3A_798 = tpu.vector_load_idx %gather3A_797[%add3A_782, %broadcast_in_dim3A_89] : memref<1024x8xf32, #tpu.memory_space<vmem>>[vector<16xi32>, vector<16xi32>], vector<16xf32>,
          %gather3A_799 = arith.constant 0 : i32
          %gather3A_800 = arith.constant 0 : i32
          %gather3A_801 = arith.constant 0 : i32
          %gather3A_802 = tpu.memref_slice %arg10[%gather3A_799, %gather3A_800, %gather3A_801] : memref<2x1024x8xf32, #tpu.memory_space<vmem>> -> memref<1x1024x8xf32, #tpu.memory_space<vmem>>
          %gather3A_803 = tpu.memref_squeeze %gather3A_802 : memref<1x1024x8xf32, #tpu.memory_space<vmem>> -> memref<1024x8xf32, #tpu.memory_space<vmem>>
          %gather3A_804 = tpu.vector_load_idx %gather3A_803[%add3A_782, %broadcast_in_dim3A_91] : memref<1024x8xf32, #tpu.memory_space<vmem>>[vector<16xi32>, vector<16xi32>], vector<16xf32>,
          %gather3A_805 = arith.constant 0 : i32
          %gather3A_806 = arith.constant 0 : i32
          %gather3A_807 = arith.constant 0 : i32
          %gather3A_808 = tpu.memref_slice %arg10[%gather3A_805, %gather3A_806, %gather3A_807] : memref<2x1024x8xf32, #tpu.memory_space<vmem>> -> memref<1x1024x8xf32, #tpu.memory_space<vmem>>
          %gather3A_809 = tpu.memref_squeeze %gather3A_808 : memref<1x1024x8xf32, #tpu.memory_space<vmem>> -> memref<1024x8xf32, #tpu.memory_space<vmem>>
          %gather3A_810 = tpu.vector_load_idx %gather3A_809[%add3A_782, %broadcast_in_dim3A_93] : memref<1024x8xf32, #tpu.memory_space<vmem>>[vector<16xi32>, vector<16xi32>], vector<16xf32>,
          %gather3A_811 = arith.constant 0 : i32
          %gather3A_812 = arith.constant 0 : i32
          %gather3A_813 = arith.constant 0 : i32
          %gather3A_814 = tpu.memref_slice %arg10[%gather3A_811, %gather3A_812, %gather3A_813] : memref<2x1024x8xf32, #tpu.memory_space<vmem>> -> memref<1x1024x8xf32, #tpu.memory_space<vmem>>
          %gather3A_815 = tpu.memref_squeeze %gather3A_814 : memref<1x1024x8xf32, #tpu.memory_space<vmem>> -> memref<1024x8xf32, #tpu.memory_space<vmem>>
          %gather3A_816 = tpu.vector_load_idx %gather3A_815[%add3A_782, %broadcast_in_dim3A_95] : memref<1024x8xf32, #tpu.memory_space<vmem>>[vector<16xi32>, vector<16xi32>], vector<16xf32>,
          %gather3A_817 = arith.constant 0 : i32
          %gather3A_818 = arith.constant 0 : i32
          %gather3A_819 = arith.constant 0 : i32
          %gather3A_820 = tpu.memref_slice %arg10[%gather3A_817, %gather3A_818, %gather3A_819] : memref<2x1024x8xf32, #tpu.memory_space<vmem>> -> memref<1x1024x8xf32, #tpu.memory_space<vmem>>
          %gather3A_821 = tpu.memref_squeeze %gather3A_820 : memref<1x1024x8xf32, #tpu.memory_space<vmem>> -> memref<1024x8xf32, #tpu.memory_space<vmem>>
          %gather3A_822 = tpu.vector_load_idx %gather3A_821[%add3A_782, %broadcast_in_dim3A_97] : memref<1024x8xf32, #tpu.memory_space<vmem>>[vector<16xi32>, vector<16xi32>], vector<16xf32>,
          %gather3A_823 = arith.constant 0 : i32
          %gather3A_824 = arith.constant 0 : i32
          %gather3A_825 = arith.constant 0 : i32
          %gather3A_826 = tpu.memref_slice %arg10[%gather3A_823, %gather3A_824, %gather3A_825] : memref<2x1024x8xf32, #tpu.memory_space<vmem>> -> memref<1x1024x8xf32, #tpu.memory_space<vmem>>
          %gather3A_827 = tpu.memref_squeeze %gather3A_826 : memref<1x1024x8xf32, #tpu.memory_space<vmem>> -> memref<1024x8xf32, #tpu.memory_space<vmem>>
          %gather3A_828 = tpu.vector_load_idx %gather3A_827[%add3A_782, %broadcast_in_dim3A_99] : memref<1024x8xf32, #tpu.memory_space<vmem>>[vector<16xi32>, vector<16xi32>], vector<16xf32>,
          %gather3A_829 = arith.constant 0 : i32
          %gather3A_830 = arith.constant 0 : i32
          %gather3A_831 = arith.constant 0 : i32
          %gather3A_832 = tpu.memref_slice %arg10[%gather3A_829, %gather3A_830, %gather3A_831] : memref<2x1024x8xf32, #tpu.memory_space<vmem>> -> memref<1x1024x8xf32, #tpu.memory_space<vmem>>
          %gather3A_833 = tpu.memref_squeeze %gather3A_832 : memref<1x1024x8xf32, #tpu.memory_space<vmem>> -> memref<1024x8xf32, #tpu.memory_space<vmem>>
          %gather3A_834 = tpu.vector_load_idx %gather3A_833[%add3A_782, %broadcast_in_dim3A_101] : memref<1024x8xf32, #tpu.memory_space<vmem>>[vector<16xi32>, vector<16xi32>], vector<16xf32>,
          %gather3A_835 = arith.constant 0 : i32
          %gather3A_836 = arith.constant 0 : i32
          %gather3A_837 = arith.constant 0 : i32
          %gather3A_838 = tpu.memref_slice %arg10[%gather3A_835, %gather3A_836, %gather3A_837] : memref<2x1024x8xf32, #tpu.memory_space<vmem>> -> memref<1x1024x8xf32, #tpu.memory_space<vmem>>
          %gather3A_839 = tpu.memref_squeeze %gather3A_838 : memref<1x1024x8xf32, #tpu.memory_space<vmem>> -> memref<1024x8xf32, #tpu.memory_space<vmem>>
          %gather3A_840 = tpu.vector_load_idx %gather3A_839[%add3A_782, %broadcast_in_dim3A_103] : memref<1024x8xf32, #tpu.memory_space<vmem>>[vector<16xi32>, vector<16xi32>], vector<16xf32>,
          %get3A_841 = arith.constant 0 : i32
          %get3A_842 = arith.constant 0 : i32
          %get3A_843 = arith.index_cast %get3A_841 : i32 to index
          %get3A_844 = arith.index_cast %shift_right_arithmetic3A_774 : i32 to index
          %get3A_845 = arith.index_cast %get3A_842 : i32 to index
          %get3A_846 = arith.index_cast %mul3A_778 : i32 to index
          %get3A_847 = tpu.vector_load %arg9[%get3A_843, %get3A_844, %get3A_845, %get3A_846] {strides = array<i32>} : memref<2x8x4x128xf32, #tpu.memory_space<vmem>>, vector<16xf32>,
          %get3A_848 = arith.constant 0 : i32
          %get3A_849 = arith.constant 1 : i32
          %get3A_850 = arith.index_cast %get3A_848 : i32 to index
          %get3A_851 = arith.index_cast %shift_right_arithmetic3A_774 : i32 to index
          %get3A_852 = arith.index_cast %get3A_849 : i32 to index
          %get3A_853 = arith.index_cast %mul3A_778 : i32 to index
          %get3A_854 = tpu.vector_load %arg9[%get3A_850, %get3A_851, %get3A_852, %get3A_853] {strides = array<i32>} : memref<2x8x4x128xf32, #tpu.memory_space<vmem>>, vector<16xf32>,
          %get3A_855 = arith.constant 0 : i32
          %get3A_856 = arith.constant 2 : i32
          %get3A_857 = arith.index_cast %get3A_855 : i32 to index
          %get3A_858 = arith.index_cast %shift_right_arithmetic3A_774 : i32 to index
          %get3A_859 = arith.index_cast %get3A_856 : i32 to index
          %get3A_860 = arith.index_cast %mul3A_778 : i32 to index
          %get3A_861 = tpu.vector_load %arg9[%get3A_857, %get3A_858, %get3A_859, %get3A_860] {strides = array<i32>} : memref<2x8x4x128xf32, #tpu.memory_space<vmem>>, vector<16xf32>,
          %get3A_862 = arith.constant 0 : i32
          %get3A_863 = arith.constant 3 : i32
          %get3A_864 = arith.index_cast %get3A_862 : i32 to index
          %get3A_865 = arith.index_cast %shift_right_arithmetic3A_774 : i32 to index
          %get3A_866 = arith.index_cast %get3A_863 : i32 to index
          %get3A_867 = arith.index_cast %mul3A_778 : i32 to index
          %get3A_868 = tpu.vector_load %arg9[%get3A_864, %get3A_865, %get3A_866, %get3A_867] {strides = array<i32>} : memref<2x8x4x128xf32, #tpu.memory_space<vmem>>, vector<16xf32>,
          %mul3A_869 = arith.mulf %gather3A_798, %get3A_847 : vector<16xf32>
          %mul3A_870 = arith.mulf %gather3A_804, %get3A_847 : vector<16xf32>
          %mul3A_871 = arith.mulf %gather3A_810, %get3A_854 : vector<16xf32>
          %mul3A_872 = arith.mulf %gather3A_816, %get3A_861 : vector<16xf32>
          %add3A_873 = arith.addf %mul3A_871, %mul3A_872 : vector<16xf32>
          %mul3A_874 = arith.mulf %gather3A_822, %get3A_868 : vector<16xf32>
          %add3A_875 = arith.addf %add3A_873, %mul3A_874 : vector<16xf32>
          %mul3A_876 = arith.mulf %gather3A_828, %get3A_854 : vector<16xf32>
          %mul3A_877 = arith.mulf %gather3A_834, %get3A_861 : vector<16xf32>
          %add3A_878 = arith.addf %mul3A_876, %mul3A_877 : vector<16xf32>
          %mul3A_879 = arith.mulf %gather3A_840, %get3A_868 : vector<16xf32>
          %add3A_880 = arith.addf %add3A_878, %mul3A_879 : vector<16xf32>
          %mul3A_881 = arith.mulf %get3A_28, %mul3A_869 : vector<16xf32>
          %mul3A_882 = arith.mulf %get3A_32, %mul3A_870 : vector<16xf32>
          %add3A_883 = arith.addf %mul3A_881, %mul3A_882 : vector<16xf32>
          %mul3A_884 = arith.mulf %get3A_44, %add3A_875 : vector<16xf32>
          %add3A_885 = arith.addf %add3A_883, %mul3A_884 : vector<16xf32>
          %mul3A_886 = arith.mulf %get3A_48, %add3A_880 : vector<16xf32>
          %add3A_887 = arith.addf %add3A_885, %mul3A_886 : vector<16xf32>
          %mul3A_888 = arith.mulf %get3A_36, %mul3A_869 : vector<16xf32>
          %mul3A_889 = arith.mulf %get3A_40, %mul3A_870 : vector<16xf32>
          %add3A_890 = arith.addf %mul3A_888, %mul3A_889 : vector<16xf32>
          %mul3A_891 = arith.mulf %get3A_52, %add3A_875 : vector<16xf32>
          %add3A_892 = arith.addf %add3A_890, %mul3A_891 : vector<16xf32>
          %mul3A_893 = arith.mulf %get3A_56, %add3A_880 : vector<16xf32>
          %add3A_894 = arith.addf %add3A_892, %mul3A_893 : vector<16xf32>
          %mul3A_895 = arith.mulf %get3A_60, %gather3A_798 : vector<16xf32>
          %mul3A_896 = arith.mulf %get3A_64, %gather3A_804 : vector<16xf32>
          %add3A_897 = arith.addf %mul3A_895, %mul3A_896 : vector<16xf32>
          %mul3A_898 = arith.mulf %get3A_68, %gather3A_798 : vector<16xf32>
          %mul3A_899 = arith.mulf %get3A_72, %gather3A_804 : vector<16xf32>
          %add3A_900 = arith.addf %mul3A_898, %mul3A_899 : vector<16xf32>
          %mul3A_901 = arith.mulf %add3A_897, %get3A_854 : vector<16xf32>
          %mul3A_902 = arith.mulf %get3A_76, %gather3A_810 : vector<16xf32>
          %mul3A_903 = arith.mulf %get3A_80, %gather3A_828 : vector<16xf32>
          %add3A_904 = arith.addf %mul3A_902, %mul3A_903 : vector<16xf32>
          %mul3A_905 = arith.mulf %get3A_847, %add3A_904 : vector<16xf32>
          %add3A_906 = arith.addf %mul3A_901, %mul3A_905 : vector<16xf32>
          %mul3A_907 = arith.mulf %add3A_897, %get3A_861 : vector<16xf32>
          %mul3A_908 = arith.mulf %get3A_76, %gather3A_816 : vector<16xf32>
          %mul3A_909 = arith.mulf %get3A_80, %gather3A_834 : vector<16xf32>
          %add3A_910 = arith.addf %mul3A_908, %mul3A_909 : vector<16xf32>
          %mul3A_911 = arith.mulf %get3A_847, %add3A_910 : vector<16xf32>
          %add3A_912 = arith.addf %mul3A_907, %mul3A_911 : vector<16xf32>
          %mul3A_913 = arith.mulf %add3A_897, %get3A_868 : vector<16xf32>
          %mul3A_914 = arith.mulf %get3A_76, %gather3A_822 : vector<16xf32>
          %mul3A_915 = arith.mulf %get3A_80, %gather3A_840 : vector<16xf32>
          %add3A_916 = arith.addf %mul3A_914, %mul3A_915 : vector<16xf32>
          %mul3A_917 = arith.mulf %get3A_847, %add3A_916 : vector<16xf32>
          %add3A_918 = arith.addf %mul3A_913, %mul3A_917 : vector<16xf32>
          %mul3A_919 = arith.mulf %add3A_900, %get3A_854 : vector<16xf32>
          %mul3A_920 = arith.mulf %get3A_84, %gather3A_810 : vector<16xf32>
          %mul3A_921 = arith.mulf %get3A_88, %gather3A_828 : vector<16xf32>
          %add3A_922 = arith.addf %mul3A_920, %mul3A_921 : vector<16xf32>
          %mul3A_923 = arith.mulf %get3A_847, %add3A_922 : vector<16xf32>
          %add3A_924 = arith.addf %mul3A_919, %mul3A_923 : vector<16xf32>
          %mul3A_925 = arith.mulf %add3A_900, %get3A_861 : vector<16xf32>
          %mul3A_926 = arith.mulf %get3A_84, %gather3A_816 : vector<16xf32>
          %mul3A_927 = arith.mulf %get3A_88, %gather3A_834 : vector<16xf32>
          %add3A_928 = arith.addf %mul3A_926, %mul3A_927 : vector<16xf32>
          %mul3A_929 = arith.mulf %get3A_847, %add3A_928 : vector<16xf32>
          %add3A_930 = arith.addf %mul3A_925, %mul3A_929 : vector<16xf32>
          %mul3A_931 = arith.mulf %add3A_900, %get3A_868 : vector<16xf32>
          %mul3A_932 = arith.mulf %get3A_84, %gather3A_822 : vector<16xf32>
          %mul3A_933 = arith.mulf %get3A_88, %gather3A_840 : vector<16xf32>
          %add3A_934 = arith.addf %mul3A_932, %mul3A_933 : vector<16xf32>
          %mul3A_935 = arith.mulf %get3A_847, %add3A_934 : vector<16xf32>
          %add3A_936 = arith.addf %mul3A_931, %mul3A_935 : vector<16xf32>
          %scatter3A = arith.constant 0 : i32
          %scatter3A_937 = arith.constant 0 : i32
          %scatter3A_938 = arith.constant 0 : i32
          %scatter3A_939 = tpu.memref_slice %arg11[%scatter3A, %scatter3A_937, %scatter3A_938] : memref<2x1024x8xf32, #tpu.memory_space<vmem>> -> memref<1x1024x8xf32, #tpu.memory_space<vmem>>
          %scatter3A_940 = tpu.memref_squeeze %scatter3A_939 : memref<1x1024x8xf32, #tpu.memory_space<vmem>> -> memref<1024x8xf32, #tpu.memory_space<vmem>>
          tpu.vector_store_idx %scatter3A_940[%add3A_782, %broadcast_in_dim3A_89], %add3A_887 : memref<1024x8xf32, #tpu.memory_space<vmem>>[vector<16xi32>, vector<16xi32>], vector<16xf32>,
          %scatter3A_941 = arith.constant 0 : i32
          %scatter3A_942 = arith.constant 0 : i32
          %scatter3A_943 = arith.constant 0 : i32
          %scatter3A_944 = tpu.memref_slice %arg11[%scatter3A_941, %scatter3A_942, %scatter3A_943] : memref<2x1024x8xf32, #tpu.memory_space<vmem>> -> memref<1x1024x8xf32, #tpu.memory_space<vmem>>
          %scatter3A_945 = tpu.memref_squeeze %scatter3A_944 : memref<1x1024x8xf32, #tpu.memory_space<vmem>> -> memref<1024x8xf32, #tpu.memory_space<vmem>>
          tpu.vector_store_idx %scatter3A_945[%add3A_782, %broadcast_in_dim3A_91], %add3A_894 : memref<1024x8xf32, #tpu.memory_space<vmem>>[vector<16xi32>, vector<16xi32>], vector<16xf32>,
          %scatter3A_946 = arith.constant 0 : i32
          %scatter3A_947 = arith.constant 0 : i32
          %scatter3A_948 = arith.constant 0 : i32
          %scatter3A_949 = tpu.memref_slice %arg11[%scatter3A_946, %scatter3A_947, %scatter3A_948] : memref<2x1024x8xf32, #tpu.memory_space<vmem>> -> memref<1x1024x8xf32, #tpu.memory_space<vmem>>
          %scatter3A_950 = tpu.memref_squeeze %scatter3A_949 : memref<1x1024x8xf32, #tpu.memory_space<vmem>> -> memref<1024x8xf32, #tpu.memory_space<vmem>>
          tpu.vector_store_idx %scatter3A_950[%add3A_782, %broadcast_in_dim3A_93], %add3A_906 : memref<1024x8xf32, #tpu.memory_space<vmem>>[vector<16xi32>, vector<16xi32>], vector<16xf32>,
          %scatter3A_951 = arith.constant 0 : i32
          %scatter3A_952 = arith.constant 0 : i32
          %scatter3A_953 = arith.constant 0 : i32
          %scatter3A_954 = tpu.memref_slice %arg11[%scatter3A_951, %scatter3A_952, %scatter3A_953] : memref<2x1024x8xf32, #tpu.memory_space<vmem>> -> memref<1x1024x8xf32, #tpu.memory_space<vmem>>
          %scatter3A_955 = tpu.memref_squeeze %scatter3A_954 : memref<1x1024x8xf32, #tpu.memory_space<vmem>> -> memref<1024x8xf32, #tpu.memory_space<vmem>>
          tpu.vector_store_idx %scatter3A_955[%add3A_782, %broadcast_in_dim3A_95], %add3A_912 : memref<1024x8xf32, #tpu.memory_space<vmem>>[vector<16xi32>, vector<16xi32>], vector<16xf32>,
          %scatter3A_956 = arith.constant 0 : i32
          %scatter3A_957 = arith.constant 0 : i32
          %scatter3A_958 = arith.constant 0 : i32
          %scatter3A_959 = tpu.memref_slice %arg11[%scatter3A_956, %scatter3A_957, %scatter3A_958] : memref<2x1024x8xf32, #tpu.memory_space<vmem>> -> memref<1x1024x8xf32, #tpu.memory_space<vmem>>
          %scatter3A_960 = tpu.memref_squeeze %scatter3A_959 : memref<1x1024x8xf32, #tpu.memory_space<vmem>> -> memref<1024x8xf32, #tpu.memory_space<vmem>>
          tpu.vector_store_idx %scatter3A_960[%add3A_782, %broadcast_in_dim3A_97], %add3A_918 : memref<1024x8xf32, #tpu.memory_space<vmem>>[vector<16xi32>, vector<16xi32>], vector<16xf32>,
          %scatter3A_961 = arith.constant 0 : i32
          %scatter3A_962 = arith.constant 0 : i32
          %scatter3A_963 = arith.constant 0 : i32
          %scatter3A_964 = tpu.memref_slice %arg11[%scatter3A_961, %scatter3A_962, %scatter3A_963] : memref<2x1024x8xf32, #tpu.memory_space<vmem>> -> memref<1x1024x8xf32, #tpu.memory_space<vmem>>
          %scatter3A_965 = tpu.memref_squeeze %scatter3A_964 : memref<1x1024x8xf32, #tpu.memory_space<vmem>> -> memref<1024x8xf32, #tpu.memory_space<vmem>>
          tpu.vector_store_idx %scatter3A_965[%add3A_782, %broadcast_in_dim3A_99], %add3A_924 : memref<1024x8xf32, #tpu.memory_space<vmem>>[vector<16xi32>, vector<16xi32>], vector<16xf32>,
          %scatter3A_966 = arith.constant 0 : i32
          %scatter3A_967 = arith.constant 0 : i32
          %scatter3A_968 = arith.constant 0 : i32
          %scatter3A_969 = tpu.memref_slice %arg11[%scatter3A_966, %scatter3A_967, %scatter3A_968] : memref<2x1024x8xf32, #tpu.memory_space<vmem>> -> memref<1x1024x8xf32, #tpu.memory_space<vmem>>
          %scatter3A_970 = tpu.memref_squeeze %scatter3A_969 : memref<1x1024x8xf32, #tpu.memory_space<vmem>> -> memref<1024x8xf32, #tpu.memory_space<vmem>>
          tpu.vector_store_idx %scatter3A_970[%add3A_782, %broadcast_in_dim3A_101], %add3A_930 : memref<1024x8xf32, #tpu.memory_space<vmem>>[vector<16xi32>, vector<16xi32>], vector<16xf32>,
          %scatter3A_971 = arith.constant 0 : i32
          %scatter3A_972 = arith.constant 0 : i32
          %scatter3A_973 = arith.constant 0 : i32
          %scatter3A_974 = tpu.memref_slice %arg11[%scatter3A_971, %scatter3A_972, %scatter3A_973] : memref<2x1024x8xf32, #tpu.memory_space<vmem>> -> memref<1x1024x8xf32, #tpu.memory_space<vmem>>
          %scatter3A_975 = tpu.memref_squeeze %scatter3A_974 : memref<1x1024x8xf32, #tpu.memory_space<vmem>> -> memref<1024x8xf32, #tpu.memory_space<vmem>>
          tpu.vector_store_idx %scatter3A_975[%add3A_782, %broadcast_in_dim3A_103], %add3A_936 : memref<1024x8xf32, #tpu.memory_space<vmem>>[vector<16xi32>, vector<16xi32>], vector<16xf32>,
        }
        %scan3A_668 = arith.constant 64 : i32
        %dma_start3A_669 = arith.constant 0 : i32
        %dma_start3A_670 = arith.constant 0 : i32
        %dma_start3A_671 = arith.constant 0 : i32
        %dma_start3A_672 = arith.constant 0 : i32
        %dma_start3A_673 = arith.constant 0 : i32
        %dma_start3A_674 = tpu.memref_slice %arg11[%dma_start3A_669, %dma_start3A_672, %dma_start3A_673] : memref<2x1024x8xf32, #tpu.memory_space<vmem>> -> memref<1x128x8xf32, #tpu.memory_space<vmem>>
        %dma_start3A_675 = tpu.memref_squeeze %dma_start3A_674 : memref<1x128x8xf32, #tpu.memory_space<vmem>> -> memref<128x8xf32, #tpu.memory_space<vmem>>
        %dma_start3A_676 = arith.constant 0 : i32
        %dma_start3A_677 = tpu.memref_slice %arg12[%dma_start3A_670, %dma_start3A_671, %dma_start3A_676] : memref<2x8x128xi32, #tpu.memory_space<vmem>> -> memref<1x1x128xi32, #tpu.memory_space<vmem>>
        %dma_start3A_678 = tpu.memref_squeeze %dma_start3A_677 : memref<1x1x128xi32, #tpu.memory_space<vmem>> -> memref<128xi32, #tpu.memory_space<vmem>>
        %dma_start3A_679 = arith.constant 0 : i32
        %dma_start3A_680 = arith.constant 0 : i32
        %dma_start3A_681 = tpu.memref_slice %arg14[%dma_start3A_679, %dma_start3A_680] : memref<100000x8xf32, #tpu.memory_space<vmem_shared>> -> memref<100000x8xf32, #tpu.memory_space<vmem_shared>>
        tpu.enqueue_indirect_dma source(%dma_start3A_675 : memref<128x8xf32, #tpu.memory_space<vmem>>) target(%dma_start3A_681 : memref<100000x8xf32, #tpu.memory_space<vmem_shared>>) offsets(%dma_start3A_678 : memref<128xi32, #tpu.memory_space<vmem>>) semaphore(%arg17 : memref<!tpu.dma_semaphore, #tpu.memory_space<semaphore_mem>>) {add = true}
        %dma_start3A_682 = arith.constant 0 : i32
        %dma_start3A_683 = arith.constant 0 : i32
        %dma_start3A_684 = arith.constant 1 : i32
        %dma_start3A_685 = arith.constant 128 : i32
        %dma_start3A_686 = arith.constant 0 : i32
        %dma_start3A_687 = tpu.memref_slice %arg11[%dma_start3A_682, %dma_start3A_685, %dma_start3A_686] : memref<2x1024x8xf32, #tpu.memory_space<vmem>> -> memref<1x128x8xf32, #tpu.memory_space<vmem>>
        %dma_start3A_688 = tpu.memref_squeeze %dma_start3A_687 : memref<1x128x8xf32, #tpu.memory_space<vmem>> -> memref<128x8xf32, #tpu.memory_space<vmem>>
        %dma_start3A_689 = arith.constant 0 : i32
        %dma_start3A_690 = tpu.memref_slice %arg12[%dma_start3A_683, %dma_start3A_684, %dma_start3A_689] : memref<2x8x128xi32, #tpu.memory_space<vmem>> -> memref<1x1x128xi32, #tpu.memory_space<vmem>>
        %dma_start3A_691 = tpu.memref_squeeze %dma_start3A_690 : memref<1x1x128xi32, #tpu.memory_space<vmem>> -> memref<128xi32, #tpu.memory_space<vmem>>
        %dma_start3A_692 = arith.constant 0 : i32
        %dma_start3A_693 = arith.constant 0 : i32
        %dma_start3A_694 = tpu.memref_slice %arg14[%dma_start3A_692, %dma_start3A_693] : memref<100000x8xf32, #tpu.memory_space<vmem_shared>> -> memref<100000x8xf32, #tpu.memory_space<vmem_shared>>
        tpu.enqueue_indirect_dma source(%dma_start3A_688 : memref<128x8xf32, #tpu.memory_space<vmem>>) target(%dma_start3A_694 : memref<100000x8xf32, #tpu.memory_space<vmem_shared>>) offsets(%dma_start3A_691 : memref<128xi32, #tpu.memory_space<vmem>>) semaphore(%arg17 : memref<!tpu.dma_semaphore, #tpu.memory_space<semaphore_mem>>) {add = true}
        %dma_start3A_695 = arith.constant 0 : i32
        %dma_start3A_696 = arith.constant 0 : i32
        %dma_start3A_697 = arith.constant 2 : i32
        %dma_start3A_698 = arith.constant 256 : i32
        %dma_start3A_699 = arith.constant 0 : i32
        %dma_start3A_700 = tpu.memref_slice %arg11[%dma_start3A_695, %dma_start3A_698, %dma_start3A_699] : memref<2x1024x8xf32, #tpu.memory_space<vmem>> -> memref<1x128x8xf32, #tpu.memory_space<vmem>>
        %dma_start3A_701 = tpu.memref_squeeze %dma_start3A_700 : memref<1x128x8xf32, #tpu.memory_space<vmem>> -> memref<128x8xf32, #tpu.memory_space<vmem>>
        %dma_start3A_702 = arith.constant 0 : i32
        %dma_start3A_703 = tpu.memref_slice %arg12[%dma_start3A_696, %dma_start3A_697, %dma_start3A_702] : memref<2x8x128xi32, #tpu.memory_space<vmem>> -> memref<1x1x128xi32, #tpu.memory_space<vmem>>
        %dma_start3A_704 = tpu.memref_squeeze %dma_start3A_703 : memref<1x1x128xi32, #tpu.memory_space<vmem>> -> memref<128xi32, #tpu.memory_space<vmem>>
        %dma_start3A_705 = arith.constant 0 : i32
        %dma_start3A_706 = arith.constant 0 : i32
        %dma_start3A_707 = tpu.memref_slice %arg14[%dma_start3A_705, %dma_start3A_706] : memref<100000x8xf32, #tpu.memory_space<vmem_shared>> -> memref<100000x8xf32, #tpu.memory_space<vmem_shared>>
        tpu.enqueue_indirect_dma source(%dma_start3A_701 : memref<128x8xf32, #tpu.memory_space<vmem>>) target(%dma_start3A_707 : memref<100000x8xf32, #tpu.memory_space<vmem_shared>>) offsets(%dma_start3A_704 : memref<128xi32, #tpu.memory_space<vmem>>) semaphore(%arg17 : memref<!tpu.dma_semaphore, #tpu.memory_space<semaphore_mem>>) {add = true}
        %dma_start3A_708 = arith.constant 0 : i32
        %dma_start3A_709 = arith.constant 0 : i32
        %dma_start3A_710 = arith.constant 3 : i32
        %dma_start3A_711 = arith.constant 384 : i32
        %dma_start3A_712 = arith.constant 0 : i32
        %dma_start3A_713 = tpu.memref_slice %arg11[%dma_start3A_708, %dma_start3A_711, %dma_start3A_712] : memref<2x1024x8xf32, #tpu.memory_space<vmem>> -> memref<1x128x8xf32, #tpu.memory_space<vmem>>
        %dma_start3A_714 = tpu.memref_squeeze %dma_start3A_713 : memref<1x128x8xf32, #tpu.memory_space<vmem>> -> memref<128x8xf32, #tpu.memory_space<vmem>>
        %dma_start3A_715 = arith.constant 0 : i32
        %dma_start3A_716 = tpu.memref_slice %arg12[%dma_start3A_709, %dma_start3A_710, %dma_start3A_715] : memref<2x8x128xi32, #tpu.memory_space<vmem>> -> memref<1x1x128xi32, #tpu.memory_space<vmem>>
        %dma_start3A_717 = tpu.memref_squeeze %dma_start3A_716 : memref<1x1x128xi32, #tpu.memory_space<vmem>> -> memref<128xi32, #tpu.memory_space<vmem>>
        %dma_start3A_718 = arith.constant 0 : i32
        %dma_start3A_719 = arith.constant 0 : i32
        %dma_start3A_720 = tpu.memref_slice %arg14[%dma_start3A_718, %dma_start3A_719] : memref<100000x8xf32, #tpu.memory_space<vmem_shared>> -> memref<100000x8xf32, #tpu.memory_space<vmem_shared>>
        tpu.enqueue_indirect_dma source(%dma_start3A_714 : memref<128x8xf32, #tpu.memory_space<vmem>>) target(%dma_start3A_720 : memref<100000x8xf32, #tpu.memory_space<vmem_shared>>) offsets(%dma_start3A_717 : memref<128xi32, #tpu.memory_space<vmem>>) semaphore(%arg17 : memref<!tpu.dma_semaphore, #tpu.memory_space<semaphore_mem>>) {add = true}
        %dma_start3A_721 = arith.constant 0 : i32
        %dma_start3A_722 = arith.constant 0 : i32
        %dma_start3A_723 = arith.constant 4 : i32
        %dma_start3A_724 = arith.constant 512 : i32
        %dma_start3A_725 = arith.constant 0 : i32
        %dma_start3A_726 = tpu.memref_slice %arg11[%dma_start3A_721, %dma_start3A_724, %dma_start3A_725] : memref<2x1024x8xf32, #tpu.memory_space<vmem>> -> memref<1x128x8xf32, #tpu.memory_space<vmem>>
        %dma_start3A_727 = tpu.memref_squeeze %dma_start3A_726 : memref<1x128x8xf32, #tpu.memory_space<vmem>> -> memref<128x8xf32, #tpu.memory_space<vmem>>
        %dma_start3A_728 = arith.constant 0 : i32
        %dma_start3A_729 = tpu.memref_slice %arg12[%dma_start3A_722, %dma_start3A_723, %dma_start3A_728] : memref<2x8x128xi32, #tpu.memory_space<vmem>> -> memref<1x1x128xi32, #tpu.memory_space<vmem>>
        %dma_start3A_730 = tpu.memref_squeeze %dma_start3A_729 : memref<1x1x128xi32, #tpu.memory_space<vmem>> -> memref<128xi32, #tpu.memory_space<vmem>>
        %dma_start3A_731 = arith.constant 0 : i32
        %dma_start3A_732 = arith.constant 0 : i32
        %dma_start3A_733 = tpu.memref_slice %arg14[%dma_start3A_731, %dma_start3A_732] : memref<100000x8xf32, #tpu.memory_space<vmem_shared>> -> memref<100000x8xf32, #tpu.memory_space<vmem_shared>>
        tpu.enqueue_indirect_dma source(%dma_start3A_727 : memref<128x8xf32, #tpu.memory_space<vmem>>) target(%dma_start3A_733 : memref<100000x8xf32, #tpu.memory_space<vmem_shared>>) offsets(%dma_start3A_730 : memref<128xi32, #tpu.memory_space<vmem>>) semaphore(%arg17 : memref<!tpu.dma_semaphore, #tpu.memory_space<semaphore_mem>>) {add = true}
        %dma_start3A_734 = arith.constant 0 : i32
        %dma_start3A_735 = arith.constant 0 : i32
        %dma_start3A_736 = arith.constant 5 : i32
        %dma_start3A_737 = arith.constant 640 : i32
        %dma_start3A_738 = arith.constant 0 : i32
        %dma_start3A_739 = tpu.memref_slice %arg11[%dma_start3A_734, %dma_start3A_737, %dma_start3A_738] : memref<2x1024x8xf32, #tpu.memory_space<vmem>> -> memref<1x128x8xf32, #tpu.memory_space<vmem>>
        %dma_start3A_740 = tpu.memref_squeeze %dma_start3A_739 : memref<1x128x8xf32, #tpu.memory_space<vmem>> -> memref<128x8xf32, #tpu.memory_space<vmem>>
        %dma_start3A_741 = arith.constant 0 : i32
        %dma_start3A_742 = tpu.memref_slice %arg12[%dma_start3A_735, %dma_start3A_736, %dma_start3A_741] : memref<2x8x128xi32, #tpu.memory_space<vmem>> -> memref<1x1x128xi32, #tpu.memory_space<vmem>>
        %dma_start3A_743 = tpu.memref_squeeze %dma_start3A_742 : memref<1x1x128xi32, #tpu.memory_space<vmem>> -> memref<128xi32, #tpu.memory_space<vmem>>
        %dma_start3A_744 = arith.constant 0 : i32
        %dma_start3A_745 = arith.constant 0 : i32
        %dma_start3A_746 = tpu.memref_slice %arg14[%dma_start3A_744, %dma_start3A_745] : memref<100000x8xf32, #tpu.memory_space<vmem_shared>> -> memref<100000x8xf32, #tpu.memory_space<vmem_shared>>
        tpu.enqueue_indirect_dma source(%dma_start3A_740 : memref<128x8xf32, #tpu.memory_space<vmem>>) target(%dma_start3A_746 : memref<100000x8xf32, #tpu.memory_space<vmem_shared>>) offsets(%dma_start3A_743 : memref<128xi32, #tpu.memory_space<vmem>>) semaphore(%arg17 : memref<!tpu.dma_semaphore, #tpu.memory_space<semaphore_mem>>) {add = true}
        %dma_start3A_747 = arith.constant 0 : i32
        %dma_start3A_748 = arith.constant 0 : i32
        %dma_start3A_749 = arith.constant 6 : i32
        %dma_start3A_750 = arith.constant 768 : i32
        %dma_start3A_751 = arith.constant 0 : i32
        %dma_start3A_752 = tpu.memref_slice %arg11[%dma_start3A_747, %dma_start3A_750, %dma_start3A_751] : memref<2x1024x8xf32, #tpu.memory_space<vmem>> -> memref<1x128x8xf32, #tpu.memory_space<vmem>>
        %dma_start3A_753 = tpu.memref_squeeze %dma_start3A_752 : memref<1x128x8xf32, #tpu.memory_space<vmem>> -> memref<128x8xf32, #tpu.memory_space<vmem>>
        %dma_start3A_754 = arith.constant 0 : i32
        %dma_start3A_755 = tpu.memref_slice %arg12[%dma_start3A_748, %dma_start3A_749, %dma_start3A_754] : memref<2x8x128xi32, #tpu.memory_space<vmem>> -> memref<1x1x128xi32, #tpu.memory_space<vmem>>
        %dma_start3A_756 = tpu.memref_squeeze %dma_start3A_755 : memref<1x1x128xi32, #tpu.memory_space<vmem>> -> memref<128xi32, #tpu.memory_space<vmem>>
        %dma_start3A_757 = arith.constant 0 : i32
        %dma_start3A_758 = arith.constant 0 : i32
        %dma_start3A_759 = tpu.memref_slice %arg14[%dma_start3A_757, %dma_start3A_758] : memref<100000x8xf32, #tpu.memory_space<vmem_shared>> -> memref<100000x8xf32, #tpu.memory_space<vmem_shared>>
        tpu.enqueue_indirect_dma source(%dma_start3A_753 : memref<128x8xf32, #tpu.memory_space<vmem>>) target(%dma_start3A_759 : memref<100000x8xf32, #tpu.memory_space<vmem_shared>>) offsets(%dma_start3A_756 : memref<128xi32, #tpu.memory_space<vmem>>) semaphore(%arg17 : memref<!tpu.dma_semaphore, #tpu.memory_space<semaphore_mem>>) {add = true}
        %dma_start3A_760 = arith.constant 0 : i32
        %dma_start3A_761 = arith.constant 0 : i32
        %dma_start3A_762 = arith.constant 7 : i32
        %dma_start3A_763 = arith.constant 896 : i32
        %dma_start3A_764 = arith.constant 0 : i32
        %dma_start3A_765 = tpu.memref_slice %arg11[%dma_start3A_760, %dma_start3A_763, %dma_start3A_764] : memref<2x1024x8xf32, #tpu.memory_space<vmem>> -> memref<1x128x8xf32, #tpu.memory_space<vmem>>
        %dma_start3A_766 = tpu.memref_squeeze %dma_start3A_765 : memref<1x128x8xf32, #tpu.memory_space<vmem>> -> memref<128x8xf32, #tpu.memory_space<vmem>>
        %dma_start3A_767 = arith.constant 0 : i32
        %dma_start3A_768 = tpu.memref_slice %arg12[%dma_start3A_761, %dma_start3A_762, %dma_start3A_767] : memref<2x8x128xi32, #tpu.memory_space<vmem>> -> memref<1x1x128xi32, #tpu.memory_space<vmem>>
        %dma_start3A_769 = tpu.memref_squeeze %dma_start3A_768 : memref<1x1x128xi32, #tpu.memory_space<vmem>> -> memref<128xi32, #tpu.memory_space<vmem>>
        %dma_start3A_770 = arith.constant 0 : i32
        %dma_start3A_771 = arith.constant 0 : i32
        %dma_start3A_772 = tpu.memref_slice %arg14[%dma_start3A_770, %dma_start3A_771] : memref<100000x8xf32, #tpu.memory_space<vmem_shared>> -> memref<100000x8xf32, #tpu.memory_space<vmem_shared>>
        tpu.enqueue_indirect_dma source(%dma_start3A_766 : memref<128x8xf32, #tpu.memory_space<vmem>>) target(%dma_start3A_772 : memref<100000x8xf32, #tpu.memory_space<vmem_shared>>) offsets(%dma_start3A_769 : memref<128xi32, #tpu.memory_space<vmem>>) semaphore(%arg17 : memref<!tpu.dma_semaphore, #tpu.memory_space<semaphore_mem>>) {add = true}
      } else {
      }
      %add3A_634 = arith.constant 2 : i32
      %add3A_635 = arith.addi %mul3A_622, %add3A_634 : i32
      %lt3A_636 = arith.cmpi slt, %add3A_635, %add3A_112 : i32
      %convert_element_type3A_637 = arith.extui %lt3A_636 : i1 to i32
      %cond3A_638 = arith.constant 0 : i32
      %cond3A_639 = arith.cmpi ne, %convert_element_type3A_637, %cond3A_638 : i32
      scf.if %cond3A_639 {
        %add3A_663 = arith.constant 2 : i32
        %add3A_664 = arith.addi %mul3A_622, %add3A_663 : i32
        %add3A_665 = arith.addi %add3A_107, %add3A_664 : i32
        %mul3A_666 = arith.constant 8 : i32
        %mul3A_667 = arith.muli %add3A_665, %mul3A_666 : i32
        %run_scoped3A_668 = arith.constant 0 : i32
        "tpu.region"() ({
          %run_scoped3A_798 = tpu.sem_alloc : memref<!tpu.dma_semaphore, #tpu.memory_space<semaphore_mem>>
          %dma_start3A_799 = arith.constant 0 : i32
          %dma_start3A_800 = arith.constant 0 : i32
          %dma_start3A_801 = arith.constant 0 : i32
          %dma_start3A_802 = tpu.memref_slice %arg8[%run_scoped3A_668, %dma_start3A_799, %dma_start3A_800, %dma_start3A_801] : memref<2x8x2x128xi32, #tpu.memory_space<vmem>> -> memref<1x8x2x128xi32, #tpu.memory_space<vmem>>
          %dma_start3A_803 = tpu.memref_squeeze %dma_start3A_802 : memref<1x8x2x128xi32, #tpu.memory_space<vmem>> -> memref<8x2x128xi32, #tpu.memory_space<vmem>>
          %dma_start3A_804 = arith.constant 0 : i32
          %dma_start3A_805 = arith.constant 0 : i32
          %dma_start3A_806 = tpu.memref_slice %arg4[%mul3A_667, %dma_start3A_804, %dma_start3A_805] : memref<25000x2x128xi32, #tpu.memory_space<hbm>> -> memref<8x2x128xi32, #tpu.memory_space<hbm>>
          %dma_start3A_807 = arith.constant 0 : i32
          %dma_start3A_808 = arith.constant 0 : i32
          %dma_start3A_809 = arith.constant 0 : i32
          %dma_start3A_810 = tpu.memref_slice %arg8[%run_scoped3A_668, %dma_start3A_807, %dma_start3A_808, %dma_start3A_809] : memref<2x8x2x128xi32, #tpu.memory_space<vmem>> -> memref<1x8x2x128xi32, #tpu.memory_space<vmem>>
          %dma_start3A_811 = tpu.memref_squeeze %dma_start3A_810 : memref<1x8x2x128xi32, #tpu.memory_space<vmem>> -> memref<8x2x128xi32, #tpu.memory_space<vmem>>
          %dma_start3A_812 = arith.constant 0 : i32
          %dma_start3A_813 = arith.constant 0 : i32
          %dma_start3A_814 = tpu.memref_slice %arg4[%mul3A_667, %dma_start3A_812, %dma_start3A_813] : memref<25000x2x128xi32, #tpu.memory_space<hbm>> -> memref<8x2x128xi32, #tpu.memory_space<hbm>>
          tpu.enqueue_dma source(%dma_start3A_814 : memref<8x2x128xi32, #tpu.memory_space<hbm>>) target(%dma_start3A_811 : memref<8x2x128xi32, #tpu.memory_space<vmem>>) target_semaphore(%run_scoped3A_798 : memref<!tpu.dma_semaphore, #tpu.memory_space<semaphore_mem>>)
          %dma_wait3A_815 = arith.constant 0 : i32
          %dma_wait3A_816 = arith.constant 0 : i32
          %dma_wait3A_817 = arith.constant 0 : i32
          %dma_wait3A_818 = tpu.memref_slice %arg8[%run_scoped3A_668, %dma_wait3A_815, %dma_wait3A_816, %dma_wait3A_817] : memref<2x8x2x128xi32, #tpu.memory_space<vmem>> -> memref<1x8x2x128xi32, #tpu.memory_space<vmem>>
          %dma_wait3A_819 = tpu.memref_squeeze %dma_wait3A_818 : memref<1x8x2x128xi32, #tpu.memory_space<vmem>> -> memref<8x2x128xi32, #tpu.memory_space<vmem>>
          %dma_wait3A_820 = arith.constant 0 : i32
          %dma_wait3A_821 = arith.constant 0 : i32
          %dma_wait3A_822 = tpu.memref_slice %arg4[%mul3A_667, %dma_wait3A_820, %dma_wait3A_821] : memref<25000x2x128xi32, #tpu.memory_space<hbm>> -> memref<8x2x128xi32, #tpu.memory_space<hbm>>
          %dma_wait3A_823 = arith.constant 0 : i32
          %dma_wait3A_824 = arith.constant 0 : i32
          %dma_wait3A_825 = arith.constant 0 : i32
          %dma_wait3A_826 = tpu.memref_slice %arg8[%run_scoped3A_668, %dma_wait3A_823, %dma_wait3A_824, %dma_wait3A_825] : memref<2x8x2x128xi32, #tpu.memory_space<vmem>> -> memref<1x8x2x128xi32, #tpu.memory_space<vmem>>
          %dma_wait3A_827 = tpu.memref_squeeze %dma_wait3A_826 : memref<1x8x2x128xi32, #tpu.memory_space<vmem>> -> memref<8x2x128xi32, #tpu.memory_space<vmem>>
          %dma_wait3A_828 = arith.constant 0 : i32
          %dma_wait3A_829 = arith.constant 0 : i32
          %dma_wait3A_830 = tpu.memref_slice %arg4[%mul3A_667, %dma_wait3A_828, %dma_wait3A_829] : memref<25000x2x128xi32, #tpu.memory_space<hbm>> -> memref<8x2x128xi32, #tpu.memory_space<hbm>>
          tpu.wait_dma2 semaphore(%run_scoped3A_798 : memref<!tpu.dma_semaphore, #tpu.memory_space<semaphore_mem>>) src(%dma_wait3A_830 : memref<8x2x128xi32, #tpu.memory_space<hbm>>) dst(%dma_wait3A_827 : memref<8x2x128xi32, #tpu.memory_space<vmem>>)
          tpu.yield
        }) : () -> ()
        %dma_start3A_669 = arith.constant 0 : i32
        %dma_start3A_670 = arith.constant 0 : i32
        %dma_start3A_671 = arith.constant 0 : i32
        %dma_start3A_672 = arith.constant 0 : i32
        %dma_start3A_673 = tpu.memref_slice %arg9[%dma_start3A_669, %dma_start3A_670, %dma_start3A_671, %dma_start3A_672] : memref<2x8x4x128xf32, #tpu.memory_space<vmem>> -> memref<1x8x4x128xf32, #tpu.memory_space<vmem>>
        %dma_start3A_674 = tpu.memref_squeeze %dma_start3A_673 : memref<1x8x4x128xf32, #tpu.memory_space<vmem>> -> memref<8x4x128xf32, #tpu.memory_space<vmem>>
        %dma_start3A_675 = arith.constant 0 : i32
        %dma_start3A_676 = arith.constant 0 : i32
        %dma_start3A_677 = tpu.memref_slice %arg3[%mul3A_667, %dma_start3A_675, %dma_start3A_676] : memref<25000x4x128xf32, #tpu.memory_space<hbm>> -> memref<8x4x128xf32, #tpu.memory_space<hbm>>
        %dma_start3A_678 = arith.constant 0 : i32
        %dma_start3A_679 = arith.constant 0 : i32
        %dma_start3A_680 = arith.constant 0 : i32
        %dma_start3A_681 = tpu.memref_slice %arg9[%dma_start3A_669, %dma_start3A_678, %dma_start3A_679, %dma_start3A_680] : memref<2x8x4x128xf32, #tpu.memory_space<vmem>> -> memref<1x8x4x128xf32, #tpu.memory_space<vmem>>
        %dma_start3A_682 = tpu.memref_squeeze %dma_start3A_681 : memref<1x8x4x128xf32, #tpu.memory_space<vmem>> -> memref<8x4x128xf32, #tpu.memory_space<vmem>>
        %dma_start3A_683 = arith.constant 0 : i32
        %dma_start3A_684 = arith.constant 0 : i32
        %dma_start3A_685 = tpu.memref_slice %arg3[%mul3A_667, %dma_start3A_683, %dma_start3A_684] : memref<25000x4x128xf32, #tpu.memory_space<hbm>> -> memref<8x4x128xf32, #tpu.memory_space<hbm>>
        tpu.enqueue_dma source(%dma_start3A_685 : memref<8x4x128xf32, #tpu.memory_space<hbm>>) target(%dma_start3A_682 : memref<8x4x128xf32, #tpu.memory_space<vmem>>) target_semaphore(%arg15 : memref<!tpu.dma_semaphore, #tpu.memory_space<semaphore_mem>>)
        %dma_start3A_686 = arith.constant 0 : i32
        %dma_start3A_687 = arith.constant 0 : i32
        %dma_start3A_688 = arith.constant 0 : i32
        %dma_start3A_689 = arith.constant 0 : i32
        %dma_start3A_690 = arith.constant 0 : i32
        %dma_start3A_691 = arith.constant 0 : i32
        %dma_start3A_692 = tpu.memref_slice %arg10[%dma_start3A_689, %dma_start3A_690, %dma_start3A_691] : memref<2x1024x8xf32, #tpu.memory_space<vmem>> -> memref<1x128x8xf32, #tpu.memory_space<vmem>>
        %dma_start3A_693 = tpu.memref_squeeze %dma_start3A_692 : memref<1x128x8xf32, #tpu.memory_space<vmem>> -> memref<128x8xf32, #tpu.memory_space<vmem>>
        %dma_start3A_694 = arith.constant 0 : i32
        %dma_start3A_695 = tpu.memref_slice %arg8[%dma_start3A_686, %dma_start3A_687, %dma_start3A_688, %dma_start3A_694] : memref<2x8x2x128xi32, #tpu.memory_space<vmem>> -> memref<1x1x1x128xi32, #tpu.memory_space<vmem>>
        %dma_start3A_696 = tpu.memref_squeeze %dma_start3A_695 : memref<1x1x1x128xi32, #tpu.memory_space<vmem>> -> memref<128xi32, #tpu.memory_space<vmem>>
        %dma_start3A_697 = arith.constant 0 : i32
        %dma_start3A_698 = arith.constant 0 : i32
        %dma_start3A_699 = tpu.memref_slice %arg2[%dma_start3A_697, %dma_start3A_698] : memref<100000x8xf32, #tpu.memory_space<hbm>> -> memref<100000x8xf32, #tpu.memory_space<hbm>>
        tpu.enqueue_indirect_dma source(%dma_start3A_699 : memref<100000x8xf32, #tpu.memory_space<hbm>>) target(%dma_start3A_693 : memref<128x8xf32, #tpu.memory_space<vmem>>) offsets(%dma_start3A_696 : memref<128xi32, #tpu.memory_space<vmem>>) semaphore(%arg15 : memref<!tpu.dma_semaphore, #tpu.memory_space<semaphore_mem>>)
        %dma_start3A_700 = arith.constant 0 : i32
        %dma_start3A_701 = arith.constant 1 : i32
        %dma_start3A_702 = arith.constant 0 : i32
        %dma_start3A_703 = arith.constant 0 : i32
        %dma_start3A_704 = arith.constant 128 : i32
        %dma_start3A_705 = arith.constant 0 : i32
        %dma_start3A_706 = tpu.memref_slice %arg10[%dma_start3A_703, %dma_start3A_704, %dma_start3A_705] : memref<2x1024x8xf32, #tpu.memory_space<vmem>> -> memref<1x128x8xf32, #tpu.memory_space<vmem>>
        %dma_start3A_707 = tpu.memref_squeeze %dma_start3A_706 : memref<1x128x8xf32, #tpu.memory_space<vmem>> -> memref<128x8xf32, #tpu.memory_space<vmem>>
        %dma_start3A_708 = arith.constant 0 : i32
        %dma_start3A_709 = tpu.memref_slice %arg8[%dma_start3A_700, %dma_start3A_701, %dma_start3A_702, %dma_start3A_708] : memref<2x8x2x128xi32, #tpu.memory_space<vmem>> -> memref<1x1x1x128xi32, #tpu.memory_space<vmem>>
        %dma_start3A_710 = tpu.memref_squeeze %dma_start3A_709 : memref<1x1x1x128xi32, #tpu.memory_space<vmem>> -> memref<128xi32, #tpu.memory_space<vmem>>
        %dma_start3A_711 = arith.constant 0 : i32
        %dma_start3A_712 = arith.constant 0 : i32
        %dma_start3A_713 = tpu.memref_slice %arg2[%dma_start3A_711, %dma_start3A_712] : memref<100000x8xf32, #tpu.memory_space<hbm>> -> memref<100000x8xf32, #tpu.memory_space<hbm>>
        tpu.enqueue_indirect_dma source(%dma_start3A_713 : memref<100000x8xf32, #tpu.memory_space<hbm>>) target(%dma_start3A_707 : memref<128x8xf32, #tpu.memory_space<vmem>>) offsets(%dma_start3A_710 : memref<128xi32, #tpu.memory_space<vmem>>) semaphore(%arg15 : memref<!tpu.dma_semaphore, #tpu.memory_space<semaphore_mem>>)
        %dma_start3A_714 = arith.constant 0 : i32
        %dma_start3A_715 = arith.constant 2 : i32
        %dma_start3A_716 = arith.constant 0 : i32
        %dma_start3A_717 = arith.constant 0 : i32
        %dma_start3A_718 = arith.constant 256 : i32
        %dma_start3A_719 = arith.constant 0 : i32
        %dma_start3A_720 = tpu.memref_slice %arg10[%dma_start3A_717, %dma_start3A_718, %dma_start3A_719] : memref<2x1024x8xf32, #tpu.memory_space<vmem>> -> memref<1x128x8xf32, #tpu.memory_space<vmem>>
        %dma_start3A_721 = tpu.memref_squeeze %dma_start3A_720 : memref<1x128x8xf32, #tpu.memory_space<vmem>> -> memref<128x8xf32, #tpu.memory_space<vmem>>
        %dma_start3A_722 = arith.constant 0 : i32
        %dma_start3A_723 = tpu.memref_slice %arg8[%dma_start3A_714, %dma_start3A_715, %dma_start3A_716, %dma_start3A_722] : memref<2x8x2x128xi32, #tpu.memory_space<vmem>> -> memref<1x1x1x128xi32, #tpu.memory_space<vmem>>
        %dma_start3A_724 = tpu.memref_squeeze %dma_start3A_723 : memref<1x1x1x128xi32, #tpu.memory_space<vmem>> -> memref<128xi32, #tpu.memory_space<vmem>>
        %dma_start3A_725 = arith.constant 0 : i32
        %dma_start3A_726 = arith.constant 0 : i32
        %dma_start3A_727 = tpu.memref_slice %arg2[%dma_start3A_725, %dma_start3A_726] : memref<100000x8xf32, #tpu.memory_space<hbm>> -> memref<100000x8xf32, #tpu.memory_space<hbm>>
        tpu.enqueue_indirect_dma source(%dma_start3A_727 : memref<100000x8xf32, #tpu.memory_space<hbm>>) target(%dma_start3A_721 : memref<128x8xf32, #tpu.memory_space<vmem>>) offsets(%dma_start3A_724 : memref<128xi32, #tpu.memory_space<vmem>>) semaphore(%arg15 : memref<!tpu.dma_semaphore, #tpu.memory_space<semaphore_mem>>)
        %dma_start3A_728 = arith.constant 0 : i32
        %dma_start3A_729 = arith.constant 3 : i32
        %dma_start3A_730 = arith.constant 0 : i32
        %dma_start3A_731 = arith.constant 0 : i32
        %dma_start3A_732 = arith.constant 384 : i32
        %dma_start3A_733 = arith.constant 0 : i32
        %dma_start3A_734 = tpu.memref_slice %arg10[%dma_start3A_731, %dma_start3A_732, %dma_start3A_733] : memref<2x1024x8xf32, #tpu.memory_space<vmem>> -> memref<1x128x8xf32, #tpu.memory_space<vmem>>
        %dma_start3A_735 = tpu.memref_squeeze %dma_start3A_734 : memref<1x128x8xf32, #tpu.memory_space<vmem>> -> memref<128x8xf32, #tpu.memory_space<vmem>>
        %dma_start3A_736 = arith.constant 0 : i32
        %dma_start3A_737 = tpu.memref_slice %arg8[%dma_start3A_728, %dma_start3A_729, %dma_start3A_730, %dma_start3A_736] : memref<2x8x2x128xi32, #tpu.memory_space<vmem>> -> memref<1x1x1x128xi32, #tpu.memory_space<vmem>>
        %dma_start3A_738 = tpu.memref_squeeze %dma_start3A_737 : memref<1x1x1x128xi32, #tpu.memory_space<vmem>> -> memref<128xi32, #tpu.memory_space<vmem>>
        %dma_start3A_739 = arith.constant 0 : i32
        %dma_start3A_740 = arith.constant 0 : i32
        %dma_start3A_741 = tpu.memref_slice %arg2[%dma_start3A_739, %dma_start3A_740] : memref<100000x8xf32, #tpu.memory_space<hbm>> -> memref<100000x8xf32, #tpu.memory_space<hbm>>
        tpu.enqueue_indirect_dma source(%dma_start3A_741 : memref<100000x8xf32, #tpu.memory_space<hbm>>) target(%dma_start3A_735 : memref<128x8xf32, #tpu.memory_space<vmem>>) offsets(%dma_start3A_738 : memref<128xi32, #tpu.memory_space<vmem>>) semaphore(%arg15 : memref<!tpu.dma_semaphore, #tpu.memory_space<semaphore_mem>>)
        %dma_start3A_742 = arith.constant 0 : i32
        %dma_start3A_743 = arith.constant 4 : i32
        %dma_start3A_744 = arith.constant 0 : i32
        %dma_start3A_745 = arith.constant 0 : i32
        %dma_start3A_746 = arith.constant 512 : i32
        %dma_start3A_747 = arith.constant 0 : i32
        %dma_start3A_748 = tpu.memref_slice %arg10[%dma_start3A_745, %dma_start3A_746, %dma_start3A_747] : memref<2x1024x8xf32, #tpu.memory_space<vmem>> -> memref<1x128x8xf32, #tpu.memory_space<vmem>>
        %dma_start3A_749 = tpu.memref_squeeze %dma_start3A_748 : memref<1x128x8xf32, #tpu.memory_space<vmem>> -> memref<128x8xf32, #tpu.memory_space<vmem>>
        %dma_start3A_750 = arith.constant 0 : i32
        %dma_start3A_751 = tpu.memref_slice %arg8[%dma_start3A_742, %dma_start3A_743, %dma_start3A_744, %dma_start3A_750] : memref<2x8x2x128xi32, #tpu.memory_space<vmem>> -> memref<1x1x1x128xi32, #tpu.memory_space<vmem>>
        %dma_start3A_752 = tpu.memref_squeeze %dma_start3A_751 : memref<1x1x1x128xi32, #tpu.memory_space<vmem>> -> memref<128xi32, #tpu.memory_space<vmem>>
        %dma_start3A_753 = arith.constant 0 : i32
        %dma_start3A_754 = arith.constant 0 : i32
        %dma_start3A_755 = tpu.memref_slice %arg2[%dma_start3A_753, %dma_start3A_754] : memref<100000x8xf32, #tpu.memory_space<hbm>> -> memref<100000x8xf32, #tpu.memory_space<hbm>>
        tpu.enqueue_indirect_dma source(%dma_start3A_755 : memref<100000x8xf32, #tpu.memory_space<hbm>>) target(%dma_start3A_749 : memref<128x8xf32, #tpu.memory_space<vmem>>) offsets(%dma_start3A_752 : memref<128xi32, #tpu.memory_space<vmem>>) semaphore(%arg15 : memref<!tpu.dma_semaphore, #tpu.memory_space<semaphore_mem>>)
        %dma_start3A_756 = arith.constant 0 : i32
        %dma_start3A_757 = arith.constant 5 : i32
        %dma_start3A_758 = arith.constant 0 : i32
        %dma_start3A_759 = arith.constant 0 : i32
        %dma_start3A_760 = arith.constant 640 : i32
        %dma_start3A_761 = arith.constant 0 : i32
        %dma_start3A_762 = tpu.memref_slice %arg10[%dma_start3A_759, %dma_start3A_760, %dma_start3A_761] : memref<2x1024x8xf32, #tpu.memory_space<vmem>> -> memref<1x128x8xf32, #tpu.memory_space<vmem>>
        %dma_start3A_763 = tpu.memref_squeeze %dma_start3A_762 : memref<1x128x8xf32, #tpu.memory_space<vmem>> -> memref<128x8xf32, #tpu.memory_space<vmem>>
        %dma_start3A_764 = arith.constant 0 : i32
        %dma_start3A_765 = tpu.memref_slice %arg8[%dma_start3A_756, %dma_start3A_757, %dma_start3A_758, %dma_start3A_764] : memref<2x8x2x128xi32, #tpu.memory_space<vmem>> -> memref<1x1x1x128xi32, #tpu.memory_space<vmem>>
        %dma_start3A_766 = tpu.memref_squeeze %dma_start3A_765 : memref<1x1x1x128xi32, #tpu.memory_space<vmem>> -> memref<128xi32, #tpu.memory_space<vmem>>
        %dma_start3A_767 = arith.constant 0 : i32
        %dma_start3A_768 = arith.constant 0 : i32
        %dma_start3A_769 = tpu.memref_slice %arg2[%dma_start3A_767, %dma_start3A_768] : memref<100000x8xf32, #tpu.memory_space<hbm>> -> memref<100000x8xf32, #tpu.memory_space<hbm>>
        tpu.enqueue_indirect_dma source(%dma_start3A_769 : memref<100000x8xf32, #tpu.memory_space<hbm>>) target(%dma_start3A_763 : memref<128x8xf32, #tpu.memory_space<vmem>>) offsets(%dma_start3A_766 : memref<128xi32, #tpu.memory_space<vmem>>) semaphore(%arg15 : memref<!tpu.dma_semaphore, #tpu.memory_space<semaphore_mem>>)
        %dma_start3A_770 = arith.constant 0 : i32
        %dma_start3A_771 = arith.constant 6 : i32
        %dma_start3A_772 = arith.constant 0 : i32
        %dma_start3A_773 = arith.constant 0 : i32
        %dma_start3A_774 = arith.constant 768 : i32
        %dma_start3A_775 = arith.constant 0 : i32
        %dma_start3A_776 = tpu.memref_slice %arg10[%dma_start3A_773, %dma_start3A_774, %dma_start3A_775] : memref<2x1024x8xf32, #tpu.memory_space<vmem>> -> memref<1x128x8xf32, #tpu.memory_space<vmem>>
        %dma_start3A_777 = tpu.memref_squeeze %dma_start3A_776 : memref<1x128x8xf32, #tpu.memory_space<vmem>> -> memref<128x8xf32, #tpu.memory_space<vmem>>
        %dma_start3A_778 = arith.constant 0 : i32
        %dma_start3A_779 = tpu.memref_slice %arg8[%dma_start3A_770, %dma_start3A_771, %dma_start3A_772, %dma_start3A_778] : memref<2x8x2x128xi32, #tpu.memory_space<vmem>> -> memref<1x1x1x128xi32, #tpu.memory_space<vmem>>
        %dma_start3A_780 = tpu.memref_squeeze %dma_start3A_779 : memref<1x1x1x128xi32, #tpu.memory_space<vmem>> -> memref<128xi32, #tpu.memory_space<vmem>>
        %dma_start3A_781 = arith.constant 0 : i32
        %dma_start3A_782 = arith.constant 0 : i32
        %dma_start3A_783 = tpu.memref_slice %arg2[%dma_start3A_781, %dma_start3A_782] : memref<100000x8xf32, #tpu.memory_space<hbm>> -> memref<100000x8xf32, #tpu.memory_space<hbm>>
        tpu.enqueue_indirect_dma source(%dma_start3A_783 : memref<100000x8xf32, #tpu.memory_space<hbm>>) target(%dma_start3A_777 : memref<128x8xf32, #tpu.memory_space<vmem>>) offsets(%dma_start3A_780 : memref<128xi32, #tpu.memory_space<vmem>>) semaphore(%arg15 : memref<!tpu.dma_semaphore, #tpu.memory_space<semaphore_mem>>)
        %dma_start3A_784 = arith.constant 0 : i32
        %dma_start3A_785 = arith.constant 7 : i32
        %dma_start3A_786 = arith.constant 0 : i32
        %dma_start3A_787 = arith.constant 0 : i32
        %dma_start3A_788 = arith.constant 896 : i32
        %dma_start3A_789 = arith.constant 0 : i32
        %dma_start3A_790 = tpu.memref_slice %arg10[%dma_start3A_787, %dma_start3A_788, %dma_start3A_789] : memref<2x1024x8xf32, #tpu.memory_space<vmem>> -> memref<1x128x8xf32, #tpu.memory_space<vmem>>
        %dma_start3A_791 = tpu.memref_squeeze %dma_start3A_790 : memref<1x128x8xf32, #tpu.memory_space<vmem>> -> memref<128x8xf32, #tpu.memory_space<vmem>>
        %dma_start3A_792 = arith.constant 0 : i32
        %dma_start3A_793 = tpu.memref_slice %arg8[%dma_start3A_784, %dma_start3A_785, %dma_start3A_786, %dma_start3A_792] : memref<2x8x2x128xi32, #tpu.memory_space<vmem>> -> memref<1x1x1x128xi32, #tpu.memory_space<vmem>>
        %dma_start3A_794 = tpu.memref_squeeze %dma_start3A_793 : memref<1x1x1x128xi32, #tpu.memory_space<vmem>> -> memref<128xi32, #tpu.memory_space<vmem>>
        %dma_start3A_795 = arith.constant 0 : i32
        %dma_start3A_796 = arith.constant 0 : i32
        %dma_start3A_797 = tpu.memref_slice %arg2[%dma_start3A_795, %dma_start3A_796] : memref<100000x8xf32, #tpu.memory_space<hbm>> -> memref<100000x8xf32, #tpu.memory_space<hbm>>
        tpu.enqueue_indirect_dma source(%dma_start3A_797 : memref<100000x8xf32, #tpu.memory_space<hbm>>) target(%dma_start3A_791 : memref<128x8xf32, #tpu.memory_space<vmem>>) offsets(%dma_start3A_794 : memref<128xi32, #tpu.memory_space<vmem>>) semaphore(%arg15 : memref<!tpu.dma_semaphore, #tpu.memory_space<semaphore_mem>>)
      } else {
      }
      %mul3A_640 = arith.constant 2 : i32
      %mul3A_641 = arith.muli %scan3A_620, %mul3A_640 : i32
      %add3A_642 = arith.constant 1 : i32
      %add3A_643 = arith.addi %mul3A_641, %add3A_642 : i32
      %lt3A_644 = arith.cmpi slt, %add3A_643, %add3A_112 : i32
      %convert_element_type3A_645 = arith.extui %lt3A_644 : i1 to i32
      %cond3A_646 = arith.constant 0 : i32
      %cond3A_647 = arith.cmpi ne, %convert_element_type3A_645, %cond3A_646 : i32
      scf.if %cond3A_647 {
        %dma_wait3A_663 = arith.constant 1 : i32
        %dma_wait3A_664 = arith.constant 0 : i32
        %dma_wait3A_665 = arith.constant 0 : i32
        %dma_wait3A_666 = arith.constant 0 : i32
        %dma_wait3A_667 = tpu.memref_slice %arg9[%dma_wait3A_663, %dma_wait3A_664, %dma_wait3A_665, %dma_wait3A_666] : memref<2x8x4x128xf32, #tpu.memory_space<vmem>> -> memref<1x8x4x128xf32, #tpu.memory_space<vmem>>
        %dma_wait3A_668 = tpu.memref_squeeze %dma_wait3A_667 : memref<1x8x4x128xf32, #tpu.memory_space<vmem>> -> memref<8x4x128xf32, #tpu.memory_space<vmem>>
        %dma_wait3A_669 = arith.constant 0 : i32
        %dma_wait3A_670 = arith.constant 0 : i32
        %dma_wait3A_671 = arith.constant 0 : i32
        %dma_wait3A_672 = tpu.memref_slice %arg3[%dma_wait3A_669, %dma_wait3A_670, %dma_wait3A_671] : memref<25000x4x128xf32, #tpu.memory_space<hbm>> -> memref<8x4x128xf32, #tpu.memory_space<hbm>>
        %dma_wait3A_673 = arith.constant 0 : i32
        %dma_wait3A_674 = arith.constant 0 : i32
        %dma_wait3A_675 = arith.constant 0 : i32
        %dma_wait3A_676 = tpu.memref_slice %arg9[%dma_wait3A_663, %dma_wait3A_673, %dma_wait3A_674, %dma_wait3A_675] : memref<2x8x4x128xf32, #tpu.memory_space<vmem>> -> memref<1x8x4x128xf32, #tpu.memory_space<vmem>>
        %dma_wait3A_677 = tpu.memref_squeeze %dma_wait3A_676 : memref<1x8x4x128xf32, #tpu.memory_space<vmem>> -> memref<8x4x128xf32, #tpu.memory_space<vmem>>
        %dma_wait3A_678 = arith.constant 0 : i32
        %dma_wait3A_679 = arith.constant 0 : i32
        %dma_wait3A_680 = arith.constant 0 : i32
        %dma_wait3A_681 = tpu.memref_slice %arg3[%dma_wait3A_678, %dma_wait3A_679, %dma_wait3A_680] : memref<25000x4x128xf32, #tpu.memory_space<hbm>> -> memref<8x4x128xf32, #tpu.memory_space<hbm>>
        tpu.wait_dma2 semaphore(%arg16 : memref<!tpu.dma_semaphore, #tpu.memory_space<semaphore_mem>>) src(%dma_wait3A_681 : memref<8x4x128xf32, #tpu.memory_space<hbm>>) dst(%dma_wait3A_677 : memref<8x4x128xf32, #tpu.memory_space<vmem>>)
        %dma_wait3A_682 = arith.constant 1 : i32
        %dma_wait3A_683 = arith.constant 0 : i32
        %dma_wait3A_684 = arith.constant 0 : i32
        %dma_wait3A_685 = arith.constant 1 : i32
        %dma_wait3A_686 = arith.constant 0 : i32
        %dma_wait3A_687 = arith.constant 0 : i32
        %dma_wait3A_688 = tpu.memref_slice %arg10[%dma_wait3A_685, %dma_wait3A_686, %dma_wait3A_687] : memref<2x1024x8xf32, #tpu.memory_space<vmem>> -> memref<1x128x8xf32, #tpu.memory_space<vmem>>
        %dma_wait3A_689 = tpu.memref_squeeze %dma_wait3A_688 : memref<1x128x8xf32, #tpu.memory_space<vmem>> -> memref<128x8xf32, #tpu.memory_space<vmem>>
        %dma_wait3A_690 = arith.constant 0 : i32
        %dma_wait3A_691 = tpu.memref_slice %arg8[%dma_wait3A_682, %dma_wait3A_683, %dma_wait3A_684, %dma_wait3A_690] : memref<2x8x2x128xi32, #tpu.memory_space<vmem>> -> memref<1x1x1x128xi32, #tpu.memory_space<vmem>>
        %dma_wait3A_692 = tpu.memref_squeeze %dma_wait3A_691 : memref<1x1x1x128xi32, #tpu.memory_space<vmem>> -> memref<128xi32, #tpu.memory_space<vmem>>
        %dma_wait3A_693 = arith.constant 0 : i32
        %dma_wait3A_694 = arith.constant 0 : i32
        %dma_wait3A_695 = tpu.memref_slice %arg2[%dma_wait3A_693, %dma_wait3A_694] : memref<100000x8xf32, #tpu.memory_space<hbm>> -> memref<100000x8xf32, #tpu.memory_space<hbm>>
        tpu.wait_indirect_dma semaphore(%arg16 : memref<!tpu.dma_semaphore, #tpu.memory_space<semaphore_mem>>) src(%dma_wait3A_695 : memref<100000x8xf32, #tpu.memory_space<hbm>>) dst(%dma_wait3A_689 : memref<128x8xf32, #tpu.memory_space<vmem>>)
        %dma_wait3A_696 = arith.constant 1 : i32
        %dma_wait3A_697 = arith.constant 1 : i32
        %dma_wait3A_698 = arith.constant 0 : i32
        %dma_wait3A_699 = arith.constant 1 : i32
        %dma_wait3A_700 = arith.constant 128 : i32
        %dma_wait3A_701 = arith.constant 0 : i32
        %dma_wait3A_702 = tpu.memref_slice %arg10[%dma_wait3A_699, %dma_wait3A_700, %dma_wait3A_701] : memref<2x1024x8xf32, #tpu.memory_space<vmem>> -> memref<1x128x8xf32, #tpu.memory_space<vmem>>
        %dma_wait3A_703 = tpu.memref_squeeze %dma_wait3A_702 : memref<1x128x8xf32, #tpu.memory_space<vmem>> -> memref<128x8xf32, #tpu.memory_space<vmem>>
        %dma_wait3A_704 = arith.constant 0 : i32
        %dma_wait3A_705 = tpu.memref_slice %arg8[%dma_wait3A_696, %dma_wait3A_697, %dma_wait3A_698, %dma_wait3A_704] : memref<2x8x2x128xi32, #tpu.memory_space<vmem>> -> memref<1x1x1x128xi32, #tpu.memory_space<vmem>>
        %dma_wait3A_706 = tpu.memref_squeeze %dma_wait3A_705 : memref<1x1x1x128xi32, #tpu.memory_space<vmem>> -> memref<128xi32, #tpu.memory_space<vmem>>
        %dma_wait3A_707 = arith.constant 0 : i32
        %dma_wait3A_708 = arith.constant 0 : i32
        %dma_wait3A_709 = tpu.memref_slice %arg2[%dma_wait3A_707, %dma_wait3A_708] : memref<100000x8xf32, #tpu.memory_space<hbm>> -> memref<100000x8xf32, #tpu.memory_space<hbm>>
        tpu.wait_indirect_dma semaphore(%arg16 : memref<!tpu.dma_semaphore, #tpu.memory_space<semaphore_mem>>) src(%dma_wait3A_709 : memref<100000x8xf32, #tpu.memory_space<hbm>>) dst(%dma_wait3A_703 : memref<128x8xf32, #tpu.memory_space<vmem>>)
        %dma_wait3A_710 = arith.constant 1 : i32
        %dma_wait3A_711 = arith.constant 2 : i32
        %dma_wait3A_712 = arith.constant 0 : i32
        %dma_wait3A_713 = arith.constant 1 : i32
        %dma_wait3A_714 = arith.constant 256 : i32
        %dma_wait3A_715 = arith.constant 0 : i32
        %dma_wait3A_716 = tpu.memref_slice %arg10[%dma_wait3A_713, %dma_wait3A_714, %dma_wait3A_715] : memref<2x1024x8xf32, #tpu.memory_space<vmem>> -> memref<1x128x8xf32, #tpu.memory_space<vmem>>
        %dma_wait3A_717 = tpu.memref_squeeze %dma_wait3A_716 : memref<1x128x8xf32, #tpu.memory_space<vmem>> -> memref<128x8xf32, #tpu.memory_space<vmem>>
        %dma_wait3A_718 = arith.constant 0 : i32
        %dma_wait3A_719 = tpu.memref_slice %arg8[%dma_wait3A_710, %dma_wait3A_711, %dma_wait3A_712, %dma_wait3A_718] : memref<2x8x2x128xi32, #tpu.memory_space<vmem>> -> memref<1x1x1x128xi32, #tpu.memory_space<vmem>>
        %dma_wait3A_720 = tpu.memref_squeeze %dma_wait3A_719 : memref<1x1x1x128xi32, #tpu.memory_space<vmem>> -> memref<128xi32, #tpu.memory_space<vmem>>
        %dma_wait3A_721 = arith.constant 0 : i32
        %dma_wait3A_722 = arith.constant 0 : i32
        %dma_wait3A_723 = tpu.memref_slice %arg2[%dma_wait3A_721, %dma_wait3A_722] : memref<100000x8xf32, #tpu.memory_space<hbm>> -> memref<100000x8xf32, #tpu.memory_space<hbm>>
        tpu.wait_indirect_dma semaphore(%arg16 : memref<!tpu.dma_semaphore, #tpu.memory_space<semaphore_mem>>) src(%dma_wait3A_723 : memref<100000x8xf32, #tpu.memory_space<hbm>>) dst(%dma_wait3A_717 : memref<128x8xf32, #tpu.memory_space<vmem>>)
        %dma_wait3A_724 = arith.constant 1 : i32
        %dma_wait3A_725 = arith.constant 3 : i32
        %dma_wait3A_726 = arith.constant 0 : i32
        %dma_wait3A_727 = arith.constant 1 : i32
        %dma_wait3A_728 = arith.constant 384 : i32
        %dma_wait3A_729 = arith.constant 0 : i32
        %dma_wait3A_730 = tpu.memref_slice %arg10[%dma_wait3A_727, %dma_wait3A_728, %dma_wait3A_729] : memref<2x1024x8xf32, #tpu.memory_space<vmem>> -> memref<1x128x8xf32, #tpu.memory_space<vmem>>
        %dma_wait3A_731 = tpu.memref_squeeze %dma_wait3A_730 : memref<1x128x8xf32, #tpu.memory_space<vmem>> -> memref<128x8xf32, #tpu.memory_space<vmem>>
        %dma_wait3A_732 = arith.constant 0 : i32
        %dma_wait3A_733 = tpu.memref_slice %arg8[%dma_wait3A_724, %dma_wait3A_725, %dma_wait3A_726, %dma_wait3A_732] : memref<2x8x2x128xi32, #tpu.memory_space<vmem>> -> memref<1x1x1x128xi32, #tpu.memory_space<vmem>>
        %dma_wait3A_734 = tpu.memref_squeeze %dma_wait3A_733 : memref<1x1x1x128xi32, #tpu.memory_space<vmem>> -> memref<128xi32, #tpu.memory_space<vmem>>
        %dma_wait3A_735 = arith.constant 0 : i32
        %dma_wait3A_736 = arith.constant 0 : i32
        %dma_wait3A_737 = tpu.memref_slice %arg2[%dma_wait3A_735, %dma_wait3A_736] : memref<100000x8xf32, #tpu.memory_space<hbm>> -> memref<100000x8xf32, #tpu.memory_space<hbm>>
        tpu.wait_indirect_dma semaphore(%arg16 : memref<!tpu.dma_semaphore, #tpu.memory_space<semaphore_mem>>) src(%dma_wait3A_737 : memref<100000x8xf32, #tpu.memory_space<hbm>>) dst(%dma_wait3A_731 : memref<128x8xf32, #tpu.memory_space<vmem>>)
        %dma_wait3A_738 = arith.constant 1 : i32
        %dma_wait3A_739 = arith.constant 4 : i32
        %dma_wait3A_740 = arith.constant 0 : i32
        %dma_wait3A_741 = arith.constant 1 : i32
        %dma_wait3A_742 = arith.constant 512 : i32
        %dma_wait3A_743 = arith.constant 0 : i32
        %dma_wait3A_744 = tpu.memref_slice %arg10[%dma_wait3A_741, %dma_wait3A_742, %dma_wait3A_743] : memref<2x1024x8xf32, #tpu.memory_space<vmem>> -> memref<1x128x8xf32, #tpu.memory_space<vmem>>
        %dma_wait3A_745 = tpu.memref_squeeze %dma_wait3A_744 : memref<1x128x8xf32, #tpu.memory_space<vmem>> -> memref<128x8xf32, #tpu.memory_space<vmem>>
        %dma_wait3A_746 = arith.constant 0 : i32
        %dma_wait3A_747 = tpu.memref_slice %arg8[%dma_wait3A_738, %dma_wait3A_739, %dma_wait3A_740, %dma_wait3A_746] : memref<2x8x2x128xi32, #tpu.memory_space<vmem>> -> memref<1x1x1x128xi32, #tpu.memory_space<vmem>>
        %dma_wait3A_748 = tpu.memref_squeeze %dma_wait3A_747 : memref<1x1x1x128xi32, #tpu.memory_space<vmem>> -> memref<128xi32, #tpu.memory_space<vmem>>
        %dma_wait3A_749 = arith.constant 0 : i32
        %dma_wait3A_750 = arith.constant 0 : i32
        %dma_wait3A_751 = tpu.memref_slice %arg2[%dma_wait3A_749, %dma_wait3A_750] : memref<100000x8xf32, #tpu.memory_space<hbm>> -> memref<100000x8xf32, #tpu.memory_space<hbm>>
        tpu.wait_indirect_dma semaphore(%arg16 : memref<!tpu.dma_semaphore, #tpu.memory_space<semaphore_mem>>) src(%dma_wait3A_751 : memref<100000x8xf32, #tpu.memory_space<hbm>>) dst(%dma_wait3A_745 : memref<128x8xf32, #tpu.memory_space<vmem>>)
        %dma_wait3A_752 = arith.constant 1 : i32
        %dma_wait3A_753 = arith.constant 5 : i32
        %dma_wait3A_754 = arith.constant 0 : i32
        %dma_wait3A_755 = arith.constant 1 : i32
        %dma_wait3A_756 = arith.constant 640 : i32
        %dma_wait3A_757 = arith.constant 0 : i32
        %dma_wait3A_758 = tpu.memref_slice %arg10[%dma_wait3A_755, %dma_wait3A_756, %dma_wait3A_757] : memref<2x1024x8xf32, #tpu.memory_space<vmem>> -> memref<1x128x8xf32, #tpu.memory_space<vmem>>
        %dma_wait3A_759 = tpu.memref_squeeze %dma_wait3A_758 : memref<1x128x8xf32, #tpu.memory_space<vmem>> -> memref<128x8xf32, #tpu.memory_space<vmem>>
        %dma_wait3A_760 = arith.constant 0 : i32
        %dma_wait3A_761 = tpu.memref_slice %arg8[%dma_wait3A_752, %dma_wait3A_753, %dma_wait3A_754, %dma_wait3A_760] : memref<2x8x2x128xi32, #tpu.memory_space<vmem>> -> memref<1x1x1x128xi32, #tpu.memory_space<vmem>>
        %dma_wait3A_762 = tpu.memref_squeeze %dma_wait3A_761 : memref<1x1x1x128xi32, #tpu.memory_space<vmem>> -> memref<128xi32, #tpu.memory_space<vmem>>
        %dma_wait3A_763 = arith.constant 0 : i32
        %dma_wait3A_764 = arith.constant 0 : i32
        %dma_wait3A_765 = tpu.memref_slice %arg2[%dma_wait3A_763, %dma_wait3A_764] : memref<100000x8xf32, #tpu.memory_space<hbm>> -> memref<100000x8xf32, #tpu.memory_space<hbm>>
        tpu.wait_indirect_dma semaphore(%arg16 : memref<!tpu.dma_semaphore, #tpu.memory_space<semaphore_mem>>) src(%dma_wait3A_765 : memref<100000x8xf32, #tpu.memory_space<hbm>>) dst(%dma_wait3A_759 : memref<128x8xf32, #tpu.memory_space<vmem>>)
        %dma_wait3A_766 = arith.constant 1 : i32
        %dma_wait3A_767 = arith.constant 6 : i32
        %dma_wait3A_768 = arith.constant 0 : i32
        %dma_wait3A_769 = arith.constant 1 : i32
        %dma_wait3A_770 = arith.constant 768 : i32
        %dma_wait3A_771 = arith.constant 0 : i32
        %dma_wait3A_772 = tpu.memref_slice %arg10[%dma_wait3A_769, %dma_wait3A_770, %dma_wait3A_771] : memref<2x1024x8xf32, #tpu.memory_space<vmem>> -> memref<1x128x8xf32, #tpu.memory_space<vmem>>
        %dma_wait3A_773 = tpu.memref_squeeze %dma_wait3A_772 : memref<1x128x8xf32, #tpu.memory_space<vmem>> -> memref<128x8xf32, #tpu.memory_space<vmem>>
        %dma_wait3A_774 = arith.constant 0 : i32
        %dma_wait3A_775 = tpu.memref_slice %arg8[%dma_wait3A_766, %dma_wait3A_767, %dma_wait3A_768, %dma_wait3A_774] : memref<2x8x2x128xi32, #tpu.memory_space<vmem>> -> memref<1x1x1x128xi32, #tpu.memory_space<vmem>>
        %dma_wait3A_776 = tpu.memref_squeeze %dma_wait3A_775 : memref<1x1x1x128xi32, #tpu.memory_space<vmem>> -> memref<128xi32, #tpu.memory_space<vmem>>
        %dma_wait3A_777 = arith.constant 0 : i32
        %dma_wait3A_778 = arith.constant 0 : i32
        %dma_wait3A_779 = tpu.memref_slice %arg2[%dma_wait3A_777, %dma_wait3A_778] : memref<100000x8xf32, #tpu.memory_space<hbm>> -> memref<100000x8xf32, #tpu.memory_space<hbm>>
        tpu.wait_indirect_dma semaphore(%arg16 : memref<!tpu.dma_semaphore, #tpu.memory_space<semaphore_mem>>) src(%dma_wait3A_779 : memref<100000x8xf32, #tpu.memory_space<hbm>>) dst(%dma_wait3A_773 : memref<128x8xf32, #tpu.memory_space<vmem>>)
        %dma_wait3A_780 = arith.constant 1 : i32
        %dma_wait3A_781 = arith.constant 7 : i32
        %dma_wait3A_782 = arith.constant 0 : i32
        %dma_wait3A_783 = arith.constant 1 : i32
        %dma_wait3A_784 = arith.constant 896 : i32
        %dma_wait3A_785 = arith.constant 0 : i32
        %dma_wait3A_786 = tpu.memref_slice %arg10[%dma_wait3A_783, %dma_wait3A_784, %dma_wait3A_785] : memref<2x1024x8xf32, #tpu.memory_space<vmem>> -> memref<1x128x8xf32, #tpu.memory_space<vmem>>
        %dma_wait3A_787 = tpu.memref_squeeze %dma_wait3A_786 : memref<1x128x8xf32, #tpu.memory_space<vmem>> -> memref<128x8xf32, #tpu.memory_space<vmem>>
        %dma_wait3A_788 = arith.constant 0 : i32
        %dma_wait3A_789 = tpu.memref_slice %arg8[%dma_wait3A_780, %dma_wait3A_781, %dma_wait3A_782, %dma_wait3A_788] : memref<2x8x2x128xi32, #tpu.memory_space<vmem>> -> memref<1x1x1x128xi32, #tpu.memory_space<vmem>>
        %dma_wait3A_790 = tpu.memref_squeeze %dma_wait3A_789 : memref<1x1x1x128xi32, #tpu.memory_space<vmem>> -> memref<128xi32, #tpu.memory_space<vmem>>
        %dma_wait3A_791 = arith.constant 0 : i32
        %dma_wait3A_792 = arith.constant 0 : i32
        %dma_wait3A_793 = tpu.memref_slice %arg2[%dma_wait3A_791, %dma_wait3A_792] : memref<100000x8xf32, #tpu.memory_space<hbm>> -> memref<100000x8xf32, #tpu.memory_space<hbm>>
        tpu.wait_indirect_dma semaphore(%arg16 : memref<!tpu.dma_semaphore, #tpu.memory_space<semaphore_mem>>) src(%dma_wait3A_793 : memref<100000x8xf32, #tpu.memory_space<hbm>>) dst(%dma_wait3A_787 : memref<128x8xf32, #tpu.memory_space<vmem>>)
      } else {
      }
      %gt3A_648 = arith.constant 0 : i32
      %gt3A_649 = arith.cmpi sgt, %scan3A_620, %gt3A_648 : i32
      %and3A_650 = arith.andi %gt3A_649, %lt3A_644 : i1
      %convert_element_type3A_651 = arith.extui %and3A_650 : i1 to i32
      %cond3A_652 = arith.constant 0 : i32
      %cond3A_653 = arith.cmpi ne, %convert_element_type3A_651, %cond3A_652 : i32
      scf.if %cond3A_653 {
        %dma_wait3A_663 = arith.constant 1 : i32
        %dma_wait3A_664 = arith.constant 1 : i32
        %dma_wait3A_665 = arith.constant 0 : i32
        %dma_wait3A_666 = arith.constant 0 : i32
        %dma_wait3A_667 = arith.constant 0 : i32
        %dma_wait3A_668 = tpu.memref_slice %arg11[%dma_wait3A_663, %dma_wait3A_666, %dma_wait3A_667] : memref<2x1024x8xf32, #tpu.memory_space<vmem>> -> memref<1x128x8xf32, #tpu.memory_space<vmem>>
        %dma_wait3A_669 = tpu.memref_squeeze %dma_wait3A_668 : memref<1x128x8xf32, #tpu.memory_space<vmem>> -> memref<128x8xf32, #tpu.memory_space<vmem>>
        %dma_wait3A_670 = arith.constant 0 : i32
        %dma_wait3A_671 = tpu.memref_slice %arg12[%dma_wait3A_664, %dma_wait3A_665, %dma_wait3A_670] : memref<2x8x128xi32, #tpu.memory_space<vmem>> -> memref<1x1x128xi32, #tpu.memory_space<vmem>>
        %dma_wait3A_672 = tpu.memref_squeeze %dma_wait3A_671 : memref<1x1x128xi32, #tpu.memory_space<vmem>> -> memref<128xi32, #tpu.memory_space<vmem>>
        %dma_wait3A_673 = arith.constant 0 : i32
        %dma_wait3A_674 = arith.constant 0 : i32
        %dma_wait3A_675 = tpu.memref_slice %arg14[%dma_wait3A_673, %dma_wait3A_674] : memref<100000x8xf32, #tpu.memory_space<vmem_shared>> -> memref<100000x8xf32, #tpu.memory_space<vmem_shared>>
        tpu.wait_indirect_dma semaphore(%arg18 : memref<!tpu.dma_semaphore, #tpu.memory_space<semaphore_mem>>) src(%dma_wait3A_669 : memref<128x8xf32, #tpu.memory_space<vmem>>) dst(%dma_wait3A_675 : memref<100000x8xf32, #tpu.memory_space<vmem_shared>>)
        %dma_wait3A_676 = arith.constant 1 : i32
        %dma_wait3A_677 = arith.constant 1 : i32
        %dma_wait3A_678 = arith.constant 1 : i32
        %dma_wait3A_679 = arith.constant 128 : i32
        %dma_wait3A_680 = arith.constant 0 : i32
        %dma_wait3A_681 = tpu.memref_slice %arg11[%dma_wait3A_676, %dma_wait3A_679, %dma_wait3A_680] : memref<2x1024x8xf32, #tpu.memory_space<vmem>> -> memref<1x128x8xf32, #tpu.memory_space<vmem>>
        %dma_wait3A_682 = tpu.memref_squeeze %dma_wait3A_681 : memref<1x128x8xf32, #tpu.memory_space<vmem>> -> memref<128x8xf32, #tpu.memory_space<vmem>>
        %dma_wait3A_683 = arith.constant 0 : i32
        %dma_wait3A_684 = tpu.memref_slice %arg12[%dma_wait3A_677, %dma_wait3A_678, %dma_wait3A_683] : memref<2x8x128xi32, #tpu.memory_space<vmem>> -> memref<1x1x128xi32, #tpu.memory_space<vmem>>
        %dma_wait3A_685 = tpu.memref_squeeze %dma_wait3A_684 : memref<1x1x128xi32, #tpu.memory_space<vmem>> -> memref<128xi32, #tpu.memory_space<vmem>>
        %dma_wait3A_686 = arith.constant 0 : i32
        %dma_wait3A_687 = arith.constant 0 : i32
        %dma_wait3A_688 = tpu.memref_slice %arg14[%dma_wait3A_686, %dma_wait3A_687] : memref<100000x8xf32, #tpu.memory_space<vmem_shared>> -> memref<100000x8xf32, #tpu.memory_space<vmem_shared>>
        tpu.wait_indirect_dma semaphore(%arg18 : memref<!tpu.dma_semaphore, #tpu.memory_space<semaphore_mem>>) src(%dma_wait3A_682 : memref<128x8xf32, #tpu.memory_space<vmem>>) dst(%dma_wait3A_688 : memref<100000x8xf32, #tpu.memory_space<vmem_shared>>)
        %dma_wait3A_689 = arith.constant 1 : i32
        %dma_wait3A_690 = arith.constant 1 : i32
        %dma_wait3A_691 = arith.constant 2 : i32
        %dma_wait3A_692 = arith.constant 256 : i32
        %dma_wait3A_693 = arith.constant 0 : i32
        %dma_wait3A_694 = tpu.memref_slice %arg11[%dma_wait3A_689, %dma_wait3A_692, %dma_wait3A_693] : memref<2x1024x8xf32, #tpu.memory_space<vmem>> -> memref<1x128x8xf32, #tpu.memory_space<vmem>>
        %dma_wait3A_695 = tpu.memref_squeeze %dma_wait3A_694 : memref<1x128x8xf32, #tpu.memory_space<vmem>> -> memref<128x8xf32, #tpu.memory_space<vmem>>
        %dma_wait3A_696 = arith.constant 0 : i32
        %dma_wait3A_697 = tpu.memref_slice %arg12[%dma_wait3A_690, %dma_wait3A_691, %dma_wait3A_696] : memref<2x8x128xi32, #tpu.memory_space<vmem>> -> memref<1x1x128xi32, #tpu.memory_space<vmem>>
        %dma_wait3A_698 = tpu.memref_squeeze %dma_wait3A_697 : memref<1x1x128xi32, #tpu.memory_space<vmem>> -> memref<128xi32, #tpu.memory_space<vmem>>
        %dma_wait3A_699 = arith.constant 0 : i32
        %dma_wait3A_700 = arith.constant 0 : i32
        %dma_wait3A_701 = tpu.memref_slice %arg14[%dma_wait3A_699, %dma_wait3A_700] : memref<100000x8xf32, #tpu.memory_space<vmem_shared>> -> memref<100000x8xf32, #tpu.memory_space<vmem_shared>>
        tpu.wait_indirect_dma semaphore(%arg18 : memref<!tpu.dma_semaphore, #tpu.memory_space<semaphore_mem>>) src(%dma_wait3A_695 : memref<128x8xf32, #tpu.memory_space<vmem>>) dst(%dma_wait3A_701 : memref<100000x8xf32, #tpu.memory_space<vmem_shared>>)
        %dma_wait3A_702 = arith.constant 1 : i32
        %dma_wait3A_703 = arith.constant 1 : i32
        %dma_wait3A_704 = arith.constant 3 : i32
        %dma_wait3A_705 = arith.constant 384 : i32
        %dma_wait3A_706 = arith.constant 0 : i32
        %dma_wait3A_707 = tpu.memref_slice %arg11[%dma_wait3A_702, %dma_wait3A_705, %dma_wait3A_706] : memref<2x1024x8xf32, #tpu.memory_space<vmem>> -> memref<1x128x8xf32, #tpu.memory_space<vmem>>
        %dma_wait3A_708 = tpu.memref_squeeze %dma_wait3A_707 : memref<1x128x8xf32, #tpu.memory_space<vmem>> -> memref<128x8xf32, #tpu.memory_space<vmem>>
        %dma_wait3A_709 = arith.constant 0 : i32
        %dma_wait3A_710 = tpu.memref_slice %arg12[%dma_wait3A_703, %dma_wait3A_704, %dma_wait3A_709] : memref<2x8x128xi32, #tpu.memory_space<vmem>> -> memref<1x1x128xi32, #tpu.memory_space<vmem>>
        %dma_wait3A_711 = tpu.memref_squeeze %dma_wait3A_710 : memref<1x1x128xi32, #tpu.memory_space<vmem>> -> memref<128xi32, #tpu.memory_space<vmem>>
        %dma_wait3A_712 = arith.constant 0 : i32
        %dma_wait3A_713 = arith.constant 0 : i32
        %dma_wait3A_714 = tpu.memref_slice %arg14[%dma_wait3A_712, %dma_wait3A_713] : memref<100000x8xf32, #tpu.memory_space<vmem_shared>> -> memref<100000x8xf32, #tpu.memory_space<vmem_shared>>
        tpu.wait_indirect_dma semaphore(%arg18 : memref<!tpu.dma_semaphore, #tpu.memory_space<semaphore_mem>>) src(%dma_wait3A_708 : memref<128x8xf32, #tpu.memory_space<vmem>>) dst(%dma_wait3A_714 : memref<100000x8xf32, #tpu.memory_space<vmem_shared>>)
        %dma_wait3A_715 = arith.constant 1 : i32
        %dma_wait3A_716 = arith.constant 1 : i32
        %dma_wait3A_717 = arith.constant 4 : i32
        %dma_wait3A_718 = arith.constant 512 : i32
        %dma_wait3A_719 = arith.constant 0 : i32
        %dma_wait3A_720 = tpu.memref_slice %arg11[%dma_wait3A_715, %dma_wait3A_718, %dma_wait3A_719] : memref<2x1024x8xf32, #tpu.memory_space<vmem>> -> memref<1x128x8xf32, #tpu.memory_space<vmem>>
        %dma_wait3A_721 = tpu.memref_squeeze %dma_wait3A_720 : memref<1x128x8xf32, #tpu.memory_space<vmem>> -> memref<128x8xf32, #tpu.memory_space<vmem>>
        %dma_wait3A_722 = arith.constant 0 : i32
        %dma_wait3A_723 = tpu.memref_slice %arg12[%dma_wait3A_716, %dma_wait3A_717, %dma_wait3A_722] : memref<2x8x128xi32, #tpu.memory_space<vmem>> -> memref<1x1x128xi32, #tpu.memory_space<vmem>>
        %dma_wait3A_724 = tpu.memref_squeeze %dma_wait3A_723 : memref<1x1x128xi32, #tpu.memory_space<vmem>> -> memref<128xi32, #tpu.memory_space<vmem>>
        %dma_wait3A_725 = arith.constant 0 : i32
        %dma_wait3A_726 = arith.constant 0 : i32
        %dma_wait3A_727 = tpu.memref_slice %arg14[%dma_wait3A_725, %dma_wait3A_726] : memref<100000x8xf32, #tpu.memory_space<vmem_shared>> -> memref<100000x8xf32, #tpu.memory_space<vmem_shared>>
        tpu.wait_indirect_dma semaphore(%arg18 : memref<!tpu.dma_semaphore, #tpu.memory_space<semaphore_mem>>) src(%dma_wait3A_721 : memref<128x8xf32, #tpu.memory_space<vmem>>) dst(%dma_wait3A_727 : memref<100000x8xf32, #tpu.memory_space<vmem_shared>>)
        %dma_wait3A_728 = arith.constant 1 : i32
        %dma_wait3A_729 = arith.constant 1 : i32
        %dma_wait3A_730 = arith.constant 5 : i32
        %dma_wait3A_731 = arith.constant 640 : i32
        %dma_wait3A_732 = arith.constant 0 : i32
        %dma_wait3A_733 = tpu.memref_slice %arg11[%dma_wait3A_728, %dma_wait3A_731, %dma_wait3A_732] : memref<2x1024x8xf32, #tpu.memory_space<vmem>> -> memref<1x128x8xf32, #tpu.memory_space<vmem>>
        %dma_wait3A_734 = tpu.memref_squeeze %dma_wait3A_733 : memref<1x128x8xf32, #tpu.memory_space<vmem>> -> memref<128x8xf32, #tpu.memory_space<vmem>>
        %dma_wait3A_735 = arith.constant 0 : i32
        %dma_wait3A_736 = tpu.memref_slice %arg12[%dma_wait3A_729, %dma_wait3A_730, %dma_wait3A_735] : memref<2x8x128xi32, #tpu.memory_space<vmem>> -> memref<1x1x128xi32, #tpu.memory_space<vmem>>
        %dma_wait3A_737 = tpu.memref_squeeze %dma_wait3A_736 : memref<1x1x128xi32, #tpu.memory_space<vmem>> -> memref<128xi32, #tpu.memory_space<vmem>>
        %dma_wait3A_738 = arith.constant 0 : i32
        %dma_wait3A_739 = arith.constant 0 : i32
        %dma_wait3A_740 = tpu.memref_slice %arg14[%dma_wait3A_738, %dma_wait3A_739] : memref<100000x8xf32, #tpu.memory_space<vmem_shared>> -> memref<100000x8xf32, #tpu.memory_space<vmem_shared>>
        tpu.wait_indirect_dma semaphore(%arg18 : memref<!tpu.dma_semaphore, #tpu.memory_space<semaphore_mem>>) src(%dma_wait3A_734 : memref<128x8xf32, #tpu.memory_space<vmem>>) dst(%dma_wait3A_740 : memref<100000x8xf32, #tpu.memory_space<vmem_shared>>)
        %dma_wait3A_741 = arith.constant 1 : i32
        %dma_wait3A_742 = arith.constant 1 : i32
        %dma_wait3A_743 = arith.constant 6 : i32
        %dma_wait3A_744 = arith.constant 768 : i32
        %dma_wait3A_745 = arith.constant 0 : i32
        %dma_wait3A_746 = tpu.memref_slice %arg11[%dma_wait3A_741, %dma_wait3A_744, %dma_wait3A_745] : memref<2x1024x8xf32, #tpu.memory_space<vmem>> -> memref<1x128x8xf32, #tpu.memory_space<vmem>>
        %dma_wait3A_747 = tpu.memref_squeeze %dma_wait3A_746 : memref<1x128x8xf32, #tpu.memory_space<vmem>> -> memref<128x8xf32, #tpu.memory_space<vmem>>
        %dma_wait3A_748 = arith.constant 0 : i32
        %dma_wait3A_749 = tpu.memref_slice %arg12[%dma_wait3A_742, %dma_wait3A_743, %dma_wait3A_748] : memref<2x8x128xi32, #tpu.memory_space<vmem>> -> memref<1x1x128xi32, #tpu.memory_space<vmem>>
        %dma_wait3A_750 = tpu.memref_squeeze %dma_wait3A_749 : memref<1x1x128xi32, #tpu.memory_space<vmem>> -> memref<128xi32, #tpu.memory_space<vmem>>
        %dma_wait3A_751 = arith.constant 0 : i32
        %dma_wait3A_752 = arith.constant 0 : i32
        %dma_wait3A_753 = tpu.memref_slice %arg14[%dma_wait3A_751, %dma_wait3A_752] : memref<100000x8xf32, #tpu.memory_space<vmem_shared>> -> memref<100000x8xf32, #tpu.memory_space<vmem_shared>>
        tpu.wait_indirect_dma semaphore(%arg18 : memref<!tpu.dma_semaphore, #tpu.memory_space<semaphore_mem>>) src(%dma_wait3A_747 : memref<128x8xf32, #tpu.memory_space<vmem>>) dst(%dma_wait3A_753 : memref<100000x8xf32, #tpu.memory_space<vmem_shared>>)
        %dma_wait3A_754 = arith.constant 1 : i32
        %dma_wait3A_755 = arith.constant 1 : i32
        %dma_wait3A_756 = arith.constant 7 : i32
        %dma_wait3A_757 = arith.constant 896 : i32
        %dma_wait3A_758 = arith.constant 0 : i32
        %dma_wait3A_759 = tpu.memref_slice %arg11[%dma_wait3A_754, %dma_wait3A_757, %dma_wait3A_758] : memref<2x1024x8xf32, #tpu.memory_space<vmem>> -> memref<1x128x8xf32, #tpu.memory_space<vmem>>
        %dma_wait3A_760 = tpu.memref_squeeze %dma_wait3A_759 : memref<1x128x8xf32, #tpu.memory_space<vmem>> -> memref<128x8xf32, #tpu.memory_space<vmem>>
        %dma_wait3A_761 = arith.constant 0 : i32
        %dma_wait3A_762 = tpu.memref_slice %arg12[%dma_wait3A_755, %dma_wait3A_756, %dma_wait3A_761] : memref<2x8x128xi32, #tpu.memory_space<vmem>> -> memref<1x1x128xi32, #tpu.memory_space<vmem>>
        %dma_wait3A_763 = tpu.memref_squeeze %dma_wait3A_762 : memref<1x1x128xi32, #tpu.memory_space<vmem>> -> memref<128xi32, #tpu.memory_space<vmem>>
        %dma_wait3A_764 = arith.constant 0 : i32
        %dma_wait3A_765 = arith.constant 0 : i32
        %dma_wait3A_766 = tpu.memref_slice %arg14[%dma_wait3A_764, %dma_wait3A_765] : memref<100000x8xf32, #tpu.memory_space<vmem_shared>> -> memref<100000x8xf32, #tpu.memory_space<vmem_shared>>
        tpu.wait_indirect_dma semaphore(%arg18 : memref<!tpu.dma_semaphore, #tpu.memory_space<semaphore_mem>>) src(%dma_wait3A_760 : memref<128x8xf32, #tpu.memory_space<vmem>>) dst(%dma_wait3A_766 : memref<100000x8xf32, #tpu.memory_space<vmem_shared>>)
      } else {
      }
      %convert_element_type3A_654 = arith.extui %lt3A_644 : i1 to i32
      %cond3A_655 = arith.constant 0 : i32
      %cond3A_656 = arith.cmpi ne, %convert_element_type3A_654, %cond3A_655 : i32
      scf.if %cond3A_656 {
        %scan3A_663 = arith.constant 0 : i32
        %scan3A_664 = arith.constant 0 : i32
        %scan3A_665 = arith.constant 64 : i32
        %scan3A_666 = arith.addi %scan3A_664, %scan3A_665 : i32
        %scan3A_667 = arith.constant 1 : i32
        scf.for %scan3A_773 = %scan3A_664 to %scan3A_666 step %scan3A_667  : i32 {
          %shift_right_arithmetic3A = arith.constant 3 : i32
          %shift_right_arithmetic3A_774 = arith.shrsi %scan3A_773, %shift_right_arithmetic3A : i32
          %and3A_775 = arith.constant 7 : i32
          %and3A_776 = arith.andi %scan3A_773, %and3A_775 : i32
          %mul3A_777 = arith.constant 16 : i32
          %mul3A_778 = arith.muli %and3A_776, %mul3A_777 : i32
          %mul3A_779 = arith.constant 16 : i32
          %mul3A_780 = arith.muli %scan3A_773, %mul3A_779 : i32
          %add3A_781 = vector.broadcast %mul3A_780 : i32 to vector<16xi32>
          %add3A_782 = arith.addi %add3A_781, %iota3A : vector<16xi32>
          %get3A_783 = arith.constant 1 : i32
          %get3A_784 = arith.constant 1 : i32
          %get3A_785 = arith.index_cast %get3A_783 : i32 to index
          %get3A_786 = arith.index_cast %shift_right_arithmetic3A_774 : i32 to index
          %get3A_787 = arith.index_cast %get3A_784 : i32 to index
          %get3A_788 = arith.index_cast %mul3A_778 : i32 to index
          %get3A_789 = tpu.vector_load %arg8[%get3A_785, %get3A_786, %get3A_787, %get3A_788] {strides = array<i32>} : memref<2x8x2x128xi32, #tpu.memory_space<vmem>>, vector<16xi32>,
          %swap3A = arith.constant 1 : i32
          %swap3A_790 = arith.index_cast %swap3A : i32 to index
          %swap3A_791 = arith.index_cast %shift_right_arithmetic3A_774 : i32 to index
          %swap3A_792 = arith.index_cast %mul3A_778 : i32 to index
          %swap3A_793 = tpu.vector_load %arg12[%swap3A_790, %swap3A_791, %swap3A_792] {strides = array<i32>} : memref<2x8x128xi32, #tpu.memory_space<vmem>>, vector<16xi32>,
          tpu.vector_store %arg12[%swap3A_790, %swap3A_791, %swap3A_792], %get3A_789 {strides = array<i32>} : memref<2x8x128xi32, #tpu.memory_space<vmem>>, vector<16xi32>,
          %gather3A = arith.constant 1 : i32
          %gather3A_794 = arith.constant 0 : i32
          %gather3A_795 = arith.constant 0 : i32
          %gather3A_796 = tpu.memref_slice %arg10[%gather3A, %gather3A_794, %gather3A_795] : memref<2x1024x8xf32, #tpu.memory_space<vmem>> -> memref<1x1024x8xf32, #tpu.memory_space<vmem>>
          %gather3A_797 = tpu.memref_squeeze %gather3A_796 : memref<1x1024x8xf32, #tpu.memory_space<vmem>> -> memref<1024x8xf32, #tpu.memory_space<vmem>>
          %gather3A_798 = tpu.vector_load_idx %gather3A_797[%add3A_782, %broadcast_in_dim3A_89] : memref<1024x8xf32, #tpu.memory_space<vmem>>[vector<16xi32>, vector<16xi32>], vector<16xf32>,
          %gather3A_799 = arith.constant 1 : i32
          %gather3A_800 = arith.constant 0 : i32
          %gather3A_801 = arith.constant 0 : i32
          %gather3A_802 = tpu.memref_slice %arg10[%gather3A_799, %gather3A_800, %gather3A_801] : memref<2x1024x8xf32, #tpu.memory_space<vmem>> -> memref<1x1024x8xf32, #tpu.memory_space<vmem>>
          %gather3A_803 = tpu.memref_squeeze %gather3A_802 : memref<1x1024x8xf32, #tpu.memory_space<vmem>> -> memref<1024x8xf32, #tpu.memory_space<vmem>>
          %gather3A_804 = tpu.vector_load_idx %gather3A_803[%add3A_782, %broadcast_in_dim3A_91] : memref<1024x8xf32, #tpu.memory_space<vmem>>[vector<16xi32>, vector<16xi32>], vector<16xf32>,
          %gather3A_805 = arith.constant 1 : i32
          %gather3A_806 = arith.constant 0 : i32
          %gather3A_807 = arith.constant 0 : i32
          %gather3A_808 = tpu.memref_slice %arg10[%gather3A_805, %gather3A_806, %gather3A_807] : memref<2x1024x8xf32, #tpu.memory_space<vmem>> -> memref<1x1024x8xf32, #tpu.memory_space<vmem>>
          %gather3A_809 = tpu.memref_squeeze %gather3A_808 : memref<1x1024x8xf32, #tpu.memory_space<vmem>> -> memref<1024x8xf32, #tpu.memory_space<vmem>>
          %gather3A_810 = tpu.vector_load_idx %gather3A_809[%add3A_782, %broadcast_in_dim3A_93] : memref<1024x8xf32, #tpu.memory_space<vmem>>[vector<16xi32>, vector<16xi32>], vector<16xf32>,
          %gather3A_811 = arith.constant 1 : i32
          %gather3A_812 = arith.constant 0 : i32
          %gather3A_813 = arith.constant 0 : i32
          %gather3A_814 = tpu.memref_slice %arg10[%gather3A_811, %gather3A_812, %gather3A_813] : memref<2x1024x8xf32, #tpu.memory_space<vmem>> -> memref<1x1024x8xf32, #tpu.memory_space<vmem>>
          %gather3A_815 = tpu.memref_squeeze %gather3A_814 : memref<1x1024x8xf32, #tpu.memory_space<vmem>> -> memref<1024x8xf32, #tpu.memory_space<vmem>>
          %gather3A_816 = tpu.vector_load_idx %gather3A_815[%add3A_782, %broadcast_in_dim3A_95] : memref<1024x8xf32, #tpu.memory_space<vmem>>[vector<16xi32>, vector<16xi32>], vector<16xf32>,
          %gather3A_817 = arith.constant 1 : i32
          %gather3A_818 = arith.constant 0 : i32
          %gather3A_819 = arith.constant 0 : i32
          %gather3A_820 = tpu.memref_slice %arg10[%gather3A_817, %gather3A_818, %gather3A_819] : memref<2x1024x8xf32, #tpu.memory_space<vmem>> -> memref<1x1024x8xf32, #tpu.memory_space<vmem>>
          %gather3A_821 = tpu.memref_squeeze %gather3A_820 : memref<1x1024x8xf32, #tpu.memory_space<vmem>> -> memref<1024x8xf32, #tpu.memory_space<vmem>>
          %gather3A_822 = tpu.vector_load_idx %gather3A_821[%add3A_782, %broadcast_in_dim3A_97] : memref<1024x8xf32, #tpu.memory_space<vmem>>[vector<16xi32>, vector<16xi32>], vector<16xf32>,
          %gather3A_823 = arith.constant 1 : i32
          %gather3A_824 = arith.constant 0 : i32
          %gather3A_825 = arith.constant 0 : i32
          %gather3A_826 = tpu.memref_slice %arg10[%gather3A_823, %gather3A_824, %gather3A_825] : memref<2x1024x8xf32, #tpu.memory_space<vmem>> -> memref<1x1024x8xf32, #tpu.memory_space<vmem>>
          %gather3A_827 = tpu.memref_squeeze %gather3A_826 : memref<1x1024x8xf32, #tpu.memory_space<vmem>> -> memref<1024x8xf32, #tpu.memory_space<vmem>>
          %gather3A_828 = tpu.vector_load_idx %gather3A_827[%add3A_782, %broadcast_in_dim3A_99] : memref<1024x8xf32, #tpu.memory_space<vmem>>[vector<16xi32>, vector<16xi32>], vector<16xf32>,
          %gather3A_829 = arith.constant 1 : i32
          %gather3A_830 = arith.constant 0 : i32
          %gather3A_831 = arith.constant 0 : i32
          %gather3A_832 = tpu.memref_slice %arg10[%gather3A_829, %gather3A_830, %gather3A_831] : memref<2x1024x8xf32, #tpu.memory_space<vmem>> -> memref<1x1024x8xf32, #tpu.memory_space<vmem>>
          %gather3A_833 = tpu.memref_squeeze %gather3A_832 : memref<1x1024x8xf32, #tpu.memory_space<vmem>> -> memref<1024x8xf32, #tpu.memory_space<vmem>>
          %gather3A_834 = tpu.vector_load_idx %gather3A_833[%add3A_782, %broadcast_in_dim3A_101] : memref<1024x8xf32, #tpu.memory_space<vmem>>[vector<16xi32>, vector<16xi32>], vector<16xf32>,
          %gather3A_835 = arith.constant 1 : i32
          %gather3A_836 = arith.constant 0 : i32
          %gather3A_837 = arith.constant 0 : i32
          %gather3A_838 = tpu.memref_slice %arg10[%gather3A_835, %gather3A_836, %gather3A_837] : memref<2x1024x8xf32, #tpu.memory_space<vmem>> -> memref<1x1024x8xf32, #tpu.memory_space<vmem>>
          %gather3A_839 = tpu.memref_squeeze %gather3A_838 : memref<1x1024x8xf32, #tpu.memory_space<vmem>> -> memref<1024x8xf32, #tpu.memory_space<vmem>>
          %gather3A_840 = tpu.vector_load_idx %gather3A_839[%add3A_782, %broadcast_in_dim3A_103] : memref<1024x8xf32, #tpu.memory_space<vmem>>[vector<16xi32>, vector<16xi32>], vector<16xf32>,
          %get3A_841 = arith.constant 1 : i32
          %get3A_842 = arith.constant 0 : i32
          %get3A_843 = arith.index_cast %get3A_841 : i32 to index
          %get3A_844 = arith.index_cast %shift_right_arithmetic3A_774 : i32 to index
          %get3A_845 = arith.index_cast %get3A_842 : i32 to index
          %get3A_846 = arith.index_cast %mul3A_778 : i32 to index
          %get3A_847 = tpu.vector_load %arg9[%get3A_843, %get3A_844, %get3A_845, %get3A_846] {strides = array<i32>} : memref<2x8x4x128xf32, #tpu.memory_space<vmem>>, vector<16xf32>,
          %get3A_848 = arith.constant 1 : i32
          %get3A_849 = arith.constant 1 : i32
          %get3A_850 = arith.index_cast %get3A_848 : i32 to index
          %get3A_851 = arith.index_cast %shift_right_arithmetic3A_774 : i32 to index
          %get3A_852 = arith.index_cast %get3A_849 : i32 to index
          %get3A_853 = arith.index_cast %mul3A_778 : i32 to index
          %get3A_854 = tpu.vector_load %arg9[%get3A_850, %get3A_851, %get3A_852, %get3A_853] {strides = array<i32>} : memref<2x8x4x128xf32, #tpu.memory_space<vmem>>, vector<16xf32>,
          %get3A_855 = arith.constant 1 : i32
          %get3A_856 = arith.constant 2 : i32
          %get3A_857 = arith.index_cast %get3A_855 : i32 to index
          %get3A_858 = arith.index_cast %shift_right_arithmetic3A_774 : i32 to index
          %get3A_859 = arith.index_cast %get3A_856 : i32 to index
          %get3A_860 = arith.index_cast %mul3A_778 : i32 to index
          %get3A_861 = tpu.vector_load %arg9[%get3A_857, %get3A_858, %get3A_859, %get3A_860] {strides = array<i32>} : memref<2x8x4x128xf32, #tpu.memory_space<vmem>>, vector<16xf32>,
          %get3A_862 = arith.constant 1 : i32
          %get3A_863 = arith.constant 3 : i32
          %get3A_864 = arith.index_cast %get3A_862 : i32 to index
          %get3A_865 = arith.index_cast %shift_right_arithmetic3A_774 : i32 to index
          %get3A_866 = arith.index_cast %get3A_863 : i32 to index
          %get3A_867 = arith.index_cast %mul3A_778 : i32 to index
          %get3A_868 = tpu.vector_load %arg9[%get3A_864, %get3A_865, %get3A_866, %get3A_867] {strides = array<i32>} : memref<2x8x4x128xf32, #tpu.memory_space<vmem>>, vector<16xf32>,
          %mul3A_869 = arith.mulf %gather3A_798, %get3A_847 : vector<16xf32>
          %mul3A_870 = arith.mulf %gather3A_804, %get3A_847 : vector<16xf32>
          %mul3A_871 = arith.mulf %gather3A_810, %get3A_854 : vector<16xf32>
          %mul3A_872 = arith.mulf %gather3A_816, %get3A_861 : vector<16xf32>
          %add3A_873 = arith.addf %mul3A_871, %mul3A_872 : vector<16xf32>
          %mul3A_874 = arith.mulf %gather3A_822, %get3A_868 : vector<16xf32>
          %add3A_875 = arith.addf %add3A_873, %mul3A_874 : vector<16xf32>
          %mul3A_876 = arith.mulf %gather3A_828, %get3A_854 : vector<16xf32>
          %mul3A_877 = arith.mulf %gather3A_834, %get3A_861 : vector<16xf32>
          %add3A_878 = arith.addf %mul3A_876, %mul3A_877 : vector<16xf32>
          %mul3A_879 = arith.mulf %gather3A_840, %get3A_868 : vector<16xf32>
          %add3A_880 = arith.addf %add3A_878, %mul3A_879 : vector<16xf32>
          %mul3A_881 = arith.mulf %get3A_28, %mul3A_869 : vector<16xf32>
          %mul3A_882 = arith.mulf %get3A_32, %mul3A_870 : vector<16xf32>
          %add3A_883 = arith.addf %mul3A_881, %mul3A_882 : vector<16xf32>
          %mul3A_884 = arith.mulf %get3A_44, %add3A_875 : vector<16xf32>
          %add3A_885 = arith.addf %add3A_883, %mul3A_884 : vector<16xf32>
          %mul3A_886 = arith.mulf %get3A_48, %add3A_880 : vector<16xf32>
          %add3A_887 = arith.addf %add3A_885, %mul3A_886 : vector<16xf32>
          %mul3A_888 = arith.mulf %get3A_36, %mul3A_869 : vector<16xf32>
          %mul3A_889 = arith.mulf %get3A_40, %mul3A_870 : vector<16xf32>
          %add3A_890 = arith.addf %mul3A_888, %mul3A_889 : vector<16xf32>
          %mul3A_891 = arith.mulf %get3A_52, %add3A_875 : vector<16xf32>
          %add3A_892 = arith.addf %add3A_890, %mul3A_891 : vector<16xf32>
          %mul3A_893 = arith.mulf %get3A_56, %add3A_880 : vector<16xf32>
          %add3A_894 = arith.addf %add3A_892, %mul3A_893 : vector<16xf32>
          %mul3A_895 = arith.mulf %get3A_60, %gather3A_798 : vector<16xf32>
          %mul3A_896 = arith.mulf %get3A_64, %gather3A_804 : vector<16xf32>
          %add3A_897 = arith.addf %mul3A_895, %mul3A_896 : vector<16xf32>
          %mul3A_898 = arith.mulf %get3A_68, %gather3A_798 : vector<16xf32>
          %mul3A_899 = arith.mulf %get3A_72, %gather3A_804 : vector<16xf32>
          %add3A_900 = arith.addf %mul3A_898, %mul3A_899 : vector<16xf32>
          %mul3A_901 = arith.mulf %add3A_897, %get3A_854 : vector<16xf32>
          %mul3A_902 = arith.mulf %get3A_76, %gather3A_810 : vector<16xf32>
          %mul3A_903 = arith.mulf %get3A_80, %gather3A_828 : vector<16xf32>
          %add3A_904 = arith.addf %mul3A_902, %mul3A_903 : vector<16xf32>
          %mul3A_905 = arith.mulf %get3A_847, %add3A_904 : vector<16xf32>
          %add3A_906 = arith.addf %mul3A_901, %mul3A_905 : vector<16xf32>
          %mul3A_907 = arith.mulf %add3A_897, %get3A_861 : vector<16xf32>
          %mul3A_908 = arith.mulf %get3A_76, %gather3A_816 : vector<16xf32>
          %mul3A_909 = arith.mulf %get3A_80, %gather3A_834 : vector<16xf32>
          %add3A_910 = arith.addf %mul3A_908, %mul3A_909 : vector<16xf32>
          %mul3A_911 = arith.mulf %get3A_847, %add3A_910 : vector<16xf32>
          %add3A_912 = arith.addf %mul3A_907, %mul3A_911 : vector<16xf32>
          %mul3A_913 = arith.mulf %add3A_897, %get3A_868 : vector<16xf32>
          %mul3A_914 = arith.mulf %get3A_76, %gather3A_822 : vector<16xf32>
          %mul3A_915 = arith.mulf %get3A_80, %gather3A_840 : vector<16xf32>
          %add3A_916 = arith.addf %mul3A_914, %mul3A_915 : vector<16xf32>
          %mul3A_917 = arith.mulf %get3A_847, %add3A_916 : vector<16xf32>
          %add3A_918 = arith.addf %mul3A_913, %mul3A_917 : vector<16xf32>
          %mul3A_919 = arith.mulf %add3A_900, %get3A_854 : vector<16xf32>
          %mul3A_920 = arith.mulf %get3A_84, %gather3A_810 : vector<16xf32>
          %mul3A_921 = arith.mulf %get3A_88, %gather3A_828 : vector<16xf32>
          %add3A_922 = arith.addf %mul3A_920, %mul3A_921 : vector<16xf32>
          %mul3A_923 = arith.mulf %get3A_847, %add3A_922 : vector<16xf32>
          %add3A_924 = arith.addf %mul3A_919, %mul3A_923 : vector<16xf32>
          %mul3A_925 = arith.mulf %add3A_900, %get3A_861 : vector<16xf32>
          %mul3A_926 = arith.mulf %get3A_84, %gather3A_816 : vector<16xf32>
          %mul3A_927 = arith.mulf %get3A_88, %gather3A_834 : vector<16xf32>
          %add3A_928 = arith.addf %mul3A_926, %mul3A_927 : vector<16xf32>
          %mul3A_929 = arith.mulf %get3A_847, %add3A_928 : vector<16xf32>
          %add3A_930 = arith.addf %mul3A_925, %mul3A_929 : vector<16xf32>
          %mul3A_931 = arith.mulf %add3A_900, %get3A_868 : vector<16xf32>
          %mul3A_932 = arith.mulf %get3A_84, %gather3A_822 : vector<16xf32>
          %mul3A_933 = arith.mulf %get3A_88, %gather3A_840 : vector<16xf32>
          %add3A_934 = arith.addf %mul3A_932, %mul3A_933 : vector<16xf32>
          %mul3A_935 = arith.mulf %get3A_847, %add3A_934 : vector<16xf32>
          %add3A_936 = arith.addf %mul3A_931, %mul3A_935 : vector<16xf32>
          %scatter3A = arith.constant 1 : i32
          %scatter3A_937 = arith.constant 0 : i32
          %scatter3A_938 = arith.constant 0 : i32
          %scatter3A_939 = tpu.memref_slice %arg11[%scatter3A, %scatter3A_937, %scatter3A_938] : memref<2x1024x8xf32, #tpu.memory_space<vmem>> -> memref<1x1024x8xf32, #tpu.memory_space<vmem>>
          %scatter3A_940 = tpu.memref_squeeze %scatter3A_939 : memref<1x1024x8xf32, #tpu.memory_space<vmem>> -> memref<1024x8xf32, #tpu.memory_space<vmem>>
          tpu.vector_store_idx %scatter3A_940[%add3A_782, %broadcast_in_dim3A_89], %add3A_887 : memref<1024x8xf32, #tpu.memory_space<vmem>>[vector<16xi32>, vector<16xi32>], vector<16xf32>,
          %scatter3A_941 = arith.constant 1 : i32
          %scatter3A_942 = arith.constant 0 : i32
          %scatter3A_943 = arith.constant 0 : i32
          %scatter3A_944 = tpu.memref_slice %arg11[%scatter3A_941, %scatter3A_942, %scatter3A_943] : memref<2x1024x8xf32, #tpu.memory_space<vmem>> -> memref<1x1024x8xf32, #tpu.memory_space<vmem>>
          %scatter3A_945 = tpu.memref_squeeze %scatter3A_944 : memref<1x1024x8xf32, #tpu.memory_space<vmem>> -> memref<1024x8xf32, #tpu.memory_space<vmem>>
          tpu.vector_store_idx %scatter3A_945[%add3A_782, %broadcast_in_dim3A_91], %add3A_894 : memref<1024x8xf32, #tpu.memory_space<vmem>>[vector<16xi32>, vector<16xi32>], vector<16xf32>,
          %scatter3A_946 = arith.constant 1 : i32
          %scatter3A_947 = arith.constant 0 : i32
          %scatter3A_948 = arith.constant 0 : i32
          %scatter3A_949 = tpu.memref_slice %arg11[%scatter3A_946, %scatter3A_947, %scatter3A_948] : memref<2x1024x8xf32, #tpu.memory_space<vmem>> -> memref<1x1024x8xf32, #tpu.memory_space<vmem>>
          %scatter3A_950 = tpu.memref_squeeze %scatter3A_949 : memref<1x1024x8xf32, #tpu.memory_space<vmem>> -> memref<1024x8xf32, #tpu.memory_space<vmem>>
          tpu.vector_store_idx %scatter3A_950[%add3A_782, %broadcast_in_dim3A_93], %add3A_906 : memref<1024x8xf32, #tpu.memory_space<vmem>>[vector<16xi32>, vector<16xi32>], vector<16xf32>,
          %scatter3A_951 = arith.constant 1 : i32
          %scatter3A_952 = arith.constant 0 : i32
          %scatter3A_953 = arith.constant 0 : i32
          %scatter3A_954 = tpu.memref_slice %arg11[%scatter3A_951, %scatter3A_952, %scatter3A_953] : memref<2x1024x8xf32, #tpu.memory_space<vmem>> -> memref<1x1024x8xf32, #tpu.memory_space<vmem>>
          %scatter3A_955 = tpu.memref_squeeze %scatter3A_954 : memref<1x1024x8xf32, #tpu.memory_space<vmem>> -> memref<1024x8xf32, #tpu.memory_space<vmem>>
          tpu.vector_store_idx %scatter3A_955[%add3A_782, %broadcast_in_dim3A_95], %add3A_912 : memref<1024x8xf32, #tpu.memory_space<vmem>>[vector<16xi32>, vector<16xi32>], vector<16xf32>,
          %scatter3A_956 = arith.constant 1 : i32
          %scatter3A_957 = arith.constant 0 : i32
          %scatter3A_958 = arith.constant 0 : i32
          %scatter3A_959 = tpu.memref_slice %arg11[%scatter3A_956, %scatter3A_957, %scatter3A_958] : memref<2x1024x8xf32, #tpu.memory_space<vmem>> -> memref<1x1024x8xf32, #tpu.memory_space<vmem>>
          %scatter3A_960 = tpu.memref_squeeze %scatter3A_959 : memref<1x1024x8xf32, #tpu.memory_space<vmem>> -> memref<1024x8xf32, #tpu.memory_space<vmem>>
          tpu.vector_store_idx %scatter3A_960[%add3A_782, %broadcast_in_dim3A_97], %add3A_918 : memref<1024x8xf32, #tpu.memory_space<vmem>>[vector<16xi32>, vector<16xi32>], vector<16xf32>,
          %scatter3A_961 = arith.constant 1 : i32
          %scatter3A_962 = arith.constant 0 : i32
          %scatter3A_963 = arith.constant 0 : i32
          %scatter3A_964 = tpu.memref_slice %arg11[%scatter3A_961, %scatter3A_962, %scatter3A_963] : memref<2x1024x8xf32, #tpu.memory_space<vmem>> -> memref<1x1024x8xf32, #tpu.memory_space<vmem>>
          %scatter3A_965 = tpu.memref_squeeze %scatter3A_964 : memref<1x1024x8xf32, #tpu.memory_space<vmem>> -> memref<1024x8xf32, #tpu.memory_space<vmem>>
          tpu.vector_store_idx %scatter3A_965[%add3A_782, %broadcast_in_dim3A_99], %add3A_924 : memref<1024x8xf32, #tpu.memory_space<vmem>>[vector<16xi32>, vector<16xi32>], vector<16xf32>,
          %scatter3A_966 = arith.constant 1 : i32
          %scatter3A_967 = arith.constant 0 : i32
          %scatter3A_968 = arith.constant 0 : i32
          %scatter3A_969 = tpu.memref_slice %arg11[%scatter3A_966, %scatter3A_967, %scatter3A_968] : memref<2x1024x8xf32, #tpu.memory_space<vmem>> -> memref<1x1024x8xf32, #tpu.memory_space<vmem>>
          %scatter3A_970 = tpu.memref_squeeze %scatter3A_969 : memref<1x1024x8xf32, #tpu.memory_space<vmem>> -> memref<1024x8xf32, #tpu.memory_space<vmem>>
          tpu.vector_store_idx %scatter3A_970[%add3A_782, %broadcast_in_dim3A_101], %add3A_930 : memref<1024x8xf32, #tpu.memory_space<vmem>>[vector<16xi32>, vector<16xi32>], vector<16xf32>,
          %scatter3A_971 = arith.constant 1 : i32
          %scatter3A_972 = arith.constant 0 : i32
          %scatter3A_973 = arith.constant 0 : i32
          %scatter3A_974 = tpu.memref_slice %arg11[%scatter3A_971, %scatter3A_972, %scatter3A_973] : memref<2x1024x8xf32, #tpu.memory_space<vmem>> -> memref<1x1024x8xf32, #tpu.memory_space<vmem>>
          %scatter3A_975 = tpu.memref_squeeze %scatter3A_974 : memref<1x1024x8xf32, #tpu.memory_space<vmem>> -> memref<1024x8xf32, #tpu.memory_space<vmem>>
          tpu.vector_store_idx %scatter3A_975[%add3A_782, %broadcast_in_dim3A_103], %add3A_936 : memref<1024x8xf32, #tpu.memory_space<vmem>>[vector<16xi32>, vector<16xi32>], vector<16xf32>,
        }
        %scan3A_668 = arith.constant 64 : i32
        %dma_start3A_669 = arith.constant 1 : i32
        %dma_start3A_670 = arith.constant 1 : i32
        %dma_start3A_671 = arith.constant 0 : i32
        %dma_start3A_672 = arith.constant 0 : i32
        %dma_start3A_673 = arith.constant 0 : i32
        %dma_start3A_674 = tpu.memref_slice %arg11[%dma_start3A_669, %dma_start3A_672, %dma_start3A_673] : memref<2x1024x8xf32, #tpu.memory_space<vmem>> -> memref<1x128x8xf32, #tpu.memory_space<vmem>>
        %dma_start3A_675 = tpu.memref_squeeze %dma_start3A_674 : memref<1x128x8xf32, #tpu.memory_space<vmem>> -> memref<128x8xf32, #tpu.memory_space<vmem>>
        %dma_start3A_676 = arith.constant 0 : i32
        %dma_start3A_677 = tpu.memref_slice %arg12[%dma_start3A_670, %dma_start3A_671, %dma_start3A_676] : memref<2x8x128xi32, #tpu.memory_space<vmem>> -> memref<1x1x128xi32, #tpu.memory_space<vmem>>
        %dma_start3A_678 = tpu.memref_squeeze %dma_start3A_677 : memref<1x1x128xi32, #tpu.memory_space<vmem>> -> memref<128xi32, #tpu.memory_space<vmem>>
        %dma_start3A_679 = arith.constant 0 : i32
        %dma_start3A_680 = arith.constant 0 : i32
        %dma_start3A_681 = tpu.memref_slice %arg14[%dma_start3A_679, %dma_start3A_680] : memref<100000x8xf32, #tpu.memory_space<vmem_shared>> -> memref<100000x8xf32, #tpu.memory_space<vmem_shared>>
        tpu.enqueue_indirect_dma source(%dma_start3A_675 : memref<128x8xf32, #tpu.memory_space<vmem>>) target(%dma_start3A_681 : memref<100000x8xf32, #tpu.memory_space<vmem_shared>>) offsets(%dma_start3A_678 : memref<128xi32, #tpu.memory_space<vmem>>) semaphore(%arg18 : memref<!tpu.dma_semaphore, #tpu.memory_space<semaphore_mem>>) {add = true}
        %dma_start3A_682 = arith.constant 1 : i32
        %dma_start3A_683 = arith.constant 1 : i32
        %dma_start3A_684 = arith.constant 1 : i32
        %dma_start3A_685 = arith.constant 128 : i32
        %dma_start3A_686 = arith.constant 0 : i32
        %dma_start3A_687 = tpu.memref_slice %arg11[%dma_start3A_682, %dma_start3A_685, %dma_start3A_686] : memref<2x1024x8xf32, #tpu.memory_space<vmem>> -> memref<1x128x8xf32, #tpu.memory_space<vmem>>
        %dma_start3A_688 = tpu.memref_squeeze %dma_start3A_687 : memref<1x128x8xf32, #tpu.memory_space<vmem>> -> memref<128x8xf32, #tpu.memory_space<vmem>>
        %dma_start3A_689 = arith.constant 0 : i32
        %dma_start3A_690 = tpu.memref_slice %arg12[%dma_start3A_683, %dma_start3A_684, %dma_start3A_689] : memref<2x8x128xi32, #tpu.memory_space<vmem>> -> memref<1x1x128xi32, #tpu.memory_space<vmem>>
        %dma_start3A_691 = tpu.memref_squeeze %dma_start3A_690 : memref<1x1x128xi32, #tpu.memory_space<vmem>> -> memref<128xi32, #tpu.memory_space<vmem>>
        %dma_start3A_692 = arith.constant 0 : i32
        %dma_start3A_693 = arith.constant 0 : i32
        %dma_start3A_694 = tpu.memref_slice %arg14[%dma_start3A_692, %dma_start3A_693] : memref<100000x8xf32, #tpu.memory_space<vmem_shared>> -> memref<100000x8xf32, #tpu.memory_space<vmem_shared>>
        tpu.enqueue_indirect_dma source(%dma_start3A_688 : memref<128x8xf32, #tpu.memory_space<vmem>>) target(%dma_start3A_694 : memref<100000x8xf32, #tpu.memory_space<vmem_shared>>) offsets(%dma_start3A_691 : memref<128xi32, #tpu.memory_space<vmem>>) semaphore(%arg18 : memref<!tpu.dma_semaphore, #tpu.memory_space<semaphore_mem>>) {add = true}
        %dma_start3A_695 = arith.constant 1 : i32
        %dma_start3A_696 = arith.constant 1 : i32
        %dma_start3A_697 = arith.constant 2 : i32
        %dma_start3A_698 = arith.constant 256 : i32
        %dma_start3A_699 = arith.constant 0 : i32
        %dma_start3A_700 = tpu.memref_slice %arg11[%dma_start3A_695, %dma_start3A_698, %dma_start3A_699] : memref<2x1024x8xf32, #tpu.memory_space<vmem>> -> memref<1x128x8xf32, #tpu.memory_space<vmem>>
        %dma_start3A_701 = tpu.memref_squeeze %dma_start3A_700 : memref<1x128x8xf32, #tpu.memory_space<vmem>> -> memref<128x8xf32, #tpu.memory_space<vmem>>
        %dma_start3A_702 = arith.constant 0 : i32
        %dma_start3A_703 = tpu.memref_slice %arg12[%dma_start3A_696, %dma_start3A_697, %dma_start3A_702] : memref<2x8x128xi32, #tpu.memory_space<vmem>> -> memref<1x1x128xi32, #tpu.memory_space<vmem>>
        %dma_start3A_704 = tpu.memref_squeeze %dma_start3A_703 : memref<1x1x128xi32, #tpu.memory_space<vmem>> -> memref<128xi32, #tpu.memory_space<vmem>>
        %dma_start3A_705 = arith.constant 0 : i32
        %dma_start3A_706 = arith.constant 0 : i32
        %dma_start3A_707 = tpu.memref_slice %arg14[%dma_start3A_705, %dma_start3A_706] : memref<100000x8xf32, #tpu.memory_space<vmem_shared>> -> memref<100000x8xf32, #tpu.memory_space<vmem_shared>>
        tpu.enqueue_indirect_dma source(%dma_start3A_701 : memref<128x8xf32, #tpu.memory_space<vmem>>) target(%dma_start3A_707 : memref<100000x8xf32, #tpu.memory_space<vmem_shared>>) offsets(%dma_start3A_704 : memref<128xi32, #tpu.memory_space<vmem>>) semaphore(%arg18 : memref<!tpu.dma_semaphore, #tpu.memory_space<semaphore_mem>>) {add = true}
        %dma_start3A_708 = arith.constant 1 : i32
        %dma_start3A_709 = arith.constant 1 : i32
        %dma_start3A_710 = arith.constant 3 : i32
        %dma_start3A_711 = arith.constant 384 : i32
        %dma_start3A_712 = arith.constant 0 : i32
        %dma_start3A_713 = tpu.memref_slice %arg11[%dma_start3A_708, %dma_start3A_711, %dma_start3A_712] : memref<2x1024x8xf32, #tpu.memory_space<vmem>> -> memref<1x128x8xf32, #tpu.memory_space<vmem>>
        %dma_start3A_714 = tpu.memref_squeeze %dma_start3A_713 : memref<1x128x8xf32, #tpu.memory_space<vmem>> -> memref<128x8xf32, #tpu.memory_space<vmem>>
        %dma_start3A_715 = arith.constant 0 : i32
        %dma_start3A_716 = tpu.memref_slice %arg12[%dma_start3A_709, %dma_start3A_710, %dma_start3A_715] : memref<2x8x128xi32, #tpu.memory_space<vmem>> -> memref<1x1x128xi32, #tpu.memory_space<vmem>>
        %dma_start3A_717 = tpu.memref_squeeze %dma_start3A_716 : memref<1x1x128xi32, #tpu.memory_space<vmem>> -> memref<128xi32, #tpu.memory_space<vmem>>
        %dma_start3A_718 = arith.constant 0 : i32
        %dma_start3A_719 = arith.constant 0 : i32
        %dma_start3A_720 = tpu.memref_slice %arg14[%dma_start3A_718, %dma_start3A_719] : memref<100000x8xf32, #tpu.memory_space<vmem_shared>> -> memref<100000x8xf32, #tpu.memory_space<vmem_shared>>
        tpu.enqueue_indirect_dma source(%dma_start3A_714 : memref<128x8xf32, #tpu.memory_space<vmem>>) target(%dma_start3A_720 : memref<100000x8xf32, #tpu.memory_space<vmem_shared>>) offsets(%dma_start3A_717 : memref<128xi32, #tpu.memory_space<vmem>>) semaphore(%arg18 : memref<!tpu.dma_semaphore, #tpu.memory_space<semaphore_mem>>) {add = true}
        %dma_start3A_721 = arith.constant 1 : i32
        %dma_start3A_722 = arith.constant 1 : i32
        %dma_start3A_723 = arith.constant 4 : i32
        %dma_start3A_724 = arith.constant 512 : i32
        %dma_start3A_725 = arith.constant 0 : i32
        %dma_start3A_726 = tpu.memref_slice %arg11[%dma_start3A_721, %dma_start3A_724, %dma_start3A_725] : memref<2x1024x8xf32, #tpu.memory_space<vmem>> -> memref<1x128x8xf32, #tpu.memory_space<vmem>>
        %dma_start3A_727 = tpu.memref_squeeze %dma_start3A_726 : memref<1x128x8xf32, #tpu.memory_space<vmem>> -> memref<128x8xf32, #tpu.memory_space<vmem>>
        %dma_start3A_728 = arith.constant 0 : i32
        %dma_start3A_729 = tpu.memref_slice %arg12[%dma_start3A_722, %dma_start3A_723, %dma_start3A_728] : memref<2x8x128xi32, #tpu.memory_space<vmem>> -> memref<1x1x128xi32, #tpu.memory_space<vmem>>
        %dma_start3A_730 = tpu.memref_squeeze %dma_start3A_729 : memref<1x1x128xi32, #tpu.memory_space<vmem>> -> memref<128xi32, #tpu.memory_space<vmem>>
        %dma_start3A_731 = arith.constant 0 : i32
        %dma_start3A_732 = arith.constant 0 : i32
        %dma_start3A_733 = tpu.memref_slice %arg14[%dma_start3A_731, %dma_start3A_732] : memref<100000x8xf32, #tpu.memory_space<vmem_shared>> -> memref<100000x8xf32, #tpu.memory_space<vmem_shared>>
        tpu.enqueue_indirect_dma source(%dma_start3A_727 : memref<128x8xf32, #tpu.memory_space<vmem>>) target(%dma_start3A_733 : memref<100000x8xf32, #tpu.memory_space<vmem_shared>>) offsets(%dma_start3A_730 : memref<128xi32, #tpu.memory_space<vmem>>) semaphore(%arg18 : memref<!tpu.dma_semaphore, #tpu.memory_space<semaphore_mem>>) {add = true}
        %dma_start3A_734 = arith.constant 1 : i32
        %dma_start3A_735 = arith.constant 1 : i32
        %dma_start3A_736 = arith.constant 5 : i32
        %dma_start3A_737 = arith.constant 640 : i32
        %dma_start3A_738 = arith.constant 0 : i32
        %dma_start3A_739 = tpu.memref_slice %arg11[%dma_start3A_734, %dma_start3A_737, %dma_start3A_738] : memref<2x1024x8xf32, #tpu.memory_space<vmem>> -> memref<1x128x8xf32, #tpu.memory_space<vmem>>
        %dma_start3A_740 = tpu.memref_squeeze %dma_start3A_739 : memref<1x128x8xf32, #tpu.memory_space<vmem>> -> memref<128x8xf32, #tpu.memory_space<vmem>>
        %dma_start3A_741 = arith.constant 0 : i32
        %dma_start3A_742 = tpu.memref_slice %arg12[%dma_start3A_735, %dma_start3A_736, %dma_start3A_741] : memref<2x8x128xi32, #tpu.memory_space<vmem>> -> memref<1x1x128xi32, #tpu.memory_space<vmem>>
        %dma_start3A_743 = tpu.memref_squeeze %dma_start3A_742 : memref<1x1x128xi32, #tpu.memory_space<vmem>> -> memref<128xi32, #tpu.memory_space<vmem>>
        %dma_start3A_744 = arith.constant 0 : i32
        %dma_start3A_745 = arith.constant 0 : i32
        %dma_start3A_746 = tpu.memref_slice %arg14[%dma_start3A_744, %dma_start3A_745] : memref<100000x8xf32, #tpu.memory_space<vmem_shared>> -> memref<100000x8xf32, #tpu.memory_space<vmem_shared>>
        tpu.enqueue_indirect_dma source(%dma_start3A_740 : memref<128x8xf32, #tpu.memory_space<vmem>>) target(%dma_start3A_746 : memref<100000x8xf32, #tpu.memory_space<vmem_shared>>) offsets(%dma_start3A_743 : memref<128xi32, #tpu.memory_space<vmem>>) semaphore(%arg18 : memref<!tpu.dma_semaphore, #tpu.memory_space<semaphore_mem>>) {add = true}
        %dma_start3A_747 = arith.constant 1 : i32
        %dma_start3A_748 = arith.constant 1 : i32
        %dma_start3A_749 = arith.constant 6 : i32
        %dma_start3A_750 = arith.constant 768 : i32
        %dma_start3A_751 = arith.constant 0 : i32
        %dma_start3A_752 = tpu.memref_slice %arg11[%dma_start3A_747, %dma_start3A_750, %dma_start3A_751] : memref<2x1024x8xf32, #tpu.memory_space<vmem>> -> memref<1x128x8xf32, #tpu.memory_space<vmem>>
        %dma_start3A_753 = tpu.memref_squeeze %dma_start3A_752 : memref<1x128x8xf32, #tpu.memory_space<vmem>> -> memref<128x8xf32, #tpu.memory_space<vmem>>
        %dma_start3A_754 = arith.constant 0 : i32
        %dma_start3A_755 = tpu.memref_slice %arg12[%dma_start3A_748, %dma_start3A_749, %dma_start3A_754] : memref<2x8x128xi32, #tpu.memory_space<vmem>> -> memref<1x1x128xi32, #tpu.memory_space<vmem>>
        %dma_start3A_756 = tpu.memref_squeeze %dma_start3A_755 : memref<1x1x128xi32, #tpu.memory_space<vmem>> -> memref<128xi32, #tpu.memory_space<vmem>>
        %dma_start3A_757 = arith.constant 0 : i32
        %dma_start3A_758 = arith.constant 0 : i32
        %dma_start3A_759 = tpu.memref_slice %arg14[%dma_start3A_757, %dma_start3A_758] : memref<100000x8xf32, #tpu.memory_space<vmem_shared>> -> memref<100000x8xf32, #tpu.memory_space<vmem_shared>>
        tpu.enqueue_indirect_dma source(%dma_start3A_753 : memref<128x8xf32, #tpu.memory_space<vmem>>) target(%dma_start3A_759 : memref<100000x8xf32, #tpu.memory_space<vmem_shared>>) offsets(%dma_start3A_756 : memref<128xi32, #tpu.memory_space<vmem>>) semaphore(%arg18 : memref<!tpu.dma_semaphore, #tpu.memory_space<semaphore_mem>>) {add = true}
        %dma_start3A_760 = arith.constant 1 : i32
        %dma_start3A_761 = arith.constant 1 : i32
        %dma_start3A_762 = arith.constant 7 : i32
        %dma_start3A_763 = arith.constant 896 : i32
        %dma_start3A_764 = arith.constant 0 : i32
        %dma_start3A_765 = tpu.memref_slice %arg11[%dma_start3A_760, %dma_start3A_763, %dma_start3A_764] : memref<2x1024x8xf32, #tpu.memory_space<vmem>> -> memref<1x128x8xf32, #tpu.memory_space<vmem>>
        %dma_start3A_766 = tpu.memref_squeeze %dma_start3A_765 : memref<1x128x8xf32, #tpu.memory_space<vmem>> -> memref<128x8xf32, #tpu.memory_space<vmem>>
        %dma_start3A_767 = arith.constant 0 : i32
        %dma_start3A_768 = tpu.memref_slice %arg12[%dma_start3A_761, %dma_start3A_762, %dma_start3A_767] : memref<2x8x128xi32, #tpu.memory_space<vmem>> -> memref<1x1x128xi32, #tpu.memory_space<vmem>>
        %dma_start3A_769 = tpu.memref_squeeze %dma_start3A_768 : memref<1x1x128xi32, #tpu.memory_space<vmem>> -> memref<128xi32, #tpu.memory_space<vmem>>
        %dma_start3A_770 = arith.constant 0 : i32
        %dma_start3A_771 = arith.constant 0 : i32
        %dma_start3A_772 = tpu.memref_slice %arg14[%dma_start3A_770, %dma_start3A_771] : memref<100000x8xf32, #tpu.memory_space<vmem_shared>> -> memref<100000x8xf32, #tpu.memory_space<vmem_shared>>
        tpu.enqueue_indirect_dma source(%dma_start3A_766 : memref<128x8xf32, #tpu.memory_space<vmem>>) target(%dma_start3A_772 : memref<100000x8xf32, #tpu.memory_space<vmem_shared>>) offsets(%dma_start3A_769 : memref<128xi32, #tpu.memory_space<vmem>>) semaphore(%arg18 : memref<!tpu.dma_semaphore, #tpu.memory_space<semaphore_mem>>) {add = true}
      } else {
      }
      %add3A_657 = arith.constant 2 : i32
      %add3A_658 = arith.addi %add3A_643, %add3A_657 : i32
      %lt3A_659 = arith.cmpi slt, %add3A_658, %add3A_112 : i32
      %convert_element_type3A_660 = arith.extui %lt3A_659 : i1 to i32
      %cond3A_661 = arith.constant 0 : i32
      %cond3A_662 = arith.cmpi ne, %convert_element_type3A_660, %cond3A_661 : i32
      scf.if %cond3A_662 {
        %add3A_663 = arith.constant 2 : i32
        %add3A_664 = arith.addi %add3A_643, %add3A_663 : i32
        %add3A_665 = arith.addi %add3A_107, %add3A_664 : i32
        %mul3A_666 = arith.constant 8 : i32
        %mul3A_667 = arith.muli %add3A_665, %mul3A_666 : i32
        %run_scoped3A_668 = arith.constant 1 : i32
        "tpu.region"() ({
          %run_scoped3A_798 = tpu.sem_alloc : memref<!tpu.dma_semaphore, #tpu.memory_space<semaphore_mem>>
          %dma_start3A_799 = arith.constant 0 : i32
          %dma_start3A_800 = arith.constant 0 : i32
          %dma_start3A_801 = arith.constant 0 : i32
          %dma_start3A_802 = tpu.memref_slice %arg8[%run_scoped3A_668, %dma_start3A_799, %dma_start3A_800, %dma_start3A_801] : memref<2x8x2x128xi32, #tpu.memory_space<vmem>> -> memref<1x8x2x128xi32, #tpu.memory_space<vmem>>
          %dma_start3A_803 = tpu.memref_squeeze %dma_start3A_802 : memref<1x8x2x128xi32, #tpu.memory_space<vmem>> -> memref<8x2x128xi32, #tpu.memory_space<vmem>>
          %dma_start3A_804 = arith.constant 0 : i32
          %dma_start3A_805 = arith.constant 0 : i32
          %dma_start3A_806 = tpu.memref_slice %arg4[%mul3A_667, %dma_start3A_804, %dma_start3A_805] : memref<25000x2x128xi32, #tpu.memory_space<hbm>> -> memref<8x2x128xi32, #tpu.memory_space<hbm>>
          %dma_start3A_807 = arith.constant 0 : i32
          %dma_start3A_808 = arith.constant 0 : i32
          %dma_start3A_809 = arith.constant 0 : i32
          %dma_start3A_810 = tpu.memref_slice %arg8[%run_scoped3A_668, %dma_start3A_807, %dma_start3A_808, %dma_start3A_809] : memref<2x8x2x128xi32, #tpu.memory_space<vmem>> -> memref<1x8x2x128xi32, #tpu.memory_space<vmem>>
          %dma_start3A_811 = tpu.memref_squeeze %dma_start3A_810 : memref<1x8x2x128xi32, #tpu.memory_space<vmem>> -> memref<8x2x128xi32, #tpu.memory_space<vmem>>
          %dma_start3A_812 = arith.constant 0 : i32
          %dma_start3A_813 = arith.constant 0 : i32
          %dma_start3A_814 = tpu.memref_slice %arg4[%mul3A_667, %dma_start3A_812, %dma_start3A_813] : memref<25000x2x128xi32, #tpu.memory_space<hbm>> -> memref<8x2x128xi32, #tpu.memory_space<hbm>>
          tpu.enqueue_dma source(%dma_start3A_814 : memref<8x2x128xi32, #tpu.memory_space<hbm>>) target(%dma_start3A_811 : memref<8x2x128xi32, #tpu.memory_space<vmem>>) target_semaphore(%run_scoped3A_798 : memref<!tpu.dma_semaphore, #tpu.memory_space<semaphore_mem>>)
          %dma_wait3A_815 = arith.constant 0 : i32
          %dma_wait3A_816 = arith.constant 0 : i32
          %dma_wait3A_817 = arith.constant 0 : i32
          %dma_wait3A_818 = tpu.memref_slice %arg8[%run_scoped3A_668, %dma_wait3A_815, %dma_wait3A_816, %dma_wait3A_817] : memref<2x8x2x128xi32, #tpu.memory_space<vmem>> -> memref<1x8x2x128xi32, #tpu.memory_space<vmem>>
          %dma_wait3A_819 = tpu.memref_squeeze %dma_wait3A_818 : memref<1x8x2x128xi32, #tpu.memory_space<vmem>> -> memref<8x2x128xi32, #tpu.memory_space<vmem>>
          %dma_wait3A_820 = arith.constant 0 : i32
          %dma_wait3A_821 = arith.constant 0 : i32
          %dma_wait3A_822 = tpu.memref_slice %arg4[%mul3A_667, %dma_wait3A_820, %dma_wait3A_821] : memref<25000x2x128xi32, #tpu.memory_space<hbm>> -> memref<8x2x128xi32, #tpu.memory_space<hbm>>
          %dma_wait3A_823 = arith.constant 0 : i32
          %dma_wait3A_824 = arith.constant 0 : i32
          %dma_wait3A_825 = arith.constant 0 : i32
          %dma_wait3A_826 = tpu.memref_slice %arg8[%run_scoped3A_668, %dma_wait3A_823, %dma_wait3A_824, %dma_wait3A_825] : memref<2x8x2x128xi32, #tpu.memory_space<vmem>> -> memref<1x8x2x128xi32, #tpu.memory_space<vmem>>
          %dma_wait3A_827 = tpu.memref_squeeze %dma_wait3A_826 : memref<1x8x2x128xi32, #tpu.memory_space<vmem>> -> memref<8x2x128xi32, #tpu.memory_space<vmem>>
          %dma_wait3A_828 = arith.constant 0 : i32
          %dma_wait3A_829 = arith.constant 0 : i32
          %dma_wait3A_830 = tpu.memref_slice %arg4[%mul3A_667, %dma_wait3A_828, %dma_wait3A_829] : memref<25000x2x128xi32, #tpu.memory_space<hbm>> -> memref<8x2x128xi32, #tpu.memory_space<hbm>>
          tpu.wait_dma2 semaphore(%run_scoped3A_798 : memref<!tpu.dma_semaphore, #tpu.memory_space<semaphore_mem>>) src(%dma_wait3A_830 : memref<8x2x128xi32, #tpu.memory_space<hbm>>) dst(%dma_wait3A_827 : memref<8x2x128xi32, #tpu.memory_space<vmem>>)
          tpu.yield
        }) : () -> ()
        %dma_start3A_669 = arith.constant 1 : i32
        %dma_start3A_670 = arith.constant 0 : i32
        %dma_start3A_671 = arith.constant 0 : i32
        %dma_start3A_672 = arith.constant 0 : i32
        %dma_start3A_673 = tpu.memref_slice %arg9[%dma_start3A_669, %dma_start3A_670, %dma_start3A_671, %dma_start3A_672] : memref<2x8x4x128xf32, #tpu.memory_space<vmem>> -> memref<1x8x4x128xf32, #tpu.memory_space<vmem>>
        %dma_start3A_674 = tpu.memref_squeeze %dma_start3A_673 : memref<1x8x4x128xf32, #tpu.memory_space<vmem>> -> memref<8x4x128xf32, #tpu.memory_space<vmem>>
        %dma_start3A_675 = arith.constant 0 : i32
        %dma_start3A_676 = arith.constant 0 : i32
        %dma_start3A_677 = tpu.memref_slice %arg3[%mul3A_667, %dma_start3A_675, %dma_start3A_676] : memref<25000x4x128xf32, #tpu.memory_space<hbm>> -> memref<8x4x128xf32, #tpu.memory_space<hbm>>
        %dma_start3A_678 = arith.constant 0 : i32
        %dma_start3A_679 = arith.constant 0 : i32
        %dma_start3A_680 = arith.constant 0 : i32
        %dma_start3A_681 = tpu.memref_slice %arg9[%dma_start3A_669, %dma_start3A_678, %dma_start3A_679, %dma_start3A_680] : memref<2x8x4x128xf32, #tpu.memory_space<vmem>> -> memref<1x8x4x128xf32, #tpu.memory_space<vmem>>
        %dma_start3A_682 = tpu.memref_squeeze %dma_start3A_681 : memref<1x8x4x128xf32, #tpu.memory_space<vmem>> -> memref<8x4x128xf32, #tpu.memory_space<vmem>>
        %dma_start3A_683 = arith.constant 0 : i32
        %dma_start3A_684 = arith.constant 0 : i32
        %dma_start3A_685 = tpu.memref_slice %arg3[%mul3A_667, %dma_start3A_683, %dma_start3A_684] : memref<25000x4x128xf32, #tpu.memory_space<hbm>> -> memref<8x4x128xf32, #tpu.memory_space<hbm>>
        tpu.enqueue_dma source(%dma_start3A_685 : memref<8x4x128xf32, #tpu.memory_space<hbm>>) target(%dma_start3A_682 : memref<8x4x128xf32, #tpu.memory_space<vmem>>) target_semaphore(%arg16 : memref<!tpu.dma_semaphore, #tpu.memory_space<semaphore_mem>>)
        %dma_start3A_686 = arith.constant 1 : i32
        %dma_start3A_687 = arith.constant 0 : i32
        %dma_start3A_688 = arith.constant 0 : i32
        %dma_start3A_689 = arith.constant 1 : i32
        %dma_start3A_690 = arith.constant 0 : i32
        %dma_start3A_691 = arith.constant 0 : i32
        %dma_start3A_692 = tpu.memref_slice %arg10[%dma_start3A_689, %dma_start3A_690, %dma_start3A_691] : memref<2x1024x8xf32, #tpu.memory_space<vmem>> -> memref<1x128x8xf32, #tpu.memory_space<vmem>>
        %dma_start3A_693 = tpu.memref_squeeze %dma_start3A_692 : memref<1x128x8xf32, #tpu.memory_space<vmem>> -> memref<128x8xf32, #tpu.memory_space<vmem>>
        %dma_start3A_694 = arith.constant 0 : i32
        %dma_start3A_695 = tpu.memref_slice %arg8[%dma_start3A_686, %dma_start3A_687, %dma_start3A_688, %dma_start3A_694] : memref<2x8x2x128xi32, #tpu.memory_space<vmem>> -> memref<1x1x1x128xi32, #tpu.memory_space<vmem>>
        %dma_start3A_696 = tpu.memref_squeeze %dma_start3A_695 : memref<1x1x1x128xi32, #tpu.memory_space<vmem>> -> memref<128xi32, #tpu.memory_space<vmem>>
        %dma_start3A_697 = arith.constant 0 : i32
        %dma_start3A_698 = arith.constant 0 : i32
        %dma_start3A_699 = tpu.memref_slice %arg2[%dma_start3A_697, %dma_start3A_698] : memref<100000x8xf32, #tpu.memory_space<hbm>> -> memref<100000x8xf32, #tpu.memory_space<hbm>>
        tpu.enqueue_indirect_dma source(%dma_start3A_699 : memref<100000x8xf32, #tpu.memory_space<hbm>>) target(%dma_start3A_693 : memref<128x8xf32, #tpu.memory_space<vmem>>) offsets(%dma_start3A_696 : memref<128xi32, #tpu.memory_space<vmem>>) semaphore(%arg16 : memref<!tpu.dma_semaphore, #tpu.memory_space<semaphore_mem>>)
        %dma_start3A_700 = arith.constant 1 : i32
        %dma_start3A_701 = arith.constant 1 : i32
        %dma_start3A_702 = arith.constant 0 : i32
        %dma_start3A_703 = arith.constant 1 : i32
        %dma_start3A_704 = arith.constant 128 : i32
        %dma_start3A_705 = arith.constant 0 : i32
        %dma_start3A_706 = tpu.memref_slice %arg10[%dma_start3A_703, %dma_start3A_704, %dma_start3A_705] : memref<2x1024x8xf32, #tpu.memory_space<vmem>> -> memref<1x128x8xf32, #tpu.memory_space<vmem>>
        %dma_start3A_707 = tpu.memref_squeeze %dma_start3A_706 : memref<1x128x8xf32, #tpu.memory_space<vmem>> -> memref<128x8xf32, #tpu.memory_space<vmem>>
        %dma_start3A_708 = arith.constant 0 : i32
        %dma_start3A_709 = tpu.memref_slice %arg8[%dma_start3A_700, %dma_start3A_701, %dma_start3A_702, %dma_start3A_708] : memref<2x8x2x128xi32, #tpu.memory_space<vmem>> -> memref<1x1x1x128xi32, #tpu.memory_space<vmem>>
        %dma_start3A_710 = tpu.memref_squeeze %dma_start3A_709 : memref<1x1x1x128xi32, #tpu.memory_space<vmem>> -> memref<128xi32, #tpu.memory_space<vmem>>
        %dma_start3A_711 = arith.constant 0 : i32
        %dma_start3A_712 = arith.constant 0 : i32
        %dma_start3A_713 = tpu.memref_slice %arg2[%dma_start3A_711, %dma_start3A_712] : memref<100000x8xf32, #tpu.memory_space<hbm>> -> memref<100000x8xf32, #tpu.memory_space<hbm>>
        tpu.enqueue_indirect_dma source(%dma_start3A_713 : memref<100000x8xf32, #tpu.memory_space<hbm>>) target(%dma_start3A_707 : memref<128x8xf32, #tpu.memory_space<vmem>>) offsets(%dma_start3A_710 : memref<128xi32, #tpu.memory_space<vmem>>) semaphore(%arg16 : memref<!tpu.dma_semaphore, #tpu.memory_space<semaphore_mem>>)
        %dma_start3A_714 = arith.constant 1 : i32
        %dma_start3A_715 = arith.constant 2 : i32
        %dma_start3A_716 = arith.constant 0 : i32
        %dma_start3A_717 = arith.constant 1 : i32
        %dma_start3A_718 = arith.constant 256 : i32
        %dma_start3A_719 = arith.constant 0 : i32
        %dma_start3A_720 = tpu.memref_slice %arg10[%dma_start3A_717, %dma_start3A_718, %dma_start3A_719] : memref<2x1024x8xf32, #tpu.memory_space<vmem>> -> memref<1x128x8xf32, #tpu.memory_space<vmem>>
        %dma_start3A_721 = tpu.memref_squeeze %dma_start3A_720 : memref<1x128x8xf32, #tpu.memory_space<vmem>> -> memref<128x8xf32, #tpu.memory_space<vmem>>
        %dma_start3A_722 = arith.constant 0 : i32
        %dma_start3A_723 = tpu.memref_slice %arg8[%dma_start3A_714, %dma_start3A_715, %dma_start3A_716, %dma_start3A_722] : memref<2x8x2x128xi32, #tpu.memory_space<vmem>> -> memref<1x1x1x128xi32, #tpu.memory_space<vmem>>
        %dma_start3A_724 = tpu.memref_squeeze %dma_start3A_723 : memref<1x1x1x128xi32, #tpu.memory_space<vmem>> -> memref<128xi32, #tpu.memory_space<vmem>>
        %dma_start3A_725 = arith.constant 0 : i32
        %dma_start3A_726 = arith.constant 0 : i32
        %dma_start3A_727 = tpu.memref_slice %arg2[%dma_start3A_725, %dma_start3A_726] : memref<100000x8xf32, #tpu.memory_space<hbm>> -> memref<100000x8xf32, #tpu.memory_space<hbm>>
        tpu.enqueue_indirect_dma source(%dma_start3A_727 : memref<100000x8xf32, #tpu.memory_space<hbm>>) target(%dma_start3A_721 : memref<128x8xf32, #tpu.memory_space<vmem>>) offsets(%dma_start3A_724 : memref<128xi32, #tpu.memory_space<vmem>>) semaphore(%arg16 : memref<!tpu.dma_semaphore, #tpu.memory_space<semaphore_mem>>)
        %dma_start3A_728 = arith.constant 1 : i32
        %dma_start3A_729 = arith.constant 3 : i32
        %dma_start3A_730 = arith.constant 0 : i32
        %dma_start3A_731 = arith.constant 1 : i32
        %dma_start3A_732 = arith.constant 384 : i32
        %dma_start3A_733 = arith.constant 0 : i32
        %dma_start3A_734 = tpu.memref_slice %arg10[%dma_start3A_731, %dma_start3A_732, %dma_start3A_733] : memref<2x1024x8xf32, #tpu.memory_space<vmem>> -> memref<1x128x8xf32, #tpu.memory_space<vmem>>
        %dma_start3A_735 = tpu.memref_squeeze %dma_start3A_734 : memref<1x128x8xf32, #tpu.memory_space<vmem>> -> memref<128x8xf32, #tpu.memory_space<vmem>>
        %dma_start3A_736 = arith.constant 0 : i32
        %dma_start3A_737 = tpu.memref_slice %arg8[%dma_start3A_728, %dma_start3A_729, %dma_start3A_730, %dma_start3A_736] : memref<2x8x2x128xi32, #tpu.memory_space<vmem>> -> memref<1x1x1x128xi32, #tpu.memory_space<vmem>>
        %dma_start3A_738 = tpu.memref_squeeze %dma_start3A_737 : memref<1x1x1x128xi32, #tpu.memory_space<vmem>> -> memref<128xi32, #tpu.memory_space<vmem>>
        %dma_start3A_739 = arith.constant 0 : i32
        %dma_start3A_740 = arith.constant 0 : i32
        %dma_start3A_741 = tpu.memref_slice %arg2[%dma_start3A_739, %dma_start3A_740] : memref<100000x8xf32, #tpu.memory_space<hbm>> -> memref<100000x8xf32, #tpu.memory_space<hbm>>
        tpu.enqueue_indirect_dma source(%dma_start3A_741 : memref<100000x8xf32, #tpu.memory_space<hbm>>) target(%dma_start3A_735 : memref<128x8xf32, #tpu.memory_space<vmem>>) offsets(%dma_start3A_738 : memref<128xi32, #tpu.memory_space<vmem>>) semaphore(%arg16 : memref<!tpu.dma_semaphore, #tpu.memory_space<semaphore_mem>>)
        %dma_start3A_742 = arith.constant 1 : i32
        %dma_start3A_743 = arith.constant 4 : i32
        %dma_start3A_744 = arith.constant 0 : i32
        %dma_start3A_745 = arith.constant 1 : i32
        %dma_start3A_746 = arith.constant 512 : i32
        %dma_start3A_747 = arith.constant 0 : i32
        %dma_start3A_748 = tpu.memref_slice %arg10[%dma_start3A_745, %dma_start3A_746, %dma_start3A_747] : memref<2x1024x8xf32, #tpu.memory_space<vmem>> -> memref<1x128x8xf32, #tpu.memory_space<vmem>>
        %dma_start3A_749 = tpu.memref_squeeze %dma_start3A_748 : memref<1x128x8xf32, #tpu.memory_space<vmem>> -> memref<128x8xf32, #tpu.memory_space<vmem>>
        %dma_start3A_750 = arith.constant 0 : i32
        %dma_start3A_751 = tpu.memref_slice %arg8[%dma_start3A_742, %dma_start3A_743, %dma_start3A_744, %dma_start3A_750] : memref<2x8x2x128xi32, #tpu.memory_space<vmem>> -> memref<1x1x1x128xi32, #tpu.memory_space<vmem>>
        %dma_start3A_752 = tpu.memref_squeeze %dma_start3A_751 : memref<1x1x1x128xi32, #tpu.memory_space<vmem>> -> memref<128xi32, #tpu.memory_space<vmem>>
        %dma_start3A_753 = arith.constant 0 : i32
        %dma_start3A_754 = arith.constant 0 : i32
        %dma_start3A_755 = tpu.memref_slice %arg2[%dma_start3A_753, %dma_start3A_754] : memref<100000x8xf32, #tpu.memory_space<hbm>> -> memref<100000x8xf32, #tpu.memory_space<hbm>>
        tpu.enqueue_indirect_dma source(%dma_start3A_755 : memref<100000x8xf32, #tpu.memory_space<hbm>>) target(%dma_start3A_749 : memref<128x8xf32, #tpu.memory_space<vmem>>) offsets(%dma_start3A_752 : memref<128xi32, #tpu.memory_space<vmem>>) semaphore(%arg16 : memref<!tpu.dma_semaphore, #tpu.memory_space<semaphore_mem>>)
        %dma_start3A_756 = arith.constant 1 : i32
        %dma_start3A_757 = arith.constant 5 : i32
        %dma_start3A_758 = arith.constant 0 : i32
        %dma_start3A_759 = arith.constant 1 : i32
        %dma_start3A_760 = arith.constant 640 : i32
        %dma_start3A_761 = arith.constant 0 : i32
        %dma_start3A_762 = tpu.memref_slice %arg10[%dma_start3A_759, %dma_start3A_760, %dma_start3A_761] : memref<2x1024x8xf32, #tpu.memory_space<vmem>> -> memref<1x128x8xf32, #tpu.memory_space<vmem>>
        %dma_start3A_763 = tpu.memref_squeeze %dma_start3A_762 : memref<1x128x8xf32, #tpu.memory_space<vmem>> -> memref<128x8xf32, #tpu.memory_space<vmem>>
        %dma_start3A_764 = arith.constant 0 : i32
        %dma_start3A_765 = tpu.memref_slice %arg8[%dma_start3A_756, %dma_start3A_757, %dma_start3A_758, %dma_start3A_764] : memref<2x8x2x128xi32, #tpu.memory_space<vmem>> -> memref<1x1x1x128xi32, #tpu.memory_space<vmem>>
        %dma_start3A_766 = tpu.memref_squeeze %dma_start3A_765 : memref<1x1x1x128xi32, #tpu.memory_space<vmem>> -> memref<128xi32, #tpu.memory_space<vmem>>
        %dma_start3A_767 = arith.constant 0 : i32
        %dma_start3A_768 = arith.constant 0 : i32
        %dma_start3A_769 = tpu.memref_slice %arg2[%dma_start3A_767, %dma_start3A_768] : memref<100000x8xf32, #tpu.memory_space<hbm>> -> memref<100000x8xf32, #tpu.memory_space<hbm>>
        tpu.enqueue_indirect_dma source(%dma_start3A_769 : memref<100000x8xf32, #tpu.memory_space<hbm>>) target(%dma_start3A_763 : memref<128x8xf32, #tpu.memory_space<vmem>>) offsets(%dma_start3A_766 : memref<128xi32, #tpu.memory_space<vmem>>) semaphore(%arg16 : memref<!tpu.dma_semaphore, #tpu.memory_space<semaphore_mem>>)
        %dma_start3A_770 = arith.constant 1 : i32
        %dma_start3A_771 = arith.constant 6 : i32
        %dma_start3A_772 = arith.constant 0 : i32
        %dma_start3A_773 = arith.constant 1 : i32
        %dma_start3A_774 = arith.constant 768 : i32
        %dma_start3A_775 = arith.constant 0 : i32
        %dma_start3A_776 = tpu.memref_slice %arg10[%dma_start3A_773, %dma_start3A_774, %dma_start3A_775] : memref<2x1024x8xf32, #tpu.memory_space<vmem>> -> memref<1x128x8xf32, #tpu.memory_space<vmem>>
        %dma_start3A_777 = tpu.memref_squeeze %dma_start3A_776 : memref<1x128x8xf32, #tpu.memory_space<vmem>> -> memref<128x8xf32, #tpu.memory_space<vmem>>
        %dma_start3A_778 = arith.constant 0 : i32
        %dma_start3A_779 = tpu.memref_slice %arg8[%dma_start3A_770, %dma_start3A_771, %dma_start3A_772, %dma_start3A_778] : memref<2x8x2x128xi32, #tpu.memory_space<vmem>> -> memref<1x1x1x128xi32, #tpu.memory_space<vmem>>
        %dma_start3A_780 = tpu.memref_squeeze %dma_start3A_779 : memref<1x1x1x128xi32, #tpu.memory_space<vmem>> -> memref<128xi32, #tpu.memory_space<vmem>>
        %dma_start3A_781 = arith.constant 0 : i32
        %dma_start3A_782 = arith.constant 0 : i32
        %dma_start3A_783 = tpu.memref_slice %arg2[%dma_start3A_781, %dma_start3A_782] : memref<100000x8xf32, #tpu.memory_space<hbm>> -> memref<100000x8xf32, #tpu.memory_space<hbm>>
        tpu.enqueue_indirect_dma source(%dma_start3A_783 : memref<100000x8xf32, #tpu.memory_space<hbm>>) target(%dma_start3A_777 : memref<128x8xf32, #tpu.memory_space<vmem>>) offsets(%dma_start3A_780 : memref<128xi32, #tpu.memory_space<vmem>>) semaphore(%arg16 : memref<!tpu.dma_semaphore, #tpu.memory_space<semaphore_mem>>)
        %dma_start3A_784 = arith.constant 1 : i32
        %dma_start3A_785 = arith.constant 7 : i32
        %dma_start3A_786 = arith.constant 0 : i32
        %dma_start3A_787 = arith.constant 1 : i32
        %dma_start3A_788 = arith.constant 896 : i32
        %dma_start3A_789 = arith.constant 0 : i32
        %dma_start3A_790 = tpu.memref_slice %arg10[%dma_start3A_787, %dma_start3A_788, %dma_start3A_789] : memref<2x1024x8xf32, #tpu.memory_space<vmem>> -> memref<1x128x8xf32, #tpu.memory_space<vmem>>
        %dma_start3A_791 = tpu.memref_squeeze %dma_start3A_790 : memref<1x128x8xf32, #tpu.memory_space<vmem>> -> memref<128x8xf32, #tpu.memory_space<vmem>>
        %dma_start3A_792 = arith.constant 0 : i32
        %dma_start3A_793 = tpu.memref_slice %arg8[%dma_start3A_784, %dma_start3A_785, %dma_start3A_786, %dma_start3A_792] : memref<2x8x2x128xi32, #tpu.memory_space<vmem>> -> memref<1x1x1x128xi32, #tpu.memory_space<vmem>>
        %dma_start3A_794 = tpu.memref_squeeze %dma_start3A_793 : memref<1x1x1x128xi32, #tpu.memory_space<vmem>> -> memref<128xi32, #tpu.memory_space<vmem>>
        %dma_start3A_795 = arith.constant 0 : i32
        %dma_start3A_796 = arith.constant 0 : i32
        %dma_start3A_797 = tpu.memref_slice %arg2[%dma_start3A_795, %dma_start3A_796] : memref<100000x8xf32, #tpu.memory_space<hbm>> -> memref<100000x8xf32, #tpu.memory_space<hbm>>
        tpu.enqueue_indirect_dma source(%dma_start3A_797 : memref<100000x8xf32, #tpu.memory_space<hbm>>) target(%dma_start3A_791 : memref<128x8xf32, #tpu.memory_space<vmem>>) offsets(%dma_start3A_794 : memref<128xi32, #tpu.memory_space<vmem>>) semaphore(%arg16 : memref<!tpu.dma_semaphore, #tpu.memory_space<semaphore_mem>>)
      } else {
      }
    }
    %scan3A_383 = arith.constant 49 : i32
    %dma_wait3A = arith.constant 0 : i32
    %dma_wait3A_384 = arith.constant 0 : i32
    %dma_wait3A_385 = arith.constant 0 : i32
    %dma_wait3A_386 = arith.constant 0 : i32
    %dma_wait3A_387 = arith.constant 0 : i32
    %dma_wait3A_388 = tpu.memref_slice %arg11[%dma_wait3A, %dma_wait3A_386, %dma_wait3A_387] : memref<2x1024x8xf32, #tpu.memory_space<vmem>> -> memref<1x128x8xf32, #tpu.memory_space<vmem>>
    %dma_wait3A_389 = tpu.memref_squeeze %dma_wait3A_388 : memref<1x128x8xf32, #tpu.memory_space<vmem>> -> memref<128x8xf32, #tpu.memory_space<vmem>>
    %dma_wait3A_390 = arith.constant 0 : i32
    %dma_wait3A_391 = tpu.memref_slice %arg12[%dma_wait3A_384, %dma_wait3A_385, %dma_wait3A_390] : memref<2x8x128xi32, #tpu.memory_space<vmem>> -> memref<1x1x128xi32, #tpu.memory_space<vmem>>
    %dma_wait3A_392 = tpu.memref_squeeze %dma_wait3A_391 : memref<1x1x128xi32, #tpu.memory_space<vmem>> -> memref<128xi32, #tpu.memory_space<vmem>>
    %dma_wait3A_393 = arith.constant 0 : i32
    %dma_wait3A_394 = arith.constant 0 : i32
    %dma_wait3A_395 = tpu.memref_slice %arg14[%dma_wait3A_393, %dma_wait3A_394] : memref<100000x8xf32, #tpu.memory_space<vmem_shared>> -> memref<100000x8xf32, #tpu.memory_space<vmem_shared>>
    tpu.wait_indirect_dma semaphore(%arg17 : memref<!tpu.dma_semaphore, #tpu.memory_space<semaphore_mem>>) src(%dma_wait3A_389 : memref<128x8xf32, #tpu.memory_space<vmem>>) dst(%dma_wait3A_395 : memref<100000x8xf32, #tpu.memory_space<vmem_shared>>)
    %dma_wait3A_396 = arith.constant 0 : i32
    %dma_wait3A_397 = arith.constant 0 : i32
    %dma_wait3A_398 = arith.constant 1 : i32
    %dma_wait3A_399 = arith.constant 128 : i32
    %dma_wait3A_400 = arith.constant 0 : i32
    %dma_wait3A_401 = tpu.memref_slice %arg11[%dma_wait3A_396, %dma_wait3A_399, %dma_wait3A_400] : memref<2x1024x8xf32, #tpu.memory_space<vmem>> -> memref<1x128x8xf32, #tpu.memory_space<vmem>>
    %dma_wait3A_402 = tpu.memref_squeeze %dma_wait3A_401 : memref<1x128x8xf32, #tpu.memory_space<vmem>> -> memref<128x8xf32, #tpu.memory_space<vmem>>
    %dma_wait3A_403 = arith.constant 0 : i32
    %dma_wait3A_404 = tpu.memref_slice %arg12[%dma_wait3A_397, %dma_wait3A_398, %dma_wait3A_403] : memref<2x8x128xi32, #tpu.memory_space<vmem>> -> memref<1x1x128xi32, #tpu.memory_space<vmem>>
    %dma_wait3A_405 = tpu.memref_squeeze %dma_wait3A_404 : memref<1x1x128xi32, #tpu.memory_space<vmem>> -> memref<128xi32, #tpu.memory_space<vmem>>
    %dma_wait3A_406 = arith.constant 0 : i32
    %dma_wait3A_407 = arith.constant 0 : i32
    %dma_wait3A_408 = tpu.memref_slice %arg14[%dma_wait3A_406, %dma_wait3A_407] : memref<100000x8xf32, #tpu.memory_space<vmem_shared>> -> memref<100000x8xf32, #tpu.memory_space<vmem_shared>>
    tpu.wait_indirect_dma semaphore(%arg17 : memref<!tpu.dma_semaphore, #tpu.memory_space<semaphore_mem>>) src(%dma_wait3A_402 : memref<128x8xf32, #tpu.memory_space<vmem>>) dst(%dma_wait3A_408 : memref<100000x8xf32, #tpu.memory_space<vmem_shared>>)
    %dma_wait3A_409 = arith.constant 0 : i32
    %dma_wait3A_410 = arith.constant 0 : i32
    %dma_wait3A_411 = arith.constant 2 : i32
    %dma_wait3A_412 = arith.constant 256 : i32
    %dma_wait3A_413 = arith.constant 0 : i32
    %dma_wait3A_414 = tpu.memref_slice %arg11[%dma_wait3A_409, %dma_wait3A_412, %dma_wait3A_413] : memref<2x1024x8xf32, #tpu.memory_space<vmem>> -> memref<1x128x8xf32, #tpu.memory_space<vmem>>
    %dma_wait3A_415 = tpu.memref_squeeze %dma_wait3A_414 : memref<1x128x8xf32, #tpu.memory_space<vmem>> -> memref<128x8xf32, #tpu.memory_space<vmem>>
    %dma_wait3A_416 = arith.constant 0 : i32
    %dma_wait3A_417 = tpu.memref_slice %arg12[%dma_wait3A_410, %dma_wait3A_411, %dma_wait3A_416] : memref<2x8x128xi32, #tpu.memory_space<vmem>> -> memref<1x1x128xi32, #tpu.memory_space<vmem>>
    %dma_wait3A_418 = tpu.memref_squeeze %dma_wait3A_417 : memref<1x1x128xi32, #tpu.memory_space<vmem>> -> memref<128xi32, #tpu.memory_space<vmem>>
    %dma_wait3A_419 = arith.constant 0 : i32
    %dma_wait3A_420 = arith.constant 0 : i32
    %dma_wait3A_421 = tpu.memref_slice %arg14[%dma_wait3A_419, %dma_wait3A_420] : memref<100000x8xf32, #tpu.memory_space<vmem_shared>> -> memref<100000x8xf32, #tpu.memory_space<vmem_shared>>
    tpu.wait_indirect_dma semaphore(%arg17 : memref<!tpu.dma_semaphore, #tpu.memory_space<semaphore_mem>>) src(%dma_wait3A_415 : memref<128x8xf32, #tpu.memory_space<vmem>>) dst(%dma_wait3A_421 : memref<100000x8xf32, #tpu.memory_space<vmem_shared>>)
    %dma_wait3A_422 = arith.constant 0 : i32
    %dma_wait3A_423 = arith.constant 0 : i32
    %dma_wait3A_424 = arith.constant 3 : i32
    %dma_wait3A_425 = arith.constant 384 : i32
    %dma_wait3A_426 = arith.constant 0 : i32
    %dma_wait3A_427 = tpu.memref_slice %arg11[%dma_wait3A_422, %dma_wait3A_425, %dma_wait3A_426] : memref<2x1024x8xf32, #tpu.memory_space<vmem>> -> memref<1x128x8xf32, #tpu.memory_space<vmem>>
    %dma_wait3A_428 = tpu.memref_squeeze %dma_wait3A_427 : memref<1x128x8xf32, #tpu.memory_space<vmem>> -> memref<128x8xf32, #tpu.memory_space<vmem>>
    %dma_wait3A_429 = arith.constant 0 : i32
    %dma_wait3A_430 = tpu.memref_slice %arg12[%dma_wait3A_423, %dma_wait3A_424, %dma_wait3A_429] : memref<2x8x128xi32, #tpu.memory_space<vmem>> -> memref<1x1x128xi32, #tpu.memory_space<vmem>>
    %dma_wait3A_431 = tpu.memref_squeeze %dma_wait3A_430 : memref<1x1x128xi32, #tpu.memory_space<vmem>> -> memref<128xi32, #tpu.memory_space<vmem>>
    %dma_wait3A_432 = arith.constant 0 : i32
    %dma_wait3A_433 = arith.constant 0 : i32
    %dma_wait3A_434 = tpu.memref_slice %arg14[%dma_wait3A_432, %dma_wait3A_433] : memref<100000x8xf32, #tpu.memory_space<vmem_shared>> -> memref<100000x8xf32, #tpu.memory_space<vmem_shared>>
    tpu.wait_indirect_dma semaphore(%arg17 : memref<!tpu.dma_semaphore, #tpu.memory_space<semaphore_mem>>) src(%dma_wait3A_428 : memref<128x8xf32, #tpu.memory_space<vmem>>) dst(%dma_wait3A_434 : memref<100000x8xf32, #tpu.memory_space<vmem_shared>>)
    %dma_wait3A_435 = arith.constant 0 : i32
    %dma_wait3A_436 = arith.constant 0 : i32
    %dma_wait3A_437 = arith.constant 4 : i32
    %dma_wait3A_438 = arith.constant 512 : i32
    %dma_wait3A_439 = arith.constant 0 : i32
    %dma_wait3A_440 = tpu.memref_slice %arg11[%dma_wait3A_435, %dma_wait3A_438, %dma_wait3A_439] : memref<2x1024x8xf32, #tpu.memory_space<vmem>> -> memref<1x128x8xf32, #tpu.memory_space<vmem>>
    %dma_wait3A_441 = tpu.memref_squeeze %dma_wait3A_440 : memref<1x128x8xf32, #tpu.memory_space<vmem>> -> memref<128x8xf32, #tpu.memory_space<vmem>>
    %dma_wait3A_442 = arith.constant 0 : i32
    %dma_wait3A_443 = tpu.memref_slice %arg12[%dma_wait3A_436, %dma_wait3A_437, %dma_wait3A_442] : memref<2x8x128xi32, #tpu.memory_space<vmem>> -> memref<1x1x128xi32, #tpu.memory_space<vmem>>
    %dma_wait3A_444 = tpu.memref_squeeze %dma_wait3A_443 : memref<1x1x128xi32, #tpu.memory_space<vmem>> -> memref<128xi32, #tpu.memory_space<vmem>>
    %dma_wait3A_445 = arith.constant 0 : i32
    %dma_wait3A_446 = arith.constant 0 : i32
    %dma_wait3A_447 = tpu.memref_slice %arg14[%dma_wait3A_445, %dma_wait3A_446] : memref<100000x8xf32, #tpu.memory_space<vmem_shared>> -> memref<100000x8xf32, #tpu.memory_space<vmem_shared>>
    tpu.wait_indirect_dma semaphore(%arg17 : memref<!tpu.dma_semaphore, #tpu.memory_space<semaphore_mem>>) src(%dma_wait3A_441 : memref<128x8xf32, #tpu.memory_space<vmem>>) dst(%dma_wait3A_447 : memref<100000x8xf32, #tpu.memory_space<vmem_shared>>)
    %dma_wait3A_448 = arith.constant 0 : i32
    %dma_wait3A_449 = arith.constant 0 : i32
    %dma_wait3A_450 = arith.constant 5 : i32
    %dma_wait3A_451 = arith.constant 640 : i32
    %dma_wait3A_452 = arith.constant 0 : i32
    %dma_wait3A_453 = tpu.memref_slice %arg11[%dma_wait3A_448, %dma_wait3A_451, %dma_wait3A_452] : memref<2x1024x8xf32, #tpu.memory_space<vmem>> -> memref<1x128x8xf32, #tpu.memory_space<vmem>>
    %dma_wait3A_454 = tpu.memref_squeeze %dma_wait3A_453 : memref<1x128x8xf32, #tpu.memory_space<vmem>> -> memref<128x8xf32, #tpu.memory_space<vmem>>
    %dma_wait3A_455 = arith.constant 0 : i32
    %dma_wait3A_456 = tpu.memref_slice %arg12[%dma_wait3A_449, %dma_wait3A_450, %dma_wait3A_455] : memref<2x8x128xi32, #tpu.memory_space<vmem>> -> memref<1x1x128xi32, #tpu.memory_space<vmem>>
    %dma_wait3A_457 = tpu.memref_squeeze %dma_wait3A_456 : memref<1x1x128xi32, #tpu.memory_space<vmem>> -> memref<128xi32, #tpu.memory_space<vmem>>
    %dma_wait3A_458 = arith.constant 0 : i32
    %dma_wait3A_459 = arith.constant 0 : i32
    %dma_wait3A_460 = tpu.memref_slice %arg14[%dma_wait3A_458, %dma_wait3A_459] : memref<100000x8xf32, #tpu.memory_space<vmem_shared>> -> memref<100000x8xf32, #tpu.memory_space<vmem_shared>>
    tpu.wait_indirect_dma semaphore(%arg17 : memref<!tpu.dma_semaphore, #tpu.memory_space<semaphore_mem>>) src(%dma_wait3A_454 : memref<128x8xf32, #tpu.memory_space<vmem>>) dst(%dma_wait3A_460 : memref<100000x8xf32, #tpu.memory_space<vmem_shared>>)
    %dma_wait3A_461 = arith.constant 0 : i32
    %dma_wait3A_462 = arith.constant 0 : i32
    %dma_wait3A_463 = arith.constant 6 : i32
    %dma_wait3A_464 = arith.constant 768 : i32
    %dma_wait3A_465 = arith.constant 0 : i32
    %dma_wait3A_466 = tpu.memref_slice %arg11[%dma_wait3A_461, %dma_wait3A_464, %dma_wait3A_465] : memref<2x1024x8xf32, #tpu.memory_space<vmem>> -> memref<1x128x8xf32, #tpu.memory_space<vmem>>
    %dma_wait3A_467 = tpu.memref_squeeze %dma_wait3A_466 : memref<1x128x8xf32, #tpu.memory_space<vmem>> -> memref<128x8xf32, #tpu.memory_space<vmem>>
    %dma_wait3A_468 = arith.constant 0 : i32
    %dma_wait3A_469 = tpu.memref_slice %arg12[%dma_wait3A_462, %dma_wait3A_463, %dma_wait3A_468] : memref<2x8x128xi32, #tpu.memory_space<vmem>> -> memref<1x1x128xi32, #tpu.memory_space<vmem>>
    %dma_wait3A_470 = tpu.memref_squeeze %dma_wait3A_469 : memref<1x1x128xi32, #tpu.memory_space<vmem>> -> memref<128xi32, #tpu.memory_space<vmem>>
    %dma_wait3A_471 = arith.constant 0 : i32
    %dma_wait3A_472 = arith.constant 0 : i32
    %dma_wait3A_473 = tpu.memref_slice %arg14[%dma_wait3A_471, %dma_wait3A_472] : memref<100000x8xf32, #tpu.memory_space<vmem_shared>> -> memref<100000x8xf32, #tpu.memory_space<vmem_shared>>
    tpu.wait_indirect_dma semaphore(%arg17 : memref<!tpu.dma_semaphore, #tpu.memory_space<semaphore_mem>>) src(%dma_wait3A_467 : memref<128x8xf32, #tpu.memory_space<vmem>>) dst(%dma_wait3A_473 : memref<100000x8xf32, #tpu.memory_space<vmem_shared>>)
    %dma_wait3A_474 = arith.constant 0 : i32
    %dma_wait3A_475 = arith.constant 0 : i32
    %dma_wait3A_476 = arith.constant 7 : i32
    %dma_wait3A_477 = arith.constant 896 : i32
    %dma_wait3A_478 = arith.constant 0 : i32
    %dma_wait3A_479 = tpu.memref_slice %arg11[%dma_wait3A_474, %dma_wait3A_477, %dma_wait3A_478] : memref<2x1024x8xf32, #tpu.memory_space<vmem>> -> memref<1x128x8xf32, #tpu.memory_space<vmem>>
    %dma_wait3A_480 = tpu.memref_squeeze %dma_wait3A_479 : memref<1x128x8xf32, #tpu.memory_space<vmem>> -> memref<128x8xf32, #tpu.memory_space<vmem>>
    %dma_wait3A_481 = arith.constant 0 : i32
    %dma_wait3A_482 = tpu.memref_slice %arg12[%dma_wait3A_475, %dma_wait3A_476, %dma_wait3A_481] : memref<2x8x128xi32, #tpu.memory_space<vmem>> -> memref<1x1x128xi32, #tpu.memory_space<vmem>>
    %dma_wait3A_483 = tpu.memref_squeeze %dma_wait3A_482 : memref<1x1x128xi32, #tpu.memory_space<vmem>> -> memref<128xi32, #tpu.memory_space<vmem>>
    %dma_wait3A_484 = arith.constant 0 : i32
    %dma_wait3A_485 = arith.constant 0 : i32
    %dma_wait3A_486 = tpu.memref_slice %arg14[%dma_wait3A_484, %dma_wait3A_485] : memref<100000x8xf32, #tpu.memory_space<vmem_shared>> -> memref<100000x8xf32, #tpu.memory_space<vmem_shared>>
    tpu.wait_indirect_dma semaphore(%arg17 : memref<!tpu.dma_semaphore, #tpu.memory_space<semaphore_mem>>) src(%dma_wait3A_480 : memref<128x8xf32, #tpu.memory_space<vmem>>) dst(%dma_wait3A_486 : memref<100000x8xf32, #tpu.memory_space<vmem_shared>>)
    %dma_wait3A_487 = arith.constant 1 : i32
    %dma_wait3A_488 = arith.constant 1 : i32
    %dma_wait3A_489 = arith.constant 0 : i32
    %dma_wait3A_490 = arith.constant 0 : i32
    %dma_wait3A_491 = arith.constant 0 : i32
    %dma_wait3A_492 = tpu.memref_slice %arg11[%dma_wait3A_487, %dma_wait3A_490, %dma_wait3A_491] : memref<2x1024x8xf32, #tpu.memory_space<vmem>> -> memref<1x128x8xf32, #tpu.memory_space<vmem>>
    %dma_wait3A_493 = tpu.memref_squeeze %dma_wait3A_492 : memref<1x128x8xf32, #tpu.memory_space<vmem>> -> memref<128x8xf32, #tpu.memory_space<vmem>>
    %dma_wait3A_494 = arith.constant 0 : i32
    %dma_wait3A_495 = tpu.memref_slice %arg12[%dma_wait3A_488, %dma_wait3A_489, %dma_wait3A_494] : memref<2x8x128xi32, #tpu.memory_space<vmem>> -> memref<1x1x128xi32, #tpu.memory_space<vmem>>
    %dma_wait3A_496 = tpu.memref_squeeze %dma_wait3A_495 : memref<1x1x128xi32, #tpu.memory_space<vmem>> -> memref<128xi32, #tpu.memory_space<vmem>>
    %dma_wait3A_497 = arith.constant 0 : i32
    %dma_wait3A_498 = arith.constant 0 : i32
    %dma_wait3A_499 = tpu.memref_slice %arg14[%dma_wait3A_497, %dma_wait3A_498] : memref<100000x8xf32, #tpu.memory_space<vmem_shared>> -> memref<100000x8xf32, #tpu.memory_space<vmem_shared>>
    tpu.wait_indirect_dma semaphore(%arg18 : memref<!tpu.dma_semaphore, #tpu.memory_space<semaphore_mem>>) src(%dma_wait3A_493 : memref<128x8xf32, #tpu.memory_space<vmem>>) dst(%dma_wait3A_499 : memref<100000x8xf32, #tpu.memory_space<vmem_shared>>)
    %dma_wait3A_500 = arith.constant 1 : i32
    %dma_wait3A_501 = arith.constant 1 : i32
    %dma_wait3A_502 = arith.constant 1 : i32
    %dma_wait3A_503 = arith.constant 128 : i32
    %dma_wait3A_504 = arith.constant 0 : i32
    %dma_wait3A_505 = tpu.memref_slice %arg11[%dma_wait3A_500, %dma_wait3A_503, %dma_wait3A_504] : memref<2x1024x8xf32, #tpu.memory_space<vmem>> -> memref<1x128x8xf32, #tpu.memory_space<vmem>>
    %dma_wait3A_506 = tpu.memref_squeeze %dma_wait3A_505 : memref<1x128x8xf32, #tpu.memory_space<vmem>> -> memref<128x8xf32, #tpu.memory_space<vmem>>
    %dma_wait3A_507 = arith.constant 0 : i32
    %dma_wait3A_508 = tpu.memref_slice %arg12[%dma_wait3A_501, %dma_wait3A_502, %dma_wait3A_507] : memref<2x8x128xi32, #tpu.memory_space<vmem>> -> memref<1x1x128xi32, #tpu.memory_space<vmem>>
    %dma_wait3A_509 = tpu.memref_squeeze %dma_wait3A_508 : memref<1x1x128xi32, #tpu.memory_space<vmem>> -> memref<128xi32, #tpu.memory_space<vmem>>
    %dma_wait3A_510 = arith.constant 0 : i32
    %dma_wait3A_511 = arith.constant 0 : i32
    %dma_wait3A_512 = tpu.memref_slice %arg14[%dma_wait3A_510, %dma_wait3A_511] : memref<100000x8xf32, #tpu.memory_space<vmem_shared>> -> memref<100000x8xf32, #tpu.memory_space<vmem_shared>>
    tpu.wait_indirect_dma semaphore(%arg18 : memref<!tpu.dma_semaphore, #tpu.memory_space<semaphore_mem>>) src(%dma_wait3A_506 : memref<128x8xf32, #tpu.memory_space<vmem>>) dst(%dma_wait3A_512 : memref<100000x8xf32, #tpu.memory_space<vmem_shared>>)
    %dma_wait3A_513 = arith.constant 1 : i32
    %dma_wait3A_514 = arith.constant 1 : i32
    %dma_wait3A_515 = arith.constant 2 : i32
    %dma_wait3A_516 = arith.constant 256 : i32
    %dma_wait3A_517 = arith.constant 0 : i32
    %dma_wait3A_518 = tpu.memref_slice %arg11[%dma_wait3A_513, %dma_wait3A_516, %dma_wait3A_517] : memref<2x1024x8xf32, #tpu.memory_space<vmem>> -> memref<1x128x8xf32, #tpu.memory_space<vmem>>
    %dma_wait3A_519 = tpu.memref_squeeze %dma_wait3A_518 : memref<1x128x8xf32, #tpu.memory_space<vmem>> -> memref<128x8xf32, #tpu.memory_space<vmem>>
    %dma_wait3A_520 = arith.constant 0 : i32
    %dma_wait3A_521 = tpu.memref_slice %arg12[%dma_wait3A_514, %dma_wait3A_515, %dma_wait3A_520] : memref<2x8x128xi32, #tpu.memory_space<vmem>> -> memref<1x1x128xi32, #tpu.memory_space<vmem>>
    %dma_wait3A_522 = tpu.memref_squeeze %dma_wait3A_521 : memref<1x1x128xi32, #tpu.memory_space<vmem>> -> memref<128xi32, #tpu.memory_space<vmem>>
    %dma_wait3A_523 = arith.constant 0 : i32
    %dma_wait3A_524 = arith.constant 0 : i32
    %dma_wait3A_525 = tpu.memref_slice %arg14[%dma_wait3A_523, %dma_wait3A_524] : memref<100000x8xf32, #tpu.memory_space<vmem_shared>> -> memref<100000x8xf32, #tpu.memory_space<vmem_shared>>
    tpu.wait_indirect_dma semaphore(%arg18 : memref<!tpu.dma_semaphore, #tpu.memory_space<semaphore_mem>>) src(%dma_wait3A_519 : memref<128x8xf32, #tpu.memory_space<vmem>>) dst(%dma_wait3A_525 : memref<100000x8xf32, #tpu.memory_space<vmem_shared>>)
    %dma_wait3A_526 = arith.constant 1 : i32
    %dma_wait3A_527 = arith.constant 1 : i32
    %dma_wait3A_528 = arith.constant 3 : i32
    %dma_wait3A_529 = arith.constant 384 : i32
    %dma_wait3A_530 = arith.constant 0 : i32
    %dma_wait3A_531 = tpu.memref_slice %arg11[%dma_wait3A_526, %dma_wait3A_529, %dma_wait3A_530] : memref<2x1024x8xf32, #tpu.memory_space<vmem>> -> memref<1x128x8xf32, #tpu.memory_space<vmem>>
    %dma_wait3A_532 = tpu.memref_squeeze %dma_wait3A_531 : memref<1x128x8xf32, #tpu.memory_space<vmem>> -> memref<128x8xf32, #tpu.memory_space<vmem>>
    %dma_wait3A_533 = arith.constant 0 : i32
    %dma_wait3A_534 = tpu.memref_slice %arg12[%dma_wait3A_527, %dma_wait3A_528, %dma_wait3A_533] : memref<2x8x128xi32, #tpu.memory_space<vmem>> -> memref<1x1x128xi32, #tpu.memory_space<vmem>>
    %dma_wait3A_535 = tpu.memref_squeeze %dma_wait3A_534 : memref<1x1x128xi32, #tpu.memory_space<vmem>> -> memref<128xi32, #tpu.memory_space<vmem>>
    %dma_wait3A_536 = arith.constant 0 : i32
    %dma_wait3A_537 = arith.constant 0 : i32
    %dma_wait3A_538 = tpu.memref_slice %arg14[%dma_wait3A_536, %dma_wait3A_537] : memref<100000x8xf32, #tpu.memory_space<vmem_shared>> -> memref<100000x8xf32, #tpu.memory_space<vmem_shared>>
    tpu.wait_indirect_dma semaphore(%arg18 : memref<!tpu.dma_semaphore, #tpu.memory_space<semaphore_mem>>) src(%dma_wait3A_532 : memref<128x8xf32, #tpu.memory_space<vmem>>) dst(%dma_wait3A_538 : memref<100000x8xf32, #tpu.memory_space<vmem_shared>>)
    %dma_wait3A_539 = arith.constant 1 : i32
    %dma_wait3A_540 = arith.constant 1 : i32
    %dma_wait3A_541 = arith.constant 4 : i32
    %dma_wait3A_542 = arith.constant 512 : i32
    %dma_wait3A_543 = arith.constant 0 : i32
    %dma_wait3A_544 = tpu.memref_slice %arg11[%dma_wait3A_539, %dma_wait3A_542, %dma_wait3A_543] : memref<2x1024x8xf32, #tpu.memory_space<vmem>> -> memref<1x128x8xf32, #tpu.memory_space<vmem>>
    %dma_wait3A_545 = tpu.memref_squeeze %dma_wait3A_544 : memref<1x128x8xf32, #tpu.memory_space<vmem>> -> memref<128x8xf32, #tpu.memory_space<vmem>>
    %dma_wait3A_546 = arith.constant 0 : i32
    %dma_wait3A_547 = tpu.memref_slice %arg12[%dma_wait3A_540, %dma_wait3A_541, %dma_wait3A_546] : memref<2x8x128xi32, #tpu.memory_space<vmem>> -> memref<1x1x128xi32, #tpu.memory_space<vmem>>
    %dma_wait3A_548 = tpu.memref_squeeze %dma_wait3A_547 : memref<1x1x128xi32, #tpu.memory_space<vmem>> -> memref<128xi32, #tpu.memory_space<vmem>>
    %dma_wait3A_549 = arith.constant 0 : i32
    %dma_wait3A_550 = arith.constant 0 : i32
    %dma_wait3A_551 = tpu.memref_slice %arg14[%dma_wait3A_549, %dma_wait3A_550] : memref<100000x8xf32, #tpu.memory_space<vmem_shared>> -> memref<100000x8xf32, #tpu.memory_space<vmem_shared>>
    tpu.wait_indirect_dma semaphore(%arg18 : memref<!tpu.dma_semaphore, #tpu.memory_space<semaphore_mem>>) src(%dma_wait3A_545 : memref<128x8xf32, #tpu.memory_space<vmem>>) dst(%dma_wait3A_551 : memref<100000x8xf32, #tpu.memory_space<vmem_shared>>)
    %dma_wait3A_552 = arith.constant 1 : i32
    %dma_wait3A_553 = arith.constant 1 : i32
    %dma_wait3A_554 = arith.constant 5 : i32
    %dma_wait3A_555 = arith.constant 640 : i32
    %dma_wait3A_556 = arith.constant 0 : i32
    %dma_wait3A_557 = tpu.memref_slice %arg11[%dma_wait3A_552, %dma_wait3A_555, %dma_wait3A_556] : memref<2x1024x8xf32, #tpu.memory_space<vmem>> -> memref<1x128x8xf32, #tpu.memory_space<vmem>>
    %dma_wait3A_558 = tpu.memref_squeeze %dma_wait3A_557 : memref<1x128x8xf32, #tpu.memory_space<vmem>> -> memref<128x8xf32, #tpu.memory_space<vmem>>
    %dma_wait3A_559 = arith.constant 0 : i32
    %dma_wait3A_560 = tpu.memref_slice %arg12[%dma_wait3A_553, %dma_wait3A_554, %dma_wait3A_559] : memref<2x8x128xi32, #tpu.memory_space<vmem>> -> memref<1x1x128xi32, #tpu.memory_space<vmem>>
    %dma_wait3A_561 = tpu.memref_squeeze %dma_wait3A_560 : memref<1x1x128xi32, #tpu.memory_space<vmem>> -> memref<128xi32, #tpu.memory_space<vmem>>
    %dma_wait3A_562 = arith.constant 0 : i32
    %dma_wait3A_563 = arith.constant 0 : i32
    %dma_wait3A_564 = tpu.memref_slice %arg14[%dma_wait3A_562, %dma_wait3A_563] : memref<100000x8xf32, #tpu.memory_space<vmem_shared>> -> memref<100000x8xf32, #tpu.memory_space<vmem_shared>>
    tpu.wait_indirect_dma semaphore(%arg18 : memref<!tpu.dma_semaphore, #tpu.memory_space<semaphore_mem>>) src(%dma_wait3A_558 : memref<128x8xf32, #tpu.memory_space<vmem>>) dst(%dma_wait3A_564 : memref<100000x8xf32, #tpu.memory_space<vmem_shared>>)
    %dma_wait3A_565 = arith.constant 1 : i32
    %dma_wait3A_566 = arith.constant 1 : i32
    %dma_wait3A_567 = arith.constant 6 : i32
    %dma_wait3A_568 = arith.constant 768 : i32
    %dma_wait3A_569 = arith.constant 0 : i32
    %dma_wait3A_570 = tpu.memref_slice %arg11[%dma_wait3A_565, %dma_wait3A_568, %dma_wait3A_569] : memref<2x1024x8xf32, #tpu.memory_space<vmem>> -> memref<1x128x8xf32, #tpu.memory_space<vmem>>
    %dma_wait3A_571 = tpu.memref_squeeze %dma_wait3A_570 : memref<1x128x8xf32, #tpu.memory_space<vmem>> -> memref<128x8xf32, #tpu.memory_space<vmem>>
    %dma_wait3A_572 = arith.constant 0 : i32
    %dma_wait3A_573 = tpu.memref_slice %arg12[%dma_wait3A_566, %dma_wait3A_567, %dma_wait3A_572] : memref<2x8x128xi32, #tpu.memory_space<vmem>> -> memref<1x1x128xi32, #tpu.memory_space<vmem>>
    %dma_wait3A_574 = tpu.memref_squeeze %dma_wait3A_573 : memref<1x1x128xi32, #tpu.memory_space<vmem>> -> memref<128xi32, #tpu.memory_space<vmem>>
    %dma_wait3A_575 = arith.constant 0 : i32
    %dma_wait3A_576 = arith.constant 0 : i32
    %dma_wait3A_577 = tpu.memref_slice %arg14[%dma_wait3A_575, %dma_wait3A_576] : memref<100000x8xf32, #tpu.memory_space<vmem_shared>> -> memref<100000x8xf32, #tpu.memory_space<vmem_shared>>
    tpu.wait_indirect_dma semaphore(%arg18 : memref<!tpu.dma_semaphore, #tpu.memory_space<semaphore_mem>>) src(%dma_wait3A_571 : memref<128x8xf32, #tpu.memory_space<vmem>>) dst(%dma_wait3A_577 : memref<100000x8xf32, #tpu.memory_space<vmem_shared>>)
    %dma_wait3A_578 = arith.constant 1 : i32
    %dma_wait3A_579 = arith.constant 1 : i32
    %dma_wait3A_580 = arith.constant 7 : i32
    %dma_wait3A_581 = arith.constant 896 : i32
    %dma_wait3A_582 = arith.constant 0 : i32
    %dma_wait3A_583 = tpu.memref_slice %arg11[%dma_wait3A_578, %dma_wait3A_581, %dma_wait3A_582] : memref<2x1024x8xf32, #tpu.memory_space<vmem>> -> memref<1x128x8xf32, #tpu.memory_space<vmem>>
    %dma_wait3A_584 = tpu.memref_squeeze %dma_wait3A_583 : memref<1x128x8xf32, #tpu.memory_space<vmem>> -> memref<128x8xf32, #tpu.memory_space<vmem>>
    %dma_wait3A_585 = arith.constant 0 : i32
    %dma_wait3A_586 = tpu.memref_slice %arg12[%dma_wait3A_579, %dma_wait3A_580, %dma_wait3A_585] : memref<2x8x128xi32, #tpu.memory_space<vmem>> -> memref<1x1x128xi32, #tpu.memory_space<vmem>>
    %dma_wait3A_587 = tpu.memref_squeeze %dma_wait3A_586 : memref<1x1x128xi32, #tpu.memory_space<vmem>> -> memref<128xi32, #tpu.memory_space<vmem>>
    %dma_wait3A_588 = arith.constant 0 : i32
    %dma_wait3A_589 = arith.constant 0 : i32
    %dma_wait3A_590 = tpu.memref_slice %arg14[%dma_wait3A_588, %dma_wait3A_589] : memref<100000x8xf32, #tpu.memory_space<vmem_shared>> -> memref<100000x8xf32, #tpu.memory_space<vmem_shared>>
    tpu.wait_indirect_dma semaphore(%arg18 : memref<!tpu.dma_semaphore, #tpu.memory_space<semaphore_mem>>) src(%dma_wait3A_584 : memref<128x8xf32, #tpu.memory_space<vmem>>) dst(%dma_wait3A_590 : memref<100000x8xf32, #tpu.memory_space<vmem_shared>>)
    %barrier3A_591 = arith.constant 0 : index
    tpu.barrier barrier_id(%barrier3A_591)
    %add3A_592 = arith.constant 0 : i32
    %add3A_593 = arith.addi %arg1, %add3A_592 : i32
    %lt3A_594 = arith.constant 50 : i32
    %lt3A_595 = arith.cmpi slt, %add3A_593, %lt3A_594 : i32
    %convert_element_type3A_596 = arith.extui %lt3A_595 : i1 to i32
    %cond3A_597 = arith.constant 0 : i32
    %cond3A_598 = arith.cmpi ne, %convert_element_type3A_596, %cond3A_597 : i32
    scf.if %cond3A_598 {
      %mul3A_620 = arith.constant 2000 : i32
      %mul3A_621 = arith.muli %add3A_593, %mul3A_620 : i32
      %mul3A_622 = arith.constant 2000 : i32
      %mul3A_623 = arith.muli %add3A_593, %mul3A_622 : i32
      "tpu.region"() ({
        %run_scoped3A_624 = tpu.sem_alloc : memref<!tpu.dma_semaphore, #tpu.memory_space<semaphore_mem>>
        %dma_start3A_625 = arith.constant 0 : i32
        %dma_start3A_626 = tpu.memref_slice %arg7[%arg0, %mul3A_623, %dma_start3A_625] : memref<2x100000x8xf32, #tpu.memory_space<hbm>> -> memref<1x2000x8xf32, #tpu.memory_space<hbm>>
        %dma_start3A_627 = tpu.memref_squeeze %dma_start3A_626 : memref<1x2000x8xf32, #tpu.memory_space<hbm>> -> memref<2000x8xf32, #tpu.memory_space<hbm>>
        %dma_start3A_628 = arith.constant 0 : i32
        %dma_start3A_629 = tpu.memref_slice %arg14[%mul3A_621, %dma_start3A_628] : memref<100000x8xf32, #tpu.memory_space<vmem_shared>> -> memref<2000x8xf32, #tpu.memory_space<vmem_shared>>
        tpu.enqueue_dma source(%dma_start3A_629 : memref<2000x8xf32, #tpu.memory_space<vmem_shared>>) target(%dma_start3A_627 : memref<2000x8xf32, #tpu.memory_space<hbm>>) target_semaphore(%run_scoped3A_624 : memref<!tpu.dma_semaphore, #tpu.memory_space<semaphore_mem>>)
        %dma_wait3A_630 = arith.constant 0 : i32
        %dma_wait3A_631 = tpu.memref_slice %arg7[%arg0, %mul3A_623, %dma_wait3A_630] : memref<2x100000x8xf32, #tpu.memory_space<hbm>> -> memref<1x2000x8xf32, #tpu.memory_space<hbm>>
        %dma_wait3A_632 = tpu.memref_squeeze %dma_wait3A_631 : memref<1x2000x8xf32, #tpu.memory_space<hbm>> -> memref<2000x8xf32, #tpu.memory_space<hbm>>
        %dma_wait3A_633 = arith.constant 0 : i32
        %dma_wait3A_634 = tpu.memref_slice %arg14[%mul3A_621, %dma_wait3A_633] : memref<100000x8xf32, #tpu.memory_space<vmem_shared>> -> memref<2000x8xf32, #tpu.memory_space<vmem_shared>>
        tpu.wait_dma2 semaphore(%run_scoped3A_624 : memref<!tpu.dma_semaphore, #tpu.memory_space<semaphore_mem>>) src(%dma_wait3A_634 : memref<2000x8xf32, #tpu.memory_space<vmem_shared>>) dst(%dma_wait3A_632 : memref<2000x8xf32, #tpu.memory_space<hbm>>)
        tpu.yield
      }) : () -> ()
    } else {
    }
    %add3A_599 = arith.constant 16 : i32
    %add3A_600 = arith.addi %arg1, %add3A_599 : i32
    %lt3A_601 = arith.constant 50 : i32
    %lt3A_602 = arith.cmpi slt, %add3A_600, %lt3A_601 : i32
    %convert_element_type3A_603 = arith.extui %lt3A_602 : i1 to i32
    %cond3A_604 = arith.constant 0 : i32
    %cond3A_605 = arith.cmpi ne, %convert_element_type3A_603, %cond3A_604 : i32
    scf.if %cond3A_605 {
      %mul3A_620 = arith.constant 2000 : i32
      %mul3A_621 = arith.muli %add3A_600, %mul3A_620 : i32
      %mul3A_622 = arith.constant 2000 : i32
      %mul3A_623 = arith.muli %add3A_600, %mul3A_622 : i32
      "tpu.region"() ({
        %run_scoped3A_624 = tpu.sem_alloc : memref<!tpu.dma_semaphore, #tpu.memory_space<semaphore_mem>>
        %dma_start3A_625 = arith.constant 0 : i32
        %dma_start3A_626 = tpu.memref_slice %arg7[%arg0, %mul3A_623, %dma_start3A_625] : memref<2x100000x8xf32, #tpu.memory_space<hbm>> -> memref<1x2000x8xf32, #tpu.memory_space<hbm>>
        %dma_start3A_627 = tpu.memref_squeeze %dma_start3A_626 : memref<1x2000x8xf32, #tpu.memory_space<hbm>> -> memref<2000x8xf32, #tpu.memory_space<hbm>>
        %dma_start3A_628 = arith.constant 0 : i32
        %dma_start3A_629 = tpu.memref_slice %arg14[%mul3A_621, %dma_start3A_628] : memref<100000x8xf32, #tpu.memory_space<vmem_shared>> -> memref<2000x8xf32, #tpu.memory_space<vmem_shared>>
        tpu.enqueue_dma source(%dma_start3A_629 : memref<2000x8xf32, #tpu.memory_space<vmem_shared>>) target(%dma_start3A_627 : memref<2000x8xf32, #tpu.memory_space<hbm>>) target_semaphore(%run_scoped3A_624 : memref<!tpu.dma_semaphore, #tpu.memory_space<semaphore_mem>>)
        %dma_wait3A_630 = arith.constant 0 : i32
        %dma_wait3A_631 = tpu.memref_slice %arg7[%arg0, %mul3A_623, %dma_wait3A_630] : memref<2x100000x8xf32, #tpu.memory_space<hbm>> -> memref<1x2000x8xf32, #tpu.memory_space<hbm>>
        %dma_wait3A_632 = tpu.memref_squeeze %dma_wait3A_631 : memref<1x2000x8xf32, #tpu.memory_space<hbm>> -> memref<2000x8xf32, #tpu.memory_space<hbm>>
        %dma_wait3A_633 = arith.constant 0 : i32
        %dma_wait3A_634 = tpu.memref_slice %arg14[%mul3A_621, %dma_wait3A_633] : memref<100000x8xf32, #tpu.memory_space<vmem_shared>> -> memref<2000x8xf32, #tpu.memory_space<vmem_shared>>
        tpu.wait_dma2 semaphore(%run_scoped3A_624 : memref<!tpu.dma_semaphore, #tpu.memory_space<semaphore_mem>>) src(%dma_wait3A_634 : memref<2000x8xf32, #tpu.memory_space<vmem_shared>>) dst(%dma_wait3A_632 : memref<2000x8xf32, #tpu.memory_space<hbm>>)
        tpu.yield
      }) : () -> ()
    } else {
    }
    %add3A_606 = arith.constant 32 : i32
    %add3A_607 = arith.addi %arg1, %add3A_606 : i32
    %lt3A_608 = arith.constant 50 : i32
    %lt3A_609 = arith.cmpi slt, %add3A_607, %lt3A_608 : i32
    %convert_element_type3A_610 = arith.extui %lt3A_609 : i1 to i32
    %cond3A_611 = arith.constant 0 : i32
    %cond3A_612 = arith.cmpi ne, %convert_element_type3A_610, %cond3A_611 : i32
    scf.if %cond3A_612 {
      %mul3A_620 = arith.constant 2000 : i32
      %mul3A_621 = arith.muli %add3A_607, %mul3A_620 : i32
      %mul3A_622 = arith.constant 2000 : i32
      %mul3A_623 = arith.muli %add3A_607, %mul3A_622 : i32
      "tpu.region"() ({
        %run_scoped3A_624 = tpu.sem_alloc : memref<!tpu.dma_semaphore, #tpu.memory_space<semaphore_mem>>
        %dma_start3A_625 = arith.constant 0 : i32
        %dma_start3A_626 = tpu.memref_slice %arg7[%arg0, %mul3A_623, %dma_start3A_625] : memref<2x100000x8xf32, #tpu.memory_space<hbm>> -> memref<1x2000x8xf32, #tpu.memory_space<hbm>>
        %dma_start3A_627 = tpu.memref_squeeze %dma_start3A_626 : memref<1x2000x8xf32, #tpu.memory_space<hbm>> -> memref<2000x8xf32, #tpu.memory_space<hbm>>
        %dma_start3A_628 = arith.constant 0 : i32
        %dma_start3A_629 = tpu.memref_slice %arg14[%mul3A_621, %dma_start3A_628] : memref<100000x8xf32, #tpu.memory_space<vmem_shared>> -> memref<2000x8xf32, #tpu.memory_space<vmem_shared>>
        tpu.enqueue_dma source(%dma_start3A_629 : memref<2000x8xf32, #tpu.memory_space<vmem_shared>>) target(%dma_start3A_627 : memref<2000x8xf32, #tpu.memory_space<hbm>>) target_semaphore(%run_scoped3A_624 : memref<!tpu.dma_semaphore, #tpu.memory_space<semaphore_mem>>)
        %dma_wait3A_630 = arith.constant 0 : i32
        %dma_wait3A_631 = tpu.memref_slice %arg7[%arg0, %mul3A_623, %dma_wait3A_630] : memref<2x100000x8xf32, #tpu.memory_space<hbm>> -> memref<1x2000x8xf32, #tpu.memory_space<hbm>>
        %dma_wait3A_632 = tpu.memref_squeeze %dma_wait3A_631 : memref<1x2000x8xf32, #tpu.memory_space<hbm>> -> memref<2000x8xf32, #tpu.memory_space<hbm>>
        %dma_wait3A_633 = arith.constant 0 : i32
        %dma_wait3A_634 = tpu.memref_slice %arg14[%mul3A_621, %dma_wait3A_633] : memref<100000x8xf32, #tpu.memory_space<vmem_shared>> -> memref<2000x8xf32, #tpu.memory_space<vmem_shared>>
        tpu.wait_dma2 semaphore(%run_scoped3A_624 : memref<!tpu.dma_semaphore, #tpu.memory_space<semaphore_mem>>) src(%dma_wait3A_634 : memref<2000x8xf32, #tpu.memory_space<vmem_shared>>) dst(%dma_wait3A_632 : memref<2000x8xf32, #tpu.memory_space<hbm>>)
        tpu.yield
      }) : () -> ()
    } else {
    }
    %add3A_613 = arith.constant 48 : i32
    %add3A_614 = arith.addi %arg1, %add3A_613 : i32
    %lt3A_615 = arith.constant 50 : i32
    %lt3A_616 = arith.cmpi slt, %add3A_614, %lt3A_615 : i32
    %convert_element_type3A_617 = arith.extui %lt3A_616 : i1 to i32
    %cond3A_618 = arith.constant 0 : i32
    %cond3A_619 = arith.cmpi ne, %convert_element_type3A_617, %cond3A_618 : i32
    scf.if %cond3A_619 {
      %mul3A_620 = arith.constant 2000 : i32
      %mul3A_621 = arith.muli %add3A_614, %mul3A_620 : i32
      %mul3A_622 = arith.constant 2000 : i32
      %mul3A_623 = arith.muli %add3A_614, %mul3A_622 : i32
      "tpu.region"() ({
        %run_scoped3A_624 = tpu.sem_alloc : memref<!tpu.dma_semaphore, #tpu.memory_space<semaphore_mem>>
        %dma_start3A_625 = arith.constant 0 : i32
        %dma_start3A_626 = tpu.memref_slice %arg7[%arg0, %mul3A_623, %dma_start3A_625] : memref<2x100000x8xf32, #tpu.memory_space<hbm>> -> memref<1x2000x8xf32, #tpu.memory_space<hbm>>
        %dma_start3A_627 = tpu.memref_squeeze %dma_start3A_626 : memref<1x2000x8xf32, #tpu.memory_space<hbm>> -> memref<2000x8xf32, #tpu.memory_space<hbm>>
        %dma_start3A_628 = arith.constant 0 : i32
        %dma_start3A_629 = tpu.memref_slice %arg14[%mul3A_621, %dma_start3A_628] : memref<100000x8xf32, #tpu.memory_space<vmem_shared>> -> memref<2000x8xf32, #tpu.memory_space<vmem_shared>>
        tpu.enqueue_dma source(%dma_start3A_629 : memref<2000x8xf32, #tpu.memory_space<vmem_shared>>) target(%dma_start3A_627 : memref<2000x8xf32, #tpu.memory_space<hbm>>) target_semaphore(%run_scoped3A_624 : memref<!tpu.dma_semaphore, #tpu.memory_space<semaphore_mem>>)
        %dma_wait3A_630 = arith.constant 0 : i32
        %dma_wait3A_631 = tpu.memref_slice %arg7[%arg0, %mul3A_623, %dma_wait3A_630] : memref<2x100000x8xf32, #tpu.memory_space<hbm>> -> memref<1x2000x8xf32, #tpu.memory_space<hbm>>
        %dma_wait3A_632 = tpu.memref_squeeze %dma_wait3A_631 : memref<1x2000x8xf32, #tpu.memory_space<hbm>> -> memref<2000x8xf32, #tpu.memory_space<hbm>>
        %dma_wait3A_633 = arith.constant 0 : i32
        %dma_wait3A_634 = tpu.memref_slice %arg14[%mul3A_621, %dma_wait3A_633] : memref<100000x8xf32, #tpu.memory_space<vmem_shared>> -> memref<2000x8xf32, #tpu.memory_space<vmem_shared>>
        tpu.wait_dma2 semaphore(%run_scoped3A_624 : memref<!tpu.dma_semaphore, #tpu.memory_space<semaphore_mem>>) src(%dma_wait3A_634 : memref<2000x8xf32, #tpu.memory_space<vmem_shared>>) dst(%dma_wait3A_632 : memref<2000x8xf32, #tpu.memory_space<hbm>>)
        tpu.yield
      }) : () -> ()
    } else {
    }
    return
  }
}

module attributes {stable_mosaic.version = 14 : i64} {
  func.func @_add_body(%arg0: memref<2x6250x128xf32, #tpu.memory_space<vmem>>, %arg1: memref<6250x128xf32, #tpu.memory_space<vmem>>) attributes {dimension_semantics = [], scalar_prefetch = 0 : i64, scratch_operands = 0 : i64, tpu.core_type = #tpu.core_type<tc>} {
    %get3A = arith.constant 0 : index
    %get3A_0 = arith.constant 0 : index
    %get3A_1 = arith.constant 0 : index
    %get3A_2 = vector.load %arg0[%get3A, %get3A_0, %get3A_1] : memref<2x6250x128xf32, #tpu.memory_space<vmem>>, vector<1x6250x128xf32>
    %get3A_3 = vector.shape_cast %get3A_2 : vector<1x6250x128xf32> to vector<6250x128xf32>
    %get3A_4 = arith.constant 1 : index
    %get3A_5 = arith.constant 0 : index
    %get3A_6 = arith.constant 0 : index
    %get3A_7 = vector.load %arg0[%get3A_4, %get3A_5, %get3A_6] : memref<2x6250x128xf32, #tpu.memory_space<vmem>>, vector<1x6250x128xf32>
    %get3A_8 = vector.shape_cast %get3A_7 : vector<1x6250x128xf32> to vector<6250x128xf32>
    %add3A = arith.addf %get3A_3, %get3A_8 : vector<6250x128xf32>
    %swap3A = arith.constant 0 : index
    %swap3A_9 = arith.constant 0 : index
    %swap3A_10 = vector.load %arg1[%swap3A, %swap3A_9] : memref<6250x128xf32, #tpu.memory_space<vmem>>, vector<6250x128xf32>
    tpu.vector_store %arg1[%swap3A, %swap3A_9], %add3A {strides = array<i32>} : memref<6250x128xf32, #tpu.memory_space<vmem>>, vector<6250x128xf32>,
    return
  }
}

</mosaic_0001>

<sc_bundles>
// kernel: kernel.4.cloned.1.call-start
scs
__scs_entry_jumppad:
0x0: {  	(pc) =	sbr.rel $0x88, $3  }
0x1: {  	(tag) =	ssettag $0x0;
	lr =	simm.s32 $0x1  }
0x2: {  	[smem:$0x3F9A] =	sst lr;
	_ =	strace $0xD0000000  }
0x3: {  	_ = 	snop  }
0x4: {  	_ = 	snop  }
0x5: {  	_ = 	snop  }
0x6: {  	_ = 	snop  }
0x7: {  	_ = 	snop  }
__scs_overlays_trampoline_lowered:
0x8: {  	[smem:$0x3FA9] =	sst s0  }
0x9: {  	[smem:$0x3FAA] =	sst s1  }
0xa: {  	[smem:$0x3FAB] =	sst s2  }
0xb: {  	[smem:$0x3FAC] =	sst s3  }
0xc: {  	[smem:$0x3FAD] =	sst s4  }
0xd: {  	[smem:$0x3FAE] =	sst s5  }
0xe: {  	[smem:$0x3FAF] =	sst s6  }
0xf: {  	[smem:$0x3FB0] =	sst s7  }
0x10: {  	[smem:$0x3FB1] =	sst s8  }
0x11: {  	[smem:$0x3FB2] =	sst s9;
	s0 =	simm.s32 @!p0 $0x0  }
0x12: {  	s1 =	sld [smem:$0x3F98];
	s0 =	simm.s32 @p0 $0x1  }
0x13: {  	[smem:$0x3FB3] =	sst s0;
	s0 =	simm.s32 @!p1 $0x0  }
0x14: {  	s2 =	sld [smem:$0x3F97];
	s0 =	simm.s32 @p1 $0x1  }
0x15: {  	[smem:$0x3FB4] =	sst s0;
	s0 =	simm.s32 @!p2 $0x0  }
0x16: {  	s3 =	sld [smem:$0x3FDB];
	s0 =	simm.s32 @p2 $0x1  }
0x17: {  	s4 =	simm.s32 $0x1BF5;
	[smem:$0x3FB6] =	sst s0  }
0x18: {  	s0 =	sld [smem:$0x3F99];
	_ =	swait.ge [sflag:s4], $0x0  }
0x19: {  	s7 =	sld [smem:$0x3F9A]  }
0x1a: {  	s8 =	sadd.s32 $0xFFFFE003, lr  }
0x1b: {  	s9 =	sadd.s32 $0xFFFFFEF7, lr;
	s5 =	simm.s32 $0xFFFFFFFF;
	p2 =	slt.u32 s8, $0xFFFFF086  }
0x1c: {  	p1 =	slt.u32 s9, $0xF7A;
	s5 =	simm.s32 @!p2 $0x0  }
0x1d: {  	s5 =	simm.s32 @p1 $0x1;
	p0 =	seq.s32 s7, s2  }
0x1e: {  	s7 =	smul.u32 @!p0 $0xF7A, s2;
	p2 =	seq.s32 @!p0 s5, $0x0  }
0x1f: {  	s9 =	smul.u32 $0xF7A, s1;
	s8 =	simm.s32 @!p0 $0x1BF5;
	p2 =	por !p2, p0  }
0x20: {  	[sflag:s8] =	ssyncset.s32 @!p0 $0xFFFFF086;
	s6 =	sadd.s32 @!p0 s3, s7;
	s7 =	simm.s32 @!p0 $0x108  }
0x21: {  	s3 =	sadd.s32 s3, s9;
	s6 =	sadd.s32 @!p0 $0x88, s6;
	s7 =	simm.s32 @p2 $0x1082  }
0x22: {  	[simem:s7], [sflag:s8] =	dma.local @!p0 [hbm:s6], $0xF7A  }
0x23: {  	s9 =	sor.u32 $0xD0000000, s2;
	s6 =	simm.s32 $0x108;
	_ =	swait.ge @!p0 [sflag:s8], $0x0  }
0x24: {  	s3 =	sadd.s32 $0x88, s3;
	s6 =	simm.s32 @!p1 $0x1082;
	[sflag:s4] =	ssyncset.s32 $0xFFFFF086  }
0x25: {  	[simem:s6], [sflag:s4] =	dma.local [hbm:s3], $0xF7A  }
0x26: {  	[smem:$0x3F9A] =	sst s1;
	(tag) =	ssettag s2;
	_ =	strace s9  }
0x27: {  	s1 =	sld [smem:$0x3FAA]  }
0x28: {  	s2 =	sld [smem:$0x3FAB]  }
0x29: {  	s4 =	sld [smem:$0x3FAD]  }
0x2a: {  	p0 =	seq.s32 s5, $0x0;
	s5 =	sld [smem:$0x3FAE]  }
0x2b: {  	s6 =	sld [smem:$0x3FAF]  }
0x2c: {  	s7 =	sld [smem:$0x3FB0]  }
0x2d: {  	s3 =	simm.s32 $0x108;
	s8 =	sld [smem:$0x3FB1]  }
0x2e: {  	s3 =	simm.s32 @!p0 $0x1082;
	s9 =	sld [smem:$0x3FB2]  }
0x2f: {  	lr =	sadd.s32 s0, s3;
	s0 =	sld [smem:$0x3FA9]  }
0x30: {  	s3 =	sld [smem:$0x3FAC]  }
0x31: {  	[smem:$0x3FB5] =	sst s10  }
0x32: {  	s10 =	sld [smem:$0x3FB3];
	_ =	sdelay $0x3  }
0x33: {  	p0 =	seq.s32 s10, $0x1;
	s10 =	sld [smem:$0x3FB5];
	_ =	sdelay $0x3  }
0x34: {  	[smem:$0x3FB5] =	sst s10  }
0x35: {  	s10 =	sld [smem:$0x3FB4];
	_ =	sdelay $0x3  }
0x36: {  	p1 =	seq.s32 s10, $0x1;
	s10 =	sld [smem:$0x3FB5];
	_ =	sdelay $0x3  }
0x37: {  	[smem:$0x3FB5] =	sst s10  }
0x38: {  	s10 =	sld [smem:$0x3FB6]  }
0x39: {  	_ = 	snop;
	(pc) =	sbr.ind lr, $3  }
0x3a: {  	_ = 	snop  }
0x3b: {  	_ = 	snop  }
0x3c: {  	p2 =	seq.s32 s10, $0x1;
	s10 =	sld [smem:$0x3FB5]  }
0x3d: {  	_ =	shalt  }
0x3e: {  	_ =	shalt  }
0x3f: {  	_ =	shalt  }
0x40: {  	_ =	shalt  }
0x41: {  	_ =	shalt  }
0x42: {  	_ =	shalt  }
0x43: {  	_ =	shalt  }
0x44: {  	_ =	shalt  }
0x45: {  	_ =	shalt  }
0x46: {  	_ =	shalt  }
0x47: {  	_ =	shalt  }
0x48: {  	_ =	shalt  }
0x49: {  	_ =	shalt  }
0x4a: {  	_ =	shalt  }
0x4b: {  	_ =	shalt  }
0x4c: {  	_ =	shalt  }
0x4d: {  	_ =	shalt  }
0x4e: {  	_ =	shalt  }
0x4f: {  	_ =	shalt  }
0x50: {  	_ =	shalt  }
0x51: {  	_ =	shalt  }
0x52: {  	_ =	shalt  }
0x53: {  	_ =	shalt  }
0x54: {  	_ =	shalt  }
0x55: {  	_ =	shalt  }
0x56: {  	_ =	shalt  }
0x57: {  	_ =	shalt  }
0x58: {  	_ =	shalt  }
0x59: {  	_ =	shalt  }
0x5a: {  	_ =	shalt  }
0x5b: {  	_ =	shalt  }
0x5c: {  	_ =	shalt  }
0x5d: {  	_ =	shalt  }
0x5e: {  	_ =	shalt  }
0x5f: {  	_ =	shalt  }
0x60: {  	_ =	shalt  }
0x61: {  	_ =	shalt  }
0x62: {  	_ =	shalt  }
0x63: {  	_ =	shalt  }
0x64: {  	_ =	shalt  }
0x65: {  	_ =	shalt  }
0x66: {  	_ =	shalt  }
0x67: {  	_ =	shalt  }
0x68: {  	_ =	shalt  }
0x69: {  	_ =	shalt  }
0x6a: {  	_ =	shalt  }
0x6b: {  	_ =	shalt  }
0x6c: {  	_ =	shalt  }
0x6d: {  	_ =	shalt  }
0x6e: {  	_ =	shalt  }
0x6f: {  	_ =	shalt  }
0x70: {  	_ =	shalt  }
0x71: {  	_ =	shalt  }
0x72: {  	_ =	shalt  }
0x73: {  	_ =	shalt  }
0x74: {  	_ =	shalt  }
0x75: {  	_ =	shalt  }
0x76: {  	_ =	shalt  }
0x77: {  	_ =	shalt  }
0x78: {  	_ =	shalt  }
0x79: {  	_ =	shalt  }
0x7a: {  	_ =	shalt  }
0x7b: {  	_ =	shalt  }
0x7c: {  	_ =	shalt  }
0x7d: {  	_ =	shalt  }
0x7e: {  	_ =	shalt  }
0x7f: {  	_ =	shalt  }
0x80: {  	_ =	shalt  }
0x81: {  	_ =	shalt  }
0x82: {  	_ =	shalt  }
0x83: {  	_ =	shalt  }
0x84: {  	_ =	shalt  }
0x85: {  	_ =	shalt  }
0x86: {  	_ =	shalt  }
0x87: {  	_ =	shalt  }
.Lfunc_end0:
.L_simem_size_0:
called_computation_lowered:
.L_overlay_start_0:
0x88: {  	s2 =	sld [smem:$0x3FD9]  }
0x89: {  	s3 =	sld [smem:$0x3FFE];
	_ =	sdelay $0x1  }
0x8a: {  	s1 =	srdreg.scid  }
0x8b: {  	s0 =	sand.u32 $0x1, s1  }
0x8c: {  	s17 =	sshll.u32 s0, $0xA;
	s2 =	sadd.s32 s3, s2  }
0x8d: {  	s2 =	sadd.s32 s2, s17  }
0x8e: {  	[smem:$0x3FC1] =	sst s2  }
0x8f: {  	_ = 	snop  }
0x90: {  	s2 =	sld [smem:$0x3FC8]  }
0x91: {  	s18 =	sld [smem:$0x3FC7]  }
0x92: {  	s4 =	sld [smem:$0x3FD0];
	(tm) =	ssettm $0x1  }
0x93: {  	s5 =	sld [smem:$0x3FFB];
	_ =	sdelay $0x3  }
0x94: {  	_ =	strace s5  }
0x95: {  	s5 =	sld [smem:$0x3FFC];
	_ =	sdelay $0x3  }
0x96: {  	_ =	strace s5  }
0x97: {  	s5 =	sld [smem:$0x3FFD];
	_ =	sdelay $0x3  }
0x98: {  	_ =	strace s5  }
0x99: {  	_ =	strace $0x8FFFFFFF  }
0x9a: {  	s19 =	sld [smem:$0x3FDB];
	_ =	sdelay $0x1  }
0x9b: {  	s6 =	simm.s32 $_scs_section_size  }
0x9c: {  	s7 =	simm.s32 $_size__tile_overlayer_lowered;
	s8 =	simm.s32 $_tile_overlayer_lowered  }
0x9d: {  	s22 =	simm.s32 $0x1BFF;
	s21 =	sshll.u32 s8, $0x1;
	s5 =	sadd.s32 s6, s19  }
0x9e: {  	s9 =	simm.s32 $0x0;
	s20 =	sshll.u32 s7, $0x1;
	s7 =	sadd.s32 s21, s5  }
0x9f: {  	[timem:s9], [sflag:s22] =	dma.local [hbm:s7], s20  }
0xa0: {  	_ =	swait.ge [sflag:s22], s20  }
0xa1: {  	s6 =	ssub.s32 $0x0, s20;
	[sflag:s22] =	ssyncset.done $0x0  }
0xa2: {  	[sflag:s22] =	ssyncadd.s32 s6;
	_ =	sdelay $0x1  }
0xa3: {  	s23 =	simm.s32 $0x1B8B  }
0xa4: {  	_ =	swait.ge [sflag:s23], $0x1  }
0xa5: {  	[sflag:s23] =	ssyncset.done $0x0  }
0xa6: {  	s25 =	simm.s32 $0x1B8E;
	s24 =	sld [smem:$0x3FFE];
	[sflag:s23] =	ssyncadd.s32 $0xFFFFFFFF  }
0xa7: {  	s26 =	simm.s32 $execute0_lowered;
	[smem:$0x3FD2] =	sst s25  }
0xa8: {  	s7 =	sshll.u32 s26, $0x1;
	_ =	strace $0x80000046;
	[dreg:$0x1] =	wrdreg $0xFFFFFFFF  }
0xa9: {  	s28 =	simm.s32 $_size_execute0_lowered;
	s5 =	sadd.s32 s5, s7;
	[dreg:$0x0] =	wrdreg $0x0  }
0xaa: {  	s7 =	sshll.u32 s28, $0x1;
	[dreg:$0x2] =	wrdreg s5  }
0xab: {  	[dreg:$0x3] =	wrdreg s7  }
0xac: {  	[dreg:$0x4] =	wrdreg $0xC0  }
0xad: {  	_ =	task [dreg:s9], $0x5FFFF  }
0xae: {  	[dreg:$0x1] =	wrdreg $0xFFFFFFFF  }
0xaf: {  	[dreg:$0x0] =	wrdreg $0x60  }
0xb0: {  	[dreg:$0x2] =	wrdreg s4  }
0xb1: {  	[dreg:$0x3] =	wrdreg s2  }
0xb2: {  	[dreg:$0x4] =	wrdreg s18  }
0xb3: {  	[dreg:$0x5] =	wrdreg s24  }
0xb4: {  	[dreg:$0x6] =	wrdreg $0xB9000  }
0xb5: {  	[dreg:$0x7] =	wrdreg $0x9  }
0xb6: {  	_ =	task.clear_ibuf [dreg:s9], $0x8FFFF;
	_ =	strace $0x90000046  }
0xb7: {  	s29 =	simm.s32 $0x9;
	_ =	strace $0x80000048  }
0xb8: {  	_ =	swait.ge [sflag:s29], $0x1  }
0xb9: {  	[sflag:s29] =	ssyncadd.s32 $0xFFFFFFFF  }
0xba: {  	_ =	strace $0x90000048  }
0xbb: {  	_ =	sfence  }
0xbc: {  	s30 =	sld [smem:$0x0];
	_ =	sdelay $0x2  }
0xbd: {  	s31 =	sshll.u32 s1, $0xD;
	s1 =	sshrl.u32 s1, $0x2  }
0xbe: {  	s3 =	sand.u32 $0x4000, s31;
	s1 =	sadd.s32 s1, s30  }
0xbf: {  	s0 =	sor.u32 s3, s0;
	s1 =	sshll.u32 s1, $0x11  }
0xc0: {  	s0 =	sor.u32 s1, s0  }
0xc1: {  	s0 =	sadd.s32 $0x8F2B, s0  }
0xc2: {  	[sflag:s0] =	ssyncadd.remote.s32 $0x1  }
0xc3: {  	_ =	sfence.sel $0xFFFF  }
0xc4: {  	[dreg:$0x0] =	wrdreg $0xFFFFFFFF;
	(pc) =	sbr.abs _section_cstart, $3  }
0xc5: {  	[dreg:$0x1] =	wrdreg $0xFFFFFFFF  }
0xc6: {  	_ =	task.clear_ibuf [dreg:s9], $0x2FFFF;
	_ =	strace $0x9FFFFFFF  }
0xc7: {  	(tm) =	ssettm $0x7FFFFFFF  }
tec
execute0_lowered:
.L_overlay_start_1:
0x0: {  	(tag) =	ssettag $0x1  }
0x1: {  	s1 =	rddreg [dreg:$0x0]  }
0x2: {  	s2 =	rddreg [dreg:$0x1]  }
0x3: {  	s3 =	rddreg [dreg:$0x2]  }
0x4: {  	s0 =	rddreg [dreg:$0x3]  }
0x5: {  	s4 =	rddreg [dreg:$0x4]  }
0x6: {  	s5 =	simm.s32 $0x0;
	s15 =	srdreg.scid;
	s17 =	stileid.u32  }
0x7: {  	s30 =	simm.s32 $0x5;
	s29 =	simm.s32 $0x3000;
	s31 =	simm.s32 $0x9000  }
0x8: {  	[smem:$0x7FF] =	sst s5;
	s5 =	sand.u32 $0x1, s15;
	s6 =	sadd.s32 $0xC00, s0  }
0x9: {  	s7 =	sadd.s32 $0xE00, s0;
	s9 =	smul.u32 $0x3E80, s17;
	s0 =	sadd.s32 $0x19600, s0  }
0xa: {  	s18 =	sshll.u32 s17, $0x1;
	_ =	strace $0x80000047;
	s16 =	ssub.s32 $0x2, s5  }
0xb: {  	[dreg:$0x6] =	wrdreg s6;
	s8 =	sshrl.u32 s16, $0x1;
	s10 =	sshrl.u32 s9, $0x3  }
0xc: {  	s11 =	sadd.s32 $0x3E800, s9;
	s12 =	sadd.s32 s9, s4;
	s21 =	sadd.s32 $0x7D000, s9  }
0xd: {  	s24 =	sadd.s32 $0xBB800, s9;
	s6 =	ssub.s32 s16, s8;
	s8 =	sor.u32 s5, s18  }
0xe: {  	[dreg:$0x7] =	wrdreg s12;
	s10 =	sadd.s32 s7, s10;
	s19 =	sshrl.u32 s11, $0x3  }
0xf: {  	s20 =	sadd.s32 s11, s4;
	s22 =	sadd.s32 s21, s4;
	[dreg:$0x8] =	wrdreg s10  }
0x10: {  	s23 =	sshrl.u32 s21, $0x3;
	s15 =	sadd.s32 s24, s4;
	[dreg:$0x9] =	wrdreg s20  }
0x11: {  	s25 =	sshrl.u32 s24, $0x3;
	s16 =	simm.s32 $0x62;
	[dreg:$0xb] =	wrdreg s22  }
0x12: {  	s5 =	smul.u32 $0xC3500, s5;
	s10 =	sadd.s32 s7, s19;
	[dreg:$0xd] =	wrdreg s15  }
0x13: {  	s13 =	smul.u32 $0x61, s8;
	s12 =	sadd.s32 s7, s23;
	[dreg:$0xa] =	wrdreg s10  }
0x14: {  	p0 =	slt.u32 s8, $0x15;
	s7 =	sadd.s32 s7, s25;
	[dreg:$0xc] =	wrdreg s12  }
0x15: {  	s14 =	smin.u32 s8, $0x15;
	[dreg:$0xe] =	wrdreg s7;
	s16 =	simm.s32 @!p0 $0x61  }
0x16: {  	s9 =	sadd.s32 s9, s5;
	s10 =	sadd.s32 s5, s21;
	p0 =	sgt.u32 s17, $0x1  }
0x17: {  	s15 =	sadd.s32 s14, s13;
	s13 =	sadd.s32 s5, s11;
	s5 =	sadd.s32 s5, s24  }
0x18: {  	s8 =	sshrl.u32 s9, $0x3;
	s20 =	sshrl.u32 s10, $0x3;
	s28 =	sadd.s32 $0xFFFFFFFF, s16  }
0x19: {  	s11 =	simm.s32 $0x0;
	s26 =	sshll.u32 s15, $0x8;
	s14 =	sshll.u32 s15, $0x3  }
0x1a: {  	s8 =	sadd.s32 s0, s8;
	s19 =	sshrl.u32 s13, $0x3;
	s5 =	sshrl.u32 s5, $0x3  }
0x1b: {  	s21 =	sadd.s32 s0, s20;
	s24 =	sshll.u32 s15, $0x9;
	[dreg:$0x10] =	wrdreg s8  }
0x1c: {  	s20 =	simm.s32 $0xA400;
	s7 =	sadd.s32 s3, s26;
	[dreg:$0x12] =	wrdreg s21  }
0x1d: {  	s18 =	sadd.s32 $0x8, s14;
	s8 =	sadd.s32 s0, s19;
	[dreg:$0xf] =	wrdreg s7  }
0x1e: {  	s0 =	sadd.s32 s0, s5;
	s26 =	smax.u32 s6, $0x1;
	[dreg:$0x11] =	wrdreg s8  }
0x1f: {  	s6 =	simm.s32 $0x5000;
	s21 =	simm.s32 $0xB700;
	[dreg:$0x13] =	wrdreg s0  }
0x20: {  	s22 =	sshll.u32 s18, $0x5;
	s23 =	sshll.u32 s18, $0x6;
	s7 =	sadd.s32 s2, s24  }
0x21: {  	[dreg:$0x17] =	wrdreg s26;
	s8 =	simm.s32 $0x7000;
	s26 =	simm.s32 $0x2  }
.Ltmp0:
0x22: {  	s24 =	simm.s32 $0xAC00;
	[dreg:$0x14] =	wrdreg s7;
	(pc) =	sbr.rel .LBB2_1-.Ltmp0, $4  }
0x23: {  	s0 =	sand.u32 $0x1FFFFF00, s22;
	s5 =	sand.u32 $0x1FFFFE00, s23;
	s7 =	simm.s32 $0x1  }
0x24: {  	s22 =	simm.s32 $0xA800;
	s23 =	simm.s32 $0xB780;
	s0 =	sadd.s32 s3, s0  }
0x25: {  	v0 =	vlaneseq.u32;
	s25 =	sadd.s32 s2, s5;
	s5 =	simm.s32 $0x4;
	[dreg:$0x15] =	wrdreg s0  }
0x26: {  	v0 =	vmul.u32 $0x8, v0;
	[dreg:$0x16] =	wrdreg s25;
	s0 =	simm.s32 $0x80;
	s25 =	simm.s32 $0x3  }
.LBB2_12:
0x27: {  	_ =	swait.ge [sflag:s25], $0x400  }
0x28: {  	[sflag:s25] =	ssyncset.done $0x0  }
0x29: {  	[sflag:s25] =	ssyncadd.s32 $0xFFFFFC00  }
0x2a: {  	_ =	swait.ge [sflag:s25], $0x400  }
0x2b: {  	[sflag:s25] =	ssyncset.done $0x0  }
0x2c: {  	[sflag:s25] =	ssyncadd.s32 $0xFFFFFC00  }
0x2d: {  	_ =	swait.ge [sflag:s25], $0x400  }
0x2e: {  	[sflag:s25] =	ssyncset.done $0x0  }
0x2f: {  	[sflag:s25] =	ssyncadd.s32 $0xFFFFFC00  }
0x30: {  	_ =	swait.ge [sflag:s25], $0x400  }
0x31: {  	[sflag:s25] =	ssyncset.done $0x0  }
0x32: {  	[sflag:s25] =	ssyncadd.s32 $0xFFFFFC00  }
0x33: {  	_ =	swait.ge [sflag:s25], $0x400  }
0x34: {  	[sflag:s25] =	ssyncset.done $0x0  }
0x35: {  	[sflag:s25] =	ssyncadd.s32 $0xFFFFFC00  }
0x36: {  	_ =	swait.ge [sflag:s25], $0x400  }
0x37: {  	[sflag:s25] =	ssyncset.done $0x0  }
0x38: {  	[sflag:s25] =	ssyncadd.s32 $0xFFFFFC00  }
0x39: {  	_ =	swait.ge [sflag:s25], $0x400  }
0x3a: {  	[sflag:s25] =	ssyncset.done $0x0  }
0x3b: {  	[sflag:s25] =	ssyncadd.s32 $0xFFFFFC00  }
0x3c: {  	_ =	swait.ge [sflag:s25], $0x400  }
0x3d: {  	[sflag:s25] =	ssyncset.done $0x0  }
0x3e: {  	[sflag:s25] =	ssyncadd.s32 $0xFFFFFC00  }
0x3f: {  	_ =	swait.ge [sflag:s5], $0x400  }
0x40: {  	[sflag:s5] =	ssyncset.done $0x0  }
0x41: {  	[sflag:s5] =	ssyncadd.s32 $0xFFFFFC00  }
0x42: {  	_ =	swait.ge [sflag:s5], $0x400  }
0x43: {  	[sflag:s5] =	ssyncset.done $0x0  }
0x44: {  	[sflag:s5] =	ssyncadd.s32 $0xFFFFFC00  }
0x45: {  	_ =	swait.ge [sflag:s5], $0x400  }
0x46: {  	[sflag:s5] =	ssyncset.done $0x0  }
0x47: {  	[sflag:s5] =	ssyncadd.s32 $0xFFFFFC00  }
0x48: {  	_ =	swait.ge [sflag:s5], $0x400  }
0x49: {  	[sflag:s5] =	ssyncset.done $0x0  }
0x4a: {  	[sflag:s5] =	ssyncadd.s32 $0xFFFFFC00  }
0x4b: {  	_ =	swait.ge [sflag:s5], $0x400  }
0x4c: {  	[sflag:s5] =	ssyncset.done $0x0  }
0x4d: {  	[sflag:s5] =	ssyncadd.s32 $0xFFFFFC00  }
0x4e: {  	_ =	swait.ge [sflag:s5], $0x400  }
0x4f: {  	[sflag:s5] =	ssyncset.done $0x0  }
0x50: {  	[sflag:s5] =	ssyncadd.s32 $0xFFFFFC00  }
0x51: {  	_ =	swait.ge [sflag:s5], $0x400  }
0x52: {  	[sflag:s5] =	ssyncset.done $0x0  }
0x53: {  	[sflag:s5] =	ssyncadd.s32 $0xFFFFFC00  }
0x54: {  	_ =	swait.ge [sflag:s5], $0x400  }
0x55: {  	[sflag:s5] =	ssyncset.done $0x0  }
0x56: {  	[sflag:s5] =	ssyncadd.s32 $0xFFFFFC00  }
0x57: {  	[bflag:$0x0] =	sbarrier.arrive $0xFFFF  }
0x58: {  	s10 =	rddreg [dreg:$0x10]  }
0x59: {  	s11 =	rddreg [dreg:$0x19]  }
0x5a: {  	[hbm:s10], [sflag:s9] =	dma.local [spmem:s11], $0x7D0  }
0x5b: {  	_ =	swait.ge [sflag:s30], $0x7D0  }
0x5c: {  	[sflag:s30] =	ssyncset.done $0x0;
	s12 =	rddreg [dreg:$0x11]  }
0x5d: {  	s13 =	rddreg [dreg:$0x1a];
	[sflag:s30] =	ssyncadd.s32 $0xFFFFF830  }
0x5e: {  	[hbm:s12], [sflag:s9] =	dma.local [spmem:s13], $0x7D0  }
0x5f: {  	_ =	swait.ge [sflag:s30], $0x7D0  }
0x60: {  	[sflag:s30] =	ssyncset.done $0x0;
	s14 =	rddreg [dreg:$0x12]  }
0x61: {  	s17 =	rddreg [dreg:$0x1b];
	[sflag:s30] =	ssyncadd.s32 $0xFFFFF830  }
0x62: {  	[hbm:s14], [sflag:s9] =	dma.local [spmem:s17], $0x7D0  }
0x63: {  	_ =	swait.ge [sflag:s30], $0x7D0  }
0x64: {  	[sflag:s30] =	ssyncset.done $0x0;
	s10 =	rddreg [dreg:$0x13]  }
0x65: {  	s11 =	rddreg [dreg:$0x1c];
	[sflag:s30] =	ssyncadd.s32 $0xFFFFF830  }
0x66: {  	[hbm:s10], [sflag:s9] =	dma.local @!p0 [spmem:s11], $0x7D0  }
0x67: {  	s9 =	simm.s32 @!p0 $0x5  }
0x68: {  	_ =	swait.ge @!p0 [sflag:s9], $0x7D0  }
0x69: {  	s18 =	rddreg [dreg:$0x18]  }
0x6a: {  	s19 =	rddreg [dreg:$0x17];
	s11 =	sadd.s32 $0x1, s18  }
0x6b: {  	p1 =	sne.s32 s11, s19  }
.Ltmp1:
0x6c: {  	_ = 	snop;
	(pc) =	sbr.rel @!p1 .LBB2_13-.Ltmp1, $3  }
0x6d: {  	_ =	sdelay $0x1  }
0x6e: {  	[sflag:s9] =	ssyncset.done @!p0 $0x0  }
0x6f: {  	[sflag:s9] =	ssyncadd.s32 @!p0 $0xFFFFF830  }
.LBB2_1:
0x70: {  	[dreg:$0x18] =	wrdreg s11  }
0x71: {  	s11 =	simm.s32 $0x0;
	s9 =	rddreg [dreg:$0x6];
	s10 =	simm.s32 $0xB800  }
0x72: {  	[tilespmem:s10], [sflag:$0x5] =	stream.linear.gather [hbm4b:s9+s11], $0x100, $0x38;
	[tilespmem:$0x17C50] =	vst v63  }
0x73: {  	s17 =	stileid.u32;
	_ =	swait.ge [sflag:s30], $0x100  }
0x74: {  	s9 =	sshll.u32 s17, $0x6;
	s18 =	rddreg [dreg:$0x7]  }
0x75: {  	[sflag:s30] =	ssyncset.done $0x0;
	s19 =	rddreg [dreg:$0x8];
	s12 =	sshrl.u32 s18, $0x3  }
0x76: {  	s9 =	sor.u32 $0x1C05, s9;
	[sflag:s30] =	ssyncadd.s32 $0xFFFFFF00;
	[dreg:$0x19] =	wrdreg s12  }
0x77: {  	[spmem:s12], [sflag:s9] =	dma.local [hbm:s19], $0x7D0  }
0x78: {  	_ =	swait.ge [sflag:s30], $0x7D0  }
0x79: {  	s12 =	rddreg [dreg:$0x9]  }
0x7a: {  	[sflag:s30] =	ssyncset.done $0x0;
	s14 =	rddreg [dreg:$0xa];
	s13 =	sshrl.u32 s12, $0x3  }
0x7b: {  	[sflag:s30] =	ssyncadd.s32 $0xFFFFF830;
	[dreg:$0x1a] =	wrdreg s13  }
0x7c: {  	[spmem:s13], [sflag:s9] =	dma.local [hbm:s14], $0x7D0  }
0x7d: {  	_ =	swait.ge [sflag:s30], $0x7D0  }
0x7e: {  	s17 =	rddreg [dreg:$0xb]  }
0x7f: {  	[sflag:s30] =	ssyncset.done $0x0;
	s19 =	rddreg [dreg:$0xc];
	s18 =	sshrl.u32 s17, $0x3  }
0x80: {  	[sflag:s30] =	ssyncadd.s32 $0xFFFFF830;
	[dreg:$0x1b] =	wrdreg s18  }
0x81: {  	[spmem:s18], [sflag:s9] =	dma.local [hbm:s19], $0x7D0  }
0x82: {  	_ =	swait.ge [sflag:s30], $0x7D0  }
0x83: {  	s10 =	rddreg [dreg:$0xd]  }
0x84: {  	[sflag:s30] =	ssyncset.done $0x0;
	s12 =	sshrl.u32 @!p0 s10, $0x3;
	s10 =	rddreg [dreg:$0xe]  }
0x85: {  	[sflag:s30] =	ssyncadd.s32 $0xFFFFF830;
	[dreg:$0x1c] =	wrdreg s12  }
0x86: {  	[spmem:s12], [sflag:s9] =	dma.local @!p0 [hbm:s10], $0x7D0  }
0x87: {  	s10 =	simm.s32 @!p0 $0x5  }
0x88: {  	_ =	swait.ge @!p0 [sflag:s10], $0x7D0  }
0x89: {  	[sflag:s10] =	ssyncset.done @!p0 $0x0  }
0x8a: {  	[sflag:s10] =	ssyncadd.s32 @!p0 $0xFFFFF830  }
0x8b: {  	[bflag:$0x0] =	sbarrier.arrive $0xFFFF  }
0x8c: {  	v1 =	vld [tilespmem:$0xB800]  }
0x8d: {  	v2 =	vld [tilespmem:$0xB810]  }
0x8e: {  	v3 =	vld [tilespmem:$0xB820]  }
0x8f: {  	v4 =	vld [tilespmem:$0xB830]  }
0x90: {  	v5 =	vld [tilespmem:$0xB840]  }
0x91: {  	v6 =	vld [tilespmem:$0xB850]  }
0x92: {  	v7 =	vld [tilespmem:$0xB860]  }
0x93: {  	v8 =	vld [tilespmem:$0xB870]  }
0x94: {  	v9 =	vld [tilespmem:$0xB880]  }
0x95: {  	v10 =	vld [tilespmem:$0xB890]  }
0x96: {  	v11 =	vld [tilespmem:$0xB8A0]  }
0x97: {  	v12 =	vld [tilespmem:$0xB8B0]  }
0x98: {  	v13 =	vld [tilespmem:$0xB8C0]  }
0x99: {  	v14 =	vld [tilespmem:$0xB8D0]  }
0x9a: {  	v15 =	vld [tilespmem:$0xB8E0];
	s13 =	rddreg [dreg:$0xf]  }
0x9b: {  	v16 =	vld [tilespmem:$0xB8F0];
	[tilespmem:s11], [sflag:$0x5] =	stream.linear.gather [hbm4b:s13+s11], $0x800, $0x38  }
0x9c: {  	_ =	swait.ge [sflag:s30], $0x800  }
0x9d: {  	[sflag:s30] =	ssyncset.done $0x0  }
0x9e: {  	s17 =	simm.s32 $0x1000;
	s14 =	rddreg [dreg:$0x14];
	[sflag:s30] =	ssyncadd.s32 $0xFFFFF800  }
0x9f: {  	[tilespmem:s17], [sflag:$0x1] =	stream.linear.gather [hbm4b:s14+s11], $0x1000, $0x38;
	[tilespmem:$0x17C50] =	vst v63  }
0xa0: {  	_ = 	snop  }
0xa1: {  	[tilespmem:s29], [sflag:$0x1] =	stream.indirect.gather [hbm4b:s1+s0], $0x8, s11, s0, $0xb8;
	[tilespmem:$0x17C50] =	vst v63  }
0xa2: {  	s18 =	simm.s32 $0x100;
	s19 =	simm.s32 $0x3400  }
0xa3: {  	[tilespmem:s19], [sflag:$0x1] =	stream.indirect.gather [hbm4b:s1+s0], $0x8, s18, s0, $0xb8;
	[tilespmem:$0x17C50] =	vst v63  }
0xa4: {  	s12 =	simm.s32 $0x200;
	s13 =	simm.s32 $0x3800  }
0xa5: {  	[tilespmem:s13], [sflag:$0x1] =	stream.indirect.gather [hbm4b:s1+s0], $0x8, s12, s0, $0xb8;
	[tilespmem:$0x17C50] =	vst v63  }
0xa6: {  	s14 =	simm.s32 $0x300;
	s17 =	simm.s32 $0x3C00  }
0xa7: {  	[tilespmem:s17], [sflag:$0x1] =	stream.indirect.gather [hbm4b:s1+s0], $0x8, s14, s0, $0xb8;
	[tilespmem:$0x17C50] =	vst v63  }
0xa8: {  	s18 =	simm.s32 $0x400;
	s19 =	simm.s32 $0x4000  }
0xa9: {  	[tilespmem:s19], [sflag:$0x1] =	stream.indirect.gather [hbm4b:s1+s0], $0x8, s18, s0, $0xb8;
	[tilespmem:$0x17C50] =	vst v63  }
0xaa: {  	s12 =	simm.s32 $0x500;
	s13 =	simm.s32 $0x4400  }
0xab: {  	[tilespmem:s13], [sflag:$0x1] =	stream.indirect.gather [hbm4b:s1+s0], $0x8, s12, s0, $0xb8;
	[tilespmem:$0x17C50] =	vst v63  }
0xac: {  	s14 =	simm.s32 $0x600;
	s17 =	simm.s32 $0x4800  }
0xad: {  	[tilespmem:s17], [sflag:$0x1] =	stream.indirect.gather [hbm4b:s1+s0], $0x8, s14, s0, $0xb8;
	[tilespmem:$0x17C50] =	vst v63  }
0xae: {  	s18 =	simm.s32 $0x700;
	s19 =	simm.s32 $0x4C00  }
0xaf: {  	[tilespmem:s19], [sflag:$0x1] =	stream.indirect.gather [hbm4b:s1+s0], $0x8, s18, s0, $0xb8;
	[tilespmem:$0x17C50] =	vst v63  }
0xb0: {  	s13 =	rddreg [dreg:$0x15];
	s14 =	simm.s32 $0x800  }
0xb1: {  	[tilespmem:s14], [sflag:$0x5] =	stream.linear.gather [hbm4b:s13+s11], $0x800, $0x38;
	[tilespmem:$0x17C50] =	vst v63  }
0xb2: {  	_ =	swait.ge [sflag:s30], $0x800  }
0xb3: {  	[sflag:s30] =	ssyncset.done $0x0  }
0xb4: {  	s13 =	simm.s32 $0x2000;
	s17 =	rddreg [dreg:$0x16];
	[sflag:s30] =	ssyncadd.s32 $0xFFFFF800  }
0xb5: {  	[tilespmem:s13], [sflag:$0x2] =	stream.linear.gather [hbm4b:s17+s11], $0x1000, $0x38;
	[tilespmem:$0x17C50] =	vst v63  }
0xb6: {  	_ = 	snop  }
0xb7: {  	[tilespmem:s6], [sflag:$0x2] =	stream.indirect.gather [hbm4b:s1+s0], $0x8, s14, s0, $0xb8;
	[tilespmem:$0x17C50] =	vst v63  }
0xb8: {  	s18 =	simm.s32 $0x900;
	s19 =	simm.s32 $0x5400  }
0xb9: {  	[tilespmem:s19], [sflag:$0x2] =	stream.indirect.gather [hbm4b:s1+s0], $0x8, s18, s0, $0xb8;
	[tilespmem:$0x17C50] =	vst v63  }
0xba: {  	s12 =	simm.s32 $0xA00;
	s13 =	simm.s32 $0x5800  }
0xbb: {  	[tilespmem:s13], [sflag:$0x2] =	stream.indirect.gather [hbm4b:s1+s0], $0x8, s12, s0, $0xb8;
	[tilespmem:$0x17C50] =	vst v63  }
0xbc: {  	s17 =	simm.s32 $0x5C00;
	s14 =	simm.s32 $0xB00  }
0xbd: {  	[tilespmem:s17], [sflag:$0x2] =	stream.indirect.gather [hbm4b:s1+s0], $0x8, s14, s0, $0xb8;
	[tilespmem:$0x17C50] =	vst v63  }
0xbe: {  	s18 =	simm.s32 $0xC00;
	s19 =	simm.s32 $0x6000  }
0xbf: {  	[tilespmem:s19], [sflag:$0x2] =	stream.indirect.gather [hbm4b:s1+s0], $0x8, s18, s0, $0xb8;
	[tilespmem:$0x17C50] =	vst v63  }
0xc0: {  	s12 =	simm.s32 $0xD00;
	s13 =	simm.s32 $0x6400  }
0xc1: {  	[tilespmem:s13], [sflag:$0x2] =	stream.indirect.gather [hbm4b:s1+s0], $0x8, s12, s0, $0xb8;
	[tilespmem:$0x17C50] =	vst v63  }
.Ltmp2:
0xc2: {  	_ = 	snop;
	(pc) =	sbr.rel .LBB2_2-.Ltmp2, $4  }
0xc3: {  	s14 =	simm.s32 $0xE00;
	s17 =	simm.s32 $0x6800  }
0xc4: {  	[tilespmem:s17], [sflag:$0x2] =	stream.indirect.gather [hbm4b:s1+s0], $0x8, s14, s0, $0xb8;
	[tilespmem:$0x17C50] =	vst v63  }
0xc5: {  	s10 =	simm.s32 $0x0;
	s18 =	simm.s32 $0xF00;
	s19 =	simm.s32 $0x6C00  }
0xc6: {  	[tilespmem:s19], [sflag:$0x2] =	stream.indirect.gather [hbm4b:s1+s0], $0x8, s18, s0, $0xb8;
	[tilespmem:$0x17C50] =	vst v63  }
.LBB2_10:
0xc7: {  	v47 =	vmul.f32 v25, v32;
	v39 =	vmul.f32 v39, v13  }
0xc8: {  	v56 =	vmul.f32 v36, v10;
	v38 =	vmul.f32 v38, v9  }
0xc9: {  	v44 =	vadd.f32 v44, v45;
	v57 =	vmul.f32 v27, v36;
	v48 =	vmul.f32 v32, v13  }
0xca: {  	v58 =	vmul.f32 v43, v1;
	v60 =	vmul.f32 v43, v3;
	v34 =	vadd.f32 v34, v41  }
0xcb: {  	v63 =	vmul.f32 v36, v12;
	v31 =	vadd.f32 v31, v33;
	v46 =	vadd.f32 v47, v46  }
0xcc: {  	v51 =	vmul.f32 v32, v15;
	v39 =	vadd.f32 v42, v39;
	v38 =	vadd.f32 v56, v38  }
0xcd: {  	v59 =	vmul.f32 v57, v2;
	v37 =	vadd.f32 v37, v48;
	v40 =	vadd.f32 v40, v46  }
0xce: {  	v62 =	vmul.f32 v57, v4;
	v50 =	vmul.f32 v34, v6;
	v35 =	vadd.f32 v63, v35  }
0xcf: {  	v34 =	vmul.f32 v34, v8;
	v42 =	vadd.f32 v59, v58;
	v46 =	vmul.f32 v40, v5  }
0xd0: {  	v53 =	vmul.f32 v44, v27;
	v41 =	vadd.f32 v62, v60;
	v40 =	vmul.f32 v40, v7  }
0xd1: {  	v29 =	vadd.f32 v29, v51;
	v63 =	vmul.f32 v30, v27;
	v42 =	vadd.f32 v46, v42  }
0xd2: {  	v39 =	vmul.f32 v27, v39;
	v61 =	vmul.f32 v28, v38;
	v40 =	vadd.f32 v40, v41  }
0xd3: {  	v49 =	vmul.f32 v25, v38;
	v38 =	vmul.f32 v24, v38;
	v52 =	vadd.f32 v42, v50  }
0xd4: {  	v54 =	vmul.f32 v28, v35;
	v56 =	vmul.f32 v37, v27;
	v55 =	vadd.f32 v40, v34  }
0xd5: {  	v57 =	vmul.f32 v25, v35;
	v39 =	vadd.f32 v61, v39;
	[tilespmem:v21+s31+$0x0] =	vst.idx.msk $0xffff, v52  }
0xd6: {  	v58 =	vmul.f32 v27, v31;
	v60 =	vadd.f32 v49, v56;
	[tilespmem:v26+s31+$0x0] =	vst.idx.msk $0xffff, v55  }
0xd7: {  	v61 =	vmul.f32 v29, v27;
	v62 =	vadd.f32 v38, v53;
	[tilespmem:v22+s31+$0x0] =	vst.idx.msk $0xffff, v39  }
0xd8: {  	v59 =	vmul.f32 v24, v35;
	v25 =	vadd.f32 v54, v58;
	[tilespmem:v23+s31+$0x0] =	vst.idx.msk $0xffff, v60  }
0xd9: {  	v21 =	vadd.f32 v57, v61;
	[tilespmem:v19+s31+$0x0] =	vst.idx.msk $0xffff, v62  }
0xda: {  	v19 =	vadd.f32 v59, v63;
	[tilespmem:v20+s31+$0x0] =	vst.idx.msk $0xffff, v25  }
0xdb: {  	[tilespmem:v18+s31+$0x0] =	vst.idx.msk $0xffff, v21  }
0xdc: {  	s12 =	simm.s32 $0xB400;
	[tilespmem:v17+s31+$0x0] =	vst.idx.msk $0xffff, v19  }
0xdd: {  	[spmem:s4] =	stream.indirect.scatter.add.f32 [tilespmem:s31], [sflag:$0x4], $0x8, s12, s0, $0xb8;
	[tilespmem:$0x17C50] =	vst v63  }
0xde: {  	s17 =	simm.s32 $0xB480;
	s13 =	simm.s32 $0x9400  }
0xdf: {  	[spmem:s4] =	stream.indirect.scatter.add.f32 [tilespmem:s13], [sflag:$0x4], $0x8, s17, s0, $0xb8;
	[tilespmem:$0x17C50] =	vst v63  }
0xe0: {  	s18 =	simm.s32 $0xB500;
	s19 =	simm.s32 $0x9800  }
0xe1: {  	[spmem:s4] =	stream.indirect.scatter.add.f32 [tilespmem:s19], [sflag:$0x4], $0x8, s18, s0, $0xb8;
	[tilespmem:$0x17C50] =	vst v63  }
0xe2: {  	s14 =	simm.s32 $0x9C00;
	s13 =	simm.s32 $0xB580  }
0xe3: {  	[spmem:s4] =	stream.indirect.scatter.add.f32 [tilespmem:s14], [sflag:$0x4], $0x8, s13, s0, $0xb8;
	[tilespmem:$0x17C50] =	vst v63  }
0xe4: {  	s17 =	simm.s32 $0xB600;
	s18 =	simm.s32 $0xA000  }
0xe5: {  	[spmem:s4] =	stream.indirect.scatter.add.f32 [tilespmem:s18], [sflag:$0x4], $0x8, s17, s0, $0xb8;
	[tilespmem:$0x17C50] =	vst v63  }
0xe6: {  	s19 =	simm.s32 $0xB680  }
0xe7: {  	[spmem:s4] =	stream.indirect.scatter.add.f32 [tilespmem:s20], [sflag:$0x4], $0x8, s19, s0, $0xb8;
	[tilespmem:$0x17C50] =	vst v63  }
0xe8: {  	_ = 	snop  }
0xe9: {  	[spmem:s4] =	stream.indirect.scatter.add.f32 [tilespmem:s22], [sflag:$0x4], $0x8, s21, s0, $0xb8;
	[tilespmem:$0x17C50] =	vst v63  }
0xea: {  	_ = 	snop  }
0xeb: {  	[spmem:s4] =	stream.indirect.scatter.add.f32 [tilespmem:s24], [sflag:$0x4], $0x8, s23, s0, $0xb8;
	[tilespmem:$0x17C50] =	vst v63  }
.LBB2_11:
0xec: {  	s11 =	sadd.s32 $0x3, s11  }
0xed: {  	p1 =	sge.u32 s11, s16  }
0xee: {  	s11 =	sadd.s32 @!p1 s15, s11  }
0xef: {  	s12 =	sshll.u32 @!p1 s11, $0x8  }
0xf0: {  	s12 =	sand.u32 @!p1 $0x1FFFFF00, s12  }
0xf1: {  	s13 =	simm.s32 @!p1 $0x0;
	s14 =	simm.s32 @!p1 $0x800;
	s12 =	sadd.s32 @!p1 s3, s12  }
0xf2: {  	[tilespmem:s14], [sflag:$0x5] =	stream.linear.gather @!p1 [hbm4b:s12+s13], $0x800, $0x38;
	[tilespmem:$0x17C50] =	vst v63  }
0xf3: {  	s12 =	simm.s32 @!p1 $0x5  }
0xf4: {  	s11 =	sshll.u32 @!p1 s11, $0x9;
	_ =	swait.ge @!p1 [sflag:s12], $0x800  }
0xf5: {  	s11 =	sand.u32 @!p1 $0x1FFFFE00, s11;
	[sflag:s12] =	ssyncset.done @!p1 $0x0  }
0xf6: {  	s11 =	sadd.s32 @!p1 s2, s11;
	[sflag:s12] =	ssyncadd.s32 @!p1 $0xFFFFF800;
	s12 =	simm.s32 @!p1 $0x2000  }
0xf7: {  	[tilespmem:s12], [sflag:$0x2] =	stream.linear.gather @!p1 [hbm4b:s11+s13], $0x1000, $0x38;
	[tilespmem:$0x17C50] =	vst v63  }
0xf8: {  	s11 =	simm.s32 @!p1 $0x80;
	s12 =	simm.s32 @!p1 $0x5000  }
0xf9: {  	[tilespmem:s12], [sflag:$0x2] =	stream.indirect.gather @!p1 [hbm4b:s1+s11], $0x8, s14, s11, $0xb8;
	[tilespmem:$0x17C50] =	vst v63  }
0xfa: {  	s13 =	simm.s32 @!p1 $0x5400;
	s12 =	simm.s32 @!p1 $0x900  }
0xfb: {  	[tilespmem:s13], [sflag:$0x2] =	stream.indirect.gather @!p1 [hbm4b:s1+s11], $0x8, s12, s11, $0xb8;
	[tilespmem:$0x17C50] =	vst v63  }
0xfc: {  	s12 =	simm.s32 @!p1 $0xA00;
	s13 =	simm.s32 @!p1 $0x5800  }
0xfd: {  	[tilespmem:s13], [sflag:$0x2] =	stream.indirect.gather @!p1 [hbm4b:s1+s11], $0x8, s12, s11, $0xb8;
	[tilespmem:$0x17C50] =	vst v63  }
0xfe: {  	s12 =	simm.s32 @!p1 $0xB00;
	s13 =	simm.s32 @!p1 $0x5C00  }
0xff: {  	[tilespmem:s13], [sflag:$0x2] =	stream.indirect.gather @!p1 [hbm4b:s1+s11], $0x8, s12, s11, $0xb8;
	[tilespmem:$0x17C50] =	vst v63  }
0x100: {  	s12 =	simm.s32 @!p1 $0xC00;
	s13 =	simm.s32 @!p1 $0x6000  }
0x101: {  	[tilespmem:s13], [sflag:$0x2] =	stream.indirect.gather @!p1 [hbm4b:s1+s11], $0x8, s12, s11, $0xb8;
	[tilespmem:$0x17C50] =	vst v63  }
0x102: {  	s12 =	simm.s32 @!p1 $0xD00;
	s13 =	simm.s32 @!p1 $0x6400  }
0x103: {  	[tilespmem:s13], [sflag:$0x2] =	stream.indirect.gather @!p1 [hbm4b:s1+s11], $0x8, s12, s11, $0xb8;
	[tilespmem:$0x17C50] =	vst v63  }
0x104: {  	s12 =	simm.s32 @!p1 $0xE00;
	s13 =	simm.s32 @!p1 $0x6800  }
0x105: {  	[tilespmem:s13], [sflag:$0x2] =	stream.indirect.gather @!p1 [hbm4b:s1+s11], $0x8, s12, s11, $0xb8;
	[tilespmem:$0x17C50] =	vst v63  }
0x106: {  	s10 =	sadd.s32 $0x1, s10;
	s12 =	simm.s32 @!p1 $0xF00;
	s13 =	simm.s32 @!p1 $0x6C00  }
0x107: {  	[tilespmem:s13], [sflag:$0x2] =	stream.indirect.gather @!p1 [hbm4b:s1+s11], $0x8, s12, s11, $0xb8;
	[tilespmem:$0x17C50] =	vst v63  }
0x108: {  	p1 =	sne.s32 s10, $0x31  }
.Ltmp3:
0x109: {  	_ = 	snop;
	(pc) =	sbr.rel @!p1 .LBB2_12-.Ltmp3, $1  }
0x10a: {  	_ =	sdelay $0x3  }
.LBB2_2:
0x10b: {  	s11 =	sshll.u32 s10, $0x1  }
0x10c: {  	p1 =	slt.u32 s11, s16  }
.Ltmp4:
0x10d: {  	_ = 	snop;
	(pc) =	sbr.rel @!p1 .LBB2_3-.Ltmp4, $1  }
0x10e: {  	_ =	sdelay $0x3  }
0x10f: {  	_ =	swait.ge [sflag:s7], $0x1000  }
0x110: {  	[sflag:s7] =	ssyncset.done $0x0  }
0x111: {  	[sflag:s7] =	ssyncadd.s32 $0xFFFFF000  }
0x112: {  	_ =	swait.ge [sflag:s7], $0x400  }
0x113: {  	[sflag:s7] =	ssyncset.done $0x0  }
0x114: {  	[sflag:s7] =	ssyncadd.s32 $0xFFFFFC00  }
0x115: {  	_ =	swait.ge [sflag:s7], $0x400  }
0x116: {  	[sflag:s7] =	ssyncset.done $0x0  }
0x117: {  	[sflag:s7] =	ssyncadd.s32 $0xFFFFFC00  }
0x118: {  	_ =	swait.ge [sflag:s7], $0x400  }
0x119: {  	[sflag:s7] =	ssyncset.done $0x0  }
0x11a: {  	[sflag:s7] =	ssyncadd.s32 $0xFFFFFC00  }
0x11b: {  	_ =	swait.ge [sflag:s7], $0x400  }
0x11c: {  	[sflag:s7] =	ssyncset.done $0x0  }
0x11d: {  	[sflag:s7] =	ssyncadd.s32 $0xFFFFFC00  }
0x11e: {  	_ =	swait.ge [sflag:s7], $0x400  }
0x11f: {  	[sflag:s7] =	ssyncset.done $0x0  }
0x120: {  	[sflag:s7] =	ssyncadd.s32 $0xFFFFFC00  }
0x121: {  	_ =	swait.ge [sflag:s7], $0x400  }
0x122: {  	[sflag:s7] =	ssyncset.done $0x0  }
0x123: {  	[sflag:s7] =	ssyncadd.s32 $0xFFFFFC00  }
0x124: {  	_ =	swait.ge [sflag:s7], $0x400  }
0x125: {  	[sflag:s7] =	ssyncset.done $0x0  }
0x126: {  	[sflag:s7] =	ssyncadd.s32 $0xFFFFFC00  }
0x127: {  	_ =	swait.ge [sflag:s7], $0x400  }
0x128: {  	p1 =	seq.s32 s10, $0x0;
	[sflag:s7] =	ssyncset.done $0x0  }
0x129: {  	s13 =	simm.s32 @!p1 $0x3;
	[sflag:s7] =	ssyncadd.s32 $0xFFFFFC00  }
0x12a: {  	_ =	swait.ge @!p1 [sflag:s13], $0x400  }
0x12b: {  	[sflag:s13] =	ssyncset.done @!p1 $0x0  }
0x12c: {  	[sflag:s13] =	ssyncadd.s32 @!p1 $0xFFFFFC00  }
0x12d: {  	_ =	swait.ge @!p1 [sflag:s13], $0x400  }
0x12e: {  	[sflag:s13] =	ssyncset.done @!p1 $0x0  }
0x12f: {  	[sflag:s13] =	ssyncadd.s32 @!p1 $0xFFFFFC00  }
0x130: {  	_ =	swait.ge @!p1 [sflag:s13], $0x400  }
0x131: {  	[sflag:s13] =	ssyncset.done @!p1 $0x0  }
0x132: {  	[sflag:s13] =	ssyncadd.s32 @!p1 $0xFFFFFC00  }
0x133: {  	_ =	swait.ge @!p1 [sflag:s13], $0x400  }
0x134: {  	[sflag:s13] =	ssyncset.done @!p1 $0x0  }
0x135: {  	[sflag:s13] =	ssyncadd.s32 @!p1 $0xFFFFFC00  }
0x136: {  	_ =	swait.ge @!p1 [sflag:s13], $0x400  }
0x137: {  	[sflag:s13] =	ssyncset.done @!p1 $0x0  }
0x138: {  	[sflag:s13] =	ssyncadd.s32 @!p1 $0xFFFFFC00  }
0x139: {  	_ =	swait.ge @!p1 [sflag:s13], $0x400  }
0x13a: {  	[sflag:s13] =	ssyncset.done @!p1 $0x0  }
0x13b: {  	[sflag:s13] =	ssyncadd.s32 @!p1 $0xFFFFFC00  }
0x13c: {  	_ =	swait.ge @!p1 [sflag:s13], $0x400  }
0x13d: {  	[sflag:s13] =	ssyncset.done @!p1 $0x0  }
0x13e: {  	[sflag:s13] =	ssyncadd.s32 @!p1 $0xFFFFFC00  }
0x13f: {  	s12 =	simm.s32 $0x0;
	s14 =	simm.s32 $0x0;
	_ =	swait.ge @!p1 [sflag:s13], $0x400  }
0x140: {  	s17 =	sand.u32 $0x70, s12;
	s14 =	sand.u32 $0x3FFFFF00, s14;
	[sflag:s13] =	ssyncset.done @!p1 $0x0  }
0x141: {  	v17 =	vmov s12;
	s14 =	sor.u32 s17, s14;
	[sflag:s13] =	ssyncadd.s32 @!p1 $0xFFFFFC00  }
0x142: {  	v17 =	vshll.u32 v17, $0x3;
	v20 =	vld [tilespmem:s14+$0x80]  }
0x143: {  	s18 =	simm.s32 $0x0;
	v21 =	vor.u32 v0, v17  }
0x144: {  	v17 =	vor.u32 $0x7, v21;
	s13 =	sand.u32 $0xFFFFFE00, s18  }
0x145: {  	v18 =	vor.u32 $0x6, v21;
	s19 =	sshrl.u32 s13, $0x2  }
0x146: {  	s14 =	sor.u32 s17, s19  }
0x147: {  	v19 =	vor.u32 $0x4, v21;
	s13 =	sor.u32 s17, s13;
	[tilespmem:s14+$0xB000] =	vst v20  }
0x148: {  	v24 =	vld [tilespmem:s13+$0x1180]  }
0x149: {  	v20 =	vor.u32 $0x5, v21;
	v29 =	vld.idx.msk [tilespmem:v17+s29+$0x0], $0xffff  }
0x14a: {  	v22 =	vor.u32 $0x2, v21;
	v30 =	vld.idx.msk [tilespmem:v18+s29+$0x0], $0xffff  }
0x14b: {  	v25 =	vld [tilespmem:s13+$0x1100]  }
0x14c: {  	v31 =	vld.idx.msk [tilespmem:v19+s29+$0x0], $0xffff  }
0x14d: {  	v28 =	vld [tilespmem:s13+$0x1080]  }
0x14e: {  	v32 =	vld.idx.msk [tilespmem:v20+s29+$0x0], $0xffff  }
0x14f: {  	v23 =	vor.u32 $0x3, v21;
	v39 =	vld.idx.msk [tilespmem:v22+s29+$0x0], $0xffff;
	v34 =	vmul.f32 v24, v29;
	v47 =	vmul.f32 v29, v16  }
0x150: {  	v26 =	vor.u32 $0x1, v21;
	v38 =	vld.idx.msk [tilespmem:v21+s29+$0x0], $0xffff;
	v33 =	vmul.f32 v25, v30;
	v37 =	vmul.f32 v30, v14  }
0x151: {  	v27 =	vld [tilespmem:s13+$0x1000];
	v44 =	vmul.f32 v29, v14;
	v29 =	vmul.f32 v30, v16  }
0x152: {  	v40 =	vmul.f32 v24, v31;
	v48 =	vmul.f32 v31, v15  }
0x153: {  	v45 =	vmul.f32 v31, v13;
	v42 =	vmul.f32 v32, v14  }
0x154: {  	v30 =	vmul.f32 v28, v32;
	v31 =	vmul.f32 v32, v16;
	v32 =	vld.idx.msk [tilespmem:v23+s29+$0x0], $0xffff  }
0x155: {  	v36 =	vld.idx.msk [tilespmem:v26+s29+$0x0], $0xffff;
	v35 =	vmul.f32 v38, v11  }
0x156: {  	v43 =	vmul.f32 v27, v38;
	v46 =	vmul.f32 v28, v39  }
0x157: {  	p1 =	sne.s32 s10, $0x0;
	s13 =	simm.s32 $0x1;
	v41 =	vadd.f32 v33, v30;
	v33 =	vmul.f32 v39, v15;
	v30 =	vadd.f32 v47, v48  }
.LBB2_5:
0x158: {  	p2 =	sne.s32 s13, $0x3F  }
0x159: {  	v47 =	vmul.f32 v25, v32;
	v39 =	vmul.f32 v39, v13;
	v44 =	vadd.f32 v44, v45;
	s12 =	sadd.s32 $0x10, s12;
	s14 =	smov.u32 s13;
	s13 =	sadd.s32 $0x1, s13  }
0x15a: {  	v45 =	vmul.f32 v36, v10;
	v48 =	vmul.f32 v32, v13  }
0x15b: {  	v38 =	vmul.f32 v38, v9;
	v46 =	vadd.f32 v47, v46;
	v39 =	vadd.f32 v42, v39  }
0x15c: {  	v42 =	vmul.f32 v27, v36;
	v47 =	vmul.f32 v43, v1;
	v37 =	vadd.f32 v37, v48  }
0x15d: {  	v38 =	vadd.f32 v45, v38;
	v40 =	vadd.f32 v40, v46;
	v39 =	vmul.f32 v27, v39  }
0x15e: {  	v43 =	vmul.f32 v43, v3;
	v45 =	vmul.f32 v42, v2  }
0x15f: {  	v34 =	vadd.f32 v34, v41;
	v46 =	vmul.f32 v28, v38;
	v41 =	vmul.f32 v40, v5  }
0x160: {  	v36 =	vmul.f32 v36, v12;
	v42 =	vmul.f32 v42, v4;
	v45 =	vadd.f32 v45, v47  }
0x161: {  	v47 =	vmul.f32 v25, v38;
	v38 =	vmul.f32 v24, v38  }
0x162: {  	v39 =	vadd.f32 v46, v39;
	v41 =	vadd.f32 v41, v45;
	v45 =	vmul.f32 v34, v6  }
0x163: {  	v32 =	vmul.f32 v32, v15;
	v42 =	vadd.f32 v42, v43;
	v40 =	vmul.f32 v40, v7  }
0x164: {  	s17 =	sshll.u32 s14, $0x5;
	v35 =	vadd.f32 v36, v35;
	v36 =	vmul.f32 v44, v27;
	v41 =	vadd.f32 v41, v45  }
0x165: {  	v31 =	vadd.f32 v31, v33;
	s18 =	sand.u32 $0x70, s12;
	s17 =	sand.u32 $0x3FFFFF00, s17;
	v40 =	vadd.f32 v40, v42;
	v34 =	vmul.f32 v34, v8  }
0x166: {  	v29 =	vadd.f32 v29, v32;
	s17 =	sor.u32 s18, s17;
	v28 =	vmul.f32 v28, v35;
	[tilespmem:v21+s8+$0x0] =	vst.idx.msk $0xffff, v41  }
0x167: {  	v32 =	vmul.f32 v37, v27;
	v25 =	vmul.f32 v25, v35;
	v21 =	vadd.f32 v40, v34  }
0x168: {  	s14 =	sshll.u32 s14, $0x6;
	v31 =	vmul.f32 v27, v31;
	v24 =	vmul.f32 v24, v35  }
0x169: {  	s14 =	sand.u32 $0xFFFFFE00, s14;
	v29 =	vmul.f32 v29, v27;
	v32 =	vadd.f32 v47, v32;
	[tilespmem:v26+s8+$0x0] =	vst.idx.msk $0xffff, v21  }
0x16a: {  	s19 =	sshrl.u32 s14, $0x2;
	v21 =	vadd.f32 v38, v36;
	v26 =	vmul.f32 v30, v27;
	[tilespmem:v22+s8+$0x0] =	vst.idx.msk $0xffff, v39  }
0x16b: {  	s19 =	sor.u32 s18, s19;
	v25 =	vadd.f32 v25, v29;
	v22 =	vadd.f32 v28, v31;
	[tilespmem:v23+s8+$0x0] =	vst.idx.msk $0xffff, v32  }
0x16c: {  	s14 =	sor.u32 s18, s14;
	[tilespmem:v19+s8+$0x0] =	vst.idx.msk $0xffff, v21  }
0x16d: {  	v19 =	vadd.f32 v24, v26;
	[tilespmem:v20+s8+$0x0] =	vst.idx.msk $0xffff, v22  }
0x16e: {  	v20 =	vmov s12;
	[tilespmem:v18+s8+$0x0] =	vst.idx.msk $0xffff, v25  }
0x16f: {  	v18 =	vshll.u32 v20, $0x3;
	[tilespmem:v17+s8+$0x0] =	vst.idx.msk $0xffff, v19  }
0x170: {  	v21 =	vor.u32 v0, v18;
	v20 =	vld [tilespmem:s17+$0x80]  }
0x171: {  	v19 =	vor.u32 $0x4, v21;
	_ =	sdelay $0x1  }
0x172: {  	v17 =	vor.u32 $0x7, v21  }
0x173: {  	v18 =	vor.u32 $0x6, v21  }
0x174: {  	[tilespmem:s19+$0xB000] =	vst v20  }
0x175: {  	v20 =	vor.u32 $0x5, v21;
	v30 =	vld.idx.msk [tilespmem:v19+s29+$0x0], $0xffff  }
0x176: {  	v24 =	vld [tilespmem:s14+$0x1180]  }
0x177: {  	v22 =	vor.u32 $0x2, v21;
	v29 =	vld.idx.msk [tilespmem:v17+s29+$0x0], $0xffff  }
0x178: {  	v31 =	vld.idx.msk [tilespmem:v18+s29+$0x0], $0xffff  }
0x179: {  	v23 =	vor.u32 $0x3, v21;
	v25 =	vld [tilespmem:s14+$0x1100]  }
0x17a: {  	v33 =	vld.idx.msk [tilespmem:v20+s29+$0x0], $0xffff  }
0x17b: {  	v26 =	vor.u32 $0x1, v21;
	v28 =	vld [tilespmem:s14+$0x1080]  }
0x17c: {  	v39 =	vld.idx.msk [tilespmem:v22+s29+$0x0], $0xffff  }
0x17d: {  	v34 =	vmul.f32 v24, v29;
	v47 =	vmul.f32 v29, v16;
	v38 =	vld.idx.msk [tilespmem:v21+s29+$0x0], $0xffff  }
0x17e: {  	v37 =	vmul.f32 v31, v14;
	v32 =	vld.idx.msk [tilespmem:v23+s29+$0x0], $0xffff;
	v35 =	vmul.f32 v25, v31  }
0x17f: {  	v44 =	vmul.f32 v29, v14;
	v29 =	vmul.f32 v31, v16;
	v27 =	vld [tilespmem:s14+$0x1000]  }
.Ltmp5:
0x180: {  	v40 =	vmul.f32 v24, v30;
	v42 =	vmul.f32 v33, v14;
	v36 =	vld.idx.msk [tilespmem:v26+s29+$0x0], $0xffff;
	(pc) =	sbr.rel @p2 .LBB2_5-.Ltmp5, $4  }
0x181: {  	v48 =	vmul.f32 v30, v15;
	v41 =	vmul.f32 v28, v33  }
0x182: {  	v45 =	vmul.f32 v30, v13;
	v31 =	vmul.f32 v33, v16  }
0x183: {  	v33 =	vmul.f32 v39, v15;
	v41 =	vadd.f32 v35, v41;
	v35 =	vmul.f32 v38, v11  }
0x184: {  	v30 =	vadd.f32 v47, v48;
	v46 =	vmul.f32 v28, v39;
	v43 =	vmul.f32 v27, v38  }
0x185: {  	v47 =	vmul.f32 v25, v32;
	v39 =	vmul.f32 v39, v13  }
0x186: {  	v56 =	vmul.f32 v36, v10;
	v38 =	vmul.f32 v38, v9  }
0x187: {  	v44 =	vadd.f32 v44, v45;
	v57 =	vmul.f32 v27, v36;
	v48 =	vmul.f32 v32, v13  }
0x188: {  	v34 =	vadd.f32 v34, v41;
	v63 =	vmul.f32 v36, v12;
	v51 =	vmul.f32 v32, v15  }
0x189: {  	v31 =	vadd.f32 v31, v33;
	v58 =	vmul.f32 v43, v1;
	v46 =	vadd.f32 v47, v46  }
0x18a: {  	v60 =	vmul.f32 v43, v3;
	v39 =	vadd.f32 v42, v39;
	v38 =	vadd.f32 v56, v38  }
0x18b: {  	v59 =	vmul.f32 v57, v2;
	v37 =	vadd.f32 v37, v48;
	v40 =	vadd.f32 v40, v46  }
0x18c: {  	v62 =	vmul.f32 v57, v4;
	v50 =	vmul.f32 v34, v6;
	v35 =	vadd.f32 v63, v35  }
0x18d: {  	v34 =	vmul.f32 v34, v8;
	v42 =	vadd.f32 v59, v58;
	v46 =	vmul.f32 v40, v5  }
0x18e: {  	v53 =	vmul.f32 v44, v27;
	v41 =	vadd.f32 v62, v60;
	v40 =	vmul.f32 v40, v7  }
0x18f: {  	v29 =	vadd.f32 v29, v51;
	v63 =	vmul.f32 v30, v27;
	v42 =	vadd.f32 v46, v42  }
0x190: {  	v39 =	vmul.f32 v27, v39;
	v61 =	vmul.f32 v28, v38;
	v40 =	vadd.f32 v40, v41  }
0x191: {  	v49 =	vmul.f32 v25, v38;
	v38 =	vmul.f32 v24, v38;
	v52 =	vadd.f32 v42, v50  }
0x192: {  	v54 =	vmul.f32 v28, v35;
	v56 =	vmul.f32 v37, v27;
	v55 =	vadd.f32 v40, v34  }
0x193: {  	v57 =	vmul.f32 v25, v35;
	v39 =	vadd.f32 v61, v39;
	[tilespmem:v21+s8+$0x0] =	vst.idx.msk $0xffff, v52  }
0x194: {  	v58 =	vmul.f32 v27, v31;
	v60 =	vadd.f32 v49, v56;
	[tilespmem:v26+s8+$0x0] =	vst.idx.msk $0xffff, v55  }
0x195: {  	v61 =	vmul.f32 v29, v27;
	v62 =	vadd.f32 v38, v53;
	[tilespmem:v22+s8+$0x0] =	vst.idx.msk $0xffff, v39  }
0x196: {  	v59 =	vmul.f32 v24, v35;
	v25 =	vadd.f32 v54, v58;
	[tilespmem:v23+s8+$0x0] =	vst.idx.msk $0xffff, v60  }
0x197: {  	v21 =	vadd.f32 v57, v61;
	[tilespmem:v19+s8+$0x0] =	vst.idx.msk $0xffff, v62  }
0x198: {  	v19 =	vadd.f32 v59, v63;
	[tilespmem:v20+s8+$0x0] =	vst.idx.msk $0xffff, v25  }
0x199: {  	[tilespmem:v18+s8+$0x0] =	vst.idx.msk $0xffff, v21  }
0x19a: {  	s12 =	simm.s32 $0xB000;
	[tilespmem:v17+s8+$0x0] =	vst.idx.msk $0xffff, v19  }
0x19b: {  	[spmem:s4] =	stream.indirect.scatter.add.f32 [tilespmem:s8], [sflag:$0x3], $0x8, s12, s0, $0xb8;
	[tilespmem:$0x17C50] =	vst v63  }
0x19c: {  	s19 =	simm.s32 $0xB080;
	s13 =	simm.s32 $0x7400  }
0x19d: {  	[spmem:s4] =	stream.indirect.scatter.add.f32 [tilespmem:s13], [sflag:$0x3], $0x8, s19, s0, $0xb8;
	[tilespmem:$0x17C50] =	vst v63  }
0x19e: {  	s14 =	simm.s32 $0xB100;
	s17 =	simm.s32 $0x7800  }
0x19f: {  	[spmem:s4] =	stream.indirect.scatter.add.f32 [tilespmem:s17], [sflag:$0x3], $0x8, s14, s0, $0xb8;
	[tilespmem:$0x17C50] =	vst v63  }
0x1a0: {  	s18 =	simm.s32 $0xB180;
	s19 =	simm.s32 $0x7C00  }
0x1a1: {  	[spmem:s4] =	stream.indirect.scatter.add.f32 [tilespmem:s19], [sflag:$0x3], $0x8, s18, s0, $0xb8;
	[tilespmem:$0x17C50] =	vst v63  }
0x1a2: {  	s14 =	simm.s32 $0xB200;
	s17 =	simm.s32 $0x8000  }
0x1a3: {  	[spmem:s4] =	stream.indirect.scatter.add.f32 [tilespmem:s17], [sflag:$0x3], $0x8, s14, s0, $0xb8;
	[tilespmem:$0x17C50] =	vst v63  }
0x1a4: {  	s18 =	simm.s32 $0xB280;
	s19 =	simm.s32 $0x8400  }
0x1a5: {  	[spmem:s4] =	stream.indirect.scatter.add.f32 [tilespmem:s19], [sflag:$0x3], $0x8, s18, s0, $0xb8;
	[tilespmem:$0x17C50] =	vst v63  }
.Ltmp6:
0x1a6: {  	_ = 	snop;
	(pc) =	sbr.rel .LBB2_7-.Ltmp6, $4  }
0x1a7: {  	s14 =	simm.s32 $0xB300;
	s17 =	simm.s32 $0x8800  }
0x1a8: {  	[spmem:s4] =	stream.indirect.scatter.add.f32 [tilespmem:s17], [sflag:$0x3], $0x8, s14, s0, $0xb8;
	[tilespmem:$0x17C50] =	vst v63  }
0x1a9: {  	s18 =	simm.s32 $0xB380;
	s19 =	simm.s32 $0x8C00  }
0x1aa: {  	[spmem:s4] =	stream.indirect.scatter.add.f32 [tilespmem:s19], [sflag:$0x3], $0x8, s18, s0, $0xb8;
	[tilespmem:$0x17C50] =	vst v63  }
.LBB2_3:
0x1ab: {  	p1 =	sne.s32 s10, $0x0  }
.LBB2_7:
0x1ac: {  	s12 =	sadd.s32 $0x2, s11  }
0x1ad: {  	p2 =	sge.u32 s12, s16  }
0x1ae: {  	s12 =	sadd.s32 @!p2 s15, s12  }
0x1af: {  	s13 =	sshll.u32 @!p2 s12, $0x8  }
0x1b0: {  	s13 =	sand.u32 @!p2 $0x1FFFFF00, s13  }
0x1b1: {  	s14 =	simm.s32 @!p2 $0x0;
	s13 =	sadd.s32 @!p2 s3, s13  }
0x1b2: {  	[tilespmem:s14], [sflag:$0x5] =	stream.linear.gather @!p2 [hbm4b:s13+s14], $0x800, $0x38;
	[tilespmem:$0x17C50] =	vst v63  }
0x1b3: {  	s13 =	simm.s32 @!p2 $0x5  }
0x1b4: {  	s12 =	sshll.u32 @!p2 s12, $0x9;
	_ =	swait.ge @!p2 [sflag:s13], $0x800  }
0x1b5: {  	s12 =	sand.u32 @!p2 $0x1FFFFE00, s12;
	[sflag:s13] =	ssyncset.done @!p2 $0x0  }
0x1b6: {  	s12 =	sadd.s32 @!p2 s2, s12;
	[sflag:s13] =	ssyncadd.s32 @!p2 $0xFFFFF800;
	s13 =	simm.s32 @!p2 $0x1000  }
0x1b7: {  	[tilespmem:s13], [sflag:$0x1] =	stream.linear.gather @!p2 [hbm4b:s12+s14], $0x1000, $0x38;
	[tilespmem:$0x17C50] =	vst v63  }
0x1b8: {  	s12 =	simm.s32 @!p2 $0x80;
	s13 =	simm.s32 @!p2 $0x3000  }
0x1b9: {  	[tilespmem:s13], [sflag:$0x1] =	stream.indirect.gather @!p2 [hbm4b:s1+s12], $0x8, s14, s12, $0xb8;
	[tilespmem:$0x17C50] =	vst v63  }
0x1ba: {  	s13 =	simm.s32 @!p2 $0x100;
	s14 =	simm.s32 @!p2 $0x3400  }
0x1bb: {  	[tilespmem:s14], [sflag:$0x1] =	stream.indirect.gather @!p2 [hbm4b:s1+s12], $0x8, s13, s12, $0xb8;
	[tilespmem:$0x17C50] =	vst v63  }
0x1bc: {  	s13 =	simm.s32 @!p2 $0x200;
	s14 =	simm.s32 @!p2 $0x3800  }
0x1bd: {  	[tilespmem:s14], [sflag:$0x1] =	stream.indirect.gather @!p2 [hbm4b:s1+s12], $0x8, s13, s12, $0xb8;
	[tilespmem:$0x17C50] =	vst v63  }
0x1be: {  	s13 =	simm.s32 @!p2 $0x300;
	s14 =	simm.s32 @!p2 $0x3C00  }
0x1bf: {  	[tilespmem:s14], [sflag:$0x1] =	stream.indirect.gather @!p2 [hbm4b:s1+s12], $0x8, s13, s12, $0xb8;
	[tilespmem:$0x17C50] =	vst v63  }
0x1c0: {  	s13 =	simm.s32 @!p2 $0x400;
	s14 =	simm.s32 @!p2 $0x4000  }
0x1c1: {  	[tilespmem:s14], [sflag:$0x1] =	stream.indirect.gather @!p2 [hbm4b:s1+s12], $0x8, s13, s12, $0xb8;
	[tilespmem:$0x17C50] =	vst v63  }
0x1c2: {  	s13 =	simm.s32 @!p2 $0x500;
	s14 =	simm.s32 @!p2 $0x4400  }
0x1c3: {  	[tilespmem:s14], [sflag:$0x1] =	stream.indirect.gather @!p2 [hbm4b:s1+s12], $0x8, s13, s12, $0xb8;
	[tilespmem:$0x17C50] =	vst v63  }
0x1c4: {  	s13 =	simm.s32 @!p2 $0x600;
	s14 =	simm.s32 @!p2 $0x4800  }
0x1c5: {  	[tilespmem:s14], [sflag:$0x1] =	stream.indirect.gather @!p2 [hbm4b:s1+s12], $0x8, s13, s12, $0xb8;
	[tilespmem:$0x17C50] =	vst v63  }
0x1c6: {  	s13 =	simm.s32 @!p2 $0x700;
	s14 =	simm.s32 @!p2 $0x4C00  }
0x1c7: {  	[tilespmem:s14], [sflag:$0x1] =	stream.indirect.gather @!p2 [hbm4b:s1+s12], $0x8, s13, s12, $0xb8;
	[tilespmem:$0x17C50] =	vst v63  }
0x1c8: {  	p2 =	sge.u32 s11, s28  }
.Ltmp7:
0x1c9: {  	_ = 	snop;
	(pc) =	sbr.rel @p2 .LBB2_11-.Ltmp7, $1  }
0x1ca: {  	_ =	sdelay $0x3  }
0x1cb: {  	_ =	swait.ge [sflag:s26], $0x1000  }
0x1cc: {  	[sflag:s26] =	ssyncset.done $0x0  }
0x1cd: {  	[sflag:s26] =	ssyncadd.s32 $0xFFFFF000  }
0x1ce: {  	_ =	swait.ge [sflag:s26], $0x400  }
0x1cf: {  	[sflag:s26] =	ssyncset.done $0x0  }
0x1d0: {  	[sflag:s26] =	ssyncadd.s32 $0xFFFFFC00  }
0x1d1: {  	_ =	swait.ge [sflag:s26], $0x400  }
0x1d2: {  	[sflag:s26] =	ssyncset.done $0x0  }
0x1d3: {  	[sflag:s26] =	ssyncadd.s32 $0xFFFFFC00  }
0x1d4: {  	_ =	swait.ge [sflag:s26], $0x400  }
0x1d5: {  	[sflag:s26] =	ssyncset.done $0x0  }
0x1d6: {  	[sflag:s26] =	ssyncadd.s32 $0xFFFFFC00  }
0x1d7: {  	_ =	swait.ge [sflag:s26], $0x400  }
0x1d8: {  	[sflag:s26] =	ssyncset.done $0x0  }
0x1d9: {  	[sflag:s26] =	ssyncadd.s32 $0xFFFFFC00  }
0x1da: {  	_ =	swait.ge [sflag:s26], $0x400  }
0x1db: {  	[sflag:s26] =	ssyncset.done $0x0  }
0x1dc: {  	[sflag:s26] =	ssyncadd.s32 $0xFFFFFC00  }
0x1dd: {  	_ =	swait.ge [sflag:s26], $0x400  }
0x1de: {  	[sflag:s26] =	ssyncset.done $0x0  }
0x1df: {  	[sflag:s26] =	ssyncadd.s32 $0xFFFFFC00  }
0x1e0: {  	_ =	swait.ge [sflag:s26], $0x400  }
0x1e1: {  	[sflag:s26] =	ssyncset.done $0x0  }
0x1e2: {  	[sflag:s26] =	ssyncadd.s32 $0xFFFFFC00  }
0x1e3: {  	_ =	swait.ge [sflag:s26], $0x400  }
0x1e4: {  	[sflag:s26] =	ssyncset.done $0x0  }
0x1e5: {  	s13 =	simm.s32 @p1 $0x4;
	[sflag:s26] =	ssyncadd.s32 $0xFFFFFC00  }
0x1e6: {  	_ =	swait.ge @p1 [sflag:s13], $0x400  }
0x1e7: {  	[sflag:s13] =	ssyncset.done @p1 $0x0  }
0x1e8: {  	[sflag:s13] =	ssyncadd.s32 @p1 $0xFFFFFC00  }
0x1e9: {  	_ =	swait.ge @p1 [sflag:s13], $0x400  }
0x1ea: {  	[sflag:s13] =	ssyncset.done @p1 $0x0  }
0x1eb: {  	[sflag:s13] =	ssyncadd.s32 @p1 $0xFFFFFC00  }
0x1ec: {  	_ =	swait.ge @p1 [sflag:s13], $0x400  }
0x1ed: {  	[sflag:s13] =	ssyncset.done @p1 $0x0  }
0x1ee: {  	[sflag:s13] =	ssyncadd.s32 @p1 $0xFFFFFC00  }
0x1ef: {  	_ =	swait.ge @p1 [sflag:s13], $0x400  }
0x1f0: {  	[sflag:s13] =	ssyncset.done @p1 $0x0  }
0x1f1: {  	[sflag:s13] =	ssyncadd.s32 @p1 $0xFFFFFC00  }
0x1f2: {  	_ =	swait.ge @p1 [sflag:s13], $0x400  }
0x1f3: {  	[sflag:s13] =	ssyncset.done @p1 $0x0  }
0x1f4: {  	[sflag:s13] =	ssyncadd.s32 @p1 $0xFFFFFC00  }
0x1f5: {  	_ =	swait.ge @p1 [sflag:s13], $0x400  }
0x1f6: {  	[sflag:s13] =	ssyncset.done @p1 $0x0  }
0x1f7: {  	[sflag:s13] =	ssyncadd.s32 @p1 $0xFFFFFC00  }
0x1f8: {  	_ =	swait.ge @p1 [sflag:s13], $0x400  }
0x1f9: {  	[sflag:s13] =	ssyncset.done @p1 $0x0  }
0x1fa: {  	[sflag:s13] =	ssyncadd.s32 @p1 $0xFFFFFC00  }
0x1fb: {  	s12 =	simm.s32 $0x0;
	s14 =	simm.s32 $0x0;
	_ =	swait.ge @p1 [sflag:s13], $0x400  }
0x1fc: {  	s17 =	sand.u32 $0x70, s12;
	s14 =	sand.u32 $0x3FFFFF00, s14;
	[sflag:s13] =	ssyncset.done @p1 $0x0  }
0x1fd: {  	v17 =	vmov s12;
	s14 =	sor.u32 s17, s14;
	[sflag:s13] =	ssyncadd.s32 @p1 $0xFFFFFC00  }
0x1fe: {  	v17 =	vshll.u32 v17, $0x3;
	v20 =	vld [tilespmem:s14+$0x880]  }
0x1ff: {  	s18 =	simm.s32 $0x0;
	v21 =	vor.u32 v0, v17  }
0x200: {  	v17 =	vor.u32 $0x7, v21;
	s13 =	sand.u32 $0xFFFFFE00, s18  }
0x201: {  	v18 =	vor.u32 $0x6, v21;
	s19 =	sshrl.u32 s13, $0x2  }
0x202: {  	s14 =	sor.u32 s17, s19  }
0x203: {  	v19 =	vor.u32 $0x4, v21;
	s13 =	sor.u32 s17, s13;
	[tilespmem:s14+$0xB400] =	vst v20  }
0x204: {  	v24 =	vld [tilespmem:s13+$0x2180]  }
0x205: {  	v20 =	vor.u32 $0x5, v21;
	v29 =	vld.idx.msk [tilespmem:v17+s6+$0x0], $0xffff  }
0x206: {  	v22 =	vor.u32 $0x2, v21;
	v30 =	vld.idx.msk [tilespmem:v18+s6+$0x0], $0xffff  }
0x207: {  	v25 =	vld [tilespmem:s13+$0x2100]  }
0x208: {  	v31 =	vld.idx.msk [tilespmem:v19+s6+$0x0], $0xffff  }
0x209: {  	v28 =	vld [tilespmem:s13+$0x2080]  }
0x20a: {  	v32 =	vld.idx.msk [tilespmem:v20+s6+$0x0], $0xffff  }
0x20b: {  	v23 =	vor.u32 $0x3, v21;
	v39 =	vld.idx.msk [tilespmem:v22+s6+$0x0], $0xffff;
	v34 =	vmul.f32 v24, v29;
	v47 =	vmul.f32 v29, v16  }
0x20c: {  	v26 =	vor.u32 $0x1, v21;
	v38 =	vld.idx.msk [tilespmem:v21+s6+$0x0], $0xffff;
	v33 =	vmul.f32 v25, v30;
	v37 =	vmul.f32 v30, v14  }
0x20d: {  	v27 =	vld [tilespmem:s13+$0x2000];
	v44 =	vmul.f32 v29, v14;
	v29 =	vmul.f32 v30, v16  }
0x20e: {  	v40 =	vmul.f32 v24, v31;
	v48 =	vmul.f32 v31, v15  }
0x20f: {  	v45 =	vmul.f32 v31, v13;
	v42 =	vmul.f32 v32, v14  }
0x210: {  	v30 =	vmul.f32 v28, v32;
	v31 =	vmul.f32 v32, v16;
	v32 =	vld.idx.msk [tilespmem:v23+s6+$0x0], $0xffff  }
0x211: {  	v36 =	vld.idx.msk [tilespmem:v26+s6+$0x0], $0xffff;
	v35 =	vmul.f32 v38, v11  }
0x212: {  	v43 =	vmul.f32 v27, v38;
	v46 =	vmul.f32 v28, v39  }
0x213: {  	s13 =	simm.s32 $0x1;
	v41 =	vadd.f32 v33, v30;
	v33 =	vmul.f32 v39, v15;
	v30 =	vadd.f32 v47, v48  }
.LBB2_9:
0x214: {  	p1 =	sne.s32 s13, $0x3F  }
0x215: {  	v47 =	vmul.f32 v25, v32;
	v39 =	vmul.f32 v39, v13;
	v44 =	vadd.f32 v44, v45;
	s12 =	sadd.s32 $0x10, s12;
	s14 =	smov.u32 s13;
	s13 =	sadd.s32 $0x1, s13  }
0x216: {  	v45 =	vmul.f32 v36, v10;
	v48 =	vmul.f32 v32, v13  }
0x217: {  	v38 =	vmul.f32 v38, v9;
	v46 =	vadd.f32 v47, v46;
	v39 =	vadd.f32 v42, v39  }
0x218: {  	v42 =	vmul.f32 v27, v36;
	v47 =	vmul.f32 v43, v1;
	v37 =	vadd.f32 v37, v48  }
0x219: {  	v38 =	vadd.f32 v45, v38;
	v40 =	vadd.f32 v40, v46;
	v39 =	vmul.f32 v27, v39  }
0x21a: {  	v43 =	vmul.f32 v43, v3;
	v45 =	vmul.f32 v42, v2  }
0x21b: {  	v34 =	vadd.f32 v34, v41;
	v46 =	vmul.f32 v28, v38;
	v41 =	vmul.f32 v40, v5  }
0x21c: {  	v36 =	vmul.f32 v36, v12;
	v42 =	vmul.f32 v42, v4;
	v45 =	vadd.f32 v45, v47  }
0x21d: {  	v47 =	vmul.f32 v25, v38;
	v38 =	vmul.f32 v24, v38  }
0x21e: {  	v39 =	vadd.f32 v46, v39;
	v41 =	vadd.f32 v41, v45;
	v45 =	vmul.f32 v34, v6  }
0x21f: {  	v32 =	vmul.f32 v32, v15;
	v42 =	vadd.f32 v42, v43;
	v40 =	vmul.f32 v40, v7  }
0x220: {  	s17 =	sshll.u32 s14, $0x5;
	v35 =	vadd.f32 v36, v35;
	v36 =	vmul.f32 v44, v27;
	v41 =	vadd.f32 v41, v45  }
0x221: {  	v31 =	vadd.f32 v31, v33;
	s18 =	sand.u32 $0x70, s12;
	s17 =	sand.u32 $0x3FFFFF00, s17;
	v40 =	vadd.f32 v40, v42;
	v34 =	vmul.f32 v34, v8  }
0x222: {  	v29 =	vadd.f32 v29, v32;
	s17 =	sor.u32 s18, s17;
	v28 =	vmul.f32 v28, v35;
	[tilespmem:v21+s31+$0x0] =	vst.idx.msk $0xffff, v41  }
0x223: {  	v32 =	vmul.f32 v37, v27;
	v25 =	vmul.f32 v25, v35;
	v21 =	vadd.f32 v40, v34  }
0x224: {  	s14 =	sshll.u32 s14, $0x6;
	v31 =	vmul.f32 v27, v31;
	v24 =	vmul.f32 v24, v35  }
0x225: {  	s14 =	sand.u32 $0xFFFFFE00, s14;
	v29 =	vmul.f32 v29, v27;
	v32 =	vadd.f32 v47, v32;
	[tilespmem:v26+s31+$0x0] =	vst.idx.msk $0xffff, v21  }
0x226: {  	s19 =	sshrl.u32 s14, $0x2;
	v21 =	vadd.f32 v38, v36;
	v26 =	vmul.f32 v30, v27;
	[tilespmem:v22+s31+$0x0] =	vst.idx.msk $0xffff, v39  }
0x227: {  	s19 =	sor.u32 s18, s19;
	v25 =	vadd.f32 v25, v29;
	v22 =	vadd.f32 v28, v31;
	[tilespmem:v23+s31+$0x0] =	vst.idx.msk $0xffff, v32  }
0x228: {  	s14 =	sor.u32 s18, s14;
	[tilespmem:v19+s31+$0x0] =	vst.idx.msk $0xffff, v21  }
0x229: {  	v19 =	vadd.f32 v24, v26;
	[tilespmem:v20+s31+$0x0] =	vst.idx.msk $0xffff, v22  }
0x22a: {  	v20 =	vmov s12;
	[tilespmem:v18+s31+$0x0] =	vst.idx.msk $0xffff, v25  }
0x22b: {  	v18 =	vshll.u32 v20, $0x3;
	[tilespmem:v17+s31+$0x0] =	vst.idx.msk $0xffff, v19  }
0x22c: {  	v21 =	vor.u32 v0, v18;
	v20 =	vld [tilespmem:s17+$0x880]  }
0x22d: {  	v19 =	vor.u32 $0x4, v21;
	_ =	sdelay $0x1  }
0x22e: {  	v17 =	vor.u32 $0x7, v21  }
0x22f: {  	v18 =	vor.u32 $0x6, v21  }
0x230: {  	[tilespmem:s19+$0xB400] =	vst v20  }
0x231: {  	v20 =	vor.u32 $0x5, v21;
	v30 =	vld.idx.msk [tilespmem:v19+s6+$0x0], $0xffff  }
0x232: {  	v24 =	vld [tilespmem:s14+$0x2180]  }
0x233: {  	v22 =	vor.u32 $0x2, v21;
	v29 =	vld.idx.msk [tilespmem:v17+s6+$0x0], $0xffff  }
0x234: {  	v31 =	vld.idx.msk [tilespmem:v18+s6+$0x0], $0xffff  }
0x235: {  	v23 =	vor.u32 $0x3, v21;
	v25 =	vld [tilespmem:s14+$0x2100]  }
0x236: {  	v33 =	vld.idx.msk [tilespmem:v20+s6+$0x0], $0xffff  }
0x237: {  	v26 =	vor.u32 $0x1, v21;
	v28 =	vld [tilespmem:s14+$0x2080]  }
0x238: {  	v39 =	vld.idx.msk [tilespmem:v22+s6+$0x0], $0xffff  }
0x239: {  	v34 =	vmul.f32 v24, v29;
	v47 =	vmul.f32 v29, v16;
	v38 =	vld.idx.msk [tilespmem:v21+s6+$0x0], $0xffff  }
0x23a: {  	v37 =	vmul.f32 v31, v14;
	v32 =	vld.idx.msk [tilespmem:v23+s6+$0x0], $0xffff;
	v35 =	vmul.f32 v25, v31  }
0x23b: {  	v44 =	vmul.f32 v29, v14;
	v29 =	vmul.f32 v31, v16;
	v27 =	vld [tilespmem:s14+$0x2000]  }
.Ltmp8:
0x23c: {  	v40 =	vmul.f32 v24, v30;
	v42 =	vmul.f32 v33, v14;
	v36 =	vld.idx.msk [tilespmem:v26+s6+$0x0], $0xffff;
	(pc) =	sbr.rel @p1 .LBB2_9-.Ltmp8, $4  }
0x23d: {  	v48 =	vmul.f32 v30, v15;
	v41 =	vmul.f32 v28, v33  }
0x23e: {  	v45 =	vmul.f32 v30, v13;
	v31 =	vmul.f32 v33, v16  }
0x23f: {  	v33 =	vmul.f32 v39, v15;
	v41 =	vadd.f32 v35, v41;
	v35 =	vmul.f32 v38, v11  }
0x240: {  	v30 =	vadd.f32 v47, v48;
	v46 =	vmul.f32 v28, v39;
	v43 =	vmul.f32 v27, v38  }
.Ltmp9:
0x241: {  	_ = 	snop;
	(pc) =	sbr.rel .LBB2_10-.Ltmp9, $1  }
0x242: {  	_ =	sdelay $0x3  }
.LBB2_13:
0x243: {  	_ =	sfence.sel $0x180000  }
0x244: {  	[bflag:$0x0] =	sbarrier.arrive $0xFFFF  }
0x245: {  	_ =	strace $0x90000047  }
0x246: {  	s0 =	stileid.u32;
	[bflag:$0x2] =	sbarrier.arrive $0xFFFF  }
0x247: {  	p0 =	sne.s32 s0, $0x0;
	s0 =	rddreg [dreg:$0x5]  }
0x248: {  	s0 =	sadd.s32 @!p0 $0x100000, s0  }
0x249: {  	[sflag:s0] =	ssyncadd.tile.s32 @!p0 $0x1;
	_ =	shalt  }
.Lfunc_end2:
_tile_overlayer_lowered:
.L_overlay_start_2:
0x24a: {  	(tag) =	ssettag $0x2  }
0x24b: {  	s0 =	rddreg [dreg:$0x0];
	s2 =	stileid.u32  }
0x24c: {  	s1 =	rddreg [dreg:$0x1];
	p0 =	sne.s32 s2, $0x0  }
0x24d: {  	s3 =	rddreg [dreg:$0x2];
	[bflag:$0x3] =	sbarrier.arrive $0xFFFF;
	s2 =	simm.s32 @!p0 $0x1C05  }
0x24e: {  	[timem:s3], [sflag:s2] =	dma.local @!p0 [hbm:s0], s1  }
0x24f: {  	s0 =	simm.s32 @!p0 $0x5  }
0x250: {  	_ =	swait.ge @!p0 [sflag:s0], s1  }
0x251: {  	s1 =	ssub.s32 @!p0 $0x0, s1;
	[sflag:s0] =	ssyncset.done @!p0 $0x0  }
0x252: {  	[sflag:s0] =	ssyncadd.s32 @!p0 s1  }
0x253: {  	[bflag:$0x3] =	sbarrier.arrive $0xFFFF  }
0x254: {  	_ =	shalt  }

</sc_bundles>
